<compile_context>
chip_gen: v7x
topology: tpu7x:2x2x1
jax: 0.10.2.dev20260603
libtpu: 0.0.44.dev20260713+nightly
codegen_flags: <defaults>
</compile_context>

<pallas_src>
import functools

import jax
import jax.numpy as jnp
from jax import lax
from jax.experimental import pallas as pl
from jax.experimental.pallas import tpu as pltpu
from jax.experimental.pallas import tpu_sc as plsc

NC = 2
NS = 16
NW = NC * NS
CHUNK = 80


def _sc_mesh():
    return plsc.VectorSubcoreMesh(
        core_axis_name="c", subcore_axis_name="s", num_cores=NC, num_subcores=NS
    )


def _make_degree_kernel(n_nodes, nchunk, d):

    @functools.partial(
        pl.kernel,
        out_type=jax.ShapeDtypeStruct((NC, n_nodes, d), jnp.float32),
        mesh=_sc_mesh(),
        scratch_types=[
            pltpu.VMEM((nchunk, CHUNK), jnp.int32),
            pltpu.VMEM((CHUNK, d), jnp.float32),
            pltpu.VMEM_SHARED((n_nodes, d), jnp.float32),
        ],
    )
    def deg_kernel(dstr_hbm, ones_hbm, zeros_hbm, out_hbm, dst_v, ones_v, acc_sh):
        c = lax.axis_index("c")
        s = lax.axis_index("s")
        wid = s * NC + c
        pltpu.sync_copy(dstr_hbm.at[wid], dst_v)
        pltpu.sync_copy(ones_hbm, ones_v)

        @pl.when(s == 0)
        def _():
            pltpu.sync_copy(zeros_hbm, acc_sh)

        plsc.subcore_barrier()

        def body(i, _):
            pltpu.sync_copy(ones_v, acc_sh.at[dst_v.at[i]], add=True)
            return 0

        lax.fori_loop(0, nchunk, body, 0)
        plsc.subcore_barrier()

        @pl.when(s == 0)
        def _():
            pltpu.sync_copy(acc_sh, out_hbm.at[c])

    return deg_kernel


NBUF = 3
SHIFT = 14
MASK = (1 << SHIFT) - 1


def _make_scatter_kernel(n_acc, d, nchunk):
    assert nchunk % NBUF == 0
    nblk = nchunk // NBUF

    @functools.partial(
        pl.kernel,
        out_type=jax.ShapeDtypeStruct((NC, n_acc, d), jnp.float32),
        mesh=_sc_mesh(),
        scratch_types=[
            pltpu.VMEM((nchunk, CHUNK), jnp.int32),
            [pltpu.VMEM((CHUNK, d), jnp.float32) for _ in range(NBUF)],
            [pltpu.VMEM((CHUNK,), jnp.int32) for _ in range(NBUF)],
            [pltpu.VMEM((CHUNK,), jnp.int32) for _ in range(NBUF)],
            pltpu.VMEM_SHARED((n_acc, d), jnp.float32),
            [pltpu.SemaphoreType.DMA for _ in range(NBUF)],
        ],
    )
    def scat_kernel(
        g_hbm, pidx_hbm, zeros_hbm, out_hbm,
        pidx_v, rows, srcs, dsts, acc_sh, gsems,
    ):
        cax = lax.axis_index("c")
        sax = lax.axis_index("s")
        wid = sax * NC + cax
        pltpu.sync_copy(pidx_hbm.at[wid], pidx_v)

        @pl.when(sax == 0)
        def _():
            pltpu.sync_copy(zeros_hbm, acc_sh)

        plsc.subcore_barrier()

        def unpack(i, b):
            for k in range(CHUNK // 16):
                v = pidx_v[i, pl.ds(k * 16, 16)]
                srcs[b][pl.ds(k * 16, 16)] = lax.shift_right_logical(v, SHIFT)
                dsts[b][pl.ds(k * 16, 16)] = lax.bitwise_and(v, MASK)

        for b in range(NBUF):
            unpack(b, b)
            pltpu.async_copy(g_hbm.at[srcs[b]], rows[b], gsems[b])

        def blk_body(blk, _):
            i0 = blk * NBUF
            for b in range(NBUF):
                pltpu.make_async_copy(g_hbm.at[srcs[b]], rows[b], gsems[b]).wait()
                pltpu.sync_copy(rows[b], acc_sh.at[dsts[b]], add=True)
                unpack(i0 + b + NBUF, b)
                pltpu.async_copy(g_hbm.at[srcs[b]], rows[b], gsems[b])
            return 0

        lax.fori_loop(0, nblk - 1, blk_body, 0)
        for b in range(NBUF):
            pltpu.make_async_copy(g_hbm.at[srcs[b]], rows[b], gsems[b]).wait()
            pltpu.sync_copy(rows[b], acc_sh.at[dsts[b]], add=True)

        plsc.subcore_barrier()

        @pl.when(sax == 0)
        def _():
            pltpu.sync_copy(acc_sh, out_hbm.at[cax])

    return scat_kernel


def _dinv_from_cnt(cnt_blk):
    lanes = cnt_blk.shape[2]
    deg = 1.0 + (
        jnp.sum(cnt_blk[0], axis=1, keepdims=True)
        + jnp.sum(cnt_blk[1], axis=1, keepdims=True)
    ) * (1.0 / lanes)
    return lax.rsqrt(jnp.maximum(deg, 1.0))


def _prep_call(cnt, x, w1, blk):
    n, d = x.shape

    def body(cnt_ref, x_ref, w_ref, h_ref, g_ref):
        dinv = _dinv_from_cnt(cnt_ref[...])
        h = jnp.dot(x_ref[...], w_ref[...], preferred_element_type=jnp.float32)
        h_ref[...] = h
        g_ref[...] = h * dinv

    return pl.pallas_call(
        body,
        grid=(n // blk,),
        in_specs=[
            pl.BlockSpec((2, blk, d), lambda i: (0, i, 0)),
            pl.BlockSpec((blk, d), lambda i: (i, 0)),
            pl.BlockSpec((d, d), lambda i: (0, 0)),
        ],
        out_specs=[
            pl.BlockSpec((blk, d), lambda i: (i, 0)),
            pl.BlockSpec((blk, d), lambda i: (i, 0)),
        ],
        out_shape=[jax.ShapeDtypeStruct((n, d), jnp.float32)] * 2,
    )(cnt, x, w1)


def _mid_call(cnt, p, h, b, w_next, blk):
    n, d = h.shape

    def body(cnt_ref, p_ref, h_ref, b_ref, w_ref, h2_ref, g2_ref):
        dinv = _dinv_from_cnt(cnt_ref[...])
        agg = (p_ref[0] + p_ref[1]) * dinv + h_ref[...] * (dinv * dinv) + b_ref[...]
        y = jnp.maximum(agg, 0.0)
        h2 = jnp.dot(y, w_ref[...], preferred_element_type=jnp.float32)
        h2_ref[...] = h2
        g2_ref[...] = h2 * dinv

    return pl.pallas_call(
        body,
        grid=(n // blk,),
        in_specs=[
            pl.BlockSpec((2, blk, d), lambda i: (0, i, 0)),
            pl.BlockSpec((2, blk, d), lambda i: (0, i, 0)),
            pl.BlockSpec((blk, d), lambda i: (i, 0)),
            pl.BlockSpec((1, d), lambda i: (0, 0)),
            pl.BlockSpec((d, d), lambda i: (0, 0)),
        ],
        out_specs=[
            pl.BlockSpec((blk, d), lambda i: (i, 0)),
            pl.BlockSpec((blk, d), lambda i: (i, 0)),
        ],
        out_shape=[jax.ShapeDtypeStruct((n, d), jnp.float32)] * 2,
    )(cnt, p, h, b, w_next)


def _final_call(cnt, p, h, b3, wf1, bf1, wf2, bf2, wf3p, bf3p, n_classes, blk):
    n, d = h.shape

    def body(
        cnt_ref, p_ref, h_ref, b3_ref, wf1_ref, bf1_ref, wf2_ref, bf2_ref,
        wf3_ref, bf3_ref, out_ref,
    ):
        dinv = _dinv_from_cnt(cnt_ref[...])
        agg = (p_ref[0] + p_ref[1]) * dinv + h_ref[...] * (dinv * dinv) + b3_ref[...]
        y = jnp.maximum(agg, 0.0)
        z = jnp.maximum(
            jnp.dot(y, wf1_ref[...], preferred_element_type=jnp.float32)
            + bf1_ref[...], 0.0)
        z = jnp.maximum(
            jnp.dot(z, wf2_ref[...], preferred_element_type=jnp.float32)
            + bf2_ref[...], 0.0)
        z = (jnp.dot(z, wf3_ref[...], preferred_element_type=jnp.float32)
             + bf3_ref[...])
        col = lax.broadcasted_iota(jnp.int32, z.shape, 1)
        zm = jnp.where(col < n_classes, z, -1e30)
        m = jnp.max(zm, axis=1, keepdims=True)
        ssum = jnp.sum(jnp.exp(zm - m), axis=1, keepdims=True)
        out_ref[...] = z - m - jnp.log(ssum)

    wspec = pl.BlockSpec((d, d), lambda i: (0, 0))
    bspec = pl.BlockSpec((1, d), lambda i: (0, 0))
    return pl.pallas_call(
        body,
        grid=(n // blk,),
        in_specs=[
            pl.BlockSpec((2, blk, d), lambda i: (0, i, 0)),
            pl.BlockSpec((2, blk, d), lambda i: (0, i, 0)),
            pl.BlockSpec((blk, d), lambda i: (i, 0)),
            bspec, wspec, bspec, wspec, bspec, wspec, bspec,
        ],
        out_specs=pl.BlockSpec((blk, d), lambda i: (i, 0)),
        out_shape=jax.ShapeDtypeStruct((n, d), jnp.float32),
    )(cnt, p, h, b3, wf1, bf1, wf2, bf2, wf3p, bf3p)


def kernel(x, edge_index, W1, b1, W2, b2, W3, b3, Wf1, bf1, Wf2, bf2, Wf3, bf3):
    n, d = x.shape
    e = edge_index.shape[1]
    n_classes = Wf3.shape[1]
    assert e % NW == 0
    ept = e // NW
    block_edges = NBUF * CHUNK
    ept_pad = -(-ept // block_edges) * block_edges
    nchunk = ept_pad // CHUNK
    blk = 2048
    n_pad = -(-n // blk) * blk
    assert n_pad > n and n_pad <= (1 << SHIFT)

    padcol = jnp.full((NW, ept_pad - ept), n_pad - 1, jnp.int32)
    src_p = jnp.concatenate([edge_index[0].reshape(NW, ept), padcol], axis=1)
    dst_p = jnp.concatenate([edge_index[1].reshape(NW, ept), padcol], axis=1)
    packed = ((src_p << SHIFT) | dst_p).reshape(NW, nchunk, CHUNK)
    dstr = dst_p.reshape(NW, nchunk, CHUNK)
    zeros_acc = jnp.zeros((n_pad, d), jnp.float32)
    ones_c = jnp.ones((CHUNK, d), jnp.float32)
    xp = jnp.concatenate([x, jnp.zeros((n_pad - n, d), jnp.float32)])

    deg_k = _make_degree_kernel(n_pad, nchunk, d)
    cnt = deg_k(dstr, ones_c, zeros_acc)

    scat = _make_scatter_kernel(n_pad, d, nchunk)

    h1, g1 = _prep_call(cnt, xp, W1, blk)
    p1 = scat(g1, packed, zeros_acc)
    h2, g2 = _mid_call(cnt, p1, h1, b1.reshape(1, d), W2, blk)
    p2 = scat(g2, packed, zeros_acc)
    h3, g3 = _mid_call(cnt, p2, h2, b2.reshape(1, d), W3, blk)
    p3 = scat(g3, packed, zeros_acc)

    wf3p = jnp.pad(Wf3, ((0, 0), (0, d - n_classes)))
    bf3p = jnp.pad(bf3, (0, d - n_classes)).reshape(1, d)
    outp = _final_call(
        cnt, p3, h3, b3.reshape(1, d),
        Wf1, bf1.reshape(1, d), Wf2, bf2.reshape(1, d), wf3p, bf3p,
        n_classes, blk,
    )
    return outp[:n, :n_classes]

# --- scband reference (transcript-rebuilt; emitter-appended) ---
"""Pipeline reference for scband-net-38646115729828 (READ-ONLY COPY).

The authoritative reference and input builder live on the scoring server;
editing this copy changes nothing except your own understanding.
"""

import jax, jax.numpy as jnp
import numpy as np

N = 10000
E = 320000
D = 128
C = 7


def setup_inputs(seed: int = 0) -> dict:
    key = jax.random.key(seed)
    ks = jax.random.split(key, 16)
    x = jax.random.normal(ks[0], (N, D), dtype=jnp.float32)
    edge_index = jax.random.randint(ks[1], (2, E), 0, N, dtype=jnp.int32)
    s = 0.05
    inp = {
        'x': x,
        'edge_index': edge_index,
        'W1': jax.random.normal(ks[2], (D, D), dtype=jnp.float32) * s,
        'b1': jnp.zeros((D,), dtype=jnp.float32),
        'W2': jax.random.normal(ks[3], (D, D), dtype=jnp.float32) * s,
        'b2': jnp.zeros((D,), dtype=jnp.float32),
        'W3': jax.random.normal(ks[4], (D, D), dtype=jnp.float32) * s,
        'b3': jnp.zeros((D,), dtype=jnp.float32),
        'Wf1': jax.random.normal(ks[5], (D, D), dtype=jnp.float32) * s,
        'bf1': jnp.zeros((D,), dtype=jnp.float32),
        'Wf2': jax.random.normal(ks[6], (D, D), dtype=jnp.float32) * s,
        'bf2': jnp.zeros((D,), dtype=jnp.float32),
        'Wf3': jax.random.normal(ks[7], (D, C), dtype=jnp.float32) * s,
        'bf3': jnp.zeros((C,), dtype=jnp.float32),
    }
    return inp


def _gcn_conv(x, edge_index, W, b):
    # GCNConv: D^{-1/2} (A + I) D^{-1/2} (x W) + b
    h = x @ W
    loop = jnp.arange(N, dtype=edge_index.dtype)
    src = jnp.concatenate([edge_index[0], loop])
    dst = jnp.concatenate([edge_index[1], loop])
    deg = jax.ops.segment_sum(jnp.ones_like(src, dtype=h.dtype), dst, num_segments=N)
    dinv = jax.lax.rsqrt(jnp.clip(deg, 1.0, None))
    norm = dinv[src] * dinv[dst]
    out = jax.ops.segment_sum(h[src] * norm[:, None], dst, num_segments=N)
    return out + b


def reference(x, edge_index, W1, b1, W2, b2, W3, b3, Wf1, bf1, Wf2, bf2, Wf3, bf3):
    # eval path (TRAIN=False): no bernoulli dropout masks, no residuals
    y = jax.nn.relu(_gcn_conv(x, edge_index, W1, b1))
    y = jax.nn.relu(_gcn_conv(y, edge_index, W2, b2))
    y = jax.nn.relu(_gcn_conv(y, edge_index, W3, b3))
    y = jax.nn.relu(y @ Wf1 + bf1)
    y = jax.nn.relu(y @ Wf2 + bf2)
    y = y @ Wf3 + bf3
    return jax.nn.log_softmax(y, axis=1)

if __name__ == "__main__":
    import jax
    _d = setup_inputs()
    print(jax.jit(kernel)(*tuple(_d.values())))

</pallas_src>

<mosaic_0001>
#map = affine_map<(d0, d1) -> (0, 0)>
#map1 = affine_map<(d0, d1) -> (0, 0, 0)>
module attributes {stable_mosaic.version = 14 : i64} {
  func.func @scat_kernel(%arg0: i32, %arg1: i32, %arg2: memref<10240x128xf32, #tpu.memory_space<hbm>>, %arg3: memref<32x126x80xi32, #tpu.memory_space<hbm>>, %arg4: memref<10240x128xf32, #tpu.memory_space<hbm>>, %arg5: memref<2x10240x128xf32, #tpu.memory_space<hbm>>, %arg6: memref<126x80xi32, #tpu.memory_space<vmem>>, %arg7: memref<80x128xf32, #tpu.memory_space<vmem>>, %arg8: memref<80x128xf32, #tpu.memory_space<vmem>>, %arg9: memref<80x128xf32, #tpu.memory_space<vmem>>, %arg10: memref<80xi32, #tpu.memory_space<vmem>>, %arg11: memref<80xi32, #tpu.memory_space<vmem>>, %arg12: memref<80xi32, #tpu.memory_space<vmem>>, %arg13: memref<80xi32, #tpu.memory_space<vmem>>, %arg14: memref<80xi32, #tpu.memory_space<vmem>>, %arg15: memref<80xi32, #tpu.memory_space<vmem>>, %arg16: memref<10240x128xf32, #tpu.memory_space<vmem_shared>>, %arg17: memref<!tpu.dma_semaphore, #tpu.memory_space<semaphore_mem>>, %arg18: memref<!tpu.dma_semaphore, #tpu.memory_space<semaphore_mem>>, %arg19: memref<!tpu.dma_semaphore, #tpu.memory_space<semaphore_mem>>) attributes {dimension_semantics = [#tpu.dimension_semantics<core_parallel>, #tpu.dimension_semantics<subcore_parallel>], iteration_bounds = array<i64: 2, 16>, scalar_prefetch = 0 : i64, scratch_operands = 14 : i64, tpu.core_type = #tpu.core_type<sc_vector_subcore>, window_params = [{transform_indices = #map}, {transform_indices = #map1}, {transform_indices = #map}, {transform_indices = #map1}]} {
    %mul3A = arith.constant 2 : i32
    %mul3A_0 = arith.muli %arg1, %mul3A : i32
    %add3A = arith.addi %mul3A_0, %arg0 : i32
    "tpu.region"() ({
      %run_scoped3A = tpu.sem_alloc : memref<!tpu.dma_semaphore, #tpu.memory_space<semaphore_mem>>
      %dma_start3A_312 = arith.constant 0 : i32
      %dma_start3A_313 = arith.constant 0 : i32
      %dma_start3A_314 = tpu.memref_slice %arg3[%add3A, %dma_start3A_312, %dma_start3A_313] : memref<32x126x80xi32, #tpu.memory_space<hbm>> -> memref<1x126x80xi32, #tpu.memory_space<hbm>>
      %dma_start3A_315 = tpu.memref_squeeze %dma_start3A_314 : memref<1x126x80xi32, #tpu.memory_space<hbm>> -> memref<126x80xi32, #tpu.memory_space<hbm>>
      %dma_start3A_316 = arith.constant 0 : i32
      %dma_start3A_317 = arith.constant 0 : i32
      %dma_start3A_318 = tpu.memref_slice %arg3[%add3A, %dma_start3A_316, %dma_start3A_317] : memref<32x126x80xi32, #tpu.memory_space<hbm>> -> memref<1x126x80xi32, #tpu.memory_space<hbm>>
      %dma_start3A_319 = tpu.memref_squeeze %dma_start3A_318 : memref<1x126x80xi32, #tpu.memory_space<hbm>> -> memref<126x80xi32, #tpu.memory_space<hbm>>
      tpu.enqueue_dma source(%dma_start3A_319 : memref<126x80xi32, #tpu.memory_space<hbm>>) target(%arg6 : memref<126x80xi32, #tpu.memory_space<vmem>>) target_semaphore(%run_scoped3A : memref<!tpu.dma_semaphore, #tpu.memory_space<semaphore_mem>>)
      %dma_wait3A_320 = arith.constant 0 : i32
      %dma_wait3A_321 = arith.constant 0 : i32
      %dma_wait3A_322 = tpu.memref_slice %arg3[%add3A, %dma_wait3A_320, %dma_wait3A_321] : memref<32x126x80xi32, #tpu.memory_space<hbm>> -> memref<1x126x80xi32, #tpu.memory_space<hbm>>
      %dma_wait3A_323 = tpu.memref_squeeze %dma_wait3A_322 : memref<1x126x80xi32, #tpu.memory_space<hbm>> -> memref<126x80xi32, #tpu.memory_space<hbm>>
      %dma_wait3A_324 = arith.constant 0 : i32
      %dma_wait3A_325 = arith.constant 0 : i32
      %dma_wait3A_326 = tpu.memref_slice %arg3[%add3A, %dma_wait3A_324, %dma_wait3A_325] : memref<32x126x80xi32, #tpu.memory_space<hbm>> -> memref<1x126x80xi32, #tpu.memory_space<hbm>>
      %dma_wait3A_327 = tpu.memref_squeeze %dma_wait3A_326 : memref<1x126x80xi32, #tpu.memory_space<hbm>> -> memref<126x80xi32, #tpu.memory_space<hbm>>
      tpu.wait_dma2 semaphore(%run_scoped3A : memref<!tpu.dma_semaphore, #tpu.memory_space<semaphore_mem>>) src(%dma_wait3A_327 : memref<126x80xi32, #tpu.memory_space<hbm>>) dst(%arg6 : memref<126x80xi32, #tpu.memory_space<vmem>>)
      tpu.yield
    }) : () -> ()
    %eq3A = arith.constant 0 : i32
    %eq3A_1 = arith.cmpi eq, %arg1, %eq3A : i32
    %convert_element_type3A = arith.extui %eq3A_1 : i1 to i32
    %cond3A = arith.constant 0 : i32
    %cond3A_2 = arith.cmpi ne, %convert_element_type3A, %cond3A : i32
    scf.if %cond3A_2 {
      "tpu.region"() ({
        %run_scoped3A = tpu.sem_alloc : memref<!tpu.dma_semaphore, #tpu.memory_space<semaphore_mem>>
        tpu.enqueue_dma source(%arg4 : memref<10240x128xf32, #tpu.memory_space<hbm>>) target(%arg16 : memref<10240x128xf32, #tpu.memory_space<vmem_shared>>) target_semaphore(%run_scoped3A : memref<!tpu.dma_semaphore, #tpu.memory_space<semaphore_mem>>)
        tpu.wait_dma2 semaphore(%run_scoped3A : memref<!tpu.dma_semaphore, #tpu.memory_space<semaphore_mem>>) src(%arg4 : memref<10240x128xf32, #tpu.memory_space<hbm>>) dst(%arg16 : memref<10240x128xf32, #tpu.memory_space<vmem_shared>>)
        tpu.yield
      }) : () -> ()
    } else {
    }
    %barrier3A = arith.constant 0 : index
    tpu.barrier barrier_id(%barrier3A)
    %get3A = arith.constant 0 : i32
    %get3A_3 = arith.index_cast %get3A : i32 to index
    %get3A_4 = arith.constant 0 : index
    %get3A_5 = tpu.vector_load %arg6[%get3A_3, %get3A_4] {strides = array<i32>} : memref<126x80xi32, #tpu.memory_space<vmem>>, vector<1x16xi32>,
    %get3A_6 = vector.shape_cast %get3A_5 : vector<1x16xi32> to vector<16xi32>
    %shift_right_logical3A = arith.constant 14 : i32
    %shift_right_logical3A_7 = vector.broadcast %shift_right_logical3A : i32 to vector<16xi32>
    %shift_right_logical3A_8 = arith.shrui %get3A_6, %shift_right_logical3A_7 : vector<16xi32>
    %swap3A = arith.constant 0 : index
    %swap3A_9 = tpu.vector_load %arg10[%swap3A] {strides = array<i32>} : memref<80xi32, #tpu.memory_space<vmem>>, vector<16xi32>,
    %swap3A_10 = vector.shape_cast %swap3A_9 : vector<16xi32> to vector<16xi32>
    %swap3A_11 = vector.shape_cast %shift_right_logical3A_8 : vector<16xi32> to vector<16xi32>
    tpu.vector_store %arg10[%swap3A], %swap3A_11 {strides = array<i32>} : memref<80xi32, #tpu.memory_space<vmem>>, vector<16xi32>,
    %and3A = arith.constant 16383 : i32
    %and3A_12 = vector.broadcast %and3A : i32 to vector<16xi32>
    %and3A_13 = arith.andi %get3A_6, %and3A_12 : vector<16xi32>
    %swap3A_14 = arith.constant 0 : index
    %swap3A_15 = tpu.vector_load %arg13[%swap3A_14] {strides = array<i32>} : memref<80xi32, #tpu.memory_space<vmem>>, vector<16xi32>,
    %swap3A_16 = vector.shape_cast %swap3A_15 : vector<16xi32> to vector<16xi32>
    %swap3A_17 = vector.shape_cast %and3A_13 : vector<16xi32> to vector<16xi32>
    tpu.vector_store %arg13[%swap3A_14], %swap3A_17 {strides = array<i32>} : memref<80xi32, #tpu.memory_space<vmem>>, vector<16xi32>,
    %get3A_18 = arith.constant 0 : i32
    %get3A_19 = arith.index_cast %get3A_18 : i32 to index
    %get3A_20 = arith.constant 16 : index
    %get3A_21 = tpu.vector_load %arg6[%get3A_19, %get3A_20] {strides = array<i32>} : memref<126x80xi32, #tpu.memory_space<vmem>>, vector<1x16xi32>,
    %get3A_22 = vector.shape_cast %get3A_21 : vector<1x16xi32> to vector<16xi32>
    %shift_right_logical3A_23 = arith.constant 14 : i32
    %shift_right_logical3A_24 = vector.broadcast %shift_right_logical3A_23 : i32 to vector<16xi32>
    %shift_right_logical3A_25 = arith.shrui %get3A_22, %shift_right_logical3A_24 : vector<16xi32>
    %swap3A_26 = arith.constant 16 : index
    %swap3A_27 = tpu.vector_load %arg10[%swap3A_26] {strides = array<i32>} : memref<80xi32, #tpu.memory_space<vmem>>, vector<16xi32>,
    %swap3A_28 = vector.shape_cast %swap3A_27 : vector<16xi32> to vector<16xi32>
    %swap3A_29 = vector.shape_cast %shift_right_logical3A_25 : vector<16xi32> to vector<16xi32>
    tpu.vector_store %arg10[%swap3A_26], %swap3A_29 {strides = array<i32>} : memref<80xi32, #tpu.memory_space<vmem>>, vector<16xi32>,
    %and3A_30 = arith.constant 16383 : i32
    %and3A_31 = vector.broadcast %and3A_30 : i32 to vector<16xi32>
    %and3A_32 = arith.andi %get3A_22, %and3A_31 : vector<16xi32>
    %swap3A_33 = arith.constant 16 : index
    %swap3A_34 = tpu.vector_load %arg13[%swap3A_33] {strides = array<i32>} : memref<80xi32, #tpu.memory_space<vmem>>, vector<16xi32>,
    %swap3A_35 = vector.shape_cast %swap3A_34 : vector<16xi32> to vector<16xi32>
    %swap3A_36 = vector.shape_cast %and3A_32 : vector<16xi32> to vector<16xi32>
    tpu.vector_store %arg13[%swap3A_33], %swap3A_36 {strides = array<i32>} : memref<80xi32, #tpu.memory_space<vmem>>, vector<16xi32>,
    %get3A_37 = arith.constant 0 : i32
    %get3A_38 = arith.index_cast %get3A_37 : i32 to index
    %get3A_39 = arith.constant 32 : index
    %get3A_40 = tpu.vector_load %arg6[%get3A_38, %get3A_39] {strides = array<i32>} : memref<126x80xi32, #tpu.memory_space<vmem>>, vector<1x16xi32>,
    %get3A_41 = vector.shape_cast %get3A_40 : vector<1x16xi32> to vector<16xi32>
    %shift_right_logical3A_42 = arith.constant 14 : i32
    %shift_right_logical3A_43 = vector.broadcast %shift_right_logical3A_42 : i32 to vector<16xi32>
    %shift_right_logical3A_44 = arith.shrui %get3A_41, %shift_right_logical3A_43 : vector<16xi32>
    %swap3A_45 = arith.constant 32 : index
    %swap3A_46 = tpu.vector_load %arg10[%swap3A_45] {strides = array<i32>} : memref<80xi32, #tpu.memory_space<vmem>>, vector<16xi32>,
    %swap3A_47 = vector.shape_cast %swap3A_46 : vector<16xi32> to vector<16xi32>
    %swap3A_48 = vector.shape_cast %shift_right_logical3A_44 : vector<16xi32> to vector<16xi32>
    tpu.vector_store %arg10[%swap3A_45], %swap3A_48 {strides = array<i32>} : memref<80xi32, #tpu.memory_space<vmem>>, vector<16xi32>,
    %and3A_49 = arith.constant 16383 : i32
    %and3A_50 = vector.broadcast %and3A_49 : i32 to vector<16xi32>
    %and3A_51 = arith.andi %get3A_41, %and3A_50 : vector<16xi32>
    %swap3A_52 = arith.constant 32 : index
    %swap3A_53 = tpu.vector_load %arg13[%swap3A_52] {strides = array<i32>} : memref<80xi32, #tpu.memory_space<vmem>>, vector<16xi32>,
    %swap3A_54 = vector.shape_cast %swap3A_53 : vector<16xi32> to vector<16xi32>
    %swap3A_55 = vector.shape_cast %and3A_51 : vector<16xi32> to vector<16xi32>
    tpu.vector_store %arg13[%swap3A_52], %swap3A_55 {strides = array<i32>} : memref<80xi32, #tpu.memory_space<vmem>>, vector<16xi32>,
    %get3A_56 = arith.constant 0 : i32
    %get3A_57 = arith.index_cast %get3A_56 : i32 to index
    %get3A_58 = arith.constant 48 : index
    %get3A_59 = tpu.vector_load %arg6[%get3A_57, %get3A_58] {strides = array<i32>} : memref<126x80xi32, #tpu.memory_space<vmem>>, vector<1x16xi32>,
    %get3A_60 = vector.shape_cast %get3A_59 : vector<1x16xi32> to vector<16xi32>
    %shift_right_logical3A_61 = arith.constant 14 : i32
    %shift_right_logical3A_62 = vector.broadcast %shift_right_logical3A_61 : i32 to vector<16xi32>
    %shift_right_logical3A_63 = arith.shrui %get3A_60, %shift_right_logical3A_62 : vector<16xi32>
    %swap3A_64 = arith.constant 48 : index
    %swap3A_65 = tpu.vector_load %arg10[%swap3A_64] {strides = array<i32>} : memref<80xi32, #tpu.memory_space<vmem>>, vector<16xi32>,
    %swap3A_66 = vector.shape_cast %swap3A_65 : vector<16xi32> to vector<16xi32>
    %swap3A_67 = vector.shape_cast %shift_right_logical3A_63 : vector<16xi32> to vector<16xi32>
    tpu.vector_store %arg10[%swap3A_64], %swap3A_67 {strides = array<i32>} : memref<80xi32, #tpu.memory_space<vmem>>, vector<16xi32>,
    %and3A_68 = arith.constant 16383 : i32
    %and3A_69 = vector.broadcast %and3A_68 : i32 to vector<16xi32>
    %and3A_70 = arith.andi %get3A_60, %and3A_69 : vector<16xi32>
    %swap3A_71 = arith.constant 48 : index
    %swap3A_72 = tpu.vector_load %arg13[%swap3A_71] {strides = array<i32>} : memref<80xi32, #tpu.memory_space<vmem>>, vector<16xi32>,
    %swap3A_73 = vector.shape_cast %swap3A_72 : vector<16xi32> to vector<16xi32>
    %swap3A_74 = vector.shape_cast %and3A_70 : vector<16xi32> to vector<16xi32>
    tpu.vector_store %arg13[%swap3A_71], %swap3A_74 {strides = array<i32>} : memref<80xi32, #tpu.memory_space<vmem>>, vector<16xi32>,
    %get3A_75 = arith.constant 0 : i32
    %get3A_76 = arith.index_cast %get3A_75 : i32 to index
    %get3A_77 = arith.constant 64 : index
    %get3A_78 = tpu.vector_load %arg6[%get3A_76, %get3A_77] {strides = array<i32>} : memref<126x80xi32, #tpu.memory_space<vmem>>, vector<1x16xi32>,
    %get3A_79 = vector.shape_cast %get3A_78 : vector<1x16xi32> to vector<16xi32>
    %shift_right_logical3A_80 = arith.constant 14 : i32
    %shift_right_logical3A_81 = vector.broadcast %shift_right_logical3A_80 : i32 to vector<16xi32>
    %shift_right_logical3A_82 = arith.shrui %get3A_79, %shift_right_logical3A_81 : vector<16xi32>
    %swap3A_83 = arith.constant 64 : index
    %swap3A_84 = tpu.vector_load %arg10[%swap3A_83] {strides = array<i32>} : memref<80xi32, #tpu.memory_space<vmem>>, vector<16xi32>,
    %swap3A_85 = vector.shape_cast %swap3A_84 : vector<16xi32> to vector<16xi32>
    %swap3A_86 = vector.shape_cast %shift_right_logical3A_82 : vector<16xi32> to vector<16xi32>
    tpu.vector_store %arg10[%swap3A_83], %swap3A_86 {strides = array<i32>} : memref<80xi32, #tpu.memory_space<vmem>>, vector<16xi32>,
    %and3A_87 = arith.constant 16383 : i32
    %and3A_88 = vector.broadcast %and3A_87 : i32 to vector<16xi32>
    %and3A_89 = arith.andi %get3A_79, %and3A_88 : vector<16xi32>
    %swap3A_90 = arith.constant 64 : index
    %swap3A_91 = tpu.vector_load %arg13[%swap3A_90] {strides = array<i32>} : memref<80xi32, #tpu.memory_space<vmem>>, vector<16xi32>,
    %swap3A_92 = vector.shape_cast %swap3A_91 : vector<16xi32> to vector<16xi32>
    %swap3A_93 = vector.shape_cast %and3A_89 : vector<16xi32> to vector<16xi32>
    tpu.vector_store %arg13[%swap3A_90], %swap3A_93 {strides = array<i32>} : memref<80xi32, #tpu.memory_space<vmem>>, vector<16xi32>,
    %dma_start3A = arith.constant 0 : i32
    %dma_start3A_94 = arith.constant 0 : i32
    %dma_start3A_95 = tpu.memref_slice %arg2[%dma_start3A, %dma_start3A_94] : memref<10240x128xf32, #tpu.memory_space<hbm>> -> memref<10240x128xf32, #tpu.memory_space<hbm>>
    tpu.enqueue_indirect_dma source(%dma_start3A_95 : memref<10240x128xf32, #tpu.memory_space<hbm>>) target(%arg7 : memref<80x128xf32, #tpu.memory_space<vmem>>) offsets(%arg10 : memref<80xi32, #tpu.memory_space<vmem>>) semaphore(%arg17 : memref<!tpu.dma_semaphore, #tpu.memory_space<semaphore_mem>>)
    %get3A_96 = arith.constant 1 : i32
    %get3A_97 = arith.index_cast %get3A_96 : i32 to index
    %get3A_98 = arith.constant 0 : index
    %get3A_99 = tpu.vector_load %arg6[%get3A_97, %get3A_98] {strides = array<i32>} : memref<126x80xi32, #tpu.memory_space<vmem>>, vector<1x16xi32>,
    %get3A_100 = vector.shape_cast %get3A_99 : vector<1x16xi32> to vector<16xi32>
    %shift_right_logical3A_101 = arith.constant 14 : i32
    %shift_right_logical3A_102 = vector.broadcast %shift_right_logical3A_101 : i32 to vector<16xi32>
    %shift_right_logical3A_103 = arith.shrui %get3A_100, %shift_right_logical3A_102 : vector<16xi32>
    %swap3A_104 = arith.constant 0 : index
    %swap3A_105 = tpu.vector_load %arg11[%swap3A_104] {strides = array<i32>} : memref<80xi32, #tpu.memory_space<vmem>>, vector<16xi32>,
    %swap3A_106 = vector.shape_cast %swap3A_105 : vector<16xi32> to vector<16xi32>
    %swap3A_107 = vector.shape_cast %shift_right_logical3A_103 : vector<16xi32> to vector<16xi32>
    tpu.vector_store %arg11[%swap3A_104], %swap3A_107 {strides = array<i32>} : memref<80xi32, #tpu.memory_space<vmem>>, vector<16xi32>,
    %and3A_108 = arith.constant 16383 : i32
    %and3A_109 = vector.broadcast %and3A_108 : i32 to vector<16xi32>
    %and3A_110 = arith.andi %get3A_100, %and3A_109 : vector<16xi32>
    %swap3A_111 = arith.constant 0 : index
    %swap3A_112 = tpu.vector_load %arg14[%swap3A_111] {strides = array<i32>} : memref<80xi32, #tpu.memory_space<vmem>>, vector<16xi32>,
    %swap3A_113 = vector.shape_cast %swap3A_112 : vector<16xi32> to vector<16xi32>
    %swap3A_114 = vector.shape_cast %and3A_110 : vector<16xi32> to vector<16xi32>
    tpu.vector_store %arg14[%swap3A_111], %swap3A_114 {strides = array<i32>} : memref<80xi32, #tpu.memory_space<vmem>>, vector<16xi32>,
    %get3A_115 = arith.constant 1 : i32
    %get3A_116 = arith.index_cast %get3A_115 : i32 to index
    %get3A_117 = arith.constant 16 : index
    %get3A_118 = tpu.vector_load %arg6[%get3A_116, %get3A_117] {strides = array<i32>} : memref<126x80xi32, #tpu.memory_space<vmem>>, vector<1x16xi32>,
    %get3A_119 = vector.shape_cast %get3A_118 : vector<1x16xi32> to vector<16xi32>
    %shift_right_logical3A_120 = arith.constant 14 : i32
    %shift_right_logical3A_121 = vector.broadcast %shift_right_logical3A_120 : i32 to vector<16xi32>
    %shift_right_logical3A_122 = arith.shrui %get3A_119, %shift_right_logical3A_121 : vector<16xi32>
    %swap3A_123 = arith.constant 16 : index
    %swap3A_124 = tpu.vector_load %arg11[%swap3A_123] {strides = array<i32>} : memref<80xi32, #tpu.memory_space<vmem>>, vector<16xi32>,
    %swap3A_125 = vector.shape_cast %swap3A_124 : vector<16xi32> to vector<16xi32>
    %swap3A_126 = vector.shape_cast %shift_right_logical3A_122 : vector<16xi32> to vector<16xi32>
    tpu.vector_store %arg11[%swap3A_123], %swap3A_126 {strides = array<i32>} : memref<80xi32, #tpu.memory_space<vmem>>, vector<16xi32>,
    %and3A_127 = arith.constant 16383 : i32
    %and3A_128 = vector.broadcast %and3A_127 : i32 to vector<16xi32>
    %and3A_129 = arith.andi %get3A_119, %and3A_128 : vector<16xi32>
    %swap3A_130 = arith.constant 16 : index
    %swap3A_131 = tpu.vector_load %arg14[%swap3A_130] {strides = array<i32>} : memref<80xi32, #tpu.memory_space<vmem>>, vector<16xi32>,
    %swap3A_132 = vector.shape_cast %swap3A_131 : vector<16xi32> to vector<16xi32>
    %swap3A_133 = vector.shape_cast %and3A_129 : vector<16xi32> to vector<16xi32>
    tpu.vector_store %arg14[%swap3A_130], %swap3A_133 {strides = array<i32>} : memref<80xi32, #tpu.memory_space<vmem>>, vector<16xi32>,
    %get3A_134 = arith.constant 1 : i32
    %get3A_135 = arith.index_cast %get3A_134 : i32 to index
    %get3A_136 = arith.constant 32 : index
    %get3A_137 = tpu.vector_load %arg6[%get3A_135, %get3A_136] {strides = array<i32>} : memref<126x80xi32, #tpu.memory_space<vmem>>, vector<1x16xi32>,
    %get3A_138 = vector.shape_cast %get3A_137 : vector<1x16xi32> to vector<16xi32>
    %shift_right_logical3A_139 = arith.constant 14 : i32
    %shift_right_logical3A_140 = vector.broadcast %shift_right_logical3A_139 : i32 to vector<16xi32>
    %shift_right_logical3A_141 = arith.shrui %get3A_138, %shift_right_logical3A_140 : vector<16xi32>
    %swap3A_142 = arith.constant 32 : index
    %swap3A_143 = tpu.vector_load %arg11[%swap3A_142] {strides = array<i32>} : memref<80xi32, #tpu.memory_space<vmem>>, vector<16xi32>,
    %swap3A_144 = vector.shape_cast %swap3A_143 : vector<16xi32> to vector<16xi32>
    %swap3A_145 = vector.shape_cast %shift_right_logical3A_141 : vector<16xi32> to vector<16xi32>
    tpu.vector_store %arg11[%swap3A_142], %swap3A_145 {strides = array<i32>} : memref<80xi32, #tpu.memory_space<vmem>>, vector<16xi32>,
    %and3A_146 = arith.constant 16383 : i32
    %and3A_147 = vector.broadcast %and3A_146 : i32 to vector<16xi32>
    %and3A_148 = arith.andi %get3A_138, %and3A_147 : vector<16xi32>
    %swap3A_149 = arith.constant 32 : index
    %swap3A_150 = tpu.vector_load %arg14[%swap3A_149] {strides = array<i32>} : memref<80xi32, #tpu.memory_space<vmem>>, vector<16xi32>,
    %swap3A_151 = vector.shape_cast %swap3A_150 : vector<16xi32> to vector<16xi32>
    %swap3A_152 = vector.shape_cast %and3A_148 : vector<16xi32> to vector<16xi32>
    tpu.vector_store %arg14[%swap3A_149], %swap3A_152 {strides = array<i32>} : memref<80xi32, #tpu.memory_space<vmem>>, vector<16xi32>,
    %get3A_153 = arith.constant 1 : i32
    %get3A_154 = arith.index_cast %get3A_153 : i32 to index
    %get3A_155 = arith.constant 48 : index
    %get3A_156 = tpu.vector_load %arg6[%get3A_154, %get3A_155] {strides = array<i32>} : memref<126x80xi32, #tpu.memory_space<vmem>>, vector<1x16xi32>,
    %get3A_157 = vector.shape_cast %get3A_156 : vector<1x16xi32> to vector<16xi32>
    %shift_right_logical3A_158 = arith.constant 14 : i32
    %shift_right_logical3A_159 = vector.broadcast %shift_right_logical3A_158 : i32 to vector<16xi32>
    %shift_right_logical3A_160 = arith.shrui %get3A_157, %shift_right_logical3A_159 : vector<16xi32>
    %swap3A_161 = arith.constant 48 : index
    %swap3A_162 = tpu.vector_load %arg11[%swap3A_161] {strides = array<i32>} : memref<80xi32, #tpu.memory_space<vmem>>, vector<16xi32>,
    %swap3A_163 = vector.shape_cast %swap3A_162 : vector<16xi32> to vector<16xi32>
    %swap3A_164 = vector.shape_cast %shift_right_logical3A_160 : vector<16xi32> to vector<16xi32>
    tpu.vector_store %arg11[%swap3A_161], %swap3A_164 {strides = array<i32>} : memref<80xi32, #tpu.memory_space<vmem>>, vector<16xi32>,
    %and3A_165 = arith.constant 16383 : i32
    %and3A_166 = vector.broadcast %and3A_165 : i32 to vector<16xi32>
    %and3A_167 = arith.andi %get3A_157, %and3A_166 : vector<16xi32>
    %swap3A_168 = arith.constant 48 : index
    %swap3A_169 = tpu.vector_load %arg14[%swap3A_168] {strides = array<i32>} : memref<80xi32, #tpu.memory_space<vmem>>, vector<16xi32>,
    %swap3A_170 = vector.shape_cast %swap3A_169 : vector<16xi32> to vector<16xi32>
    %swap3A_171 = vector.shape_cast %and3A_167 : vector<16xi32> to vector<16xi32>
    tpu.vector_store %arg14[%swap3A_168], %swap3A_171 {strides = array<i32>} : memref<80xi32, #tpu.memory_space<vmem>>, vector<16xi32>,
    %get3A_172 = arith.constant 1 : i32
    %get3A_173 = arith.index_cast %get3A_172 : i32 to index
    %get3A_174 = arith.constant 64 : index
    %get3A_175 = tpu.vector_load %arg6[%get3A_173, %get3A_174] {strides = array<i32>} : memref<126x80xi32, #tpu.memory_space<vmem>>, vector<1x16xi32>,
    %get3A_176 = vector.shape_cast %get3A_175 : vector<1x16xi32> to vector<16xi32>
    %shift_right_logical3A_177 = arith.constant 14 : i32
    %shift_right_logical3A_178 = vector.broadcast %shift_right_logical3A_177 : i32 to vector<16xi32>
    %shift_right_logical3A_179 = arith.shrui %get3A_176, %shift_right_logical3A_178 : vector<16xi32>
    %swap3A_180 = arith.constant 64 : index
    %swap3A_181 = tpu.vector_load %arg11[%swap3A_180] {strides = array<i32>} : memref<80xi32, #tpu.memory_space<vmem>>, vector<16xi32>,
    %swap3A_182 = vector.shape_cast %swap3A_181 : vector<16xi32> to vector<16xi32>
    %swap3A_183 = vector.shape_cast %shift_right_logical3A_179 : vector<16xi32> to vector<16xi32>
    tpu.vector_store %arg11[%swap3A_180], %swap3A_183 {strides = array<i32>} : memref<80xi32, #tpu.memory_space<vmem>>, vector<16xi32>,
    %and3A_184 = arith.constant 16383 : i32
    %and3A_185 = vector.broadcast %and3A_184 : i32 to vector<16xi32>
    %and3A_186 = arith.andi %get3A_176, %and3A_185 : vector<16xi32>
    %swap3A_187 = arith.constant 64 : index
    %swap3A_188 = tpu.vector_load %arg14[%swap3A_187] {strides = array<i32>} : memref<80xi32, #tpu.memory_space<vmem>>, vector<16xi32>,
    %swap3A_189 = vector.shape_cast %swap3A_188 : vector<16xi32> to vector<16xi32>
    %swap3A_190 = vector.shape_cast %and3A_186 : vector<16xi32> to vector<16xi32>
    tpu.vector_store %arg14[%swap3A_187], %swap3A_190 {strides = array<i32>} : memref<80xi32, #tpu.memory_space<vmem>>, vector<16xi32>,
    %dma_start3A_191 = arith.constant 0 : i32
    %dma_start3A_192 = arith.constant 0 : i32
    %dma_start3A_193 = tpu.memref_slice %arg2[%dma_start3A_191, %dma_start3A_192] : memref<10240x128xf32, #tpu.memory_space<hbm>> -> memref<10240x128xf32, #tpu.memory_space<hbm>>
    tpu.enqueue_indirect_dma source(%dma_start3A_193 : memref<10240x128xf32, #tpu.memory_space<hbm>>) target(%arg8 : memref<80x128xf32, #tpu.memory_space<vmem>>) offsets(%arg11 : memref<80xi32, #tpu.memory_space<vmem>>) semaphore(%arg18 : memref<!tpu.dma_semaphore, #tpu.memory_space<semaphore_mem>>)
    %get3A_194 = arith.constant 2 : i32
    %get3A_195 = arith.index_cast %get3A_194 : i32 to index
    %get3A_196 = arith.constant 0 : index
    %get3A_197 = tpu.vector_load %arg6[%get3A_195, %get3A_196] {strides = array<i32>} : memref<126x80xi32, #tpu.memory_space<vmem>>, vector<1x16xi32>,
    %get3A_198 = vector.shape_cast %get3A_197 : vector<1x16xi32> to vector<16xi32>
    %shift_right_logical3A_199 = arith.constant 14 : i32
    %shift_right_logical3A_200 = vector.broadcast %shift_right_logical3A_199 : i32 to vector<16xi32>
    %shift_right_logical3A_201 = arith.shrui %get3A_198, %shift_right_logical3A_200 : vector<16xi32>
    %swap3A_202 = arith.constant 0 : index
    %swap3A_203 = tpu.vector_load %arg12[%swap3A_202] {strides = array<i32>} : memref<80xi32, #tpu.memory_space<vmem>>, vector<16xi32>,
    %swap3A_204 = vector.shape_cast %swap3A_203 : vector<16xi32> to vector<16xi32>
    %swap3A_205 = vector.shape_cast %shift_right_logical3A_201 : vector<16xi32> to vector<16xi32>
    tpu.vector_store %arg12[%swap3A_202], %swap3A_205 {strides = array<i32>} : memref<80xi32, #tpu.memory_space<vmem>>, vector<16xi32>,
    %and3A_206 = arith.constant 16383 : i32
    %and3A_207 = vector.broadcast %and3A_206 : i32 to vector<16xi32>
    %and3A_208 = arith.andi %get3A_198, %and3A_207 : vector<16xi32>
    %swap3A_209 = arith.constant 0 : index
    %swap3A_210 = tpu.vector_load %arg15[%swap3A_209] {strides = array<i32>} : memref<80xi32, #tpu.memory_space<vmem>>, vector<16xi32>,
    %swap3A_211 = vector.shape_cast %swap3A_210 : vector<16xi32> to vector<16xi32>
    %swap3A_212 = vector.shape_cast %and3A_208 : vector<16xi32> to vector<16xi32>
    tpu.vector_store %arg15[%swap3A_209], %swap3A_212 {strides = array<i32>} : memref<80xi32, #tpu.memory_space<vmem>>, vector<16xi32>,
    %get3A_213 = arith.constant 2 : i32
    %get3A_214 = arith.index_cast %get3A_213 : i32 to index
    %get3A_215 = arith.constant 16 : index
    %get3A_216 = tpu.vector_load %arg6[%get3A_214, %get3A_215] {strides = array<i32>} : memref<126x80xi32, #tpu.memory_space<vmem>>, vector<1x16xi32>,
    %get3A_217 = vector.shape_cast %get3A_216 : vector<1x16xi32> to vector<16xi32>
    %shift_right_logical3A_218 = arith.constant 14 : i32
    %shift_right_logical3A_219 = vector.broadcast %shift_right_logical3A_218 : i32 to vector<16xi32>
    %shift_right_logical3A_220 = arith.shrui %get3A_217, %shift_right_logical3A_219 : vector<16xi32>
    %swap3A_221 = arith.constant 16 : index
    %swap3A_222 = tpu.vector_load %arg12[%swap3A_221] {strides = array<i32>} : memref<80xi32, #tpu.memory_space<vmem>>, vector<16xi32>,
    %swap3A_223 = vector.shape_cast %swap3A_222 : vector<16xi32> to vector<16xi32>
    %swap3A_224 = vector.shape_cast %shift_right_logical3A_220 : vector<16xi32> to vector<16xi32>
    tpu.vector_store %arg12[%swap3A_221], %swap3A_224 {strides = array<i32>} : memref<80xi32, #tpu.memory_space<vmem>>, vector<16xi32>,
    %and3A_225 = arith.constant 16383 : i32
    %and3A_226 = vector.broadcast %and3A_225 : i32 to vector<16xi32>
    %and3A_227 = arith.andi %get3A_217, %and3A_226 : vector<16xi32>
    %swap3A_228 = arith.constant 16 : index
    %swap3A_229 = tpu.vector_load %arg15[%swap3A_228] {strides = array<i32>} : memref<80xi32, #tpu.memory_space<vmem>>, vector<16xi32>,
    %swap3A_230 = vector.shape_cast %swap3A_229 : vector<16xi32> to vector<16xi32>
    %swap3A_231 = vector.shape_cast %and3A_227 : vector<16xi32> to vector<16xi32>
    tpu.vector_store %arg15[%swap3A_228], %swap3A_231 {strides = array<i32>} : memref<80xi32, #tpu.memory_space<vmem>>, vector<16xi32>,
    %get3A_232 = arith.constant 2 : i32
    %get3A_233 = arith.index_cast %get3A_232 : i32 to index
    %get3A_234 = arith.constant 32 : index
    %get3A_235 = tpu.vector_load %arg6[%get3A_233, %get3A_234] {strides = array<i32>} : memref<126x80xi32, #tpu.memory_space<vmem>>, vector<1x16xi32>,
    %get3A_236 = vector.shape_cast %get3A_235 : vector<1x16xi32> to vector<16xi32>
    %shift_right_logical3A_237 = arith.constant 14 : i32
    %shift_right_logical3A_238 = vector.broadcast %shift_right_logical3A_237 : i32 to vector<16xi32>
    %shift_right_logical3A_239 = arith.shrui %get3A_236, %shift_right_logical3A_238 : vector<16xi32>
    %swap3A_240 = arith.constant 32 : index
    %swap3A_241 = tpu.vector_load %arg12[%swap3A_240] {strides = array<i32>} : memref<80xi32, #tpu.memory_space<vmem>>, vector<16xi32>,
    %swap3A_242 = vector.shape_cast %swap3A_241 : vector<16xi32> to vector<16xi32>
    %swap3A_243 = vector.shape_cast %shift_right_logical3A_239 : vector<16xi32> to vector<16xi32>
    tpu.vector_store %arg12[%swap3A_240], %swap3A_243 {strides = array<i32>} : memref<80xi32, #tpu.memory_space<vmem>>, vector<16xi32>,
    %and3A_244 = arith.constant 16383 : i32
    %and3A_245 = vector.broadcast %and3A_244 : i32 to vector<16xi32>
    %and3A_246 = arith.andi %get3A_236, %and3A_245 : vector<16xi32>
    %swap3A_247 = arith.constant 32 : index
    %swap3A_248 = tpu.vector_load %arg15[%swap3A_247] {strides = array<i32>} : memref<80xi32, #tpu.memory_space<vmem>>, vector<16xi32>,
    %swap3A_249 = vector.shape_cast %swap3A_248 : vector<16xi32> to vector<16xi32>
    %swap3A_250 = vector.shape_cast %and3A_246 : vector<16xi32> to vector<16xi32>
    tpu.vector_store %arg15[%swap3A_247], %swap3A_250 {strides = array<i32>} : memref<80xi32, #tpu.memory_space<vmem>>, vector<16xi32>,
    %get3A_251 = arith.constant 2 : i32
    %get3A_252 = arith.index_cast %get3A_251 : i32 to index
    %get3A_253 = arith.constant 48 : index
    %get3A_254 = tpu.vector_load %arg6[%get3A_252, %get3A_253] {strides = array<i32>} : memref<126x80xi32, #tpu.memory_space<vmem>>, vector<1x16xi32>,
    %get3A_255 = vector.shape_cast %get3A_254 : vector<1x16xi32> to vector<16xi32>
    %shift_right_logical3A_256 = arith.constant 14 : i32
    %shift_right_logical3A_257 = vector.broadcast %shift_right_logical3A_256 : i32 to vector<16xi32>
    %shift_right_logical3A_258 = arith.shrui %get3A_255, %shift_right_logical3A_257 : vector<16xi32>
    %swap3A_259 = arith.constant 48 : index
    %swap3A_260 = tpu.vector_load %arg12[%swap3A_259] {strides = array<i32>} : memref<80xi32, #tpu.memory_space<vmem>>, vector<16xi32>,
    %swap3A_261 = vector.shape_cast %swap3A_260 : vector<16xi32> to vector<16xi32>
    %swap3A_262 = vector.shape_cast %shift_right_logical3A_258 : vector<16xi32> to vector<16xi32>
    tpu.vector_store %arg12[%swap3A_259], %swap3A_262 {strides = array<i32>} : memref<80xi32, #tpu.memory_space<vmem>>, vector<16xi32>,
    %and3A_263 = arith.constant 16383 : i32
    %and3A_264 = vector.broadcast %and3A_263 : i32 to vector<16xi32>
    %and3A_265 = arith.andi %get3A_255, %and3A_264 : vector<16xi32>
    %swap3A_266 = arith.constant 48 : index
    %swap3A_267 = tpu.vector_load %arg15[%swap3A_266] {strides = array<i32>} : memref<80xi32, #tpu.memory_space<vmem>>, vector<16xi32>,
    %swap3A_268 = vector.shape_cast %swap3A_267 : vector<16xi32> to vector<16xi32>
    %swap3A_269 = vector.shape_cast %and3A_265 : vector<16xi32> to vector<16xi32>
    tpu.vector_store %arg15[%swap3A_266], %swap3A_269 {strides = array<i32>} : memref<80xi32, #tpu.memory_space<vmem>>, vector<16xi32>,
    %get3A_270 = arith.constant 2 : i32
    %get3A_271 = arith.index_cast %get3A_270 : i32 to index
    %get3A_272 = arith.constant 64 : index
    %get3A_273 = tpu.vector_load %arg6[%get3A_271, %get3A_272] {strides = array<i32>} : memref<126x80xi32, #tpu.memory_space<vmem>>, vector<1x16xi32>,
    %get3A_274 = vector.shape_cast %get3A_273 : vector<1x16xi32> to vector<16xi32>
    %shift_right_logical3A_275 = arith.constant 14 : i32
    %shift_right_logical3A_276 = vector.broadcast %shift_right_logical3A_275 : i32 to vector<16xi32>
    %shift_right_logical3A_277 = arith.shrui %get3A_274, %shift_right_logical3A_276 : vector<16xi32>
    %swap3A_278 = arith.constant 64 : index
    %swap3A_279 = tpu.vector_load %arg12[%swap3A_278] {strides = array<i32>} : memref<80xi32, #tpu.memory_space<vmem>>, vector<16xi32>,
    %swap3A_280 = vector.shape_cast %swap3A_279 : vector<16xi32> to vector<16xi32>
    %swap3A_281 = vector.shape_cast %shift_right_logical3A_277 : vector<16xi32> to vector<16xi32>
    tpu.vector_store %arg12[%swap3A_278], %swap3A_281 {strides = array<i32>} : memref<80xi32, #tpu.memory_space<vmem>>, vector<16xi32>,
    %and3A_282 = arith.constant 16383 : i32
    %and3A_283 = vector.broadcast %and3A_282 : i32 to vector<16xi32>
    %and3A_284 = arith.andi %get3A_274, %and3A_283 : vector<16xi32>
    %swap3A_285 = arith.constant 64 : index
    %swap3A_286 = tpu.vector_load %arg15[%swap3A_285] {strides = array<i32>} : memref<80xi32, #tpu.memory_space<vmem>>, vector<16xi32>,
    %swap3A_287 = vector.shape_cast %swap3A_286 : vector<16xi32> to vector<16xi32>
    %swap3A_288 = vector.shape_cast %and3A_284 : vector<16xi32> to vector<16xi32>
    tpu.vector_store %arg15[%swap3A_285], %swap3A_288 {strides = array<i32>} : memref<80xi32, #tpu.memory_space<vmem>>, vector<16xi32>,
    %dma_start3A_289 = arith.constant 0 : i32
    %dma_start3A_290 = arith.constant 0 : i32
    %dma_start3A_291 = tpu.memref_slice %arg2[%dma_start3A_289, %dma_start3A_290] : memref<10240x128xf32, #tpu.memory_space<hbm>> -> memref<10240x128xf32, #tpu.memory_space<hbm>>
    tpu.enqueue_indirect_dma source(%dma_start3A_291 : memref<10240x128xf32, #tpu.memory_space<hbm>>) target(%arg9 : memref<80x128xf32, #tpu.memory_space<vmem>>) offsets(%arg12 : memref<80xi32, #tpu.memory_space<vmem>>) semaphore(%arg19 : memref<!tpu.dma_semaphore, #tpu.memory_space<semaphore_mem>>)
    %scan3A = arith.constant 0 : i32
    %scan3A_292 = arith.constant 0 : i32
    %scan3A_293 = arith.constant 41 : i32
    %scan3A_294 = arith.addi %scan3A_292, %scan3A_293 : i32
    %scan3A_295 = arith.constant 1 : i32
    %scan3A_296 = scf.for %scan3A_312 = %scan3A_292 to %scan3A_294 step %scan3A_295 iter_args(%scan3A_313 = %scan3A) -> (i32)  : i32 {
      %mul3A_314 = arith.constant 3 : i32
      %mul3A_315 = arith.muli %scan3A_312, %mul3A_314 : i32
      %dma_wait3A_316 = arith.constant 0 : i32
      %dma_wait3A_317 = arith.constant 0 : i32
      %dma_wait3A_318 = tpu.memref_slice %arg2[%dma_wait3A_316, %dma_wait3A_317] : memref<10240x128xf32, #tpu.memory_space<hbm>> -> memref<10240x128xf32, #tpu.memory_space<hbm>>
      tpu.wait_indirect_dma semaphore(%arg17 : memref<!tpu.dma_semaphore, #tpu.memory_space<semaphore_mem>>) src(%dma_wait3A_318 : memref<10240x128xf32, #tpu.memory_space<hbm>>) dst(%arg7 : memref<80x128xf32, #tpu.memory_space<vmem>>)
      "tpu.region"() ({
        %run_scoped3A = tpu.sem_alloc : memref<!tpu.dma_semaphore, #tpu.memory_space<semaphore_mem>>
        %dma_start3A_617 = arith.constant 0 : i32
        %dma_start3A_618 = arith.constant 0 : i32
        %dma_start3A_619 = tpu.memref_slice %arg16[%dma_start3A_617, %dma_start3A_618] : memref<10240x128xf32, #tpu.memory_space<vmem_shared>> -> memref<10240x128xf32, #tpu.memory_space<vmem_shared>>
        tpu.enqueue_indirect_dma source(%arg7 : memref<80x128xf32, #tpu.memory_space<vmem>>) target(%dma_start3A_619 : memref<10240x128xf32, #tpu.memory_space<vmem_shared>>) offsets(%arg13 : memref<80xi32, #tpu.memory_space<vmem>>) semaphore(%run_scoped3A : memref<!tpu.dma_semaphore, #tpu.memory_space<semaphore_mem>>) {add = true}
        %dma_wait3A_620 = arith.constant 0 : i32
        %dma_wait3A_621 = arith.constant 0 : i32
        %dma_wait3A_622 = tpu.memref_slice %arg16[%dma_wait3A_620, %dma_wait3A_621] : memref<10240x128xf32, #tpu.memory_space<vmem_shared>> -> memref<10240x128xf32, #tpu.memory_space<vmem_shared>>
        tpu.wait_indirect_dma semaphore(%run_scoped3A : memref<!tpu.dma_semaphore, #tpu.memory_space<semaphore_mem>>) src(%arg7 : memref<80x128xf32, #tpu.memory_space<vmem>>) dst(%dma_wait3A_622 : memref<10240x128xf32, #tpu.memory_space<vmem_shared>>)
        tpu.yield
      }) : () -> ()
      %add3A_319 = arith.constant 0 : i32
      %add3A_320 = arith.addi %mul3A_315, %add3A_319 : i32
      %add3A_321 = arith.constant 3 : i32
      %add3A_322 = arith.addi %add3A_320, %add3A_321 : i32
      %get3A_323 = arith.index_cast %add3A_322 : i32 to index
      %get3A_324 = arith.constant 0 : index
      %get3A_325 = tpu.vector_load %arg6[%get3A_323, %get3A_324] {strides = array<i32>} : memref<126x80xi32, #tpu.memory_space<vmem>>, vector<1x16xi32>,
      %get3A_326 = vector.shape_cast %get3A_325 : vector<1x16xi32> to vector<16xi32>
      %shift_right_logical3A_327 = arith.constant 14 : i32
      %shift_right_logical3A_328 = vector.broadcast %shift_right_logical3A_327 : i32 to vector<16xi32>
      %shift_right_logical3A_329 = arith.shrui %get3A_326, %shift_right_logical3A_328 : vector<16xi32>
      %swap3A_330 = arith.constant 0 : index
      %swap3A_331 = tpu.vector_load %arg10[%swap3A_330] {strides = array<i32>} : memref<80xi32, #tpu.memory_space<vmem>>, vector<16xi32>,
      %swap3A_332 = vector.shape_cast %swap3A_331 : vector<16xi32> to vector<16xi32>
      %swap3A_333 = vector.shape_cast %shift_right_logical3A_329 : vector<16xi32> to vector<16xi32>
      tpu.vector_store %arg10[%swap3A_330], %swap3A_333 {strides = array<i32>} : memref<80xi32, #tpu.memory_space<vmem>>, vector<16xi32>,
      %and3A_334 = arith.constant 16383 : i32
      %and3A_335 = vector.broadcast %and3A_334 : i32 to vector<16xi32>
      %and3A_336 = arith.andi %get3A_326, %and3A_335 : vector<16xi32>
      %swap3A_337 = arith.constant 0 : index
      %swap3A_338 = tpu.vector_load %arg13[%swap3A_337] {strides = array<i32>} : memref<80xi32, #tpu.memory_space<vmem>>, vector<16xi32>,
      %swap3A_339 = vector.shape_cast %swap3A_338 : vector<16xi32> to vector<16xi32>
      %swap3A_340 = vector.shape_cast %and3A_336 : vector<16xi32> to vector<16xi32>
      tpu.vector_store %arg13[%swap3A_337], %swap3A_340 {strides = array<i32>} : memref<80xi32, #tpu.memory_space<vmem>>, vector<16xi32>,
      %get3A_341 = arith.index_cast %add3A_322 : i32 to index
      %get3A_342 = arith.constant 16 : index
      %get3A_343 = tpu.vector_load %arg6[%get3A_341, %get3A_342] {strides = array<i32>} : memref<126x80xi32, #tpu.memory_space<vmem>>, vector<1x16xi32>,
      %get3A_344 = vector.shape_cast %get3A_343 : vector<1x16xi32> to vector<16xi32>
      %shift_right_logical3A_345 = arith.constant 14 : i32
      %shift_right_logical3A_346 = vector.broadcast %shift_right_logical3A_345 : i32 to vector<16xi32>
      %shift_right_logical3A_347 = arith.shrui %get3A_344, %shift_right_logical3A_346 : vector<16xi32>
      %swap3A_348 = arith.constant 16 : index
      %swap3A_349 = tpu.vector_load %arg10[%swap3A_348] {strides = array<i32>} : memref<80xi32, #tpu.memory_space<vmem>>, vector<16xi32>,
      %swap3A_350 = vector.shape_cast %swap3A_349 : vector<16xi32> to vector<16xi32>
      %swap3A_351 = vector.shape_cast %shift_right_logical3A_347 : vector<16xi32> to vector<16xi32>
      tpu.vector_store %arg10[%swap3A_348], %swap3A_351 {strides = array<i32>} : memref<80xi32, #tpu.memory_space<vmem>>, vector<16xi32>,
      %and3A_352 = arith.constant 16383 : i32
      %and3A_353 = vector.broadcast %and3A_352 : i32 to vector<16xi32>
      %and3A_354 = arith.andi %get3A_344, %and3A_353 : vector<16xi32>
      %swap3A_355 = arith.constant 16 : index
      %swap3A_356 = tpu.vector_load %arg13[%swap3A_355] {strides = array<i32>} : memref<80xi32, #tpu.memory_space<vmem>>, vector<16xi32>,
      %swap3A_357 = vector.shape_cast %swap3A_356 : vector<16xi32> to vector<16xi32>
      %swap3A_358 = vector.shape_cast %and3A_354 : vector<16xi32> to vector<16xi32>
      tpu.vector_store %arg13[%swap3A_355], %swap3A_358 {strides = array<i32>} : memref<80xi32, #tpu.memory_space<vmem>>, vector<16xi32>,
      %get3A_359 = arith.index_cast %add3A_322 : i32 to index
      %get3A_360 = arith.constant 32 : index
      %get3A_361 = tpu.vector_load %arg6[%get3A_359, %get3A_360] {strides = array<i32>} : memref<126x80xi32, #tpu.memory_space<vmem>>, vector<1x16xi32>,
      %get3A_362 = vector.shape_cast %get3A_361 : vector<1x16xi32> to vector<16xi32>
      %shift_right_logical3A_363 = arith.constant 14 : i32
      %shift_right_logical3A_364 = vector.broadcast %shift_right_logical3A_363 : i32 to vector<16xi32>
      %shift_right_logical3A_365 = arith.shrui %get3A_362, %shift_right_logical3A_364 : vector<16xi32>
      %swap3A_366 = arith.constant 32 : index
      %swap3A_367 = tpu.vector_load %arg10[%swap3A_366] {strides = array<i32>} : memref<80xi32, #tpu.memory_space<vmem>>, vector<16xi32>,
      %swap3A_368 = vector.shape_cast %swap3A_367 : vector<16xi32> to vector<16xi32>
      %swap3A_369 = vector.shape_cast %shift_right_logical3A_365 : vector<16xi32> to vector<16xi32>
      tpu.vector_store %arg10[%swap3A_366], %swap3A_369 {strides = array<i32>} : memref<80xi32, #tpu.memory_space<vmem>>, vector<16xi32>,
      %and3A_370 = arith.constant 16383 : i32
      %and3A_371 = vector.broadcast %and3A_370 : i32 to vector<16xi32>
      %and3A_372 = arith.andi %get3A_362, %and3A_371 : vector<16xi32>
      %swap3A_373 = arith.constant 32 : index
      %swap3A_374 = tpu.vector_load %arg13[%swap3A_373] {strides = array<i32>} : memref<80xi32, #tpu.memory_space<vmem>>, vector<16xi32>,
      %swap3A_375 = vector.shape_cast %swap3A_374 : vector<16xi32> to vector<16xi32>
      %swap3A_376 = vector.shape_cast %and3A_372 : vector<16xi32> to vector<16xi32>
      tpu.vector_store %arg13[%swap3A_373], %swap3A_376 {strides = array<i32>} : memref<80xi32, #tpu.memory_space<vmem>>, vector<16xi32>,
      %get3A_377 = arith.index_cast %add3A_322 : i32 to index
      %get3A_378 = arith.constant 48 : index
      %get3A_379 = tpu.vector_load %arg6[%get3A_377, %get3A_378] {strides = array<i32>} : memref<126x80xi32, #tpu.memory_space<vmem>>, vector<1x16xi32>,
      %get3A_380 = vector.shape_cast %get3A_379 : vector<1x16xi32> to vector<16xi32>
      %shift_right_logical3A_381 = arith.constant 14 : i32
      %shift_right_logical3A_382 = vector.broadcast %shift_right_logical3A_381 : i32 to vector<16xi32>
      %shift_right_logical3A_383 = arith.shrui %get3A_380, %shift_right_logical3A_382 : vector<16xi32>
      %swap3A_384 = arith.constant 48 : index
      %swap3A_385 = tpu.vector_load %arg10[%swap3A_384] {strides = array<i32>} : memref<80xi32, #tpu.memory_space<vmem>>, vector<16xi32>,
      %swap3A_386 = vector.shape_cast %swap3A_385 : vector<16xi32> to vector<16xi32>
      %swap3A_387 = vector.shape_cast %shift_right_logical3A_383 : vector<16xi32> to vector<16xi32>
      tpu.vector_store %arg10[%swap3A_384], %swap3A_387 {strides = array<i32>} : memref<80xi32, #tpu.memory_space<vmem>>, vector<16xi32>,
      %and3A_388 = arith.constant 16383 : i32
      %and3A_389 = vector.broadcast %and3A_388 : i32 to vector<16xi32>
      %and3A_390 = arith.andi %get3A_380, %and3A_389 : vector<16xi32>
      %swap3A_391 = arith.constant 48 : index
      %swap3A_392 = tpu.vector_load %arg13[%swap3A_391] {strides = array<i32>} : memref<80xi32, #tpu.memory_space<vmem>>, vector<16xi32>,
      %swap3A_393 = vector.shape_cast %swap3A_392 : vector<16xi32> to vector<16xi32>
      %swap3A_394 = vector.shape_cast %and3A_390 : vector<16xi32> to vector<16xi32>
      tpu.vector_store %arg13[%swap3A_391], %swap3A_394 {strides = array<i32>} : memref<80xi32, #tpu.memory_space<vmem>>, vector<16xi32>,
      %get3A_395 = arith.index_cast %add3A_322 : i32 to index
      %get3A_396 = arith.constant 64 : index
      %get3A_397 = tpu.vector_load %arg6[%get3A_395, %get3A_396] {strides = array<i32>} : memref<126x80xi32, #tpu.memory_space<vmem>>, vector<1x16xi32>,
      %get3A_398 = vector.shape_cast %get3A_397 : vector<1x16xi32> to vector<16xi32>
      %shift_right_logical3A_399 = arith.constant 14 : i32
      %shift_right_logical3A_400 = vector.broadcast %shift_right_logical3A_399 : i32 to vector<16xi32>
      %shift_right_logical3A_401 = arith.shrui %get3A_398, %shift_right_logical3A_400 : vector<16xi32>
      %swap3A_402 = arith.constant 64 : index
      %swap3A_403 = tpu.vector_load %arg10[%swap3A_402] {strides = array<i32>} : memref<80xi32, #tpu.memory_space<vmem>>, vector<16xi32>,
      %swap3A_404 = vector.shape_cast %swap3A_403 : vector<16xi32> to vector<16xi32>
      %swap3A_405 = vector.shape_cast %shift_right_logical3A_401 : vector<16xi32> to vector<16xi32>
      tpu.vector_store %arg10[%swap3A_402], %swap3A_405 {strides = array<i32>} : memref<80xi32, #tpu.memory_space<vmem>>, vector<16xi32>,
      %and3A_406 = arith.constant 16383 : i32
      %and3A_407 = vector.broadcast %and3A_406 : i32 to vector<16xi32>
      %and3A_408 = arith.andi %get3A_398, %and3A_407 : vector<16xi32>
      %swap3A_409 = arith.constant 64 : index
      %swap3A_410 = tpu.vector_load %arg13[%swap3A_409] {strides = array<i32>} : memref<80xi32, #tpu.memory_space<vmem>>, vector<16xi32>,
      %swap3A_411 = vector.shape_cast %swap3A_410 : vector<16xi32> to vector<16xi32>
      %swap3A_412 = vector.shape_cast %and3A_408 : vector<16xi32> to vector<16xi32>
      tpu.vector_store %arg13[%swap3A_409], %swap3A_412 {strides = array<i32>} : memref<80xi32, #tpu.memory_space<vmem>>, vector<16xi32>,
      %dma_start3A_413 = arith.constant 0 : i32
      %dma_start3A_414 = arith.constant 0 : i32
      %dma_start3A_415 = tpu.memref_slice %arg2[%dma_start3A_413, %dma_start3A_414] : memref<10240x128xf32, #tpu.memory_space<hbm>> -> memref<10240x128xf32, #tpu.memory_space<hbm>>
      tpu.enqueue_indirect_dma source(%dma_start3A_415 : memref<10240x128xf32, #tpu.memory_space<hbm>>) target(%arg7 : memref<80x128xf32, #tpu.memory_space<vmem>>) offsets(%arg10 : memref<80xi32, #tpu.memory_space<vmem>>) semaphore(%arg17 : memref<!tpu.dma_semaphore, #tpu.memory_space<semaphore_mem>>)
      %dma_wait3A_416 = arith.constant 0 : i32
      %dma_wait3A_417 = arith.constant 0 : i32
      %dma_wait3A_418 = tpu.memref_slice %arg2[%dma_wait3A_416, %dma_wait3A_417] : memref<10240x128xf32, #tpu.memory_space<hbm>> -> memref<10240x128xf32, #tpu.memory_space<hbm>>
      tpu.wait_indirect_dma semaphore(%arg18 : memref<!tpu.dma_semaphore, #tpu.memory_space<semaphore_mem>>) src(%dma_wait3A_418 : memref<10240x128xf32, #tpu.memory_space<hbm>>) dst(%arg8 : memref<80x128xf32, #tpu.memory_space<vmem>>)
      "tpu.region"() ({
        %run_scoped3A = tpu.sem_alloc : memref<!tpu.dma_semaphore, #tpu.memory_space<semaphore_mem>>
        %dma_start3A_617 = arith.constant 0 : i32
        %dma_start3A_618 = arith.constant 0 : i32
        %dma_start3A_619 = tpu.memref_slice %arg16[%dma_start3A_617, %dma_start3A_618] : memref<10240x128xf32, #tpu.memory_space<vmem_shared>> -> memref<10240x128xf32, #tpu.memory_space<vmem_shared>>
        tpu.enqueue_indirect_dma source(%arg8 : memref<80x128xf32, #tpu.memory_space<vmem>>) target(%dma_start3A_619 : memref<10240x128xf32, #tpu.memory_space<vmem_shared>>) offsets(%arg14 : memref<80xi32, #tpu.memory_space<vmem>>) semaphore(%run_scoped3A : memref<!tpu.dma_semaphore, #tpu.memory_space<semaphore_mem>>) {add = true}
        %dma_wait3A_620 = arith.constant 0 : i32
        %dma_wait3A_621 = arith.constant 0 : i32
        %dma_wait3A_622 = tpu.memref_slice %arg16[%dma_wait3A_620, %dma_wait3A_621] : memref<10240x128xf32, #tpu.memory_space<vmem_shared>> -> memref<10240x128xf32, #tpu.memory_space<vmem_shared>>
        tpu.wait_indirect_dma semaphore(%run_scoped3A : memref<!tpu.dma_semaphore, #tpu.memory_space<semaphore_mem>>) src(%arg8 : memref<80x128xf32, #tpu.memory_space<vmem>>) dst(%dma_wait3A_622 : memref<10240x128xf32, #tpu.memory_space<vmem_shared>>)
        tpu.yield
      }) : () -> ()
      %add3A_419 = arith.constant 1 : i32
      %add3A_420 = arith.addi %mul3A_315, %add3A_419 : i32
      %add3A_421 = arith.constant 3 : i32
      %add3A_422 = arith.addi %add3A_420, %add3A_421 : i32
      %get3A_423 = arith.index_cast %add3A_422 : i32 to index
      %get3A_424 = arith.constant 0 : index
      %get3A_425 = tpu.vector_load %arg6[%get3A_423, %get3A_424] {strides = array<i32>} : memref<126x80xi32, #tpu.memory_space<vmem>>, vector<1x16xi32>,
      %get3A_426 = vector.shape_cast %get3A_425 : vector<1x16xi32> to vector<16xi32>
      %shift_right_logical3A_427 = arith.constant 14 : i32
      %shift_right_logical3A_428 = vector.broadcast %shift_right_logical3A_427 : i32 to vector<16xi32>
      %shift_right_logical3A_429 = arith.shrui %get3A_426, %shift_right_logical3A_428 : vector<16xi32>
      %swap3A_430 = arith.constant 0 : index
      %swap3A_431 = tpu.vector_load %arg11[%swap3A_430] {strides = array<i32>} : memref<80xi32, #tpu.memory_space<vmem>>, vector<16xi32>,
      %swap3A_432 = vector.shape_cast %swap3A_431 : vector<16xi32> to vector<16xi32>
      %swap3A_433 = vector.shape_cast %shift_right_logical3A_429 : vector<16xi32> to vector<16xi32>
      tpu.vector_store %arg11[%swap3A_430], %swap3A_433 {strides = array<i32>} : memref<80xi32, #tpu.memory_space<vmem>>, vector<16xi32>,
      %and3A_434 = arith.constant 16383 : i32
      %and3A_435 = vector.broadcast %and3A_434 : i32 to vector<16xi32>
      %and3A_436 = arith.andi %get3A_426, %and3A_435 : vector<16xi32>
      %swap3A_437 = arith.constant 0 : index
      %swap3A_438 = tpu.vector_load %arg14[%swap3A_437] {strides = array<i32>} : memref<80xi32, #tpu.memory_space<vmem>>, vector<16xi32>,
      %swap3A_439 = vector.shape_cast %swap3A_438 : vector<16xi32> to vector<16xi32>
      %swap3A_440 = vector.shape_cast %and3A_436 : vector<16xi32> to vector<16xi32>
      tpu.vector_store %arg14[%swap3A_437], %swap3A_440 {strides = array<i32>} : memref<80xi32, #tpu.memory_space<vmem>>, vector<16xi32>,
      %get3A_441 = arith.index_cast %add3A_422 : i32 to index
      %get3A_442 = arith.constant 16 : index
      %get3A_443 = tpu.vector_load %arg6[%get3A_441, %get3A_442] {strides = array<i32>} : memref<126x80xi32, #tpu.memory_space<vmem>>, vector<1x16xi32>,
      %get3A_444 = vector.shape_cast %get3A_443 : vector<1x16xi32> to vector<16xi32>
      %shift_right_logical3A_445 = arith.constant 14 : i32
      %shift_right_logical3A_446 = vector.broadcast %shift_right_logical3A_445 : i32 to vector<16xi32>
      %shift_right_logical3A_447 = arith.shrui %get3A_444, %shift_right_logical3A_446 : vector<16xi32>
      %swap3A_448 = arith.constant 16 : index
      %swap3A_449 = tpu.vector_load %arg11[%swap3A_448] {strides = array<i32>} : memref<80xi32, #tpu.memory_space<vmem>>, vector<16xi32>,
      %swap3A_450 = vector.shape_cast %swap3A_449 : vector<16xi32> to vector<16xi32>
      %swap3A_451 = vector.shape_cast %shift_right_logical3A_447 : vector<16xi32> to vector<16xi32>
      tpu.vector_store %arg11[%swap3A_448], %swap3A_451 {strides = array<i32>} : memref<80xi32, #tpu.memory_space<vmem>>, vector<16xi32>,
      %and3A_452 = arith.constant 16383 : i32
      %and3A_453 = vector.broadcast %and3A_452 : i32 to vector<16xi32>
      %and3A_454 = arith.andi %get3A_444, %and3A_453 : vector<16xi32>
      %swap3A_455 = arith.constant 16 : index
      %swap3A_456 = tpu.vector_load %arg14[%swap3A_455] {strides = array<i32>} : memref<80xi32, #tpu.memory_space<vmem>>, vector<16xi32>,
      %swap3A_457 = vector.shape_cast %swap3A_456 : vector<16xi32> to vector<16xi32>
      %swap3A_458 = vector.shape_cast %and3A_454 : vector<16xi32> to vector<16xi32>
      tpu.vector_store %arg14[%swap3A_455], %swap3A_458 {strides = array<i32>} : memref<80xi32, #tpu.memory_space<vmem>>, vector<16xi32>,
      %get3A_459 = arith.index_cast %add3A_422 : i32 to index
      %get3A_460 = arith.constant 32 : index
      %get3A_461 = tpu.vector_load %arg6[%get3A_459, %get3A_460] {strides = array<i32>} : memref<126x80xi32, #tpu.memory_space<vmem>>, vector<1x16xi32>,
      %get3A_462 = vector.shape_cast %get3A_461 : vector<1x16xi32> to vector<16xi32>
      %shift_right_logical3A_463 = arith.constant 14 : i32
      %shift_right_logical3A_464 = vector.broadcast %shift_right_logical3A_463 : i32 to vector<16xi32>
      %shift_right_logical3A_465 = arith.shrui %get3A_462, %shift_right_logical3A_464 : vector<16xi32>
      %swap3A_466 = arith.constant 32 : index
      %swap3A_467 = tpu.vector_load %arg11[%swap3A_466] {strides = array<i32>} : memref<80xi32, #tpu.memory_space<vmem>>, vector<16xi32>,
      %swap3A_468 = vector.shape_cast %swap3A_467 : vector<16xi32> to vector<16xi32>
      %swap3A_469 = vector.shape_cast %shift_right_logical3A_465 : vector<16xi32> to vector<16xi32>
      tpu.vector_store %arg11[%swap3A_466], %swap3A_469 {strides = array<i32>} : memref<80xi32, #tpu.memory_space<vmem>>, vector<16xi32>,
      %and3A_470 = arith.constant 16383 : i32
      %and3A_471 = vector.broadcast %and3A_470 : i32 to vector<16xi32>
      %and3A_472 = arith.andi %get3A_462, %and3A_471 : vector<16xi32>
      %swap3A_473 = arith.constant 32 : index
      %swap3A_474 = tpu.vector_load %arg14[%swap3A_473] {strides = array<i32>} : memref<80xi32, #tpu.memory_space<vmem>>, vector<16xi32>,
      %swap3A_475 = vector.shape_cast %swap3A_474 : vector<16xi32> to vector<16xi32>
      %swap3A_476 = vector.shape_cast %and3A_472 : vector<16xi32> to vector<16xi32>
      tpu.vector_store %arg14[%swap3A_473], %swap3A_476 {strides = array<i32>} : memref<80xi32, #tpu.memory_space<vmem>>, vector<16xi32>,
      %get3A_477 = arith.index_cast %add3A_422 : i32 to index
      %get3A_478 = arith.constant 48 : index
      %get3A_479 = tpu.vector_load %arg6[%get3A_477, %get3A_478] {strides = array<i32>} : memref<126x80xi32, #tpu.memory_space<vmem>>, vector<1x16xi32>,
      %get3A_480 = vector.shape_cast %get3A_479 : vector<1x16xi32> to vector<16xi32>
      %shift_right_logical3A_481 = arith.constant 14 : i32
      %shift_right_logical3A_482 = vector.broadcast %shift_right_logical3A_481 : i32 to vector<16xi32>
      %shift_right_logical3A_483 = arith.shrui %get3A_480, %shift_right_logical3A_482 : vector<16xi32>
      %swap3A_484 = arith.constant 48 : index
      %swap3A_485 = tpu.vector_load %arg11[%swap3A_484] {strides = array<i32>} : memref<80xi32, #tpu.memory_space<vmem>>, vector<16xi32>,
      %swap3A_486 = vector.shape_cast %swap3A_485 : vector<16xi32> to vector<16xi32>
      %swap3A_487 = vector.shape_cast %shift_right_logical3A_483 : vector<16xi32> to vector<16xi32>
      tpu.vector_store %arg11[%swap3A_484], %swap3A_487 {strides = array<i32>} : memref<80xi32, #tpu.memory_space<vmem>>, vector<16xi32>,
      %and3A_488 = arith.constant 16383 : i32
      %and3A_489 = vector.broadcast %and3A_488 : i32 to vector<16xi32>
      %and3A_490 = arith.andi %get3A_480, %and3A_489 : vector<16xi32>
      %swap3A_491 = arith.constant 48 : index
      %swap3A_492 = tpu.vector_load %arg14[%swap3A_491] {strides = array<i32>} : memref<80xi32, #tpu.memory_space<vmem>>, vector<16xi32>,
      %swap3A_493 = vector.shape_cast %swap3A_492 : vector<16xi32> to vector<16xi32>
      %swap3A_494 = vector.shape_cast %and3A_490 : vector<16xi32> to vector<16xi32>
      tpu.vector_store %arg14[%swap3A_491], %swap3A_494 {strides = array<i32>} : memref<80xi32, #tpu.memory_space<vmem>>, vector<16xi32>,
      %get3A_495 = arith.index_cast %add3A_422 : i32 to index
      %get3A_496 = arith.constant 64 : index
      %get3A_497 = tpu.vector_load %arg6[%get3A_495, %get3A_496] {strides = array<i32>} : memref<126x80xi32, #tpu.memory_space<vmem>>, vector<1x16xi32>,
      %get3A_498 = vector.shape_cast %get3A_497 : vector<1x16xi32> to vector<16xi32>
      %shift_right_logical3A_499 = arith.constant 14 : i32
      %shift_right_logical3A_500 = vector.broadcast %shift_right_logical3A_499 : i32 to vector<16xi32>
      %shift_right_logical3A_501 = arith.shrui %get3A_498, %shift_right_logical3A_500 : vector<16xi32>
      %swap3A_502 = arith.constant 64 : index
      %swap3A_503 = tpu.vector_load %arg11[%swap3A_502] {strides = array<i32>} : memref<80xi32, #tpu.memory_space<vmem>>, vector<16xi32>,
      %swap3A_504 = vector.shape_cast %swap3A_503 : vector<16xi32> to vector<16xi32>
      %swap3A_505 = vector.shape_cast %shift_right_logical3A_501 : vector<16xi32> to vector<16xi32>
      tpu.vector_store %arg11[%swap3A_502], %swap3A_505 {strides = array<i32>} : memref<80xi32, #tpu.memory_space<vmem>>, vector<16xi32>,
      %and3A_506 = arith.constant 16383 : i32
      %and3A_507 = vector.broadcast %and3A_506 : i32 to vector<16xi32>
      %and3A_508 = arith.andi %get3A_498, %and3A_507 : vector<16xi32>
      %swap3A_509 = arith.constant 64 : index
      %swap3A_510 = tpu.vector_load %arg14[%swap3A_509] {strides = array<i32>} : memref<80xi32, #tpu.memory_space<vmem>>, vector<16xi32>,
      %swap3A_511 = vector.shape_cast %swap3A_510 : vector<16xi32> to vector<16xi32>
      %swap3A_512 = vector.shape_cast %and3A_508 : vector<16xi32> to vector<16xi32>
      tpu.vector_store %arg14[%swap3A_509], %swap3A_512 {strides = array<i32>} : memref<80xi32, #tpu.memory_space<vmem>>, vector<16xi32>,
      %dma_start3A_513 = arith.constant 0 : i32
      %dma_start3A_514 = arith.constant 0 : i32
      %dma_start3A_515 = tpu.memref_slice %arg2[%dma_start3A_513, %dma_start3A_514] : memref<10240x128xf32, #tpu.memory_space<hbm>> -> memref<10240x128xf32, #tpu.memory_space<hbm>>
      tpu.enqueue_indirect_dma source(%dma_start3A_515 : memref<10240x128xf32, #tpu.memory_space<hbm>>) target(%arg8 : memref<80x128xf32, #tpu.memory_space<vmem>>) offsets(%arg11 : memref<80xi32, #tpu.memory_space<vmem>>) semaphore(%arg18 : memref<!tpu.dma_semaphore, #tpu.memory_space<semaphore_mem>>)
      %dma_wait3A_516 = arith.constant 0 : i32
      %dma_wait3A_517 = arith.constant 0 : i32
      %dma_wait3A_518 = tpu.memref_slice %arg2[%dma_wait3A_516, %dma_wait3A_517] : memref<10240x128xf32, #tpu.memory_space<hbm>> -> memref<10240x128xf32, #tpu.memory_space<hbm>>
      tpu.wait_indirect_dma semaphore(%arg19 : memref<!tpu.dma_semaphore, #tpu.memory_space<semaphore_mem>>) src(%dma_wait3A_518 : memref<10240x128xf32, #tpu.memory_space<hbm>>) dst(%arg9 : memref<80x128xf32, #tpu.memory_space<vmem>>)
      "tpu.region"() ({
        %run_scoped3A = tpu.sem_alloc : memref<!tpu.dma_semaphore, #tpu.memory_space<semaphore_mem>>
        %dma_start3A_617 = arith.constant 0 : i32
        %dma_start3A_618 = arith.constant 0 : i32
        %dma_start3A_619 = tpu.memref_slice %arg16[%dma_start3A_617, %dma_start3A_618] : memref<10240x128xf32, #tpu.memory_space<vmem_shared>> -> memref<10240x128xf32, #tpu.memory_space<vmem_shared>>
        tpu.enqueue_indirect_dma source(%arg9 : memref<80x128xf32, #tpu.memory_space<vmem>>) target(%dma_start3A_619 : memref<10240x128xf32, #tpu.memory_space<vmem_shared>>) offsets(%arg15 : memref<80xi32, #tpu.memory_space<vmem>>) semaphore(%run_scoped3A : memref<!tpu.dma_semaphore, #tpu.memory_space<semaphore_mem>>) {add = true}
        %dma_wait3A_620 = arith.constant 0 : i32
        %dma_wait3A_621 = arith.constant 0 : i32
        %dma_wait3A_622 = tpu.memref_slice %arg16[%dma_wait3A_620, %dma_wait3A_621] : memref<10240x128xf32, #tpu.memory_space<vmem_shared>> -> memref<10240x128xf32, #tpu.memory_space<vmem_shared>>
        tpu.wait_indirect_dma semaphore(%run_scoped3A : memref<!tpu.dma_semaphore, #tpu.memory_space<semaphore_mem>>) src(%arg9 : memref<80x128xf32, #tpu.memory_space<vmem>>) dst(%dma_wait3A_622 : memref<10240x128xf32, #tpu.memory_space<vmem_shared>>)
        tpu.yield
      }) : () -> ()
      %add3A_519 = arith.constant 2 : i32
      %add3A_520 = arith.addi %mul3A_315, %add3A_519 : i32
      %add3A_521 = arith.constant 3 : i32
      %add3A_522 = arith.addi %add3A_520, %add3A_521 : i32
      %get3A_523 = arith.index_cast %add3A_522 : i32 to index
      %get3A_524 = arith.constant 0 : index
      %get3A_525 = tpu.vector_load %arg6[%get3A_523, %get3A_524] {strides = array<i32>} : memref<126x80xi32, #tpu.memory_space<vmem>>, vector<1x16xi32>,
      %get3A_526 = vector.shape_cast %get3A_525 : vector<1x16xi32> to vector<16xi32>
      %shift_right_logical3A_527 = arith.constant 14 : i32
      %shift_right_logical3A_528 = vector.broadcast %shift_right_logical3A_527 : i32 to vector<16xi32>
      %shift_right_logical3A_529 = arith.shrui %get3A_526, %shift_right_logical3A_528 : vector<16xi32>
      %swap3A_530 = arith.constant 0 : index
      %swap3A_531 = tpu.vector_load %arg12[%swap3A_530] {strides = array<i32>} : memref<80xi32, #tpu.memory_space<vmem>>, vector<16xi32>,
      %swap3A_532 = vector.shape_cast %swap3A_531 : vector<16xi32> to vector<16xi32>
      %swap3A_533 = vector.shape_cast %shift_right_logical3A_529 : vector<16xi32> to vector<16xi32>
      tpu.vector_store %arg12[%swap3A_530], %swap3A_533 {strides = array<i32>} : memref<80xi32, #tpu.memory_space<vmem>>, vector<16xi32>,
      %and3A_534 = arith.constant 16383 : i32
      %and3A_535 = vector.broadcast %and3A_534 : i32 to vector<16xi32>
      %and3A_536 = arith.andi %get3A_526, %and3A_535 : vector<16xi32>
      %swap3A_537 = arith.constant 0 : index
      %swap3A_538 = tpu.vector_load %arg15[%swap3A_537] {strides = array<i32>} : memref<80xi32, #tpu.memory_space<vmem>>, vector<16xi32>,
      %swap3A_539 = vector.shape_cast %swap3A_538 : vector<16xi32> to vector<16xi32>
      %swap3A_540 = vector.shape_cast %and3A_536 : vector<16xi32> to vector<16xi32>
      tpu.vector_store %arg15[%swap3A_537], %swap3A_540 {strides = array<i32>} : memref<80xi32, #tpu.memory_space<vmem>>, vector<16xi32>,
      %get3A_541 = arith.index_cast %add3A_522 : i32 to index
      %get3A_542 = arith.constant 16 : index
      %get3A_543 = tpu.vector_load %arg6[%get3A_541, %get3A_542] {strides = array<i32>} : memref<126x80xi32, #tpu.memory_space<vmem>>, vector<1x16xi32>,
      %get3A_544 = vector.shape_cast %get3A_543 : vector<1x16xi32> to vector<16xi32>
      %shift_right_logical3A_545 = arith.constant 14 : i32
      %shift_right_logical3A_546 = vector.broadcast %shift_right_logical3A_545 : i32 to vector<16xi32>
      %shift_right_logical3A_547 = arith.shrui %get3A_544, %shift_right_logical3A_546 : vector<16xi32>
      %swap3A_548 = arith.constant 16 : index
      %swap3A_549 = tpu.vector_load %arg12[%swap3A_548] {strides = array<i32>} : memref<80xi32, #tpu.memory_space<vmem>>, vector<16xi32>,
      %swap3A_550 = vector.shape_cast %swap3A_549 : vector<16xi32> to vector<16xi32>
      %swap3A_551 = vector.shape_cast %shift_right_logical3A_547 : vector<16xi32> to vector<16xi32>
      tpu.vector_store %arg12[%swap3A_548], %swap3A_551 {strides = array<i32>} : memref<80xi32, #tpu.memory_space<vmem>>, vector<16xi32>,
      %and3A_552 = arith.constant 16383 : i32
      %and3A_553 = vector.broadcast %and3A_552 : i32 to vector<16xi32>
      %and3A_554 = arith.andi %get3A_544, %and3A_553 : vector<16xi32>
      %swap3A_555 = arith.constant 16 : index
      %swap3A_556 = tpu.vector_load %arg15[%swap3A_555] {strides = array<i32>} : memref<80xi32, #tpu.memory_space<vmem>>, vector<16xi32>,
      %swap3A_557 = vector.shape_cast %swap3A_556 : vector<16xi32> to vector<16xi32>
      %swap3A_558 = vector.shape_cast %and3A_554 : vector<16xi32> to vector<16xi32>
      tpu.vector_store %arg15[%swap3A_555], %swap3A_558 {strides = array<i32>} : memref<80xi32, #tpu.memory_space<vmem>>, vector<16xi32>,
      %get3A_559 = arith.index_cast %add3A_522 : i32 to index
      %get3A_560 = arith.constant 32 : index
      %get3A_561 = tpu.vector_load %arg6[%get3A_559, %get3A_560] {strides = array<i32>} : memref<126x80xi32, #tpu.memory_space<vmem>>, vector<1x16xi32>,
      %get3A_562 = vector.shape_cast %get3A_561 : vector<1x16xi32> to vector<16xi32>
      %shift_right_logical3A_563 = arith.constant 14 : i32
      %shift_right_logical3A_564 = vector.broadcast %shift_right_logical3A_563 : i32 to vector<16xi32>
      %shift_right_logical3A_565 = arith.shrui %get3A_562, %shift_right_logical3A_564 : vector<16xi32>
      %swap3A_566 = arith.constant 32 : index
      %swap3A_567 = tpu.vector_load %arg12[%swap3A_566] {strides = array<i32>} : memref<80xi32, #tpu.memory_space<vmem>>, vector<16xi32>,
      %swap3A_568 = vector.shape_cast %swap3A_567 : vector<16xi32> to vector<16xi32>
      %swap3A_569 = vector.shape_cast %shift_right_logical3A_565 : vector<16xi32> to vector<16xi32>
      tpu.vector_store %arg12[%swap3A_566], %swap3A_569 {strides = array<i32>} : memref<80xi32, #tpu.memory_space<vmem>>, vector<16xi32>,
      %and3A_570 = arith.constant 16383 : i32
      %and3A_571 = vector.broadcast %and3A_570 : i32 to vector<16xi32>
      %and3A_572 = arith.andi %get3A_562, %and3A_571 : vector<16xi32>
      %swap3A_573 = arith.constant 32 : index
      %swap3A_574 = tpu.vector_load %arg15[%swap3A_573] {strides = array<i32>} : memref<80xi32, #tpu.memory_space<vmem>>, vector<16xi32>,
      %swap3A_575 = vector.shape_cast %swap3A_574 : vector<16xi32> to vector<16xi32>
      %swap3A_576 = vector.shape_cast %and3A_572 : vector<16xi32> to vector<16xi32>
      tpu.vector_store %arg15[%swap3A_573], %swap3A_576 {strides = array<i32>} : memref<80xi32, #tpu.memory_space<vmem>>, vector<16xi32>,
      %get3A_577 = arith.index_cast %add3A_522 : i32 to index
      %get3A_578 = arith.constant 48 : index
      %get3A_579 = tpu.vector_load %arg6[%get3A_577, %get3A_578] {strides = array<i32>} : memref<126x80xi32, #tpu.memory_space<vmem>>, vector<1x16xi32>,
      %get3A_580 = vector.shape_cast %get3A_579 : vector<1x16xi32> to vector<16xi32>
      %shift_right_logical3A_581 = arith.constant 14 : i32
      %shift_right_logical3A_582 = vector.broadcast %shift_right_logical3A_581 : i32 to vector<16xi32>
      %shift_right_logical3A_583 = arith.shrui %get3A_580, %shift_right_logical3A_582 : vector<16xi32>
      %swap3A_584 = arith.constant 48 : index
      %swap3A_585 = tpu.vector_load %arg12[%swap3A_584] {strides = array<i32>} : memref<80xi32, #tpu.memory_space<vmem>>, vector<16xi32>,
      %swap3A_586 = vector.shape_cast %swap3A_585 : vector<16xi32> to vector<16xi32>
      %swap3A_587 = vector.shape_cast %shift_right_logical3A_583 : vector<16xi32> to vector<16xi32>
      tpu.vector_store %arg12[%swap3A_584], %swap3A_587 {strides = array<i32>} : memref<80xi32, #tpu.memory_space<vmem>>, vector<16xi32>,
      %and3A_588 = arith.constant 16383 : i32
      %and3A_589 = vector.broadcast %and3A_588 : i32 to vector<16xi32>
      %and3A_590 = arith.andi %get3A_580, %and3A_589 : vector<16xi32>
      %swap3A_591 = arith.constant 48 : index
      %swap3A_592 = tpu.vector_load %arg15[%swap3A_591] {strides = array<i32>} : memref<80xi32, #tpu.memory_space<vmem>>, vector<16xi32>,
      %swap3A_593 = vector.shape_cast %swap3A_592 : vector<16xi32> to vector<16xi32>
      %swap3A_594 = vector.shape_cast %and3A_590 : vector<16xi32> to vector<16xi32>
      tpu.vector_store %arg15[%swap3A_591], %swap3A_594 {strides = array<i32>} : memref<80xi32, #tpu.memory_space<vmem>>, vector<16xi32>,
      %get3A_595 = arith.index_cast %add3A_522 : i32 to index
      %get3A_596 = arith.constant 64 : index
      %get3A_597 = tpu.vector_load %arg6[%get3A_595, %get3A_596] {strides = array<i32>} : memref<126x80xi32, #tpu.memory_space<vmem>>, vector<1x16xi32>,
      %get3A_598 = vector.shape_cast %get3A_597 : vector<1x16xi32> to vector<16xi32>
      %shift_right_logical3A_599 = arith.constant 14 : i32
      %shift_right_logical3A_600 = vector.broadcast %shift_right_logical3A_599 : i32 to vector<16xi32>
      %shift_right_logical3A_601 = arith.shrui %get3A_598, %shift_right_logical3A_600 : vector<16xi32>
      %swap3A_602 = arith.constant 64 : index
      %swap3A_603 = tpu.vector_load %arg12[%swap3A_602] {strides = array<i32>} : memref<80xi32, #tpu.memory_space<vmem>>, vector<16xi32>,
      %swap3A_604 = vector.shape_cast %swap3A_603 : vector<16xi32> to vector<16xi32>
      %swap3A_605 = vector.shape_cast %shift_right_logical3A_601 : vector<16xi32> to vector<16xi32>
      tpu.vector_store %arg12[%swap3A_602], %swap3A_605 {strides = array<i32>} : memref<80xi32, #tpu.memory_space<vmem>>, vector<16xi32>,
      %and3A_606 = arith.constant 16383 : i32
      %and3A_607 = vector.broadcast %and3A_606 : i32 to vector<16xi32>
      %and3A_608 = arith.andi %get3A_598, %and3A_607 : vector<16xi32>
      %swap3A_609 = arith.constant 64 : index
      %swap3A_610 = tpu.vector_load %arg15[%swap3A_609] {strides = array<i32>} : memref<80xi32, #tpu.memory_space<vmem>>, vector<16xi32>,
      %swap3A_611 = vector.shape_cast %swap3A_610 : vector<16xi32> to vector<16xi32>
      %swap3A_612 = vector.shape_cast %and3A_608 : vector<16xi32> to vector<16xi32>
      tpu.vector_store %arg15[%swap3A_609], %swap3A_612 {strides = array<i32>} : memref<80xi32, #tpu.memory_space<vmem>>, vector<16xi32>,
      %dma_start3A_613 = arith.constant 0 : i32
      %dma_start3A_614 = arith.constant 0 : i32
      %dma_start3A_615 = tpu.memref_slice %arg2[%dma_start3A_613, %dma_start3A_614] : memref<10240x128xf32, #tpu.memory_space<hbm>> -> memref<10240x128xf32, #tpu.memory_space<hbm>>
      tpu.enqueue_indirect_dma source(%dma_start3A_615 : memref<10240x128xf32, #tpu.memory_space<hbm>>) target(%arg9 : memref<80x128xf32, #tpu.memory_space<vmem>>) offsets(%arg12 : memref<80xi32, #tpu.memory_space<vmem>>) semaphore(%arg19 : memref<!tpu.dma_semaphore, #tpu.memory_space<semaphore_mem>>)
      %scan3A_616 = arith.constant 0 : i32
      scf.yield %scan3A_616 : i32
    }
    %scan3A_297 = arith.constant 41 : i32
    %dma_wait3A = arith.constant 0 : i32
    %dma_wait3A_298 = arith.constant 0 : i32
    %dma_wait3A_299 = tpu.memref_slice %arg2[%dma_wait3A, %dma_wait3A_298] : memref<10240x128xf32, #tpu.memory_space<hbm>> -> memref<10240x128xf32, #tpu.memory_space<hbm>>
    tpu.wait_indirect_dma semaphore(%arg17 : memref<!tpu.dma_semaphore, #tpu.memory_space<semaphore_mem>>) src(%dma_wait3A_299 : memref<10240x128xf32, #tpu.memory_space<hbm>>) dst(%arg7 : memref<80x128xf32, #tpu.memory_space<vmem>>)
    "tpu.region"() ({
      %run_scoped3A = tpu.sem_alloc : memref<!tpu.dma_semaphore, #tpu.memory_space<semaphore_mem>>
      %dma_start3A_312 = arith.constant 0 : i32
      %dma_start3A_313 = arith.constant 0 : i32
      %dma_start3A_314 = tpu.memref_slice %arg16[%dma_start3A_312, %dma_start3A_313] : memref<10240x128xf32, #tpu.memory_space<vmem_shared>> -> memref<10240x128xf32, #tpu.memory_space<vmem_shared>>
      tpu.enqueue_indirect_dma source(%arg7 : memref<80x128xf32, #tpu.memory_space<vmem>>) target(%dma_start3A_314 : memref<10240x128xf32, #tpu.memory_space<vmem_shared>>) offsets(%arg13 : memref<80xi32, #tpu.memory_space<vmem>>) semaphore(%run_scoped3A : memref<!tpu.dma_semaphore, #tpu.memory_space<semaphore_mem>>) {add = true}
      %dma_wait3A_315 = arith.constant 0 : i32
      %dma_wait3A_316 = arith.constant 0 : i32
      %dma_wait3A_317 = tpu.memref_slice %arg16[%dma_wait3A_315, %dma_wait3A_316] : memref<10240x128xf32, #tpu.memory_space<vmem_shared>> -> memref<10240x128xf32, #tpu.memory_space<vmem_shared>>
      tpu.wait_indirect_dma semaphore(%run_scoped3A : memref<!tpu.dma_semaphore, #tpu.memory_space<semaphore_mem>>) src(%arg7 : memref<80x128xf32, #tpu.memory_space<vmem>>) dst(%dma_wait3A_317 : memref<10240x128xf32, #tpu.memory_space<vmem_shared>>)
      tpu.yield
    }) : () -> ()
    %dma_wait3A_300 = arith.constant 0 : i32
    %dma_wait3A_301 = arith.constant 0 : i32
    %dma_wait3A_302 = tpu.memref_slice %arg2[%dma_wait3A_300, %dma_wait3A_301] : memref<10240x128xf32, #tpu.memory_space<hbm>> -> memref<10240x128xf32, #tpu.memory_space<hbm>>
    tpu.wait_indirect_dma semaphore(%arg18 : memref<!tpu.dma_semaphore, #tpu.memory_space<semaphore_mem>>) src(%dma_wait3A_302 : memref<10240x128xf32, #tpu.memory_space<hbm>>) dst(%arg8 : memref<80x128xf32, #tpu.memory_space<vmem>>)
    "tpu.region"() ({
      %run_scoped3A = tpu.sem_alloc : memref<!tpu.dma_semaphore, #tpu.memory_space<semaphore_mem>>
      %dma_start3A_312 = arith.constant 0 : i32
      %dma_start3A_313 = arith.constant 0 : i32
      %dma_start3A_314 = tpu.memref_slice %arg16[%dma_start3A_312, %dma_start3A_313] : memref<10240x128xf32, #tpu.memory_space<vmem_shared>> -> memref<10240x128xf32, #tpu.memory_space<vmem_shared>>
      tpu.enqueue_indirect_dma source(%arg8 : memref<80x128xf32, #tpu.memory_space<vmem>>) target(%dma_start3A_314 : memref<10240x128xf32, #tpu.memory_space<vmem_shared>>) offsets(%arg14 : memref<80xi32, #tpu.memory_space<vmem>>) semaphore(%run_scoped3A : memref<!tpu.dma_semaphore, #tpu.memory_space<semaphore_mem>>) {add = true}
      %dma_wait3A_315 = arith.constant 0 : i32
      %dma_wait3A_316 = arith.constant 0 : i32
      %dma_wait3A_317 = tpu.memref_slice %arg16[%dma_wait3A_315, %dma_wait3A_316] : memref<10240x128xf32, #tpu.memory_space<vmem_shared>> -> memref<10240x128xf32, #tpu.memory_space<vmem_shared>>
      tpu.wait_indirect_dma semaphore(%run_scoped3A : memref<!tpu.dma_semaphore, #tpu.memory_space<semaphore_mem>>) src(%arg8 : memref<80x128xf32, #tpu.memory_space<vmem>>) dst(%dma_wait3A_317 : memref<10240x128xf32, #tpu.memory_space<vmem_shared>>)
      tpu.yield
    }) : () -> ()
    %dma_wait3A_303 = arith.constant 0 : i32
    %dma_wait3A_304 = arith.constant 0 : i32
    %dma_wait3A_305 = tpu.memref_slice %arg2[%dma_wait3A_303, %dma_wait3A_304] : memref<10240x128xf32, #tpu.memory_space<hbm>> -> memref<10240x128xf32, #tpu.memory_space<hbm>>
    tpu.wait_indirect_dma semaphore(%arg19 : memref<!tpu.dma_semaphore, #tpu.memory_space<semaphore_mem>>) src(%dma_wait3A_305 : memref<10240x128xf32, #tpu.memory_space<hbm>>) dst(%arg9 : memref<80x128xf32, #tpu.memory_space<vmem>>)
    "tpu.region"() ({
      %run_scoped3A = tpu.sem_alloc : memref<!tpu.dma_semaphore, #tpu.memory_space<semaphore_mem>>
      %dma_start3A_312 = arith.constant 0 : i32
      %dma_start3A_313 = arith.constant 0 : i32
      %dma_start3A_314 = tpu.memref_slice %arg16[%dma_start3A_312, %dma_start3A_313] : memref<10240x128xf32, #tpu.memory_space<vmem_shared>> -> memref<10240x128xf32, #tpu.memory_space<vmem_shared>>
      tpu.enqueue_indirect_dma source(%arg9 : memref<80x128xf32, #tpu.memory_space<vmem>>) target(%dma_start3A_314 : memref<10240x128xf32, #tpu.memory_space<vmem_shared>>) offsets(%arg15 : memref<80xi32, #tpu.memory_space<vmem>>) semaphore(%run_scoped3A : memref<!tpu.dma_semaphore, #tpu.memory_space<semaphore_mem>>) {add = true}
      %dma_wait3A_315 = arith.constant 0 : i32
      %dma_wait3A_316 = arith.constant 0 : i32
      %dma_wait3A_317 = tpu.memref_slice %arg16[%dma_wait3A_315, %dma_wait3A_316] : memref<10240x128xf32, #tpu.memory_space<vmem_shared>> -> memref<10240x128xf32, #tpu.memory_space<vmem_shared>>
      tpu.wait_indirect_dma semaphore(%run_scoped3A : memref<!tpu.dma_semaphore, #tpu.memory_space<semaphore_mem>>) src(%arg9 : memref<80x128xf32, #tpu.memory_space<vmem>>) dst(%dma_wait3A_317 : memref<10240x128xf32, #tpu.memory_space<vmem_shared>>)
      tpu.yield
    }) : () -> ()
    %barrier3A_306 = arith.constant 0 : index
    tpu.barrier barrier_id(%barrier3A_306)
    %eq3A_307 = arith.constant 0 : i32
    %eq3A_308 = arith.cmpi eq, %arg1, %eq3A_307 : i32
    %convert_element_type3A_309 = arith.extui %eq3A_308 : i1 to i32
    %cond3A_310 = arith.constant 0 : i32
    %cond3A_311 = arith.cmpi ne, %convert_element_type3A_309, %cond3A_310 : i32
    scf.if %cond3A_311 {
      "tpu.region"() ({
        %run_scoped3A = tpu.sem_alloc : memref<!tpu.dma_semaphore, #tpu.memory_space<semaphore_mem>>
        %dma_start3A_312 = arith.constant 0 : i32
        %dma_start3A_313 = arith.constant 0 : i32
        %dma_start3A_314 = tpu.memref_slice %arg5[%arg0, %dma_start3A_312, %dma_start3A_313] : memref<2x10240x128xf32, #tpu.memory_space<hbm>> -> memref<1x10240x128xf32, #tpu.memory_space<hbm>>
        %dma_start3A_315 = tpu.memref_squeeze %dma_start3A_314 : memref<1x10240x128xf32, #tpu.memory_space<hbm>> -> memref<10240x128xf32, #tpu.memory_space<hbm>>
        tpu.enqueue_dma source(%arg16 : memref<10240x128xf32, #tpu.memory_space<vmem_shared>>) target(%dma_start3A_315 : memref<10240x128xf32, #tpu.memory_space<hbm>>) target_semaphore(%run_scoped3A : memref<!tpu.dma_semaphore, #tpu.memory_space<semaphore_mem>>)
        %dma_wait3A_316 = arith.constant 0 : i32
        %dma_wait3A_317 = arith.constant 0 : i32
        %dma_wait3A_318 = tpu.memref_slice %arg5[%arg0, %dma_wait3A_316, %dma_wait3A_317] : memref<2x10240x128xf32, #tpu.memory_space<hbm>> -> memref<1x10240x128xf32, #tpu.memory_space<hbm>>
        %dma_wait3A_319 = tpu.memref_squeeze %dma_wait3A_318 : memref<1x10240x128xf32, #tpu.memory_space<hbm>> -> memref<10240x128xf32, #tpu.memory_space<hbm>>
        tpu.wait_dma2 semaphore(%run_scoped3A : memref<!tpu.dma_semaphore, #tpu.memory_space<semaphore_mem>>) src(%arg16 : memref<10240x128xf32, #tpu.memory_space<vmem_shared>>) dst(%dma_wait3A_319 : memref<10240x128xf32, #tpu.memory_space<hbm>>)
        tpu.yield
      }) : () -> ()
    } else {
    }
    return
  }
}

#map = affine_map<(d0, d1) -> (0, 0, 0)>
#map1 = affine_map<(d0, d1) -> (0, 0)>
module attributes {stable_mosaic.version = 14 : i64} {
  func.func @deg_kernel(%arg0: i32, %arg1: i32, %arg2: memref<32x126x80xi32, #tpu.memory_space<hbm>>, %arg3: memref<80x128xf32, #tpu.memory_space<hbm>>, %arg4: memref<10240x128xf32, #tpu.memory_space<hbm>>, %arg5: memref<2x10240x128xf32, #tpu.memory_space<hbm>>, %arg6: memref<126x80xi32, #tpu.memory_space<vmem>>, %arg7: memref<80x128xf32, #tpu.memory_space<vmem>>, %arg8: memref<10240x128xf32, #tpu.memory_space<vmem_shared>>) attributes {dimension_semantics = [#tpu.dimension_semantics<core_parallel>, #tpu.dimension_semantics<subcore_parallel>], iteration_bounds = array<i64: 2, 16>, scalar_prefetch = 0 : i64, scratch_operands = 3 : i64, tpu.core_type = #tpu.core_type<sc_vector_subcore>, window_params = [{transform_indices = #map}, {transform_indices = #map1}, {transform_indices = #map1}, {transform_indices = #map}]} {
    %mul3A = arith.constant 2 : i32
    %mul3A_0 = arith.muli %arg1, %mul3A : i32
    %add3A = arith.addi %mul3A_0, %arg0 : i32
    "tpu.region"() ({
      %run_scoped3A = tpu.sem_alloc : memref<!tpu.dma_semaphore, #tpu.memory_space<semaphore_mem>>
      %dma_start3A = arith.constant 0 : i32
      %dma_start3A_15 = arith.constant 0 : i32
      %dma_start3A_16 = tpu.memref_slice %arg2[%add3A, %dma_start3A, %dma_start3A_15] : memref<32x126x80xi32, #tpu.memory_space<hbm>> -> memref<1x126x80xi32, #tpu.memory_space<hbm>>
      %dma_start3A_17 = tpu.memref_squeeze %dma_start3A_16 : memref<1x126x80xi32, #tpu.memory_space<hbm>> -> memref<126x80xi32, #tpu.memory_space<hbm>>
      %dma_start3A_18 = arith.constant 0 : i32
      %dma_start3A_19 = arith.constant 0 : i32
      %dma_start3A_20 = tpu.memref_slice %arg2[%add3A, %dma_start3A_18, %dma_start3A_19] : memref<32x126x80xi32, #tpu.memory_space<hbm>> -> memref<1x126x80xi32, #tpu.memory_space<hbm>>
      %dma_start3A_21 = tpu.memref_squeeze %dma_start3A_20 : memref<1x126x80xi32, #tpu.memory_space<hbm>> -> memref<126x80xi32, #tpu.memory_space<hbm>>
      tpu.enqueue_dma source(%dma_start3A_21 : memref<126x80xi32, #tpu.memory_space<hbm>>) target(%arg6 : memref<126x80xi32, #tpu.memory_space<vmem>>) target_semaphore(%run_scoped3A : memref<!tpu.dma_semaphore, #tpu.memory_space<semaphore_mem>>)
      %dma_wait3A = arith.constant 0 : i32
      %dma_wait3A_22 = arith.constant 0 : i32
      %dma_wait3A_23 = tpu.memref_slice %arg2[%add3A, %dma_wait3A, %dma_wait3A_22] : memref<32x126x80xi32, #tpu.memory_space<hbm>> -> memref<1x126x80xi32, #tpu.memory_space<hbm>>
      %dma_wait3A_24 = tpu.memref_squeeze %dma_wait3A_23 : memref<1x126x80xi32, #tpu.memory_space<hbm>> -> memref<126x80xi32, #tpu.memory_space<hbm>>
      %dma_wait3A_25 = arith.constant 0 : i32
      %dma_wait3A_26 = arith.constant 0 : i32
      %dma_wait3A_27 = tpu.memref_slice %arg2[%add3A, %dma_wait3A_25, %dma_wait3A_26] : memref<32x126x80xi32, #tpu.memory_space<hbm>> -> memref<1x126x80xi32, #tpu.memory_space<hbm>>
      %dma_wait3A_28 = tpu.memref_squeeze %dma_wait3A_27 : memref<1x126x80xi32, #tpu.memory_space<hbm>> -> memref<126x80xi32, #tpu.memory_space<hbm>>
      tpu.wait_dma2 semaphore(%run_scoped3A : memref<!tpu.dma_semaphore, #tpu.memory_space<semaphore_mem>>) src(%dma_wait3A_28 : memref<126x80xi32, #tpu.memory_space<hbm>>) dst(%arg6 : memref<126x80xi32, #tpu.memory_space<vmem>>)
      tpu.yield
    }) : () -> ()
    "tpu.region"() ({
      %run_scoped3A = tpu.sem_alloc : memref<!tpu.dma_semaphore, #tpu.memory_space<semaphore_mem>>
      tpu.enqueue_dma source(%arg3 : memref<80x128xf32, #tpu.memory_space<hbm>>) target(%arg7 : memref<80x128xf32, #tpu.memory_space<vmem>>) target_semaphore(%run_scoped3A : memref<!tpu.dma_semaphore, #tpu.memory_space<semaphore_mem>>)
      tpu.wait_dma2 semaphore(%run_scoped3A : memref<!tpu.dma_semaphore, #tpu.memory_space<semaphore_mem>>) src(%arg3 : memref<80x128xf32, #tpu.memory_space<hbm>>) dst(%arg7 : memref<80x128xf32, #tpu.memory_space<vmem>>)
      tpu.yield
    }) : () -> ()
    %eq3A = arith.constant 0 : i32
    %eq3A_1 = arith.cmpi eq, %arg1, %eq3A : i32
    %convert_element_type3A = arith.extui %eq3A_1 : i1 to i32
    %cond3A = arith.constant 0 : i32
    %cond3A_2 = arith.cmpi ne, %convert_element_type3A, %cond3A : i32
    scf.if %cond3A_2 {
      "tpu.region"() ({
        %run_scoped3A = tpu.sem_alloc : memref<!tpu.dma_semaphore, #tpu.memory_space<semaphore_mem>>
        tpu.enqueue_dma source(%arg4 : memref<10240x128xf32, #tpu.memory_space<hbm>>) target(%arg8 : memref<10240x128xf32, #tpu.memory_space<vmem_shared>>) target_semaphore(%run_scoped3A : memref<!tpu.dma_semaphore, #tpu.memory_space<semaphore_mem>>)
        tpu.wait_dma2 semaphore(%run_scoped3A : memref<!tpu.dma_semaphore, #tpu.memory_space<semaphore_mem>>) src(%arg4 : memref<10240x128xf32, #tpu.memory_space<hbm>>) dst(%arg8 : memref<10240x128xf32, #tpu.memory_space<vmem_shared>>)
        tpu.yield
      }) : () -> ()
    } else {
    }
    %barrier3A = arith.constant 0 : index
    tpu.barrier barrier_id(%barrier3A)
    %scan3A = arith.constant 0 : i32
    %scan3A_3 = arith.constant 0 : i32
    %scan3A_4 = arith.constant 126 : i32
    %scan3A_5 = arith.addi %scan3A_3, %scan3A_4 : i32
    %scan3A_6 = arith.constant 1 : i32
    %scan3A_7 = scf.for %scan3A_15 = %scan3A_3 to %scan3A_5 step %scan3A_6 iter_args(%scan3A_16 = %scan3A) -> (i32)  : i32 {
      "tpu.region"() ({
        %run_scoped3A = tpu.sem_alloc : memref<!tpu.dma_semaphore, #tpu.memory_space<semaphore_mem>>
        %dma_start3A = arith.constant 0 : i32
        %dma_start3A_18 = tpu.memref_slice %arg6[%scan3A_15, %dma_start3A] : memref<126x80xi32, #tpu.memory_space<vmem>> -> memref<1x80xi32, #tpu.memory_space<vmem>>
        %dma_start3A_19 = tpu.memref_squeeze %dma_start3A_18 : memref<1x80xi32, #tpu.memory_space<vmem>> -> memref<80xi32, #tpu.memory_space<vmem>>
        %dma_start3A_20 = arith.constant 0 : i32
        %dma_start3A_21 = arith.constant 0 : i32
        %dma_start3A_22 = tpu.memref_slice %arg8[%dma_start3A_20, %dma_start3A_21] : memref<10240x128xf32, #tpu.memory_space<vmem_shared>> -> memref<10240x128xf32, #tpu.memory_space<vmem_shared>>
        tpu.enqueue_indirect_dma source(%arg7 : memref<80x128xf32, #tpu.memory_space<vmem>>) target(%dma_start3A_22 : memref<10240x128xf32, #tpu.memory_space<vmem_shared>>) offsets(%dma_start3A_19 : memref<80xi32, #tpu.memory_space<vmem>>) semaphore(%run_scoped3A : memref<!tpu.dma_semaphore, #tpu.memory_space<semaphore_mem>>) {add = true}
        %dma_wait3A = arith.constant 0 : i32
        %dma_wait3A_23 = tpu.memref_slice %arg6[%scan3A_15, %dma_wait3A] : memref<126x80xi32, #tpu.memory_space<vmem>> -> memref<1x80xi32, #tpu.memory_space<vmem>>
        %dma_wait3A_24 = tpu.memref_squeeze %dma_wait3A_23 : memref<1x80xi32, #tpu.memory_space<vmem>> -> memref<80xi32, #tpu.memory_space<vmem>>
        %dma_wait3A_25 = arith.constant 0 : i32
        %dma_wait3A_26 = arith.constant 0 : i32
        %dma_wait3A_27 = tpu.memref_slice %arg8[%dma_wait3A_25, %dma_wait3A_26] : memref<10240x128xf32, #tpu.memory_space<vmem_shared>> -> memref<10240x128xf32, #tpu.memory_space<vmem_shared>>
        tpu.wait_indirect_dma semaphore(%run_scoped3A : memref<!tpu.dma_semaphore, #tpu.memory_space<semaphore_mem>>) src(%arg7 : memref<80x128xf32, #tpu.memory_space<vmem>>) dst(%dma_wait3A_27 : memref<10240x128xf32, #tpu.memory_space<vmem_shared>>)
        tpu.yield
      }) : () -> ()
      %scan3A_17 = arith.constant 0 : i32
      scf.yield %scan3A_17 : i32
    }
    %scan3A_8 = arith.constant 126 : i32
    %barrier3A_9 = arith.constant 0 : index
    tpu.barrier barrier_id(%barrier3A_9)
    %eq3A_10 = arith.constant 0 : i32
    %eq3A_11 = arith.cmpi eq, %arg1, %eq3A_10 : i32
    %convert_element_type3A_12 = arith.extui %eq3A_11 : i1 to i32
    %cond3A_13 = arith.constant 0 : i32
    %cond3A_14 = arith.cmpi ne, %convert_element_type3A_12, %cond3A_13 : i32
    scf.if %cond3A_14 {
      "tpu.region"() ({
        %run_scoped3A = tpu.sem_alloc : memref<!tpu.dma_semaphore, #tpu.memory_space<semaphore_mem>>
        %dma_start3A = arith.constant 0 : i32
        %dma_start3A_15 = arith.constant 0 : i32
        %dma_start3A_16 = tpu.memref_slice %arg5[%arg0, %dma_start3A, %dma_start3A_15] : memref<2x10240x128xf32, #tpu.memory_space<hbm>> -> memref<1x10240x128xf32, #tpu.memory_space<hbm>>
        %dma_start3A_17 = tpu.memref_squeeze %dma_start3A_16 : memref<1x10240x128xf32, #tpu.memory_space<hbm>> -> memref<10240x128xf32, #tpu.memory_space<hbm>>
        tpu.enqueue_dma source(%arg8 : memref<10240x128xf32, #tpu.memory_space<vmem_shared>>) target(%dma_start3A_17 : memref<10240x128xf32, #tpu.memory_space<hbm>>) target_semaphore(%run_scoped3A : memref<!tpu.dma_semaphore, #tpu.memory_space<semaphore_mem>>)
        %dma_wait3A = arith.constant 0 : i32
        %dma_wait3A_18 = arith.constant 0 : i32
        %dma_wait3A_19 = tpu.memref_slice %arg5[%arg0, %dma_wait3A, %dma_wait3A_18] : memref<2x10240x128xf32, #tpu.memory_space<hbm>> -> memref<1x10240x128xf32, #tpu.memory_space<hbm>>
        %dma_wait3A_20 = tpu.memref_squeeze %dma_wait3A_19 : memref<1x10240x128xf32, #tpu.memory_space<hbm>> -> memref<10240x128xf32, #tpu.memory_space<hbm>>
        tpu.wait_dma2 semaphore(%run_scoped3A : memref<!tpu.dma_semaphore, #tpu.memory_space<semaphore_mem>>) src(%arg8 : memref<10240x128xf32, #tpu.memory_space<vmem_shared>>) dst(%dma_wait3A_20 : memref<10240x128xf32, #tpu.memory_space<hbm>>)
        tpu.yield
      }) : () -> ()
    } else {
    }
    return
  }
}

#map = affine_map<(d0, d1) -> (0, 0)>
#map1 = affine_map<(d0, d1) -> (0, 0, 0)>
module attributes {stable_mosaic.version = 14 : i64} {
  func.func @scat_kernel(%arg0: i32, %arg1: i32, %arg2: memref<10240x128xf32, #tpu.memory_space<hbm>>, %arg3: memref<32x126x80xi32, #tpu.memory_space<hbm>>, %arg4: memref<10240x128xf32, #tpu.memory_space<hbm>>, %arg5: memref<2x10240x128xf32, #tpu.memory_space<hbm>>, %arg6: memref<126x80xi32, #tpu.memory_space<vmem>>, %arg7: memref<80x128xf32, #tpu.memory_space<vmem>>, %arg8: memref<80x128xf32, #tpu.memory_space<vmem>>, %arg9: memref<80x128xf32, #tpu.memory_space<vmem>>, %arg10: memref<80xi32, #tpu.memory_space<vmem>>, %arg11: memref<80xi32, #tpu.memory_space<vmem>>, %arg12: memref<80xi32, #tpu.memory_space<vmem>>, %arg13: memref<80xi32, #tpu.memory_space<vmem>>, %arg14: memref<80xi32, #tpu.memory_space<vmem>>, %arg15: memref<80xi32, #tpu.memory_space<vmem>>, %arg16: memref<10240x128xf32, #tpu.memory_space<vmem_shared>>, %arg17: memref<!tpu.dma_semaphore, #tpu.memory_space<semaphore_mem>>, %arg18: memref<!tpu.dma_semaphore, #tpu.memory_space<semaphore_mem>>, %arg19: memref<!tpu.dma_semaphore, #tpu.memory_space<semaphore_mem>>) attributes {dimension_semantics = [#tpu.dimension_semantics<core_parallel>, #tpu.dimension_semantics<subcore_parallel>], iteration_bounds = array<i64: 2, 16>, scalar_prefetch = 0 : i64, scratch_operands = 14 : i64, tpu.core_type = #tpu.core_type<sc_vector_subcore>, window_params = [{transform_indices = #map}, {transform_indices = #map1}, {transform_indices = #map}, {transform_indices = #map1}]} {
    %mul3A = arith.constant 2 : i32
    %mul3A_0 = arith.muli %arg1, %mul3A : i32
    %add3A = arith.addi %mul3A_0, %arg0 : i32
    "tpu.region"() ({
      %run_scoped3A = tpu.sem_alloc : memref<!tpu.dma_semaphore, #tpu.memory_space<semaphore_mem>>
      %dma_start3A_312 = arith.constant 0 : i32
      %dma_start3A_313 = arith.constant 0 : i32
      %dma_start3A_314 = tpu.memref_slice %arg3[%add3A, %dma_start3A_312, %dma_start3A_313] : memref<32x126x80xi32, #tpu.memory_space<hbm>> -> memref<1x126x80xi32, #tpu.memory_space<hbm>>
      %dma_start3A_315 = tpu.memref_squeeze %dma_start3A_314 : memref<1x126x80xi32, #tpu.memory_space<hbm>> -> memref<126x80xi32, #tpu.memory_space<hbm>>
      %dma_start3A_316 = arith.constant 0 : i32
      %dma_start3A_317 = arith.constant 0 : i32
      %dma_start3A_318 = tpu.memref_slice %arg3[%add3A, %dma_start3A_316, %dma_start3A_317] : memref<32x126x80xi32, #tpu.memory_space<hbm>> -> memref<1x126x80xi32, #tpu.memory_space<hbm>>
      %dma_start3A_319 = tpu.memref_squeeze %dma_start3A_318 : memref<1x126x80xi32, #tpu.memory_space<hbm>> -> memref<126x80xi32, #tpu.memory_space<hbm>>
      tpu.enqueue_dma source(%dma_start3A_319 : memref<126x80xi32, #tpu.memory_space<hbm>>) target(%arg6 : memref<126x80xi32, #tpu.memory_space<vmem>>) target_semaphore(%run_scoped3A : memref<!tpu.dma_semaphore, #tpu.memory_space<semaphore_mem>>)
      %dma_wait3A_320 = arith.constant 0 : i32
      %dma_wait3A_321 = arith.constant 0 : i32
      %dma_wait3A_322 = tpu.memref_slice %arg3[%add3A, %dma_wait3A_320, %dma_wait3A_321] : memref<32x126x80xi32, #tpu.memory_space<hbm>> -> memref<1x126x80xi32, #tpu.memory_space<hbm>>
      %dma_wait3A_323 = tpu.memref_squeeze %dma_wait3A_322 : memref<1x126x80xi32, #tpu.memory_space<hbm>> -> memref<126x80xi32, #tpu.memory_space<hbm>>
      %dma_wait3A_324 = arith.constant 0 : i32
      %dma_wait3A_325 = arith.constant 0 : i32
      %dma_wait3A_326 = tpu.memref_slice %arg3[%add3A, %dma_wait3A_324, %dma_wait3A_325] : memref<32x126x80xi32, #tpu.memory_space<hbm>> -> memref<1x126x80xi32, #tpu.memory_space<hbm>>
      %dma_wait3A_327 = tpu.memref_squeeze %dma_wait3A_326 : memref<1x126x80xi32, #tpu.memory_space<hbm>> -> memref<126x80xi32, #tpu.memory_space<hbm>>
      tpu.wait_dma2 semaphore(%run_scoped3A : memref<!tpu.dma_semaphore, #tpu.memory_space<semaphore_mem>>) src(%dma_wait3A_327 : memref<126x80xi32, #tpu.memory_space<hbm>>) dst(%arg6 : memref<126x80xi32, #tpu.memory_space<vmem>>)
      tpu.yield
    }) : () -> ()
    %eq3A = arith.constant 0 : i32
    %eq3A_1 = arith.cmpi eq, %arg1, %eq3A : i32
    %convert_element_type3A = arith.extui %eq3A_1 : i1 to i32
    %cond3A = arith.constant 0 : i32
    %cond3A_2 = arith.cmpi ne, %convert_element_type3A, %cond3A : i32
    scf.if %cond3A_2 {
      "tpu.region"() ({
        %run_scoped3A = tpu.sem_alloc : memref<!tpu.dma_semaphore, #tpu.memory_space<semaphore_mem>>
        tpu.enqueue_dma source(%arg4 : memref<10240x128xf32, #tpu.memory_space<hbm>>) target(%arg16 : memref<10240x128xf32, #tpu.memory_space<vmem_shared>>) target_semaphore(%run_scoped3A : memref<!tpu.dma_semaphore, #tpu.memory_space<semaphore_mem>>)
        tpu.wait_dma2 semaphore(%run_scoped3A : memref<!tpu.dma_semaphore, #tpu.memory_space<semaphore_mem>>) src(%arg4 : memref<10240x128xf32, #tpu.memory_space<hbm>>) dst(%arg16 : memref<10240x128xf32, #tpu.memory_space<vmem_shared>>)
        tpu.yield
      }) : () -> ()
    } else {
    }
    %barrier3A = arith.constant 0 : index
    tpu.barrier barrier_id(%barrier3A)
    %get3A = arith.constant 0 : i32
    %get3A_3 = arith.index_cast %get3A : i32 to index
    %get3A_4 = arith.constant 0 : index
    %get3A_5 = tpu.vector_load %arg6[%get3A_3, %get3A_4] {strides = array<i32>} : memref<126x80xi32, #tpu.memory_space<vmem>>, vector<1x16xi32>,
    %get3A_6 = vector.shape_cast %get3A_5 : vector<1x16xi32> to vector<16xi32>
    %shift_right_logical3A = arith.constant 14 : i32
    %shift_right_logical3A_7 = vector.broadcast %shift_right_logical3A : i32 to vector<16xi32>
    %shift_right_logical3A_8 = arith.shrui %get3A_6, %shift_right_logical3A_7 : vector<16xi32>
    %swap3A = arith.constant 0 : index
    %swap3A_9 = tpu.vector_load %arg10[%swap3A] {strides = array<i32>} : memref<80xi32, #tpu.memory_space<vmem>>, vector<16xi32>,
    %swap3A_10 = vector.shape_cast %swap3A_9 : vector<16xi32> to vector<16xi32>
    %swap3A_11 = vector.shape_cast %shift_right_logical3A_8 : vector<16xi32> to vector<16xi32>
    tpu.vector_store %arg10[%swap3A], %swap3A_11 {strides = array<i32>} : memref<80xi32, #tpu.memory_space<vmem>>, vector<16xi32>,
    %and3A = arith.constant 16383 : i32
    %and3A_12 = vector.broadcast %and3A : i32 to vector<16xi32>
    %and3A_13 = arith.andi %get3A_6, %and3A_12 : vector<16xi32>
    %swap3A_14 = arith.constant 0 : index
    %swap3A_15 = tpu.vector_load %arg13[%swap3A_14] {strides = array<i32>} : memref<80xi32, #tpu.memory_space<vmem>>, vector<16xi32>,
    %swap3A_16 = vector.shape_cast %swap3A_15 : vector<16xi32> to vector<16xi32>
    %swap3A_17 = vector.shape_cast %and3A_13 : vector<16xi32> to vector<16xi32>
    tpu.vector_store %arg13[%swap3A_14], %swap3A_17 {strides = array<i32>} : memref<80xi32, #tpu.memory_space<vmem>>, vector<16xi32>,
    %get3A_18 = arith.constant 0 : i32
    %get3A_19 = arith.index_cast %get3A_18 : i32 to index
    %get3A_20 = arith.constant 16 : index
    %get3A_21 = tpu.vector_load %arg6[%get3A_19, %get3A_20] {strides = array<i32>} : memref<126x80xi32, #tpu.memory_space<vmem>>, vector<1x16xi32>,
    %get3A_22 = vector.shape_cast %get3A_21 : vector<1x16xi32> to vector<16xi32>
    %shift_right_logical3A_23 = arith.constant 14 : i32
    %shift_right_logical3A_24 = vector.broadcast %shift_right_logical3A_23 : i32 to vector<16xi32>
    %shift_right_logical3A_25 = arith.shrui %get3A_22, %shift_right_logical3A_24 : vector<16xi32>
    %swap3A_26 = arith.constant 16 : index
    %swap3A_27 = tpu.vector_load %arg10[%swap3A_26] {strides = array<i32>} : memref<80xi32, #tpu.memory_space<vmem>>, vector<16xi32>,
    %swap3A_28 = vector.shape_cast %swap3A_27 : vector<16xi32> to vector<16xi32>
    %swap3A_29 = vector.shape_cast %shift_right_logical3A_25 : vector<16xi32> to vector<16xi32>
    tpu.vector_store %arg10[%swap3A_26], %swap3A_29 {strides = array<i32>} : memref<80xi32, #tpu.memory_space<vmem>>, vector<16xi32>,
    %and3A_30 = arith.constant 16383 : i32
    %and3A_31 = vector.broadcast %and3A_30 : i32 to vector<16xi32>
    %and3A_32 = arith.andi %get3A_22, %and3A_31 : vector<16xi32>
    %swap3A_33 = arith.constant 16 : index
    %swap3A_34 = tpu.vector_load %arg13[%swap3A_33] {strides = array<i32>} : memref<80xi32, #tpu.memory_space<vmem>>, vector<16xi32>,
    %swap3A_35 = vector.shape_cast %swap3A_34 : vector<16xi32> to vector<16xi32>
    %swap3A_36 = vector.shape_cast %and3A_32 : vector<16xi32> to vector<16xi32>
    tpu.vector_store %arg13[%swap3A_33], %swap3A_36 {strides = array<i32>} : memref<80xi32, #tpu.memory_space<vmem>>, vector<16xi32>,
    %get3A_37 = arith.constant 0 : i32
    %get3A_38 = arith.index_cast %get3A_37 : i32 to index
    %get3A_39 = arith.constant 32 : index
    %get3A_40 = tpu.vector_load %arg6[%get3A_38, %get3A_39] {strides = array<i32>} : memref<126x80xi32, #tpu.memory_space<vmem>>, vector<1x16xi32>,
    %get3A_41 = vector.shape_cast %get3A_40 : vector<1x16xi32> to vector<16xi32>
    %shift_right_logical3A_42 = arith.constant 14 : i32
    %shift_right_logical3A_43 = vector.broadcast %shift_right_logical3A_42 : i32 to vector<16xi32>
    %shift_right_logical3A_44 = arith.shrui %get3A_41, %shift_right_logical3A_43 : vector<16xi32>
    %swap3A_45 = arith.constant 32 : index
    %swap3A_46 = tpu.vector_load %arg10[%swap3A_45] {strides = array<i32>} : memref<80xi32, #tpu.memory_space<vmem>>, vector<16xi32>,
    %swap3A_47 = vector.shape_cast %swap3A_46 : vector<16xi32> to vector<16xi32>
    %swap3A_48 = vector.shape_cast %shift_right_logical3A_44 : vector<16xi32> to vector<16xi32>
    tpu.vector_store %arg10[%swap3A_45], %swap3A_48 {strides = array<i32>} : memref<80xi32, #tpu.memory_space<vmem>>, vector<16xi32>,
    %and3A_49 = arith.constant 16383 : i32
    %and3A_50 = vector.broadcast %and3A_49 : i32 to vector<16xi32>
    %and3A_51 = arith.andi %get3A_41, %and3A_50 : vector<16xi32>
    %swap3A_52 = arith.constant 32 : index
    %swap3A_53 = tpu.vector_load %arg13[%swap3A_52] {strides = array<i32>} : memref<80xi32, #tpu.memory_space<vmem>>, vector<16xi32>,
    %swap3A_54 = vector.shape_cast %swap3A_53 : vector<16xi32> to vector<16xi32>
    %swap3A_55 = vector.shape_cast %and3A_51 : vector<16xi32> to vector<16xi32>
    tpu.vector_store %arg13[%swap3A_52], %swap3A_55 {strides = array<i32>} : memref<80xi32, #tpu.memory_space<vmem>>, vector<16xi32>,
    %get3A_56 = arith.constant 0 : i32
    %get3A_57 = arith.index_cast %get3A_56 : i32 to index
    %get3A_58 = arith.constant 48 : index
    %get3A_59 = tpu.vector_load %arg6[%get3A_57, %get3A_58] {strides = array<i32>} : memref<126x80xi32, #tpu.memory_space<vmem>>, vector<1x16xi32>,
    %get3A_60 = vector.shape_cast %get3A_59 : vector<1x16xi32> to vector<16xi32>
    %shift_right_logical3A_61 = arith.constant 14 : i32
    %shift_right_logical3A_62 = vector.broadcast %shift_right_logical3A_61 : i32 to vector<16xi32>
    %shift_right_logical3A_63 = arith.shrui %get3A_60, %shift_right_logical3A_62 : vector<16xi32>
    %swap3A_64 = arith.constant 48 : index
    %swap3A_65 = tpu.vector_load %arg10[%swap3A_64] {strides = array<i32>} : memref<80xi32, #tpu.memory_space<vmem>>, vector<16xi32>,
    %swap3A_66 = vector.shape_cast %swap3A_65 : vector<16xi32> to vector<16xi32>
    %swap3A_67 = vector.shape_cast %shift_right_logical3A_63 : vector<16xi32> to vector<16xi32>
    tpu.vector_store %arg10[%swap3A_64], %swap3A_67 {strides = array<i32>} : memref<80xi32, #tpu.memory_space<vmem>>, vector<16xi32>,
    %and3A_68 = arith.constant 16383 : i32
    %and3A_69 = vector.broadcast %and3A_68 : i32 to vector<16xi32>
    %and3A_70 = arith.andi %get3A_60, %and3A_69 : vector<16xi32>
    %swap3A_71 = arith.constant 48 : index
    %swap3A_72 = tpu.vector_load %arg13[%swap3A_71] {strides = array<i32>} : memref<80xi32, #tpu.memory_space<vmem>>, vector<16xi32>,
    %swap3A_73 = vector.shape_cast %swap3A_72 : vector<16xi32> to vector<16xi32>
    %swap3A_74 = vector.shape_cast %and3A_70 : vector<16xi32> to vector<16xi32>
    tpu.vector_store %arg13[%swap3A_71], %swap3A_74 {strides = array<i32>} : memref<80xi32, #tpu.memory_space<vmem>>, vector<16xi32>,
    %get3A_75 = arith.constant 0 : i32
    %get3A_76 = arith.index_cast %get3A_75 : i32 to index
    %get3A_77 = arith.constant 64 : index
    %get3A_78 = tpu.vector_load %arg6[%get3A_76, %get3A_77] {strides = array<i32>} : memref<126x80xi32, #tpu.memory_space<vmem>>, vector<1x16xi32>,
    %get3A_79 = vector.shape_cast %get3A_78 : vector<1x16xi32> to vector<16xi32>
    %shift_right_logical3A_80 = arith.constant 14 : i32
    %shift_right_logical3A_81 = vector.broadcast %shift_right_logical3A_80 : i32 to vector<16xi32>
    %shift_right_logical3A_82 = arith.shrui %get3A_79, %shift_right_logical3A_81 : vector<16xi32>
    %swap3A_83 = arith.constant 64 : index
    %swap3A_84 = tpu.vector_load %arg10[%swap3A_83] {strides = array<i32>} : memref<80xi32, #tpu.memory_space<vmem>>, vector<16xi32>,
    %swap3A_85 = vector.shape_cast %swap3A_84 : vector<16xi32> to vector<16xi32>
    %swap3A_86 = vector.shape_cast %shift_right_logical3A_82 : vector<16xi32> to vector<16xi32>
    tpu.vector_store %arg10[%swap3A_83], %swap3A_86 {strides = array<i32>} : memref<80xi32, #tpu.memory_space<vmem>>, vector<16xi32>,
    %and3A_87 = arith.constant 16383 : i32
    %and3A_88 = vector.broadcast %and3A_87 : i32 to vector<16xi32>
    %and3A_89 = arith.andi %get3A_79, %and3A_88 : vector<16xi32>
    %swap3A_90 = arith.constant 64 : index
    %swap3A_91 = tpu.vector_load %arg13[%swap3A_90] {strides = array<i32>} : memref<80xi32, #tpu.memory_space<vmem>>, vector<16xi32>,
    %swap3A_92 = vector.shape_cast %swap3A_91 : vector<16xi32> to vector<16xi32>
    %swap3A_93 = vector.shape_cast %and3A_89 : vector<16xi32> to vector<16xi32>
    tpu.vector_store %arg13[%swap3A_90], %swap3A_93 {strides = array<i32>} : memref<80xi32, #tpu.memory_space<vmem>>, vector<16xi32>,
    %dma_start3A = arith.constant 0 : i32
    %dma_start3A_94 = arith.constant 0 : i32
    %dma_start3A_95 = tpu.memref_slice %arg2[%dma_start3A, %dma_start3A_94] : memref<10240x128xf32, #tpu.memory_space<hbm>> -> memref<10240x128xf32, #tpu.memory_space<hbm>>
    tpu.enqueue_indirect_dma source(%dma_start3A_95 : memref<10240x128xf32, #tpu.memory_space<hbm>>) target(%arg7 : memref<80x128xf32, #tpu.memory_space<vmem>>) offsets(%arg10 : memref<80xi32, #tpu.memory_space<vmem>>) semaphore(%arg17 : memref<!tpu.dma_semaphore, #tpu.memory_space<semaphore_mem>>)
    %get3A_96 = arith.constant 1 : i32
    %get3A_97 = arith.index_cast %get3A_96 : i32 to index
    %get3A_98 = arith.constant 0 : index
    %get3A_99 = tpu.vector_load %arg6[%get3A_97, %get3A_98] {strides = array<i32>} : memref<126x80xi32, #tpu.memory_space<vmem>>, vector<1x16xi32>,
    %get3A_100 = vector.shape_cast %get3A_99 : vector<1x16xi32> to vector<16xi32>
    %shift_right_logical3A_101 = arith.constant 14 : i32
    %shift_right_logical3A_102 = vector.broadcast %shift_right_logical3A_101 : i32 to vector<16xi32>
    %shift_right_logical3A_103 = arith.shrui %get3A_100, %shift_right_logical3A_102 : vector<16xi32>
    %swap3A_104 = arith.constant 0 : index
    %swap3A_105 = tpu.vector_load %arg11[%swap3A_104] {strides = array<i32>} : memref<80xi32, #tpu.memory_space<vmem>>, vector<16xi32>,
    %swap3A_106 = vector.shape_cast %swap3A_105 : vector<16xi32> to vector<16xi32>
    %swap3A_107 = vector.shape_cast %shift_right_logical3A_103 : vector<16xi32> to vector<16xi32>
    tpu.vector_store %arg11[%swap3A_104], %swap3A_107 {strides = array<i32>} : memref<80xi32, #tpu.memory_space<vmem>>, vector<16xi32>,
    %and3A_108 = arith.constant 16383 : i32
    %and3A_109 = vector.broadcast %and3A_108 : i32 to vector<16xi32>
    %and3A_110 = arith.andi %get3A_100, %and3A_109 : vector<16xi32>
    %swap3A_111 = arith.constant 0 : index
    %swap3A_112 = tpu.vector_load %arg14[%swap3A_111] {strides = array<i32>} : memref<80xi32, #tpu.memory_space<vmem>>, vector<16xi32>,
    %swap3A_113 = vector.shape_cast %swap3A_112 : vector<16xi32> to vector<16xi32>
    %swap3A_114 = vector.shape_cast %and3A_110 : vector<16xi32> to vector<16xi32>
    tpu.vector_store %arg14[%swap3A_111], %swap3A_114 {strides = array<i32>} : memref<80xi32, #tpu.memory_space<vmem>>, vector<16xi32>,
    %get3A_115 = arith.constant 1 : i32
    %get3A_116 = arith.index_cast %get3A_115 : i32 to index
    %get3A_117 = arith.constant 16 : index
    %get3A_118 = tpu.vector_load %arg6[%get3A_116, %get3A_117] {strides = array<i32>} : memref<126x80xi32, #tpu.memory_space<vmem>>, vector<1x16xi32>,
    %get3A_119 = vector.shape_cast %get3A_118 : vector<1x16xi32> to vector<16xi32>
    %shift_right_logical3A_120 = arith.constant 14 : i32
    %shift_right_logical3A_121 = vector.broadcast %shift_right_logical3A_120 : i32 to vector<16xi32>
    %shift_right_logical3A_122 = arith.shrui %get3A_119, %shift_right_logical3A_121 : vector<16xi32>
    %swap3A_123 = arith.constant 16 : index
    %swap3A_124 = tpu.vector_load %arg11[%swap3A_123] {strides = array<i32>} : memref<80xi32, #tpu.memory_space<vmem>>, vector<16xi32>,
    %swap3A_125 = vector.shape_cast %swap3A_124 : vector<16xi32> to vector<16xi32>
    %swap3A_126 = vector.shape_cast %shift_right_logical3A_122 : vector<16xi32> to vector<16xi32>
    tpu.vector_store %arg11[%swap3A_123], %swap3A_126 {strides = array<i32>} : memref<80xi32, #tpu.memory_space<vmem>>, vector<16xi32>,
    %and3A_127 = arith.constant 16383 : i32
    %and3A_128 = vector.broadcast %and3A_127 : i32 to vector<16xi32>
    %and3A_129 = arith.andi %get3A_119, %and3A_128 : vector<16xi32>
    %swap3A_130 = arith.constant 16 : index
    %swap3A_131 = tpu.vector_load %arg14[%swap3A_130] {strides = array<i32>} : memref<80xi32, #tpu.memory_space<vmem>>, vector<16xi32>,
    %swap3A_132 = vector.shape_cast %swap3A_131 : vector<16xi32> to vector<16xi32>
    %swap3A_133 = vector.shape_cast %and3A_129 : vector<16xi32> to vector<16xi32>
    tpu.vector_store %arg14[%swap3A_130], %swap3A_133 {strides = array<i32>} : memref<80xi32, #tpu.memory_space<vmem>>, vector<16xi32>,
    %get3A_134 = arith.constant 1 : i32
    %get3A_135 = arith.index_cast %get3A_134 : i32 to index
    %get3A_136 = arith.constant 32 : index
    %get3A_137 = tpu.vector_load %arg6[%get3A_135, %get3A_136] {strides = array<i32>} : memref<126x80xi32, #tpu.memory_space<vmem>>, vector<1x16xi32>,
    %get3A_138 = vector.shape_cast %get3A_137 : vector<1x16xi32> to vector<16xi32>
    %shift_right_logical3A_139 = arith.constant 14 : i32
    %shift_right_logical3A_140 = vector.broadcast %shift_right_logical3A_139 : i32 to vector<16xi32>
    %shift_right_logical3A_141 = arith.shrui %get3A_138, %shift_right_logical3A_140 : vector<16xi32>
    %swap3A_142 = arith.constant 32 : index
    %swap3A_143 = tpu.vector_load %arg11[%swap3A_142] {strides = array<i32>} : memref<80xi32, #tpu.memory_space<vmem>>, vector<16xi32>,
    %swap3A_144 = vector.shape_cast %swap3A_143 : vector<16xi32> to vector<16xi32>
    %swap3A_145 = vector.shape_cast %shift_right_logical3A_141 : vector<16xi32> to vector<16xi32>
    tpu.vector_store %arg11[%swap3A_142], %swap3A_145 {strides = array<i32>} : memref<80xi32, #tpu.memory_space<vmem>>, vector<16xi32>,
    %and3A_146 = arith.constant 16383 : i32
    %and3A_147 = vector.broadcast %and3A_146 : i32 to vector<16xi32>
    %and3A_148 = arith.andi %get3A_138, %and3A_147 : vector<16xi32>
    %swap3A_149 = arith.constant 32 : index
    %swap3A_150 = tpu.vector_load %arg14[%swap3A_149] {strides = array<i32>} : memref<80xi32, #tpu.memory_space<vmem>>, vector<16xi32>,
    %swap3A_151 = vector.shape_cast %swap3A_150 : vector<16xi32> to vector<16xi32>
    %swap3A_152 = vector.shape_cast %and3A_148 : vector<16xi32> to vector<16xi32>
    tpu.vector_store %arg14[%swap3A_149], %swap3A_152 {strides = array<i32>} : memref<80xi32, #tpu.memory_space<vmem>>, vector<16xi32>,
    %get3A_153 = arith.constant 1 : i32
    %get3A_154 = arith.index_cast %get3A_153 : i32 to index
    %get3A_155 = arith.constant 48 : index
    %get3A_156 = tpu.vector_load %arg6[%get3A_154, %get3A_155] {strides = array<i32>} : memref<126x80xi32, #tpu.memory_space<vmem>>, vector<1x16xi32>,
    %get3A_157 = vector.shape_cast %get3A_156 : vector<1x16xi32> to vector<16xi32>
    %shift_right_logical3A_158 = arith.constant 14 : i32
    %shift_right_logical3A_159 = vector.broadcast %shift_right_logical3A_158 : i32 to vector<16xi32>
    %shift_right_logical3A_160 = arith.shrui %get3A_157, %shift_right_logical3A_159 : vector<16xi32>
    %swap3A_161 = arith.constant 48 : index
    %swap3A_162 = tpu.vector_load %arg11[%swap3A_161] {strides = array<i32>} : memref<80xi32, #tpu.memory_space<vmem>>, vector<16xi32>,
    %swap3A_163 = vector.shape_cast %swap3A_162 : vector<16xi32> to vector<16xi32>
    %swap3A_164 = vector.shape_cast %shift_right_logical3A_160 : vector<16xi32> to vector<16xi32>
    tpu.vector_store %arg11[%swap3A_161], %swap3A_164 {strides = array<i32>} : memref<80xi32, #tpu.memory_space<vmem>>, vector<16xi32>,
    %and3A_165 = arith.constant 16383 : i32
    %and3A_166 = vector.broadcast %and3A_165 : i32 to vector<16xi32>
    %and3A_167 = arith.andi %get3A_157, %and3A_166 : vector<16xi32>
    %swap3A_168 = arith.constant 48 : index
    %swap3A_169 = tpu.vector_load %arg14[%swap3A_168] {strides = array<i32>} : memref<80xi32, #tpu.memory_space<vmem>>, vector<16xi32>,
    %swap3A_170 = vector.shape_cast %swap3A_169 : vector<16xi32> to vector<16xi32>
    %swap3A_171 = vector.shape_cast %and3A_167 : vector<16xi32> to vector<16xi32>
    tpu.vector_store %arg14[%swap3A_168], %swap3A_171 {strides = array<i32>} : memref<80xi32, #tpu.memory_space<vmem>>, vector<16xi32>,
    %get3A_172 = arith.constant 1 : i32
    %get3A_173 = arith.index_cast %get3A_172 : i32 to index
    %get3A_174 = arith.constant 64 : index
    %get3A_175 = tpu.vector_load %arg6[%get3A_173, %get3A_174] {strides = array<i32>} : memref<126x80xi32, #tpu.memory_space<vmem>>, vector<1x16xi32>,
    %get3A_176 = vector.shape_cast %get3A_175 : vector<1x16xi32> to vector<16xi32>
    %shift_right_logical3A_177 = arith.constant 14 : i32
    %shift_right_logical3A_178 = vector.broadcast %shift_right_logical3A_177 : i32 to vector<16xi32>
    %shift_right_logical3A_179 = arith.shrui %get3A_176, %shift_right_logical3A_178 : vector<16xi32>
    %swap3A_180 = arith.constant 64 : index
    %swap3A_181 = tpu.vector_load %arg11[%swap3A_180] {strides = array<i32>} : memref<80xi32, #tpu.memory_space<vmem>>, vector<16xi32>,
    %swap3A_182 = vector.shape_cast %swap3A_181 : vector<16xi32> to vector<16xi32>
    %swap3A_183 = vector.shape_cast %shift_right_logical3A_179 : vector<16xi32> to vector<16xi32>
    tpu.vector_store %arg11[%swap3A_180], %swap3A_183 {strides = array<i32>} : memref<80xi32, #tpu.memory_space<vmem>>, vector<16xi32>,
    %and3A_184 = arith.constant 16383 : i32
    %and3A_185 = vector.broadcast %and3A_184 : i32 to vector<16xi32>
    %and3A_186 = arith.andi %get3A_176, %and3A_185 : vector<16xi32>
    %swap3A_187 = arith.constant 64 : index
    %swap3A_188 = tpu.vector_load %arg14[%swap3A_187] {strides = array<i32>} : memref<80xi32, #tpu.memory_space<vmem>>, vector<16xi32>,
    %swap3A_189 = vector.shape_cast %swap3A_188 : vector<16xi32> to vector<16xi32>
    %swap3A_190 = vector.shape_cast %and3A_186 : vector<16xi32> to vector<16xi32>
    tpu.vector_store %arg14[%swap3A_187], %swap3A_190 {strides = array<i32>} : memref<80xi32, #tpu.memory_space<vmem>>, vector<16xi32>,
    %dma_start3A_191 = arith.constant 0 : i32
    %dma_start3A_192 = arith.constant 0 : i32
    %dma_start3A_193 = tpu.memref_slice %arg2[%dma_start3A_191, %dma_start3A_192] : memref<10240x128xf32, #tpu.memory_space<hbm>> -> memref<10240x128xf32, #tpu.memory_space<hbm>>
    tpu.enqueue_indirect_dma source(%dma_start3A_193 : memref<10240x128xf32, #tpu.memory_space<hbm>>) target(%arg8 : memref<80x128xf32, #tpu.memory_space<vmem>>) offsets(%arg11 : memref<80xi32, #tpu.memory_space<vmem>>) semaphore(%arg18 : memref<!tpu.dma_semaphore, #tpu.memory_space<semaphore_mem>>)
    %get3A_194 = arith.constant 2 : i32
    %get3A_195 = arith.index_cast %get3A_194 : i32 to index
    %get3A_196 = arith.constant 0 : index
    %get3A_197 = tpu.vector_load %arg6[%get3A_195, %get3A_196] {strides = array<i32>} : memref<126x80xi32, #tpu.memory_space<vmem>>, vector<1x16xi32>,
    %get3A_198 = vector.shape_cast %get3A_197 : vector<1x16xi32> to vector<16xi32>
    %shift_right_logical3A_199 = arith.constant 14 : i32
    %shift_right_logical3A_200 = vector.broadcast %shift_right_logical3A_199 : i32 to vector<16xi32>
    %shift_right_logical3A_201 = arith.shrui %get3A_198, %shift_right_logical3A_200 : vector<16xi32>
    %swap3A_202 = arith.constant 0 : index
    %swap3A_203 = tpu.vector_load %arg12[%swap3A_202] {strides = array<i32>} : memref<80xi32, #tpu.memory_space<vmem>>, vector<16xi32>,
    %swap3A_204 = vector.shape_cast %swap3A_203 : vector<16xi32> to vector<16xi32>
    %swap3A_205 = vector.shape_cast %shift_right_logical3A_201 : vector<16xi32> to vector<16xi32>
    tpu.vector_store %arg12[%swap3A_202], %swap3A_205 {strides = array<i32>} : memref<80xi32, #tpu.memory_space<vmem>>, vector<16xi32>,
    %and3A_206 = arith.constant 16383 : i32
    %and3A_207 = vector.broadcast %and3A_206 : i32 to vector<16xi32>
    %and3A_208 = arith.andi %get3A_198, %and3A_207 : vector<16xi32>
    %swap3A_209 = arith.constant 0 : index
    %swap3A_210 = tpu.vector_load %arg15[%swap3A_209] {strides = array<i32>} : memref<80xi32, #tpu.memory_space<vmem>>, vector<16xi32>,
    %swap3A_211 = vector.shape_cast %swap3A_210 : vector<16xi32> to vector<16xi32>
    %swap3A_212 = vector.shape_cast %and3A_208 : vector<16xi32> to vector<16xi32>
    tpu.vector_store %arg15[%swap3A_209], %swap3A_212 {strides = array<i32>} : memref<80xi32, #tpu.memory_space<vmem>>, vector<16xi32>,
    %get3A_213 = arith.constant 2 : i32
    %get3A_214 = arith.index_cast %get3A_213 : i32 to index
    %get3A_215 = arith.constant 16 : index
    %get3A_216 = tpu.vector_load %arg6[%get3A_214, %get3A_215] {strides = array<i32>} : memref<126x80xi32, #tpu.memory_space<vmem>>, vector<1x16xi32>,
    %get3A_217 = vector.shape_cast %get3A_216 : vector<1x16xi32> to vector<16xi32>
    %shift_right_logical3A_218 = arith.constant 14 : i32
    %shift_right_logical3A_219 = vector.broadcast %shift_right_logical3A_218 : i32 to vector<16xi32>
    %shift_right_logical3A_220 = arith.shrui %get3A_217, %shift_right_logical3A_219 : vector<16xi32>
    %swap3A_221 = arith.constant 16 : index
    %swap3A_222 = tpu.vector_load %arg12[%swap3A_221] {strides = array<i32>} : memref<80xi32, #tpu.memory_space<vmem>>, vector<16xi32>,
    %swap3A_223 = vector.shape_cast %swap3A_222 : vector<16xi32> to vector<16xi32>
    %swap3A_224 = vector.shape_cast %shift_right_logical3A_220 : vector<16xi32> to vector<16xi32>
    tpu.vector_store %arg12[%swap3A_221], %swap3A_224 {strides = array<i32>} : memref<80xi32, #tpu.memory_space<vmem>>, vector<16xi32>,
    %and3A_225 = arith.constant 16383 : i32
    %and3A_226 = vector.broadcast %and3A_225 : i32 to vector<16xi32>
    %and3A_227 = arith.andi %get3A_217, %and3A_226 : vector<16xi32>
    %swap3A_228 = arith.constant 16 : index
    %swap3A_229 = tpu.vector_load %arg15[%swap3A_228] {strides = array<i32>} : memref<80xi32, #tpu.memory_space<vmem>>, vector<16xi32>,
    %swap3A_230 = vector.shape_cast %swap3A_229 : vector<16xi32> to vector<16xi32>
    %swap3A_231 = vector.shape_cast %and3A_227 : vector<16xi32> to vector<16xi32>
    tpu.vector_store %arg15[%swap3A_228], %swap3A_231 {strides = array<i32>} : memref<80xi32, #tpu.memory_space<vmem>>, vector<16xi32>,
    %get3A_232 = arith.constant 2 : i32
    %get3A_233 = arith.index_cast %get3A_232 : i32 to index
    %get3A_234 = arith.constant 32 : index
    %get3A_235 = tpu.vector_load %arg6[%get3A_233, %get3A_234] {strides = array<i32>} : memref<126x80xi32, #tpu.memory_space<vmem>>, vector<1x16xi32>,
    %get3A_236 = vector.shape_cast %get3A_235 : vector<1x16xi32> to vector<16xi32>
    %shift_right_logical3A_237 = arith.constant 14 : i32
    %shift_right_logical3A_238 = vector.broadcast %shift_right_logical3A_237 : i32 to vector<16xi32>
    %shift_right_logical3A_239 = arith.shrui %get3A_236, %shift_right_logical3A_238 : vector<16xi32>
    %swap3A_240 = arith.constant 32 : index
    %swap3A_241 = tpu.vector_load %arg12[%swap3A_240] {strides = array<i32>} : memref<80xi32, #tpu.memory_space<vmem>>, vector<16xi32>,
    %swap3A_242 = vector.shape_cast %swap3A_241 : vector<16xi32> to vector<16xi32>
    %swap3A_243 = vector.shape_cast %shift_right_logical3A_239 : vector<16xi32> to vector<16xi32>
    tpu.vector_store %arg12[%swap3A_240], %swap3A_243 {strides = array<i32>} : memref<80xi32, #tpu.memory_space<vmem>>, vector<16xi32>,
    %and3A_244 = arith.constant 16383 : i32
    %and3A_245 = vector.broadcast %and3A_244 : i32 to vector<16xi32>
    %and3A_246 = arith.andi %get3A_236, %and3A_245 : vector<16xi32>
    %swap3A_247 = arith.constant 32 : index
    %swap3A_248 = tpu.vector_load %arg15[%swap3A_247] {strides = array<i32>} : memref<80xi32, #tpu.memory_space<vmem>>, vector<16xi32>,
    %swap3A_249 = vector.shape_cast %swap3A_248 : vector<16xi32> to vector<16xi32>
    %swap3A_250 = vector.shape_cast %and3A_246 : vector<16xi32> to vector<16xi32>
    tpu.vector_store %arg15[%swap3A_247], %swap3A_250 {strides = array<i32>} : memref<80xi32, #tpu.memory_space<vmem>>, vector<16xi32>,
    %get3A_251 = arith.constant 2 : i32
    %get3A_252 = arith.index_cast %get3A_251 : i32 to index
    %get3A_253 = arith.constant 48 : index
    %get3A_254 = tpu.vector_load %arg6[%get3A_252, %get3A_253] {strides = array<i32>} : memref<126x80xi32, #tpu.memory_space<vmem>>, vector<1x16xi32>,
    %get3A_255 = vector.shape_cast %get3A_254 : vector<1x16xi32> to vector<16xi32>
    %shift_right_logical3A_256 = arith.constant 14 : i32
    %shift_right_logical3A_257 = vector.broadcast %shift_right_logical3A_256 : i32 to vector<16xi32>
    %shift_right_logical3A_258 = arith.shrui %get3A_255, %shift_right_logical3A_257 : vector<16xi32>
    %swap3A_259 = arith.constant 48 : index
    %swap3A_260 = tpu.vector_load %arg12[%swap3A_259] {strides = array<i32>} : memref<80xi32, #tpu.memory_space<vmem>>, vector<16xi32>,
    %swap3A_261 = vector.shape_cast %swap3A_260 : vector<16xi32> to vector<16xi32>
    %swap3A_262 = vector.shape_cast %shift_right_logical3A_258 : vector<16xi32> to vector<16xi32>
    tpu.vector_store %arg12[%swap3A_259], %swap3A_262 {strides = array<i32>} : memref<80xi32, #tpu.memory_space<vmem>>, vector<16xi32>,
    %and3A_263 = arith.constant 16383 : i32
    %and3A_264 = vector.broadcast %and3A_263 : i32 to vector<16xi32>
    %and3A_265 = arith.andi %get3A_255, %and3A_264 : vector<16xi32>
    %swap3A_266 = arith.constant 48 : index
    %swap3A_267 = tpu.vector_load %arg15[%swap3A_266] {strides = array<i32>} : memref<80xi32, #tpu.memory_space<vmem>>, vector<16xi32>,
    %swap3A_268 = vector.shape_cast %swap3A_267 : vector<16xi32> to vector<16xi32>
    %swap3A_269 = vector.shape_cast %and3A_265 : vector<16xi32> to vector<16xi32>
    tpu.vector_store %arg15[%swap3A_266], %swap3A_269 {strides = array<i32>} : memref<80xi32, #tpu.memory_space<vmem>>, vector<16xi32>,
    %get3A_270 = arith.constant 2 : i32
    %get3A_271 = arith.index_cast %get3A_270 : i32 to index
    %get3A_272 = arith.constant 64 : index
    %get3A_273 = tpu.vector_load %arg6[%get3A_271, %get3A_272] {strides = array<i32>} : memref<126x80xi32, #tpu.memory_space<vmem>>, vector<1x16xi32>,
    %get3A_274 = vector.shape_cast %get3A_273 : vector<1x16xi32> to vector<16xi32>
    %shift_right_logical3A_275 = arith.constant 14 : i32
    %shift_right_logical3A_276 = vector.broadcast %shift_right_logical3A_275 : i32 to vector<16xi32>
    %shift_right_logical3A_277 = arith.shrui %get3A_274, %shift_right_logical3A_276 : vector<16xi32>
    %swap3A_278 = arith.constant 64 : index
    %swap3A_279 = tpu.vector_load %arg12[%swap3A_278] {strides = array<i32>} : memref<80xi32, #tpu.memory_space<vmem>>, vector<16xi32>,
    %swap3A_280 = vector.shape_cast %swap3A_279 : vector<16xi32> to vector<16xi32>
    %swap3A_281 = vector.shape_cast %shift_right_logical3A_277 : vector<16xi32> to vector<16xi32>
    tpu.vector_store %arg12[%swap3A_278], %swap3A_281 {strides = array<i32>} : memref<80xi32, #tpu.memory_space<vmem>>, vector<16xi32>,
    %and3A_282 = arith.constant 16383 : i32
    %and3A_283 = vector.broadcast %and3A_282 : i32 to vector<16xi32>
    %and3A_284 = arith.andi %get3A_274, %and3A_283 : vector<16xi32>
    %swap3A_285 = arith.constant 64 : index
    %swap3A_286 = tpu.vector_load %arg15[%swap3A_285] {strides = array<i32>} : memref<80xi32, #tpu.memory_space<vmem>>, vector<16xi32>,
    %swap3A_287 = vector.shape_cast %swap3A_286 : vector<16xi32> to vector<16xi32>
    %swap3A_288 = vector.shape_cast %and3A_284 : vector<16xi32> to vector<16xi32>
    tpu.vector_store %arg15[%swap3A_285], %swap3A_288 {strides = array<i32>} : memref<80xi32, #tpu.memory_space<vmem>>, vector<16xi32>,
    %dma_start3A_289 = arith.constant 0 : i32
    %dma_start3A_290 = arith.constant 0 : i32
    %dma_start3A_291 = tpu.memref_slice %arg2[%dma_start3A_289, %dma_start3A_290] : memref<10240x128xf32, #tpu.memory_space<hbm>> -> memref<10240x128xf32, #tpu.memory_space<hbm>>
    tpu.enqueue_indirect_dma source(%dma_start3A_291 : memref<10240x128xf32, #tpu.memory_space<hbm>>) target(%arg9 : memref<80x128xf32, #tpu.memory_space<vmem>>) offsets(%arg12 : memref<80xi32, #tpu.memory_space<vmem>>) semaphore(%arg19 : memref<!tpu.dma_semaphore, #tpu.memory_space<semaphore_mem>>)
    %scan3A = arith.constant 0 : i32
    %scan3A_292 = arith.constant 0 : i32
    %scan3A_293 = arith.constant 41 : i32
    %scan3A_294 = arith.addi %scan3A_292, %scan3A_293 : i32
    %scan3A_295 = arith.constant 1 : i32
    %scan3A_296 = scf.for %scan3A_312 = %scan3A_292 to %scan3A_294 step %scan3A_295 iter_args(%scan3A_313 = %scan3A) -> (i32)  : i32 {
      %mul3A_314 = arith.constant 3 : i32
      %mul3A_315 = arith.muli %scan3A_312, %mul3A_314 : i32
      %dma_wait3A_316 = arith.constant 0 : i32
      %dma_wait3A_317 = arith.constant 0 : i32
      %dma_wait3A_318 = tpu.memref_slice %arg2[%dma_wait3A_316, %dma_wait3A_317] : memref<10240x128xf32, #tpu.memory_space<hbm>> -> memref<10240x128xf32, #tpu.memory_space<hbm>>
      tpu.wait_indirect_dma semaphore(%arg17 : memref<!tpu.dma_semaphore, #tpu.memory_space<semaphore_mem>>) src(%dma_wait3A_318 : memref<10240x128xf32, #tpu.memory_space<hbm>>) dst(%arg7 : memref<80x128xf32, #tpu.memory_space<vmem>>)
      "tpu.region"() ({
        %run_scoped3A = tpu.sem_alloc : memref<!tpu.dma_semaphore, #tpu.memory_space<semaphore_mem>>
        %dma_start3A_617 = arith.constant 0 : i32
        %dma_start3A_618 = arith.constant 0 : i32
        %dma_start3A_619 = tpu.memref_slice %arg16[%dma_start3A_617, %dma_start3A_618] : memref<10240x128xf32, #tpu.memory_space<vmem_shared>> -> memref<10240x128xf32, #tpu.memory_space<vmem_shared>>
        tpu.enqueue_indirect_dma source(%arg7 : memref<80x128xf32, #tpu.memory_space<vmem>>) target(%dma_start3A_619 : memref<10240x128xf32, #tpu.memory_space<vmem_shared>>) offsets(%arg13 : memref<80xi32, #tpu.memory_space<vmem>>) semaphore(%run_scoped3A : memref<!tpu.dma_semaphore, #tpu.memory_space<semaphore_mem>>) {add = true}
        %dma_wait3A_620 = arith.constant 0 : i32
        %dma_wait3A_621 = arith.constant 0 : i32
        %dma_wait3A_622 = tpu.memref_slice %arg16[%dma_wait3A_620, %dma_wait3A_621] : memref<10240x128xf32, #tpu.memory_space<vmem_shared>> -> memref<10240x128xf32, #tpu.memory_space<vmem_shared>>
        tpu.wait_indirect_dma semaphore(%run_scoped3A : memref<!tpu.dma_semaphore, #tpu.memory_space<semaphore_mem>>) src(%arg7 : memref<80x128xf32, #tpu.memory_space<vmem>>) dst(%dma_wait3A_622 : memref<10240x128xf32, #tpu.memory_space<vmem_shared>>)
        tpu.yield
      }) : () -> ()
      %add3A_319 = arith.constant 0 : i32
      %add3A_320 = arith.addi %mul3A_315, %add3A_319 : i32
      %add3A_321 = arith.constant 3 : i32
      %add3A_322 = arith.addi %add3A_320, %add3A_321 : i32
      %get3A_323 = arith.index_cast %add3A_322 : i32 to index
      %get3A_324 = arith.constant 0 : index
      %get3A_325 = tpu.vector_load %arg6[%get3A_323, %get3A_324] {strides = array<i32>} : memref<126x80xi32, #tpu.memory_space<vmem>>, vector<1x16xi32>,
      %get3A_326 = vector.shape_cast %get3A_325 : vector<1x16xi32> to vector<16xi32>
      %shift_right_logical3A_327 = arith.constant 14 : i32
      %shift_right_logical3A_328 = vector.broadcast %shift_right_logical3A_327 : i32 to vector<16xi32>
      %shift_right_logical3A_329 = arith.shrui %get3A_326, %shift_right_logical3A_328 : vector<16xi32>
      %swap3A_330 = arith.constant 0 : index
      %swap3A_331 = tpu.vector_load %arg10[%swap3A_330] {strides = array<i32>} : memref<80xi32, #tpu.memory_space<vmem>>, vector<16xi32>,
      %swap3A_332 = vector.shape_cast %swap3A_331 : vector<16xi32> to vector<16xi32>
      %swap3A_333 = vector.shape_cast %shift_right_logical3A_329 : vector<16xi32> to vector<16xi32>
      tpu.vector_store %arg10[%swap3A_330], %swap3A_333 {strides = array<i32>} : memref<80xi32, #tpu.memory_space<vmem>>, vector<16xi32>,
      %and3A_334 = arith.constant 16383 : i32
      %and3A_335 = vector.broadcast %and3A_334 : i32 to vector<16xi32>
      %and3A_336 = arith.andi %get3A_326, %and3A_335 : vector<16xi32>
      %swap3A_337 = arith.constant 0 : index
      %swap3A_338 = tpu.vector_load %arg13[%swap3A_337] {strides = array<i32>} : memref<80xi32, #tpu.memory_space<vmem>>, vector<16xi32>,
      %swap3A_339 = vector.shape_cast %swap3A_338 : vector<16xi32> to vector<16xi32>
      %swap3A_340 = vector.shape_cast %and3A_336 : vector<16xi32> to vector<16xi32>
      tpu.vector_store %arg13[%swap3A_337], %swap3A_340 {strides = array<i32>} : memref<80xi32, #tpu.memory_space<vmem>>, vector<16xi32>,
      %get3A_341 = arith.index_cast %add3A_322 : i32 to index
      %get3A_342 = arith.constant 16 : index
      %get3A_343 = tpu.vector_load %arg6[%get3A_341, %get3A_342] {strides = array<i32>} : memref<126x80xi32, #tpu.memory_space<vmem>>, vector<1x16xi32>,
      %get3A_344 = vector.shape_cast %get3A_343 : vector<1x16xi32> to vector<16xi32>
      %shift_right_logical3A_345 = arith.constant 14 : i32
      %shift_right_logical3A_346 = vector.broadcast %shift_right_logical3A_345 : i32 to vector<16xi32>
      %shift_right_logical3A_347 = arith.shrui %get3A_344, %shift_right_logical3A_346 : vector<16xi32>
      %swap3A_348 = arith.constant 16 : index
      %swap3A_349 = tpu.vector_load %arg10[%swap3A_348] {strides = array<i32>} : memref<80xi32, #tpu.memory_space<vmem>>, vector<16xi32>,
      %swap3A_350 = vector.shape_cast %swap3A_349 : vector<16xi32> to vector<16xi32>
      %swap3A_351 = vector.shape_cast %shift_right_logical3A_347 : vector<16xi32> to vector<16xi32>
      tpu.vector_store %arg10[%swap3A_348], %swap3A_351 {strides = array<i32>} : memref<80xi32, #tpu.memory_space<vmem>>, vector<16xi32>,
      %and3A_352 = arith.constant 16383 : i32
      %and3A_353 = vector.broadcast %and3A_352 : i32 to vector<16xi32>
      %and3A_354 = arith.andi %get3A_344, %and3A_353 : vector<16xi32>
      %swap3A_355 = arith.constant 16 : index
      %swap3A_356 = tpu.vector_load %arg13[%swap3A_355] {strides = array<i32>} : memref<80xi32, #tpu.memory_space<vmem>>, vector<16xi32>,
      %swap3A_357 = vector.shape_cast %swap3A_356 : vector<16xi32> to vector<16xi32>
      %swap3A_358 = vector.shape_cast %and3A_354 : vector<16xi32> to vector<16xi32>
      tpu.vector_store %arg13[%swap3A_355], %swap3A_358 {strides = array<i32>} : memref<80xi32, #tpu.memory_space<vmem>>, vector<16xi32>,
      %get3A_359 = arith.index_cast %add3A_322 : i32 to index
      %get3A_360 = arith.constant 32 : index
      %get3A_361 = tpu.vector_load %arg6[%get3A_359, %get3A_360] {strides = array<i32>} : memref<126x80xi32, #tpu.memory_space<vmem>>, vector<1x16xi32>,
      %get3A_362 = vector.shape_cast %get3A_361 : vector<1x16xi32> to vector<16xi32>
      %shift_right_logical3A_363 = arith.constant 14 : i32
      %shift_right_logical3A_364 = vector.broadcast %shift_right_logical3A_363 : i32 to vector<16xi32>
      %shift_right_logical3A_365 = arith.shrui %get3A_362, %shift_right_logical3A_364 : vector<16xi32>
      %swap3A_366 = arith.constant 32 : index
      %swap3A_367 = tpu.vector_load %arg10[%swap3A_366] {strides = array<i32>} : memref<80xi32, #tpu.memory_space<vmem>>, vector<16xi32>,
      %swap3A_368 = vector.shape_cast %swap3A_367 : vector<16xi32> to vector<16xi32>
      %swap3A_369 = vector.shape_cast %shift_right_logical3A_365 : vector<16xi32> to vector<16xi32>
      tpu.vector_store %arg10[%swap3A_366], %swap3A_369 {strides = array<i32>} : memref<80xi32, #tpu.memory_space<vmem>>, vector<16xi32>,
      %and3A_370 = arith.constant 16383 : i32
      %and3A_371 = vector.broadcast %and3A_370 : i32 to vector<16xi32>
      %and3A_372 = arith.andi %get3A_362, %and3A_371 : vector<16xi32>
      %swap3A_373 = arith.constant 32 : index
      %swap3A_374 = tpu.vector_load %arg13[%swap3A_373] {strides = array<i32>} : memref<80xi32, #tpu.memory_space<vmem>>, vector<16xi32>,
      %swap3A_375 = vector.shape_cast %swap3A_374 : vector<16xi32> to vector<16xi32>
      %swap3A_376 = vector.shape_cast %and3A_372 : vector<16xi32> to vector<16xi32>
      tpu.vector_store %arg13[%swap3A_373], %swap3A_376 {strides = array<i32>} : memref<80xi32, #tpu.memory_space<vmem>>, vector<16xi32>,
      %get3A_377 = arith.index_cast %add3A_322 : i32 to index
      %get3A_378 = arith.constant 48 : index
      %get3A_379 = tpu.vector_load %arg6[%get3A_377, %get3A_378] {strides = array<i32>} : memref<126x80xi32, #tpu.memory_space<vmem>>, vector<1x16xi32>,
      %get3A_380 = vector.shape_cast %get3A_379 : vector<1x16xi32> to vector<16xi32>
      %shift_right_logical3A_381 = arith.constant 14 : i32
      %shift_right_logical3A_382 = vector.broadcast %shift_right_logical3A_381 : i32 to vector<16xi32>
      %shift_right_logical3A_383 = arith.shrui %get3A_380, %shift_right_logical3A_382 : vector<16xi32>
      %swap3A_384 = arith.constant 48 : index
      %swap3A_385 = tpu.vector_load %arg10[%swap3A_384] {strides = array<i32>} : memref<80xi32, #tpu.memory_space<vmem>>, vector<16xi32>,
      %swap3A_386 = vector.shape_cast %swap3A_385 : vector<16xi32> to vector<16xi32>
      %swap3A_387 = vector.shape_cast %shift_right_logical3A_383 : vector<16xi32> to vector<16xi32>
      tpu.vector_store %arg10[%swap3A_384], %swap3A_387 {strides = array<i32>} : memref<80xi32, #tpu.memory_space<vmem>>, vector<16xi32>,
      %and3A_388 = arith.constant 16383 : i32
      %and3A_389 = vector.broadcast %and3A_388 : i32 to vector<16xi32>
      %and3A_390 = arith.andi %get3A_380, %and3A_389 : vector<16xi32>
      %swap3A_391 = arith.constant 48 : index
      %swap3A_392 = tpu.vector_load %arg13[%swap3A_391] {strides = array<i32>} : memref<80xi32, #tpu.memory_space<vmem>>, vector<16xi32>,
      %swap3A_393 = vector.shape_cast %swap3A_392 : vector<16xi32> to vector<16xi32>
      %swap3A_394 = vector.shape_cast %and3A_390 : vector<16xi32> to vector<16xi32>
      tpu.vector_store %arg13[%swap3A_391], %swap3A_394 {strides = array<i32>} : memref<80xi32, #tpu.memory_space<vmem>>, vector<16xi32>,
      %get3A_395 = arith.index_cast %add3A_322 : i32 to index
      %get3A_396 = arith.constant 64 : index
      %get3A_397 = tpu.vector_load %arg6[%get3A_395, %get3A_396] {strides = array<i32>} : memref<126x80xi32, #tpu.memory_space<vmem>>, vector<1x16xi32>,
      %get3A_398 = vector.shape_cast %get3A_397 : vector<1x16xi32> to vector<16xi32>
      %shift_right_logical3A_399 = arith.constant 14 : i32
      %shift_right_logical3A_400 = vector.broadcast %shift_right_logical3A_399 : i32 to vector<16xi32>
      %shift_right_logical3A_401 = arith.shrui %get3A_398, %shift_right_logical3A_400 : vector<16xi32>
      %swap3A_402 = arith.constant 64 : index
      %swap3A_403 = tpu.vector_load %arg10[%swap3A_402] {strides = array<i32>} : memref<80xi32, #tpu.memory_space<vmem>>, vector<16xi32>,
      %swap3A_404 = vector.shape_cast %swap3A_403 : vector<16xi32> to vector<16xi32>
      %swap3A_405 = vector.shape_cast %shift_right_logical3A_401 : vector<16xi32> to vector<16xi32>
      tpu.vector_store %arg10[%swap3A_402], %swap3A_405 {strides = array<i32>} : memref<80xi32, #tpu.memory_space<vmem>>, vector<16xi32>,
      %and3A_406 = arith.constant 16383 : i32
      %and3A_407 = vector.broadcast %and3A_406 : i32 to vector<16xi32>
      %and3A_408 = arith.andi %get3A_398, %and3A_407 : vector<16xi32>
      %swap3A_409 = arith.constant 64 : index
      %swap3A_410 = tpu.vector_load %arg13[%swap3A_409] {strides = array<i32>} : memref<80xi32, #tpu.memory_space<vmem>>, vector<16xi32>,
      %swap3A_411 = vector.shape_cast %swap3A_410 : vector<16xi32> to vector<16xi32>
      %swap3A_412 = vector.shape_cast %and3A_408 : vector<16xi32> to vector<16xi32>
      tpu.vector_store %arg13[%swap3A_409], %swap3A_412 {strides = array<i32>} : memref<80xi32, #tpu.memory_space<vmem>>, vector<16xi32>,
      %dma_start3A_413 = arith.constant 0 : i32
      %dma_start3A_414 = arith.constant 0 : i32
      %dma_start3A_415 = tpu.memref_slice %arg2[%dma_start3A_413, %dma_start3A_414] : memref<10240x128xf32, #tpu.memory_space<hbm>> -> memref<10240x128xf32, #tpu.memory_space<hbm>>
      tpu.enqueue_indirect_dma source(%dma_start3A_415 : memref<10240x128xf32, #tpu.memory_space<hbm>>) target(%arg7 : memref<80x128xf32, #tpu.memory_space<vmem>>) offsets(%arg10 : memref<80xi32, #tpu.memory_space<vmem>>) semaphore(%arg17 : memref<!tpu.dma_semaphore, #tpu.memory_space<semaphore_mem>>)
      %dma_wait3A_416 = arith.constant 0 : i32
      %dma_wait3A_417 = arith.constant 0 : i32
      %dma_wait3A_418 = tpu.memref_slice %arg2[%dma_wait3A_416, %dma_wait3A_417] : memref<10240x128xf32, #tpu.memory_space<hbm>> -> memref<10240x128xf32, #tpu.memory_space<hbm>>
      tpu.wait_indirect_dma semaphore(%arg18 : memref<!tpu.dma_semaphore, #tpu.memory_space<semaphore_mem>>) src(%dma_wait3A_418 : memref<10240x128xf32, #tpu.memory_space<hbm>>) dst(%arg8 : memref<80x128xf32, #tpu.memory_space<vmem>>)
      "tpu.region"() ({
        %run_scoped3A = tpu.sem_alloc : memref<!tpu.dma_semaphore, #tpu.memory_space<semaphore_mem>>
        %dma_start3A_617 = arith.constant 0 : i32
        %dma_start3A_618 = arith.constant 0 : i32
        %dma_start3A_619 = tpu.memref_slice %arg16[%dma_start3A_617, %dma_start3A_618] : memref<10240x128xf32, #tpu.memory_space<vmem_shared>> -> memref<10240x128xf32, #tpu.memory_space<vmem_shared>>
        tpu.enqueue_indirect_dma source(%arg8 : memref<80x128xf32, #tpu.memory_space<vmem>>) target(%dma_start3A_619 : memref<10240x128xf32, #tpu.memory_space<vmem_shared>>) offsets(%arg14 : memref<80xi32, #tpu.memory_space<vmem>>) semaphore(%run_scoped3A : memref<!tpu.dma_semaphore, #tpu.memory_space<semaphore_mem>>) {add = true}
        %dma_wait3A_620 = arith.constant 0 : i32
        %dma_wait3A_621 = arith.constant 0 : i32
        %dma_wait3A_622 = tpu.memref_slice %arg16[%dma_wait3A_620, %dma_wait3A_621] : memref<10240x128xf32, #tpu.memory_space<vmem_shared>> -> memref<10240x128xf32, #tpu.memory_space<vmem_shared>>
        tpu.wait_indirect_dma semaphore(%run_scoped3A : memref<!tpu.dma_semaphore, #tpu.memory_space<semaphore_mem>>) src(%arg8 : memref<80x128xf32, #tpu.memory_space<vmem>>) dst(%dma_wait3A_622 : memref<10240x128xf32, #tpu.memory_space<vmem_shared>>)
        tpu.yield
      }) : () -> ()
      %add3A_419 = arith.constant 1 : i32
      %add3A_420 = arith.addi %mul3A_315, %add3A_419 : i32
      %add3A_421 = arith.constant 3 : i32
      %add3A_422 = arith.addi %add3A_420, %add3A_421 : i32
      %get3A_423 = arith.index_cast %add3A_422 : i32 to index
      %get3A_424 = arith.constant 0 : index
      %get3A_425 = tpu.vector_load %arg6[%get3A_423, %get3A_424] {strides = array<i32>} : memref<126x80xi32, #tpu.memory_space<vmem>>, vector<1x16xi32>,
      %get3A_426 = vector.shape_cast %get3A_425 : vector<1x16xi32> to vector<16xi32>
      %shift_right_logical3A_427 = arith.constant 14 : i32
      %shift_right_logical3A_428 = vector.broadcast %shift_right_logical3A_427 : i32 to vector<16xi32>
      %shift_right_logical3A_429 = arith.shrui %get3A_426, %shift_right_logical3A_428 : vector<16xi32>
      %swap3A_430 = arith.constant 0 : index
      %swap3A_431 = tpu.vector_load %arg11[%swap3A_430] {strides = array<i32>} : memref<80xi32, #tpu.memory_space<vmem>>, vector<16xi32>,
      %swap3A_432 = vector.shape_cast %swap3A_431 : vector<16xi32> to vector<16xi32>
      %swap3A_433 = vector.shape_cast %shift_right_logical3A_429 : vector<16xi32> to vector<16xi32>
      tpu.vector_store %arg11[%swap3A_430], %swap3A_433 {strides = array<i32>} : memref<80xi32, #tpu.memory_space<vmem>>, vector<16xi32>,
      %and3A_434 = arith.constant 16383 : i32
      %and3A_435 = vector.broadcast %and3A_434 : i32 to vector<16xi32>
      %and3A_436 = arith.andi %get3A_426, %and3A_435 : vector<16xi32>
      %swap3A_437 = arith.constant 0 : index
      %swap3A_438 = tpu.vector_load %arg14[%swap3A_437] {strides = array<i32>} : memref<80xi32, #tpu.memory_space<vmem>>, vector<16xi32>,
      %swap3A_439 = vector.shape_cast %swap3A_438 : vector<16xi32> to vector<16xi32>
      %swap3A_440 = vector.shape_cast %and3A_436 : vector<16xi32> to vector<16xi32>
      tpu.vector_store %arg14[%swap3A_437], %swap3A_440 {strides = array<i32>} : memref<80xi32, #tpu.memory_space<vmem>>, vector<16xi32>,
      %get3A_441 = arith.index_cast %add3A_422 : i32 to index
      %get3A_442 = arith.constant 16 : index
      %get3A_443 = tpu.vector_load %arg6[%get3A_441, %get3A_442] {strides = array<i32>} : memref<126x80xi32, #tpu.memory_space<vmem>>, vector<1x16xi32>,
      %get3A_444 = vector.shape_cast %get3A_443 : vector<1x16xi32> to vector<16xi32>
      %shift_right_logical3A_445 = arith.constant 14 : i32
      %shift_right_logical3A_446 = vector.broadcast %shift_right_logical3A_445 : i32 to vector<16xi32>
      %shift_right_logical3A_447 = arith.shrui %get3A_444, %shift_right_logical3A_446 : vector<16xi32>
      %swap3A_448 = arith.constant 16 : index
      %swap3A_449 = tpu.vector_load %arg11[%swap3A_448] {strides = array<i32>} : memref<80xi32, #tpu.memory_space<vmem>>, vector<16xi32>,
      %swap3A_450 = vector.shape_cast %swap3A_449 : vector<16xi32> to vector<16xi32>
      %swap3A_451 = vector.shape_cast %shift_right_logical3A_447 : vector<16xi32> to vector<16xi32>
      tpu.vector_store %arg11[%swap3A_448], %swap3A_451 {strides = array<i32>} : memref<80xi32, #tpu.memory_space<vmem>>, vector<16xi32>,
      %and3A_452 = arith.constant 16383 : i32
      %and3A_453 = vector.broadcast %and3A_452 : i32 to vector<16xi32>
      %and3A_454 = arith.andi %get3A_444, %and3A_453 : vector<16xi32>
      %swap3A_455 = arith.constant 16 : index
      %swap3A_456 = tpu.vector_load %arg14[%swap3A_455] {strides = array<i32>} : memref<80xi32, #tpu.memory_space<vmem>>, vector<16xi32>,
      %swap3A_457 = vector.shape_cast %swap3A_456 : vector<16xi32> to vector<16xi32>
      %swap3A_458 = vector.shape_cast %and3A_454 : vector<16xi32> to vector<16xi32>
      tpu.vector_store %arg14[%swap3A_455], %swap3A_458 {strides = array<i32>} : memref<80xi32, #tpu.memory_space<vmem>>, vector<16xi32>,
      %get3A_459 = arith.index_cast %add3A_422 : i32 to index
      %get3A_460 = arith.constant 32 : index
      %get3A_461 = tpu.vector_load %arg6[%get3A_459, %get3A_460] {strides = array<i32>} : memref<126x80xi32, #tpu.memory_space<vmem>>, vector<1x16xi32>,
      %get3A_462 = vector.shape_cast %get3A_461 : vector<1x16xi32> to vector<16xi32>
      %shift_right_logical3A_463 = arith.constant 14 : i32
      %shift_right_logical3A_464 = vector.broadcast %shift_right_logical3A_463 : i32 to vector<16xi32>
      %shift_right_logical3A_465 = arith.shrui %get3A_462, %shift_right_logical3A_464 : vector<16xi32>
      %swap3A_466 = arith.constant 32 : index
      %swap3A_467 = tpu.vector_load %arg11[%swap3A_466] {strides = array<i32>} : memref<80xi32, #tpu.memory_space<vmem>>, vector<16xi32>,
      %swap3A_468 = vector.shape_cast %swap3A_467 : vector<16xi32> to vector<16xi32>
      %swap3A_469 = vector.shape_cast %shift_right_logical3A_465 : vector<16xi32> to vector<16xi32>
      tpu.vector_store %arg11[%swap3A_466], %swap3A_469 {strides = array<i32>} : memref<80xi32, #tpu.memory_space<vmem>>, vector<16xi32>,
      %and3A_470 = arith.constant 16383 : i32
      %and3A_471 = vector.broadcast %and3A_470 : i32 to vector<16xi32>
      %and3A_472 = arith.andi %get3A_462, %and3A_471 : vector<16xi32>
      %swap3A_473 = arith.constant 32 : index
      %swap3A_474 = tpu.vector_load %arg14[%swap3A_473] {strides = array<i32>} : memref<80xi32, #tpu.memory_space<vmem>>, vector<16xi32>,
      %swap3A_475 = vector.shape_cast %swap3A_474 : vector<16xi32> to vector<16xi32>
      %swap3A_476 = vector.shape_cast %and3A_472 : vector<16xi32> to vector<16xi32>
      tpu.vector_store %arg14[%swap3A_473], %swap3A_476 {strides = array<i32>} : memref<80xi32, #tpu.memory_space<vmem>>, vector<16xi32>,
      %get3A_477 = arith.index_cast %add3A_422 : i32 to index
      %get3A_478 = arith.constant 48 : index
      %get3A_479 = tpu.vector_load %arg6[%get3A_477, %get3A_478] {strides = array<i32>} : memref<126x80xi32, #tpu.memory_space<vmem>>, vector<1x16xi32>,
      %get3A_480 = vector.shape_cast %get3A_479 : vector<1x16xi32> to vector<16xi32>
      %shift_right_logical3A_481 = arith.constant 14 : i32
      %shift_right_logical3A_482 = vector.broadcast %shift_right_logical3A_481 : i32 to vector<16xi32>
      %shift_right_logical3A_483 = arith.shrui %get3A_480, %shift_right_logical3A_482 : vector<16xi32>
      %swap3A_484 = arith.constant 48 : index
      %swap3A_485 = tpu.vector_load %arg11[%swap3A_484] {strides = array<i32>} : memref<80xi32, #tpu.memory_space<vmem>>, vector<16xi32>,
      %swap3A_486 = vector.shape_cast %swap3A_485 : vector<16xi32> to vector<16xi32>
      %swap3A_487 = vector.shape_cast %shift_right_logical3A_483 : vector<16xi32> to vector<16xi32>
      tpu.vector_store %arg11[%swap3A_484], %swap3A_487 {strides = array<i32>} : memref<80xi32, #tpu.memory_space<vmem>>, vector<16xi32>,
      %and3A_488 = arith.constant 16383 : i32
      %and3A_489 = vector.broadcast %and3A_488 : i32 to vector<16xi32>
      %and3A_490 = arith.andi %get3A_480, %and3A_489 : vector<16xi32>
      %swap3A_491 = arith.constant 48 : index
      %swap3A_492 = tpu.vector_load %arg14[%swap3A_491] {strides = array<i32>} : memref<80xi32, #tpu.memory_space<vmem>>, vector<16xi32>,
      %swap3A_493 = vector.shape_cast %swap3A_492 : vector<16xi32> to vector<16xi32>
      %swap3A_494 = vector.shape_cast %and3A_490 : vector<16xi32> to vector<16xi32>
      tpu.vector_store %arg14[%swap3A_491], %swap3A_494 {strides = array<i32>} : memref<80xi32, #tpu.memory_space<vmem>>, vector<16xi32>,
      %get3A_495 = arith.index_cast %add3A_422 : i32 to index
      %get3A_496 = arith.constant 64 : index
      %get3A_497 = tpu.vector_load %arg6[%get3A_495, %get3A_496] {strides = array<i32>} : memref<126x80xi32, #tpu.memory_space<vmem>>, vector<1x16xi32>,
      %get3A_498 = vector.shape_cast %get3A_497 : vector<1x16xi32> to vector<16xi32>
      %shift_right_logical3A_499 = arith.constant 14 : i32
      %shift_right_logical3A_500 = vector.broadcast %shift_right_logical3A_499 : i32 to vector<16xi32>
      %shift_right_logical3A_501 = arith.shrui %get3A_498, %shift_right_logical3A_500 : vector<16xi32>
      %swap3A_502 = arith.constant 64 : index
      %swap3A_503 = tpu.vector_load %arg11[%swap3A_502] {strides = array<i32>} : memref<80xi32, #tpu.memory_space<vmem>>, vector<16xi32>,
      %swap3A_504 = vector.shape_cast %swap3A_503 : vector<16xi32> to vector<16xi32>
      %swap3A_505 = vector.shape_cast %shift_right_logical3A_501 : vector<16xi32> to vector<16xi32>
      tpu.vector_store %arg11[%swap3A_502], %swap3A_505 {strides = array<i32>} : memref<80xi32, #tpu.memory_space<vmem>>, vector<16xi32>,
      %and3A_506 = arith.constant 16383 : i32
      %and3A_507 = vector.broadcast %and3A_506 : i32 to vector<16xi32>
      %and3A_508 = arith.andi %get3A_498, %and3A_507 : vector<16xi32>
      %swap3A_509 = arith.constant 64 : index
      %swap3A_510 = tpu.vector_load %arg14[%swap3A_509] {strides = array<i32>} : memref<80xi32, #tpu.memory_space<vmem>>, vector<16xi32>,
      %swap3A_511 = vector.shape_cast %swap3A_510 : vector<16xi32> to vector<16xi32>
      %swap3A_512 = vector.shape_cast %and3A_508 : vector<16xi32> to vector<16xi32>
      tpu.vector_store %arg14[%swap3A_509], %swap3A_512 {strides = array<i32>} : memref<80xi32, #tpu.memory_space<vmem>>, vector<16xi32>,
      %dma_start3A_513 = arith.constant 0 : i32
      %dma_start3A_514 = arith.constant 0 : i32
      %dma_start3A_515 = tpu.memref_slice %arg2[%dma_start3A_513, %dma_start3A_514] : memref<10240x128xf32, #tpu.memory_space<hbm>> -> memref<10240x128xf32, #tpu.memory_space<hbm>>
      tpu.enqueue_indirect_dma source(%dma_start3A_515 : memref<10240x128xf32, #tpu.memory_space<hbm>>) target(%arg8 : memref<80x128xf32, #tpu.memory_space<vmem>>) offsets(%arg11 : memref<80xi32, #tpu.memory_space<vmem>>) semaphore(%arg18 : memref<!tpu.dma_semaphore, #tpu.memory_space<semaphore_mem>>)
      %dma_wait3A_516 = arith.constant 0 : i32
      %dma_wait3A_517 = arith.constant 0 : i32
      %dma_wait3A_518 = tpu.memref_slice %arg2[%dma_wait3A_516, %dma_wait3A_517] : memref<10240x128xf32, #tpu.memory_space<hbm>> -> memref<10240x128xf32, #tpu.memory_space<hbm>>
      tpu.wait_indirect_dma semaphore(%arg19 : memref<!tpu.dma_semaphore, #tpu.memory_space<semaphore_mem>>) src(%dma_wait3A_518 : memref<10240x128xf32, #tpu.memory_space<hbm>>) dst(%arg9 : memref<80x128xf32, #tpu.memory_space<vmem>>)
      "tpu.region"() ({
        %run_scoped3A = tpu.sem_alloc : memref<!tpu.dma_semaphore, #tpu.memory_space<semaphore_mem>>
        %dma_start3A_617 = arith.constant 0 : i32
        %dma_start3A_618 = arith.constant 0 : i32
        %dma_start3A_619 = tpu.memref_slice %arg16[%dma_start3A_617, %dma_start3A_618] : memref<10240x128xf32, #tpu.memory_space<vmem_shared>> -> memref<10240x128xf32, #tpu.memory_space<vmem_shared>>
        tpu.enqueue_indirect_dma source(%arg9 : memref<80x128xf32, #tpu.memory_space<vmem>>) target(%dma_start3A_619 : memref<10240x128xf32, #tpu.memory_space<vmem_shared>>) offsets(%arg15 : memref<80xi32, #tpu.memory_space<vmem>>) semaphore(%run_scoped3A : memref<!tpu.dma_semaphore, #tpu.memory_space<semaphore_mem>>) {add = true}
        %dma_wait3A_620 = arith.constant 0 : i32
        %dma_wait3A_621 = arith.constant 0 : i32
        %dma_wait3A_622 = tpu.memref_slice %arg16[%dma_wait3A_620, %dma_wait3A_621] : memref<10240x128xf32, #tpu.memory_space<vmem_shared>> -> memref<10240x128xf32, #tpu.memory_space<vmem_shared>>
        tpu.wait_indirect_dma semaphore(%run_scoped3A : memref<!tpu.dma_semaphore, #tpu.memory_space<semaphore_mem>>) src(%arg9 : memref<80x128xf32, #tpu.memory_space<vmem>>) dst(%dma_wait3A_622 : memref<10240x128xf32, #tpu.memory_space<vmem_shared>>)
        tpu.yield
      }) : () -> ()
      %add3A_519 = arith.constant 2 : i32
      %add3A_520 = arith.addi %mul3A_315, %add3A_519 : i32
      %add3A_521 = arith.constant 3 : i32
      %add3A_522 = arith.addi %add3A_520, %add3A_521 : i32
      %get3A_523 = arith.index_cast %add3A_522 : i32 to index
      %get3A_524 = arith.constant 0 : index
      %get3A_525 = tpu.vector_load %arg6[%get3A_523, %get3A_524] {strides = array<i32>} : memref<126x80xi32, #tpu.memory_space<vmem>>, vector<1x16xi32>,
      %get3A_526 = vector.shape_cast %get3A_525 : vector<1x16xi32> to vector<16xi32>
      %shift_right_logical3A_527 = arith.constant 14 : i32
      %shift_right_logical3A_528 = vector.broadcast %shift_right_logical3A_527 : i32 to vector<16xi32>
      %shift_right_logical3A_529 = arith.shrui %get3A_526, %shift_right_logical3A_528 : vector<16xi32>
      %swap3A_530 = arith.constant 0 : index
      %swap3A_531 = tpu.vector_load %arg12[%swap3A_530] {strides = array<i32>} : memref<80xi32, #tpu.memory_space<vmem>>, vector<16xi32>,
      %swap3A_532 = vector.shape_cast %swap3A_531 : vector<16xi32> to vector<16xi32>
      %swap3A_533 = vector.shape_cast %shift_right_logical3A_529 : vector<16xi32> to vector<16xi32>
      tpu.vector_store %arg12[%swap3A_530], %swap3A_533 {strides = array<i32>} : memref<80xi32, #tpu.memory_space<vmem>>, vector<16xi32>,
      %and3A_534 = arith.constant 16383 : i32
      %and3A_535 = vector.broadcast %and3A_534 : i32 to vector<16xi32>
      %and3A_536 = arith.andi %get3A_526, %and3A_535 : vector<16xi32>
      %swap3A_537 = arith.constant 0 : index
      %swap3A_538 = tpu.vector_load %arg15[%swap3A_537] {strides = array<i32>} : memref<80xi32, #tpu.memory_space<vmem>>, vector<16xi32>,
      %swap3A_539 = vector.shape_cast %swap3A_538 : vector<16xi32> to vector<16xi32>
      %swap3A_540 = vector.shape_cast %and3A_536 : vector<16xi32> to vector<16xi32>
      tpu.vector_store %arg15[%swap3A_537], %swap3A_540 {strides = array<i32>} : memref<80xi32, #tpu.memory_space<vmem>>, vector<16xi32>,
      %get3A_541 = arith.index_cast %add3A_522 : i32 to index
      %get3A_542 = arith.constant 16 : index
      %get3A_543 = tpu.vector_load %arg6[%get3A_541, %get3A_542] {strides = array<i32>} : memref<126x80xi32, #tpu.memory_space<vmem>>, vector<1x16xi32>,
      %get3A_544 = vector.shape_cast %get3A_543 : vector<1x16xi32> to vector<16xi32>
      %shift_right_logical3A_545 = arith.constant 14 : i32
      %shift_right_logical3A_546 = vector.broadcast %shift_right_logical3A_545 : i32 to vector<16xi32>
      %shift_right_logical3A_547 = arith.shrui %get3A_544, %shift_right_logical3A_546 : vector<16xi32>
      %swap3A_548 = arith.constant 16 : index
      %swap3A_549 = tpu.vector_load %arg12[%swap3A_548] {strides = array<i32>} : memref<80xi32, #tpu.memory_space<vmem>>, vector<16xi32>,
      %swap3A_550 = vector.shape_cast %swap3A_549 : vector<16xi32> to vector<16xi32>
      %swap3A_551 = vector.shape_cast %shift_right_logical3A_547 : vector<16xi32> to vector<16xi32>
      tpu.vector_store %arg12[%swap3A_548], %swap3A_551 {strides = array<i32>} : memref<80xi32, #tpu.memory_space<vmem>>, vector<16xi32>,
      %and3A_552 = arith.constant 16383 : i32
      %and3A_553 = vector.broadcast %and3A_552 : i32 to vector<16xi32>
      %and3A_554 = arith.andi %get3A_544, %and3A_553 : vector<16xi32>
      %swap3A_555 = arith.constant 16 : index
      %swap3A_556 = tpu.vector_load %arg15[%swap3A_555] {strides = array<i32>} : memref<80xi32, #tpu.memory_space<vmem>>, vector<16xi32>,
      %swap3A_557 = vector.shape_cast %swap3A_556 : vector<16xi32> to vector<16xi32>
      %swap3A_558 = vector.shape_cast %and3A_554 : vector<16xi32> to vector<16xi32>
      tpu.vector_store %arg15[%swap3A_555], %swap3A_558 {strides = array<i32>} : memref<80xi32, #tpu.memory_space<vmem>>, vector<16xi32>,
      %get3A_559 = arith.index_cast %add3A_522 : i32 to index
      %get3A_560 = arith.constant 32 : index
      %get3A_561 = tpu.vector_load %arg6[%get3A_559, %get3A_560] {strides = array<i32>} : memref<126x80xi32, #tpu.memory_space<vmem>>, vector<1x16xi32>,
      %get3A_562 = vector.shape_cast %get3A_561 : vector<1x16xi32> to vector<16xi32>
      %shift_right_logical3A_563 = arith.constant 14 : i32
      %shift_right_logical3A_564 = vector.broadcast %shift_right_logical3A_563 : i32 to vector<16xi32>
      %shift_right_logical3A_565 = arith.shrui %get3A_562, %shift_right_logical3A_564 : vector<16xi32>
      %swap3A_566 = arith.constant 32 : index
      %swap3A_567 = tpu.vector_load %arg12[%swap3A_566] {strides = array<i32>} : memref<80xi32, #tpu.memory_space<vmem>>, vector<16xi32>,
      %swap3A_568 = vector.shape_cast %swap3A_567 : vector<16xi32> to vector<16xi32>
      %swap3A_569 = vector.shape_cast %shift_right_logical3A_565 : vector<16xi32> to vector<16xi32>
      tpu.vector_store %arg12[%swap3A_566], %swap3A_569 {strides = array<i32>} : memref<80xi32, #tpu.memory_space<vmem>>, vector<16xi32>,
      %and3A_570 = arith.constant 16383 : i32
      %and3A_571 = vector.broadcast %and3A_570 : i32 to vector<16xi32>
      %and3A_572 = arith.andi %get3A_562, %and3A_571 : vector<16xi32>
      %swap3A_573 = arith.constant 32 : index
      %swap3A_574 = tpu.vector_load %arg15[%swap3A_573] {strides = array<i32>} : memref<80xi32, #tpu.memory_space<vmem>>, vector<16xi32>,
      %swap3A_575 = vector.shape_cast %swap3A_574 : vector<16xi32> to vector<16xi32>
      %swap3A_576 = vector.shape_cast %and3A_572 : vector<16xi32> to vector<16xi32>
      tpu.vector_store %arg15[%swap3A_573], %swap3A_576 {strides = array<i32>} : memref<80xi32, #tpu.memory_space<vmem>>, vector<16xi32>,
      %get3A_577 = arith.index_cast %add3A_522 : i32 to index
      %get3A_578 = arith.constant 48 : index
      %get3A_579 = tpu.vector_load %arg6[%get3A_577, %get3A_578] {strides = array<i32>} : memref<126x80xi32, #tpu.memory_space<vmem>>, vector<1x16xi32>,
      %get3A_580 = vector.shape_cast %get3A_579 : vector<1x16xi32> to vector<16xi32>
      %shift_right_logical3A_581 = arith.constant 14 : i32
      %shift_right_logical3A_582 = vector.broadcast %shift_right_logical3A_581 : i32 to vector<16xi32>
      %shift_right_logical3A_583 = arith.shrui %get3A_580, %shift_right_logical3A_582 : vector<16xi32>
      %swap3A_584 = arith.constant 48 : index
      %swap3A_585 = tpu.vector_load %arg12[%swap3A_584] {strides = array<i32>} : memref<80xi32, #tpu.memory_space<vmem>>, vector<16xi32>,
      %swap3A_586 = vector.shape_cast %swap3A_585 : vector<16xi32> to vector<16xi32>
      %swap3A_587 = vector.shape_cast %shift_right_logical3A_583 : vector<16xi32> to vector<16xi32>
      tpu.vector_store %arg12[%swap3A_584], %swap3A_587 {strides = array<i32>} : memref<80xi32, #tpu.memory_space<vmem>>, vector<16xi32>,
      %and3A_588 = arith.constant 16383 : i32
      %and3A_589 = vector.broadcast %and3A_588 : i32 to vector<16xi32>
      %and3A_590 = arith.andi %get3A_580, %and3A_589 : vector<16xi32>
      %swap3A_591 = arith.constant 48 : index
      %swap3A_592 = tpu.vector_load %arg15[%swap3A_591] {strides = array<i32>} : memref<80xi32, #tpu.memory_space<vmem>>, vector<16xi32>,
      %swap3A_593 = vector.shape_cast %swap3A_592 : vector<16xi32> to vector<16xi32>
      %swap3A_594 = vector.shape_cast %and3A_590 : vector<16xi32> to vector<16xi32>
      tpu.vector_store %arg15[%swap3A_591], %swap3A_594 {strides = array<i32>} : memref<80xi32, #tpu.memory_space<vmem>>, vector<16xi32>,
      %get3A_595 = arith.index_cast %add3A_522 : i32 to index
      %get3A_596 = arith.constant 64 : index
      %get3A_597 = tpu.vector_load %arg6[%get3A_595, %get3A_596] {strides = array<i32>} : memref<126x80xi32, #tpu.memory_space<vmem>>, vector<1x16xi32>,
      %get3A_598 = vector.shape_cast %get3A_597 : vector<1x16xi32> to vector<16xi32>
      %shift_right_logical3A_599 = arith.constant 14 : i32
      %shift_right_logical3A_600 = vector.broadcast %shift_right_logical3A_599 : i32 to vector<16xi32>
      %shift_right_logical3A_601 = arith.shrui %get3A_598, %shift_right_logical3A_600 : vector<16xi32>
      %swap3A_602 = arith.constant 64 : index
      %swap3A_603 = tpu.vector_load %arg12[%swap3A_602] {strides = array<i32>} : memref<80xi32, #tpu.memory_space<vmem>>, vector<16xi32>,
      %swap3A_604 = vector.shape_cast %swap3A_603 : vector<16xi32> to vector<16xi32>
      %swap3A_605 = vector.shape_cast %shift_right_logical3A_601 : vector<16xi32> to vector<16xi32>
      tpu.vector_store %arg12[%swap3A_602], %swap3A_605 {strides = array<i32>} : memref<80xi32, #tpu.memory_space<vmem>>, vector<16xi32>,
      %and3A_606 = arith.constant 16383 : i32
      %and3A_607 = vector.broadcast %and3A_606 : i32 to vector<16xi32>
      %and3A_608 = arith.andi %get3A_598, %and3A_607 : vector<16xi32>
      %swap3A_609 = arith.constant 64 : index
      %swap3A_610 = tpu.vector_load %arg15[%swap3A_609] {strides = array<i32>} : memref<80xi32, #tpu.memory_space<vmem>>, vector<16xi32>,
      %swap3A_611 = vector.shape_cast %swap3A_610 : vector<16xi32> to vector<16xi32>
      %swap3A_612 = vector.shape_cast %and3A_608 : vector<16xi32> to vector<16xi32>
      tpu.vector_store %arg15[%swap3A_609], %swap3A_612 {strides = array<i32>} : memref<80xi32, #tpu.memory_space<vmem>>, vector<16xi32>,
      %dma_start3A_613 = arith.constant 0 : i32
      %dma_start3A_614 = arith.constant 0 : i32
      %dma_start3A_615 = tpu.memref_slice %arg2[%dma_start3A_613, %dma_start3A_614] : memref<10240x128xf32, #tpu.memory_space<hbm>> -> memref<10240x128xf32, #tpu.memory_space<hbm>>
      tpu.enqueue_indirect_dma source(%dma_start3A_615 : memref<10240x128xf32, #tpu.memory_space<hbm>>) target(%arg9 : memref<80x128xf32, #tpu.memory_space<vmem>>) offsets(%arg12 : memref<80xi32, #tpu.memory_space<vmem>>) semaphore(%arg19 : memref<!tpu.dma_semaphore, #tpu.memory_space<semaphore_mem>>)
      %scan3A_616 = arith.constant 0 : i32
      scf.yield %scan3A_616 : i32
    }
    %scan3A_297 = arith.constant 41 : i32
    %dma_wait3A = arith.constant 0 : i32
    %dma_wait3A_298 = arith.constant 0 : i32
    %dma_wait3A_299 = tpu.memref_slice %arg2[%dma_wait3A, %dma_wait3A_298] : memref<10240x128xf32, #tpu.memory_space<hbm>> -> memref<10240x128xf32, #tpu.memory_space<hbm>>
    tpu.wait_indirect_dma semaphore(%arg17 : memref<!tpu.dma_semaphore, #tpu.memory_space<semaphore_mem>>) src(%dma_wait3A_299 : memref<10240x128xf32, #tpu.memory_space<hbm>>) dst(%arg7 : memref<80x128xf32, #tpu.memory_space<vmem>>)
    "tpu.region"() ({
      %run_scoped3A = tpu.sem_alloc : memref<!tpu.dma_semaphore, #tpu.memory_space<semaphore_mem>>
      %dma_start3A_312 = arith.constant 0 : i32
      %dma_start3A_313 = arith.constant 0 : i32
      %dma_start3A_314 = tpu.memref_slice %arg16[%dma_start3A_312, %dma_start3A_313] : memref<10240x128xf32, #tpu.memory_space<vmem_shared>> -> memref<10240x128xf32, #tpu.memory_space<vmem_shared>>
      tpu.enqueue_indirect_dma source(%arg7 : memref<80x128xf32, #tpu.memory_space<vmem>>) target(%dma_start3A_314 : memref<10240x128xf32, #tpu.memory_space<vmem_shared>>) offsets(%arg13 : memref<80xi32, #tpu.memory_space<vmem>>) semaphore(%run_scoped3A : memref<!tpu.dma_semaphore, #tpu.memory_space<semaphore_mem>>) {add = true}
      %dma_wait3A_315 = arith.constant 0 : i32
      %dma_wait3A_316 = arith.constant 0 : i32
      %dma_wait3A_317 = tpu.memref_slice %arg16[%dma_wait3A_315, %dma_wait3A_316] : memref<10240x128xf32, #tpu.memory_space<vmem_shared>> -> memref<10240x128xf32, #tpu.memory_space<vmem_shared>>
      tpu.wait_indirect_dma semaphore(%run_scoped3A : memref<!tpu.dma_semaphore, #tpu.memory_space<semaphore_mem>>) src(%arg7 : memref<80x128xf32, #tpu.memory_space<vmem>>) dst(%dma_wait3A_317 : memref<10240x128xf32, #tpu.memory_space<vmem_shared>>)
      tpu.yield
    }) : () -> ()
    %dma_wait3A_300 = arith.constant 0 : i32
    %dma_wait3A_301 = arith.constant 0 : i32
    %dma_wait3A_302 = tpu.memref_slice %arg2[%dma_wait3A_300, %dma_wait3A_301] : memref<10240x128xf32, #tpu.memory_space<hbm>> -> memref<10240x128xf32, #tpu.memory_space<hbm>>
    tpu.wait_indirect_dma semaphore(%arg18 : memref<!tpu.dma_semaphore, #tpu.memory_space<semaphore_mem>>) src(%dma_wait3A_302 : memref<10240x128xf32, #tpu.memory_space<hbm>>) dst(%arg8 : memref<80x128xf32, #tpu.memory_space<vmem>>)
    "tpu.region"() ({
      %run_scoped3A = tpu.sem_alloc : memref<!tpu.dma_semaphore, #tpu.memory_space<semaphore_mem>>
      %dma_start3A_312 = arith.constant 0 : i32
      %dma_start3A_313 = arith.constant 0 : i32
      %dma_start3A_314 = tpu.memref_slice %arg16[%dma_start3A_312, %dma_start3A_313] : memref<10240x128xf32, #tpu.memory_space<vmem_shared>> -> memref<10240x128xf32, #tpu.memory_space<vmem_shared>>
      tpu.enqueue_indirect_dma source(%arg8 : memref<80x128xf32, #tpu.memory_space<vmem>>) target(%dma_start3A_314 : memref<10240x128xf32, #tpu.memory_space<vmem_shared>>) offsets(%arg14 : memref<80xi32, #tpu.memory_space<vmem>>) semaphore(%run_scoped3A : memref<!tpu.dma_semaphore, #tpu.memory_space<semaphore_mem>>) {add = true}
      %dma_wait3A_315 = arith.constant 0 : i32
      %dma_wait3A_316 = arith.constant 0 : i32
      %dma_wait3A_317 = tpu.memref_slice %arg16[%dma_wait3A_315, %dma_wait3A_316] : memref<10240x128xf32, #tpu.memory_space<vmem_shared>> -> memref<10240x128xf32, #tpu.memory_space<vmem_shared>>
      tpu.wait_indirect_dma semaphore(%run_scoped3A : memref<!tpu.dma_semaphore, #tpu.memory_space<semaphore_mem>>) src(%arg8 : memref<80x128xf32, #tpu.memory_space<vmem>>) dst(%dma_wait3A_317 : memref<10240x128xf32, #tpu.memory_space<vmem_shared>>)
      tpu.yield
    }) : () -> ()
    %dma_wait3A_303 = arith.constant 0 : i32
    %dma_wait3A_304 = arith.constant 0 : i32
    %dma_wait3A_305 = tpu.memref_slice %arg2[%dma_wait3A_303, %dma_wait3A_304] : memref<10240x128xf32, #tpu.memory_space<hbm>> -> memref<10240x128xf32, #tpu.memory_space<hbm>>
    tpu.wait_indirect_dma semaphore(%arg19 : memref<!tpu.dma_semaphore, #tpu.memory_space<semaphore_mem>>) src(%dma_wait3A_305 : memref<10240x128xf32, #tpu.memory_space<hbm>>) dst(%arg9 : memref<80x128xf32, #tpu.memory_space<vmem>>)
    "tpu.region"() ({
      %run_scoped3A = tpu.sem_alloc : memref<!tpu.dma_semaphore, #tpu.memory_space<semaphore_mem>>
      %dma_start3A_312 = arith.constant 0 : i32
      %dma_start3A_313 = arith.constant 0 : i32
      %dma_start3A_314 = tpu.memref_slice %arg16[%dma_start3A_312, %dma_start3A_313] : memref<10240x128xf32, #tpu.memory_space<vmem_shared>> -> memref<10240x128xf32, #tpu.memory_space<vmem_shared>>
      tpu.enqueue_indirect_dma source(%arg9 : memref<80x128xf32, #tpu.memory_space<vmem>>) target(%dma_start3A_314 : memref<10240x128xf32, #tpu.memory_space<vmem_shared>>) offsets(%arg15 : memref<80xi32, #tpu.memory_space<vmem>>) semaphore(%run_scoped3A : memref<!tpu.dma_semaphore, #tpu.memory_space<semaphore_mem>>) {add = true}
      %dma_wait3A_315 = arith.constant 0 : i32
      %dma_wait3A_316 = arith.constant 0 : i32
      %dma_wait3A_317 = tpu.memref_slice %arg16[%dma_wait3A_315, %dma_wait3A_316] : memref<10240x128xf32, #tpu.memory_space<vmem_shared>> -> memref<10240x128xf32, #tpu.memory_space<vmem_shared>>
      tpu.wait_indirect_dma semaphore(%run_scoped3A : memref<!tpu.dma_semaphore, #tpu.memory_space<semaphore_mem>>) src(%arg9 : memref<80x128xf32, #tpu.memory_space<vmem>>) dst(%dma_wait3A_317 : memref<10240x128xf32, #tpu.memory_space<vmem_shared>>)
      tpu.yield
    }) : () -> ()
    %barrier3A_306 = arith.constant 0 : index
    tpu.barrier barrier_id(%barrier3A_306)
    %eq3A_307 = arith.constant 0 : i32
    %eq3A_308 = arith.cmpi eq, %arg1, %eq3A_307 : i32
    %convert_element_type3A_309 = arith.extui %eq3A_308 : i1 to i32
    %cond3A_310 = arith.constant 0 : i32
    %cond3A_311 = arith.cmpi ne, %convert_element_type3A_309, %cond3A_310 : i32
    scf.if %cond3A_311 {
      "tpu.region"() ({
        %run_scoped3A = tpu.sem_alloc : memref<!tpu.dma_semaphore, #tpu.memory_space<semaphore_mem>>
        %dma_start3A_312 = arith.constant 0 : i32
        %dma_start3A_313 = arith.constant 0 : i32
        %dma_start3A_314 = tpu.memref_slice %arg5[%arg0, %dma_start3A_312, %dma_start3A_313] : memref<2x10240x128xf32, #tpu.memory_space<hbm>> -> memref<1x10240x128xf32, #tpu.memory_space<hbm>>
        %dma_start3A_315 = tpu.memref_squeeze %dma_start3A_314 : memref<1x10240x128xf32, #tpu.memory_space<hbm>> -> memref<10240x128xf32, #tpu.memory_space<hbm>>
        tpu.enqueue_dma source(%arg16 : memref<10240x128xf32, #tpu.memory_space<vmem_shared>>) target(%dma_start3A_315 : memref<10240x128xf32, #tpu.memory_space<hbm>>) target_semaphore(%run_scoped3A : memref<!tpu.dma_semaphore, #tpu.memory_space<semaphore_mem>>)
        %dma_wait3A_316 = arith.constant 0 : i32
        %dma_wait3A_317 = arith.constant 0 : i32
        %dma_wait3A_318 = tpu.memref_slice %arg5[%arg0, %dma_wait3A_316, %dma_wait3A_317] : memref<2x10240x128xf32, #tpu.memory_space<hbm>> -> memref<1x10240x128xf32, #tpu.memory_space<hbm>>
        %dma_wait3A_319 = tpu.memref_squeeze %dma_wait3A_318 : memref<1x10240x128xf32, #tpu.memory_space<hbm>> -> memref<10240x128xf32, #tpu.memory_space<hbm>>
        tpu.wait_dma2 semaphore(%run_scoped3A : memref<!tpu.dma_semaphore, #tpu.memory_space<semaphore_mem>>) src(%arg16 : memref<10240x128xf32, #tpu.memory_space<vmem_shared>>) dst(%dma_wait3A_319 : memref<10240x128xf32, #tpu.memory_space<hbm>>)
        tpu.yield
      }) : () -> ()
    } else {
    }
    return
  }
}

#map = affine_map<(d0, d1) -> (0, 0)>
#map1 = affine_map<(d0, d1) -> (0, 0, 0)>
module attributes {stable_mosaic.version = 14 : i64} {
  func.func @scat_kernel(%arg0: i32, %arg1: i32, %arg2: memref<10240x128xf32, #tpu.memory_space<hbm>>, %arg3: memref<32x126x80xi32, #tpu.memory_space<hbm>>, %arg4: memref<10240x128xf32, #tpu.memory_space<hbm>>, %arg5: memref<2x10240x128xf32, #tpu.memory_space<hbm>>, %arg6: memref<126x80xi32, #tpu.memory_space<vmem>>, %arg7: memref<80x128xf32, #tpu.memory_space<vmem>>, %arg8: memref<80x128xf32, #tpu.memory_space<vmem>>, %arg9: memref<80x128xf32, #tpu.memory_space<vmem>>, %arg10: memref<80xi32, #tpu.memory_space<vmem>>, %arg11: memref<80xi32, #tpu.memory_space<vmem>>, %arg12: memref<80xi32, #tpu.memory_space<vmem>>, %arg13: memref<80xi32, #tpu.memory_space<vmem>>, %arg14: memref<80xi32, #tpu.memory_space<vmem>>, %arg15: memref<80xi32, #tpu.memory_space<vmem>>, %arg16: memref<10240x128xf32, #tpu.memory_space<vmem_shared>>, %arg17: memref<!tpu.dma_semaphore, #tpu.memory_space<semaphore_mem>>, %arg18: memref<!tpu.dma_semaphore, #tpu.memory_space<semaphore_mem>>, %arg19: memref<!tpu.dma_semaphore, #tpu.memory_space<semaphore_mem>>) attributes {dimension_semantics = [#tpu.dimension_semantics<core_parallel>, #tpu.dimension_semantics<subcore_parallel>], iteration_bounds = array<i64: 2, 16>, scalar_prefetch = 0 : i64, scratch_operands = 14 : i64, tpu.core_type = #tpu.core_type<sc_vector_subcore>, window_params = [{transform_indices = #map}, {transform_indices = #map1}, {transform_indices = #map}, {transform_indices = #map1}]} {
    %mul3A = arith.constant 2 : i32
    %mul3A_0 = arith.muli %arg1, %mul3A : i32
    %add3A = arith.addi %mul3A_0, %arg0 : i32
    "tpu.region"() ({
      %run_scoped3A = tpu.sem_alloc : memref<!tpu.dma_semaphore, #tpu.memory_space<semaphore_mem>>
      %dma_start3A_312 = arith.constant 0 : i32
      %dma_start3A_313 = arith.constant 0 : i32
      %dma_start3A_314 = tpu.memref_slice %arg3[%add3A, %dma_start3A_312, %dma_start3A_313] : memref<32x126x80xi32, #tpu.memory_space<hbm>> -> memref<1x126x80xi32, #tpu.memory_space<hbm>>
      %dma_start3A_315 = tpu.memref_squeeze %dma_start3A_314 : memref<1x126x80xi32, #tpu.memory_space<hbm>> -> memref<126x80xi32, #tpu.memory_space<hbm>>
      %dma_start3A_316 = arith.constant 0 : i32
      %dma_start3A_317 = arith.constant 0 : i32
      %dma_start3A_318 = tpu.memref_slice %arg3[%add3A, %dma_start3A_316, %dma_start3A_317] : memref<32x126x80xi32, #tpu.memory_space<hbm>> -> memref<1x126x80xi32, #tpu.memory_space<hbm>>
      %dma_start3A_319 = tpu.memref_squeeze %dma_start3A_318 : memref<1x126x80xi32, #tpu.memory_space<hbm>> -> memref<126x80xi32, #tpu.memory_space<hbm>>
      tpu.enqueue_dma source(%dma_start3A_319 : memref<126x80xi32, #tpu.memory_space<hbm>>) target(%arg6 : memref<126x80xi32, #tpu.memory_space<vmem>>) target_semaphore(%run_scoped3A : memref<!tpu.dma_semaphore, #tpu.memory_space<semaphore_mem>>)
      %dma_wait3A_320 = arith.constant 0 : i32
      %dma_wait3A_321 = arith.constant 0 : i32
      %dma_wait3A_322 = tpu.memref_slice %arg3[%add3A, %dma_wait3A_320, %dma_wait3A_321] : memref<32x126x80xi32, #tpu.memory_space<hbm>> -> memref<1x126x80xi32, #tpu.memory_space<hbm>>
      %dma_wait3A_323 = tpu.memref_squeeze %dma_wait3A_322 : memref<1x126x80xi32, #tpu.memory_space<hbm>> -> memref<126x80xi32, #tpu.memory_space<hbm>>
      %dma_wait3A_324 = arith.constant 0 : i32
      %dma_wait3A_325 = arith.constant 0 : i32
      %dma_wait3A_326 = tpu.memref_slice %arg3[%add3A, %dma_wait3A_324, %dma_wait3A_325] : memref<32x126x80xi32, #tpu.memory_space<hbm>> -> memref<1x126x80xi32, #tpu.memory_space<hbm>>
      %dma_wait3A_327 = tpu.memref_squeeze %dma_wait3A_326 : memref<1x126x80xi32, #tpu.memory_space<hbm>> -> memref<126x80xi32, #tpu.memory_space<hbm>>
      tpu.wait_dma2 semaphore(%run_scoped3A : memref<!tpu.dma_semaphore, #tpu.memory_space<semaphore_mem>>) src(%dma_wait3A_327 : memref<126x80xi32, #tpu.memory_space<hbm>>) dst(%arg6 : memref<126x80xi32, #tpu.memory_space<vmem>>)
      tpu.yield
    }) : () -> ()
    %eq3A = arith.constant 0 : i32
    %eq3A_1 = arith.cmpi eq, %arg1, %eq3A : i32
    %convert_element_type3A = arith.extui %eq3A_1 : i1 to i32
    %cond3A = arith.constant 0 : i32
    %cond3A_2 = arith.cmpi ne, %convert_element_type3A, %cond3A : i32
    scf.if %cond3A_2 {
      "tpu.region"() ({
        %run_scoped3A = tpu.sem_alloc : memref<!tpu.dma_semaphore, #tpu.memory_space<semaphore_mem>>
        tpu.enqueue_dma source(%arg4 : memref<10240x128xf32, #tpu.memory_space<hbm>>) target(%arg16 : memref<10240x128xf32, #tpu.memory_space<vmem_shared>>) target_semaphore(%run_scoped3A : memref<!tpu.dma_semaphore, #tpu.memory_space<semaphore_mem>>)
        tpu.wait_dma2 semaphore(%run_scoped3A : memref<!tpu.dma_semaphore, #tpu.memory_space<semaphore_mem>>) src(%arg4 : memref<10240x128xf32, #tpu.memory_space<hbm>>) dst(%arg16 : memref<10240x128xf32, #tpu.memory_space<vmem_shared>>)
        tpu.yield
      }) : () -> ()
    } else {
    }
    %barrier3A = arith.constant 0 : index
    tpu.barrier barrier_id(%barrier3A)
    %get3A = arith.constant 0 : i32
    %get3A_3 = arith.index_cast %get3A : i32 to index
    %get3A_4 = arith.constant 0 : index
    %get3A_5 = tpu.vector_load %arg6[%get3A_3, %get3A_4] {strides = array<i32>} : memref<126x80xi32, #tpu.memory_space<vmem>>, vector<1x16xi32>,
    %get3A_6 = vector.shape_cast %get3A_5 : vector<1x16xi32> to vector<16xi32>
    %shift_right_logical3A = arith.constant 14 : i32
    %shift_right_logical3A_7 = vector.broadcast %shift_right_logical3A : i32 to vector<16xi32>
    %shift_right_logical3A_8 = arith.shrui %get3A_6, %shift_right_logical3A_7 : vector<16xi32>
    %swap3A = arith.constant 0 : index
    %swap3A_9 = tpu.vector_load %arg10[%swap3A] {strides = array<i32>} : memref<80xi32, #tpu.memory_space<vmem>>, vector<16xi32>,
    %swap3A_10 = vector.shape_cast %swap3A_9 : vector<16xi32> to vector<16xi32>
    %swap3A_11 = vector.shape_cast %shift_right_logical3A_8 : vector<16xi32> to vector<16xi32>
    tpu.vector_store %arg10[%swap3A], %swap3A_11 {strides = array<i32>} : memref<80xi32, #tpu.memory_space<vmem>>, vector<16xi32>,
    %and3A = arith.constant 16383 : i32
    %and3A_12 = vector.broadcast %and3A : i32 to vector<16xi32>
    %and3A_13 = arith.andi %get3A_6, %and3A_12 : vector<16xi32>
    %swap3A_14 = arith.constant 0 : index
    %swap3A_15 = tpu.vector_load %arg13[%swap3A_14] {strides = array<i32>} : memref<80xi32, #tpu.memory_space<vmem>>, vector<16xi32>,
    %swap3A_16 = vector.shape_cast %swap3A_15 : vector<16xi32> to vector<16xi32>
    %swap3A_17 = vector.shape_cast %and3A_13 : vector<16xi32> to vector<16xi32>
    tpu.vector_store %arg13[%swap3A_14], %swap3A_17 {strides = array<i32>} : memref<80xi32, #tpu.memory_space<vmem>>, vector<16xi32>,
    %get3A_18 = arith.constant 0 : i32
    %get3A_19 = arith.index_cast %get3A_18 : i32 to index
    %get3A_20 = arith.constant 16 : index
    %get3A_21 = tpu.vector_load %arg6[%get3A_19, %get3A_20] {strides = array<i32>} : memref<126x80xi32, #tpu.memory_space<vmem>>, vector<1x16xi32>,
    %get3A_22 = vector.shape_cast %get3A_21 : vector<1x16xi32> to vector<16xi32>
    %shift_right_logical3A_23 = arith.constant 14 : i32
    %shift_right_logical3A_24 = vector.broadcast %shift_right_logical3A_23 : i32 to vector<16xi32>
    %shift_right_logical3A_25 = arith.shrui %get3A_22, %shift_right_logical3A_24 : vector<16xi32>
    %swap3A_26 = arith.constant 16 : index
    %swap3A_27 = tpu.vector_load %arg10[%swap3A_26] {strides = array<i32>} : memref<80xi32, #tpu.memory_space<vmem>>, vector<16xi32>,
    %swap3A_28 = vector.shape_cast %swap3A_27 : vector<16xi32> to vector<16xi32>
    %swap3A_29 = vector.shape_cast %shift_right_logical3A_25 : vector<16xi32> to vector<16xi32>
    tpu.vector_store %arg10[%swap3A_26], %swap3A_29 {strides = array<i32>} : memref<80xi32, #tpu.memory_space<vmem>>, vector<16xi32>,
    %and3A_30 = arith.constant 16383 : i32
    %and3A_31 = vector.broadcast %and3A_30 : i32 to vector<16xi32>
    %and3A_32 = arith.andi %get3A_22, %and3A_31 : vector<16xi32>
    %swap3A_33 = arith.constant 16 : index
    %swap3A_34 = tpu.vector_load %arg13[%swap3A_33] {strides = array<i32>} : memref<80xi32, #tpu.memory_space<vmem>>, vector<16xi32>,
    %swap3A_35 = vector.shape_cast %swap3A_34 : vector<16xi32> to vector<16xi32>
    %swap3A_36 = vector.shape_cast %and3A_32 : vector<16xi32> to vector<16xi32>
    tpu.vector_store %arg13[%swap3A_33], %swap3A_36 {strides = array<i32>} : memref<80xi32, #tpu.memory_space<vmem>>, vector<16xi32>,
    %get3A_37 = arith.constant 0 : i32
    %get3A_38 = arith.index_cast %get3A_37 : i32 to index
    %get3A_39 = arith.constant 32 : index
    %get3A_40 = tpu.vector_load %arg6[%get3A_38, %get3A_39] {strides = array<i32>} : memref<126x80xi32, #tpu.memory_space<vmem>>, vector<1x16xi32>,
    %get3A_41 = vector.shape_cast %get3A_40 : vector<1x16xi32> to vector<16xi32>
    %shift_right_logical3A_42 = arith.constant 14 : i32
    %shift_right_logical3A_43 = vector.broadcast %shift_right_logical3A_42 : i32 to vector<16xi32>
    %shift_right_logical3A_44 = arith.shrui %get3A_41, %shift_right_logical3A_43 : vector<16xi32>
    %swap3A_45 = arith.constant 32 : index
    %swap3A_46 = tpu.vector_load %arg10[%swap3A_45] {strides = array<i32>} : memref<80xi32, #tpu.memory_space<vmem>>, vector<16xi32>,
    %swap3A_47 = vector.shape_cast %swap3A_46 : vector<16xi32> to vector<16xi32>
    %swap3A_48 = vector.shape_cast %shift_right_logical3A_44 : vector<16xi32> to vector<16xi32>
    tpu.vector_store %arg10[%swap3A_45], %swap3A_48 {strides = array<i32>} : memref<80xi32, #tpu.memory_space<vmem>>, vector<16xi32>,
    %and3A_49 = arith.constant 16383 : i32
    %and3A_50 = vector.broadcast %and3A_49 : i32 to vector<16xi32>
    %and3A_51 = arith.andi %get3A_41, %and3A_50 : vector<16xi32>
    %swap3A_52 = arith.constant 32 : index
    %swap3A_53 = tpu.vector_load %arg13[%swap3A_52] {strides = array<i32>} : memref<80xi32, #tpu.memory_space<vmem>>, vector<16xi32>,
    %swap3A_54 = vector.shape_cast %swap3A_53 : vector<16xi32> to vector<16xi32>
    %swap3A_55 = vector.shape_cast %and3A_51 : vector<16xi32> to vector<16xi32>
    tpu.vector_store %arg13[%swap3A_52], %swap3A_55 {strides = array<i32>} : memref<80xi32, #tpu.memory_space<vmem>>, vector<16xi32>,
    %get3A_56 = arith.constant 0 : i32
    %get3A_57 = arith.index_cast %get3A_56 : i32 to index
    %get3A_58 = arith.constant 48 : index
    %get3A_59 = tpu.vector_load %arg6[%get3A_57, %get3A_58] {strides = array<i32>} : memref<126x80xi32, #tpu.memory_space<vmem>>, vector<1x16xi32>,
    %get3A_60 = vector.shape_cast %get3A_59 : vector<1x16xi32> to vector<16xi32>
    %shift_right_logical3A_61 = arith.constant 14 : i32
    %shift_right_logical3A_62 = vector.broadcast %shift_right_logical3A_61 : i32 to vector<16xi32>
    %shift_right_logical3A_63 = arith.shrui %get3A_60, %shift_right_logical3A_62 : vector<16xi32>
    %swap3A_64 = arith.constant 48 : index
    %swap3A_65 = tpu.vector_load %arg10[%swap3A_64] {strides = array<i32>} : memref<80xi32, #tpu.memory_space<vmem>>, vector<16xi32>,
    %swap3A_66 = vector.shape_cast %swap3A_65 : vector<16xi32> to vector<16xi32>
    %swap3A_67 = vector.shape_cast %shift_right_logical3A_63 : vector<16xi32> to vector<16xi32>
    tpu.vector_store %arg10[%swap3A_64], %swap3A_67 {strides = array<i32>} : memref<80xi32, #tpu.memory_space<vmem>>, vector<16xi32>,
    %and3A_68 = arith.constant 16383 : i32
    %and3A_69 = vector.broadcast %and3A_68 : i32 to vector<16xi32>
    %and3A_70 = arith.andi %get3A_60, %and3A_69 : vector<16xi32>
    %swap3A_71 = arith.constant 48 : index
    %swap3A_72 = tpu.vector_load %arg13[%swap3A_71] {strides = array<i32>} : memref<80xi32, #tpu.memory_space<vmem>>, vector<16xi32>,
    %swap3A_73 = vector.shape_cast %swap3A_72 : vector<16xi32> to vector<16xi32>
    %swap3A_74 = vector.shape_cast %and3A_70 : vector<16xi32> to vector<16xi32>
    tpu.vector_store %arg13[%swap3A_71], %swap3A_74 {strides = array<i32>} : memref<80xi32, #tpu.memory_space<vmem>>, vector<16xi32>,
    %get3A_75 = arith.constant 0 : i32
    %get3A_76 = arith.index_cast %get3A_75 : i32 to index
    %get3A_77 = arith.constant 64 : index
    %get3A_78 = tpu.vector_load %arg6[%get3A_76, %get3A_77] {strides = array<i32>} : memref<126x80xi32, #tpu.memory_space<vmem>>, vector<1x16xi32>,
    %get3A_79 = vector.shape_cast %get3A_78 : vector<1x16xi32> to vector<16xi32>
    %shift_right_logical3A_80 = arith.constant 14 : i32
    %shift_right_logical3A_81 = vector.broadcast %shift_right_logical3A_80 : i32 to vector<16xi32>
    %shift_right_logical3A_82 = arith.shrui %get3A_79, %shift_right_logical3A_81 : vector<16xi32>
    %swap3A_83 = arith.constant 64 : index
    %swap3A_84 = tpu.vector_load %arg10[%swap3A_83] {strides = array<i32>} : memref<80xi32, #tpu.memory_space<vmem>>, vector<16xi32>,
    %swap3A_85 = vector.shape_cast %swap3A_84 : vector<16xi32> to vector<16xi32>
    %swap3A_86 = vector.shape_cast %shift_right_logical3A_82 : vector<16xi32> to vector<16xi32>
    tpu.vector_store %arg10[%swap3A_83], %swap3A_86 {strides = array<i32>} : memref<80xi32, #tpu.memory_space<vmem>>, vector<16xi32>,
    %and3A_87 = arith.constant 16383 : i32
    %and3A_88 = vector.broadcast %and3A_87 : i32 to vector<16xi32>
    %and3A_89 = arith.andi %get3A_79, %and3A_88 : vector<16xi32>
    %swap3A_90 = arith.constant 64 : index
    %swap3A_91 = tpu.vector_load %arg13[%swap3A_90] {strides = array<i32>} : memref<80xi32, #tpu.memory_space<vmem>>, vector<16xi32>,
    %swap3A_92 = vector.shape_cast %swap3A_91 : vector<16xi32> to vector<16xi32>
    %swap3A_93 = vector.shape_cast %and3A_89 : vector<16xi32> to vector<16xi32>
    tpu.vector_store %arg13[%swap3A_90], %swap3A_93 {strides = array<i32>} : memref<80xi32, #tpu.memory_space<vmem>>, vector<16xi32>,
    %dma_start3A = arith.constant 0 : i32
    %dma_start3A_94 = arith.constant 0 : i32
    %dma_start3A_95 = tpu.memref_slice %arg2[%dma_start3A, %dma_start3A_94] : memref<10240x128xf32, #tpu.memory_space<hbm>> -> memref<10240x128xf32, #tpu.memory_space<hbm>>
    tpu.enqueue_indirect_dma source(%dma_start3A_95 : memref<10240x128xf32, #tpu.memory_space<hbm>>) target(%arg7 : memref<80x128xf32, #tpu.memory_space<vmem>>) offsets(%arg10 : memref<80xi32, #tpu.memory_space<vmem>>) semaphore(%arg17 : memref<!tpu.dma_semaphore, #tpu.memory_space<semaphore_mem>>)
    %get3A_96 = arith.constant 1 : i32
    %get3A_97 = arith.index_cast %get3A_96 : i32 to index
    %get3A_98 = arith.constant 0 : index
    %get3A_99 = tpu.vector_load %arg6[%get3A_97, %get3A_98] {strides = array<i32>} : memref<126x80xi32, #tpu.memory_space<vmem>>, vector<1x16xi32>,
    %get3A_100 = vector.shape_cast %get3A_99 : vector<1x16xi32> to vector<16xi32>
    %shift_right_logical3A_101 = arith.constant 14 : i32
    %shift_right_logical3A_102 = vector.broadcast %shift_right_logical3A_101 : i32 to vector<16xi32>
    %shift_right_logical3A_103 = arith.shrui %get3A_100, %shift_right_logical3A_102 : vector<16xi32>
    %swap3A_104 = arith.constant 0 : index
    %swap3A_105 = tpu.vector_load %arg11[%swap3A_104] {strides = array<i32>} : memref<80xi32, #tpu.memory_space<vmem>>, vector<16xi32>,
    %swap3A_106 = vector.shape_cast %swap3A_105 : vector<16xi32> to vector<16xi32>
    %swap3A_107 = vector.shape_cast %shift_right_logical3A_103 : vector<16xi32> to vector<16xi32>
    tpu.vector_store %arg11[%swap3A_104], %swap3A_107 {strides = array<i32>} : memref<80xi32, #tpu.memory_space<vmem>>, vector<16xi32>,
    %and3A_108 = arith.constant 16383 : i32
    %and3A_109 = vector.broadcast %and3A_108 : i32 to vector<16xi32>
    %and3A_110 = arith.andi %get3A_100, %and3A_109 : vector<16xi32>
    %swap3A_111 = arith.constant 0 : index
    %swap3A_112 = tpu.vector_load %arg14[%swap3A_111] {strides = array<i32>} : memref<80xi32, #tpu.memory_space<vmem>>, vector<16xi32>,
    %swap3A_113 = vector.shape_cast %swap3A_112 : vector<16xi32> to vector<16xi32>
    %swap3A_114 = vector.shape_cast %and3A_110 : vector<16xi32> to vector<16xi32>
    tpu.vector_store %arg14[%swap3A_111], %swap3A_114 {strides = array<i32>} : memref<80xi32, #tpu.memory_space<vmem>>, vector<16xi32>,
    %get3A_115 = arith.constant 1 : i32
    %get3A_116 = arith.index_cast %get3A_115 : i32 to index
    %get3A_117 = arith.constant 16 : index
    %get3A_118 = tpu.vector_load %arg6[%get3A_116, %get3A_117] {strides = array<i32>} : memref<126x80xi32, #tpu.memory_space<vmem>>, vector<1x16xi32>,
    %get3A_119 = vector.shape_cast %get3A_118 : vector<1x16xi32> to vector<16xi32>
    %shift_right_logical3A_120 = arith.constant 14 : i32
    %shift_right_logical3A_121 = vector.broadcast %shift_right_logical3A_120 : i32 to vector<16xi32>
    %shift_right_logical3A_122 = arith.shrui %get3A_119, %shift_right_logical3A_121 : vector<16xi32>
    %swap3A_123 = arith.constant 16 : index
    %swap3A_124 = tpu.vector_load %arg11[%swap3A_123] {strides = array<i32>} : memref<80xi32, #tpu.memory_space<vmem>>, vector<16xi32>,
    %swap3A_125 = vector.shape_cast %swap3A_124 : vector<16xi32> to vector<16xi32>
    %swap3A_126 = vector.shape_cast %shift_right_logical3A_122 : vector<16xi32> to vector<16xi32>
    tpu.vector_store %arg11[%swap3A_123], %swap3A_126 {strides = array<i32>} : memref<80xi32, #tpu.memory_space<vmem>>, vector<16xi32>,
    %and3A_127 = arith.constant 16383 : i32
    %and3A_128 = vector.broadcast %and3A_127 : i32 to vector<16xi32>
    %and3A_129 = arith.andi %get3A_119, %and3A_128 : vector<16xi32>
    %swap3A_130 = arith.constant 16 : index
    %swap3A_131 = tpu.vector_load %arg14[%swap3A_130] {strides = array<i32>} : memref<80xi32, #tpu.memory_space<vmem>>, vector<16xi32>,
    %swap3A_132 = vector.shape_cast %swap3A_131 : vector<16xi32> to vector<16xi32>
    %swap3A_133 = vector.shape_cast %and3A_129 : vector<16xi32> to vector<16xi32>
    tpu.vector_store %arg14[%swap3A_130], %swap3A_133 {strides = array<i32>} : memref<80xi32, #tpu.memory_space<vmem>>, vector<16xi32>,
    %get3A_134 = arith.constant 1 : i32
    %get3A_135 = arith.index_cast %get3A_134 : i32 to index
    %get3A_136 = arith.constant 32 : index
    %get3A_137 = tpu.vector_load %arg6[%get3A_135, %get3A_136] {strides = array<i32>} : memref<126x80xi32, #tpu.memory_space<vmem>>, vector<1x16xi32>,
    %get3A_138 = vector.shape_cast %get3A_137 : vector<1x16xi32> to vector<16xi32>
    %shift_right_logical3A_139 = arith.constant 14 : i32
    %shift_right_logical3A_140 = vector.broadcast %shift_right_logical3A_139 : i32 to vector<16xi32>
    %shift_right_logical3A_141 = arith.shrui %get3A_138, %shift_right_logical3A_140 : vector<16xi32>
    %swap3A_142 = arith.constant 32 : index
    %swap3A_143 = tpu.vector_load %arg11[%swap3A_142] {strides = array<i32>} : memref<80xi32, #tpu.memory_space<vmem>>, vector<16xi32>,
    %swap3A_144 = vector.shape_cast %swap3A_143 : vector<16xi32> to vector<16xi32>
    %swap3A_145 = vector.shape_cast %shift_right_logical3A_141 : vector<16xi32> to vector<16xi32>
    tpu.vector_store %arg11[%swap3A_142], %swap3A_145 {strides = array<i32>} : memref<80xi32, #tpu.memory_space<vmem>>, vector<16xi32>,
    %and3A_146 = arith.constant 16383 : i32
    %and3A_147 = vector.broadcast %and3A_146 : i32 to vector<16xi32>
    %and3A_148 = arith.andi %get3A_138, %and3A_147 : vector<16xi32>
    %swap3A_149 = arith.constant 32 : index
    %swap3A_150 = tpu.vector_load %arg14[%swap3A_149] {strides = array<i32>} : memref<80xi32, #tpu.memory_space<vmem>>, vector<16xi32>,
    %swap3A_151 = vector.shape_cast %swap3A_150 : vector<16xi32> to vector<16xi32>
    %swap3A_152 = vector.shape_cast %and3A_148 : vector<16xi32> to vector<16xi32>
    tpu.vector_store %arg14[%swap3A_149], %swap3A_152 {strides = array<i32>} : memref<80xi32, #tpu.memory_space<vmem>>, vector<16xi32>,
    %get3A_153 = arith.constant 1 : i32
    %get3A_154 = arith.index_cast %get3A_153 : i32 to index
    %get3A_155 = arith.constant 48 : index
    %get3A_156 = tpu.vector_load %arg6[%get3A_154, %get3A_155] {strides = array<i32>} : memref<126x80xi32, #tpu.memory_space<vmem>>, vector<1x16xi32>,
    %get3A_157 = vector.shape_cast %get3A_156 : vector<1x16xi32> to vector<16xi32>
    %shift_right_logical3A_158 = arith.constant 14 : i32
    %shift_right_logical3A_159 = vector.broadcast %shift_right_logical3A_158 : i32 to vector<16xi32>
    %shift_right_logical3A_160 = arith.shrui %get3A_157, %shift_right_logical3A_159 : vector<16xi32>
    %swap3A_161 = arith.constant 48 : index
    %swap3A_162 = tpu.vector_load %arg11[%swap3A_161] {strides = array<i32>} : memref<80xi32, #tpu.memory_space<vmem>>, vector<16xi32>,
    %swap3A_163 = vector.shape_cast %swap3A_162 : vector<16xi32> to vector<16xi32>
    %swap3A_164 = vector.shape_cast %shift_right_logical3A_160 : vector<16xi32> to vector<16xi32>
    tpu.vector_store %arg11[%swap3A_161], %swap3A_164 {strides = array<i32>} : memref<80xi32, #tpu.memory_space<vmem>>, vector<16xi32>,
    %and3A_165 = arith.constant 16383 : i32
    %and3A_166 = vector.broadcast %and3A_165 : i32 to vector<16xi32>
    %and3A_167 = arith.andi %get3A_157, %and3A_166 : vector<16xi32>
    %swap3A_168 = arith.constant 48 : index
    %swap3A_169 = tpu.vector_load %arg14[%swap3A_168] {strides = array<i32>} : memref<80xi32, #tpu.memory_space<vmem>>, vector<16xi32>,
    %swap3A_170 = vector.shape_cast %swap3A_169 : vector<16xi32> to vector<16xi32>
    %swap3A_171 = vector.shape_cast %and3A_167 : vector<16xi32> to vector<16xi32>
    tpu.vector_store %arg14[%swap3A_168], %swap3A_171 {strides = array<i32>} : memref<80xi32, #tpu.memory_space<vmem>>, vector<16xi32>,
    %get3A_172 = arith.constant 1 : i32
    %get3A_173 = arith.index_cast %get3A_172 : i32 to index
    %get3A_174 = arith.constant 64 : index
    %get3A_175 = tpu.vector_load %arg6[%get3A_173, %get3A_174] {strides = array<i32>} : memref<126x80xi32, #tpu.memory_space<vmem>>, vector<1x16xi32>,
    %get3A_176 = vector.shape_cast %get3A_175 : vector<1x16xi32> to vector<16xi32>
    %shift_right_logical3A_177 = arith.constant 14 : i32
    %shift_right_logical3A_178 = vector.broadcast %shift_right_logical3A_177 : i32 to vector<16xi32>
    %shift_right_logical3A_179 = arith.shrui %get3A_176, %shift_right_logical3A_178 : vector<16xi32>
    %swap3A_180 = arith.constant 64 : index
    %swap3A_181 = tpu.vector_load %arg11[%swap3A_180] {strides = array<i32>} : memref<80xi32, #tpu.memory_space<vmem>>, vector<16xi32>,
    %swap3A_182 = vector.shape_cast %swap3A_181 : vector<16xi32> to vector<16xi32>
    %swap3A_183 = vector.shape_cast %shift_right_logical3A_179 : vector<16xi32> to vector<16xi32>
    tpu.vector_store %arg11[%swap3A_180], %swap3A_183 {strides = array<i32>} : memref<80xi32, #tpu.memory_space<vmem>>, vector<16xi32>,
    %and3A_184 = arith.constant 16383 : i32
    %and3A_185 = vector.broadcast %and3A_184 : i32 to vector<16xi32>
    %and3A_186 = arith.andi %get3A_176, %and3A_185 : vector<16xi32>
    %swap3A_187 = arith.constant 64 : index
    %swap3A_188 = tpu.vector_load %arg14[%swap3A_187] {strides = array<i32>} : memref<80xi32, #tpu.memory_space<vmem>>, vector<16xi32>,
    %swap3A_189 = vector.shape_cast %swap3A_188 : vector<16xi32> to vector<16xi32>
    %swap3A_190 = vector.shape_cast %and3A_186 : vector<16xi32> to vector<16xi32>
    tpu.vector_store %arg14[%swap3A_187], %swap3A_190 {strides = array<i32>} : memref<80xi32, #tpu.memory_space<vmem>>, vector<16xi32>,
    %dma_start3A_191 = arith.constant 0 : i32
    %dma_start3A_192 = arith.constant 0 : i32
    %dma_start3A_193 = tpu.memref_slice %arg2[%dma_start3A_191, %dma_start3A_192] : memref<10240x128xf32, #tpu.memory_space<hbm>> -> memref<10240x128xf32, #tpu.memory_space<hbm>>
    tpu.enqueue_indirect_dma source(%dma_start3A_193 : memref<10240x128xf32, #tpu.memory_space<hbm>>) target(%arg8 : memref<80x128xf32, #tpu.memory_space<vmem>>) offsets(%arg11 : memref<80xi32, #tpu.memory_space<vmem>>) semaphore(%arg18 : memref<!tpu.dma_semaphore, #tpu.memory_space<semaphore_mem>>)
    %get3A_194 = arith.constant 2 : i32
    %get3A_195 = arith.index_cast %get3A_194 : i32 to index
    %get3A_196 = arith.constant 0 : index
    %get3A_197 = tpu.vector_load %arg6[%get3A_195, %get3A_196] {strides = array<i32>} : memref<126x80xi32, #tpu.memory_space<vmem>>, vector<1x16xi32>,
    %get3A_198 = vector.shape_cast %get3A_197 : vector<1x16xi32> to vector<16xi32>
    %shift_right_logical3A_199 = arith.constant 14 : i32
    %shift_right_logical3A_200 = vector.broadcast %shift_right_logical3A_199 : i32 to vector<16xi32>
    %shift_right_logical3A_201 = arith.shrui %get3A_198, %shift_right_logical3A_200 : vector<16xi32>
    %swap3A_202 = arith.constant 0 : index
    %swap3A_203 = tpu.vector_load %arg12[%swap3A_202] {strides = array<i32>} : memref<80xi32, #tpu.memory_space<vmem>>, vector<16xi32>,
    %swap3A_204 = vector.shape_cast %swap3A_203 : vector<16xi32> to vector<16xi32>
    %swap3A_205 = vector.shape_cast %shift_right_logical3A_201 : vector<16xi32> to vector<16xi32>
    tpu.vector_store %arg12[%swap3A_202], %swap3A_205 {strides = array<i32>} : memref<80xi32, #tpu.memory_space<vmem>>, vector<16xi32>,
    %and3A_206 = arith.constant 16383 : i32
    %and3A_207 = vector.broadcast %and3A_206 : i32 to vector<16xi32>
    %and3A_208 = arith.andi %get3A_198, %and3A_207 : vector<16xi32>
    %swap3A_209 = arith.constant 0 : index
    %swap3A_210 = tpu.vector_load %arg15[%swap3A_209] {strides = array<i32>} : memref<80xi32, #tpu.memory_space<vmem>>, vector<16xi32>,
    %swap3A_211 = vector.shape_cast %swap3A_210 : vector<16xi32> to vector<16xi32>
    %swap3A_212 = vector.shape_cast %and3A_208 : vector<16xi32> to vector<16xi32>
    tpu.vector_store %arg15[%swap3A_209], %swap3A_212 {strides = array<i32>} : memref<80xi32, #tpu.memory_space<vmem>>, vector<16xi32>,
    %get3A_213 = arith.constant 2 : i32
    %get3A_214 = arith.index_cast %get3A_213 : i32 to index
    %get3A_215 = arith.constant 16 : index
    %get3A_216 = tpu.vector_load %arg6[%get3A_214, %get3A_215] {strides = array<i32>} : memref<126x80xi32, #tpu.memory_space<vmem>>, vector<1x16xi32>,
    %get3A_217 = vector.shape_cast %get3A_216 : vector<1x16xi32> to vector<16xi32>
    %shift_right_logical3A_218 = arith.constant 14 : i32
    %shift_right_logical3A_219 = vector.broadcast %shift_right_logical3A_218 : i32 to vector<16xi32>
    %shift_right_logical3A_220 = arith.shrui %get3A_217, %shift_right_logical3A_219 : vector<16xi32>
    %swap3A_221 = arith.constant 16 : index
    %swap3A_222 = tpu.vector_load %arg12[%swap3A_221] {strides = array<i32>} : memref<80xi32, #tpu.memory_space<vmem>>, vector<16xi32>,
    %swap3A_223 = vector.shape_cast %swap3A_222 : vector<16xi32> to vector<16xi32>
    %swap3A_224 = vector.shape_cast %shift_right_logical3A_220 : vector<16xi32> to vector<16xi32>
    tpu.vector_store %arg12[%swap3A_221], %swap3A_224 {strides = array<i32>} : memref<80xi32, #tpu.memory_space<vmem>>, vector<16xi32>,
    %and3A_225 = arith.constant 16383 : i32
    %and3A_226 = vector.broadcast %and3A_225 : i32 to vector<16xi32>
    %and3A_227 = arith.andi %get3A_217, %and3A_226 : vector<16xi32>
    %swap3A_228 = arith.constant 16 : index
    %swap3A_229 = tpu.vector_load %arg15[%swap3A_228] {strides = array<i32>} : memref<80xi32, #tpu.memory_space<vmem>>, vector<16xi32>,
    %swap3A_230 = vector.shape_cast %swap3A_229 : vector<16xi32> to vector<16xi32>
    %swap3A_231 = vector.shape_cast %and3A_227 : vector<16xi32> to vector<16xi32>
    tpu.vector_store %arg15[%swap3A_228], %swap3A_231 {strides = array<i32>} : memref<80xi32, #tpu.memory_space<vmem>>, vector<16xi32>,
    %get3A_232 = arith.constant 2 : i32
    %get3A_233 = arith.index_cast %get3A_232 : i32 to index
    %get3A_234 = arith.constant 32 : index
    %get3A_235 = tpu.vector_load %arg6[%get3A_233, %get3A_234] {strides = array<i32>} : memref<126x80xi32, #tpu.memory_space<vmem>>, vector<1x16xi32>,
    %get3A_236 = vector.shape_cast %get3A_235 : vector<1x16xi32> to vector<16xi32>
    %shift_right_logical3A_237 = arith.constant 14 : i32
    %shift_right_logical3A_238 = vector.broadcast %shift_right_logical3A_237 : i32 to vector<16xi32>
    %shift_right_logical3A_239 = arith.shrui %get3A_236, %shift_right_logical3A_238 : vector<16xi32>
    %swap3A_240 = arith.constant 32 : index
    %swap3A_241 = tpu.vector_load %arg12[%swap3A_240] {strides = array<i32>} : memref<80xi32, #tpu.memory_space<vmem>>, vector<16xi32>,
    %swap3A_242 = vector.shape_cast %swap3A_241 : vector<16xi32> to vector<16xi32>
    %swap3A_243 = vector.shape_cast %shift_right_logical3A_239 : vector<16xi32> to vector<16xi32>
    tpu.vector_store %arg12[%swap3A_240], %swap3A_243 {strides = array<i32>} : memref<80xi32, #tpu.memory_space<vmem>>, vector<16xi32>,
    %and3A_244 = arith.constant 16383 : i32
    %and3A_245 = vector.broadcast %and3A_244 : i32 to vector<16xi32>
    %and3A_246 = arith.andi %get3A_236, %and3A_245 : vector<16xi32>
    %swap3A_247 = arith.constant 32 : index
    %swap3A_248 = tpu.vector_load %arg15[%swap3A_247] {strides = array<i32>} : memref<80xi32, #tpu.memory_space<vmem>>, vector<16xi32>,
    %swap3A_249 = vector.shape_cast %swap3A_248 : vector<16xi32> to vector<16xi32>
    %swap3A_250 = vector.shape_cast %and3A_246 : vector<16xi32> to vector<16xi32>
    tpu.vector_store %arg15[%swap3A_247], %swap3A_250 {strides = array<i32>} : memref<80xi32, #tpu.memory_space<vmem>>, vector<16xi32>,
    %get3A_251 = arith.constant 2 : i32
    %get3A_252 = arith.index_cast %get3A_251 : i32 to index
    %get3A_253 = arith.constant 48 : index
    %get3A_254 = tpu.vector_load %arg6[%get3A_252, %get3A_253] {strides = array<i32>} : memref<126x80xi32, #tpu.memory_space<vmem>>, vector<1x16xi32>,
    %get3A_255 = vector.shape_cast %get3A_254 : vector<1x16xi32> to vector<16xi32>
    %shift_right_logical3A_256 = arith.constant 14 : i32
    %shift_right_logical3A_257 = vector.broadcast %shift_right_logical3A_256 : i32 to vector<16xi32>
    %shift_right_logical3A_258 = arith.shrui %get3A_255, %shift_right_logical3A_257 : vector<16xi32>
    %swap3A_259 = arith.constant 48 : index
    %swap3A_260 = tpu.vector_load %arg12[%swap3A_259] {strides = array<i32>} : memref<80xi32, #tpu.memory_space<vmem>>, vector<16xi32>,
    %swap3A_261 = vector.shape_cast %swap3A_260 : vector<16xi32> to vector<16xi32>
    %swap3A_262 = vector.shape_cast %shift_right_logical3A_258 : vector<16xi32> to vector<16xi32>
    tpu.vector_store %arg12[%swap3A_259], %swap3A_262 {strides = array<i32>} : memref<80xi32, #tpu.memory_space<vmem>>, vector<16xi32>,
    %and3A_263 = arith.constant 16383 : i32
    %and3A_264 = vector.broadcast %and3A_263 : i32 to vector<16xi32>
    %and3A_265 = arith.andi %get3A_255, %and3A_264 : vector<16xi32>
    %swap3A_266 = arith.constant 48 : index
    %swap3A_267 = tpu.vector_load %arg15[%swap3A_266] {strides = array<i32>} : memref<80xi32, #tpu.memory_space<vmem>>, vector<16xi32>,
    %swap3A_268 = vector.shape_cast %swap3A_267 : vector<16xi32> to vector<16xi32>
    %swap3A_269 = vector.shape_cast %and3A_265 : vector<16xi32> to vector<16xi32>
    tpu.vector_store %arg15[%swap3A_266], %swap3A_269 {strides = array<i32>} : memref<80xi32, #tpu.memory_space<vmem>>, vector<16xi32>,
    %get3A_270 = arith.constant 2 : i32
    %get3A_271 = arith.index_cast %get3A_270 : i32 to index
    %get3A_272 = arith.constant 64 : index
    %get3A_273 = tpu.vector_load %arg6[%get3A_271, %get3A_272] {strides = array<i32>} : memref<126x80xi32, #tpu.memory_space<vmem>>, vector<1x16xi32>,
    %get3A_274 = vector.shape_cast %get3A_273 : vector<1x16xi32> to vector<16xi32>
    %shift_right_logical3A_275 = arith.constant 14 : i32
    %shift_right_logical3A_276 = vector.broadcast %shift_right_logical3A_275 : i32 to vector<16xi32>
    %shift_right_logical3A_277 = arith.shrui %get3A_274, %shift_right_logical3A_276 : vector<16xi32>
    %swap3A_278 = arith.constant 64 : index
    %swap3A_279 = tpu.vector_load %arg12[%swap3A_278] {strides = array<i32>} : memref<80xi32, #tpu.memory_space<vmem>>, vector<16xi32>,
    %swap3A_280 = vector.shape_cast %swap3A_279 : vector<16xi32> to vector<16xi32>
    %swap3A_281 = vector.shape_cast %shift_right_logical3A_277 : vector<16xi32> to vector<16xi32>
    tpu.vector_store %arg12[%swap3A_278], %swap3A_281 {strides = array<i32>} : memref<80xi32, #tpu.memory_space<vmem>>, vector<16xi32>,
    %and3A_282 = arith.constant 16383 : i32
    %and3A_283 = vector.broadcast %and3A_282 : i32 to vector<16xi32>
    %and3A_284 = arith.andi %get3A_274, %and3A_283 : vector<16xi32>
    %swap3A_285 = arith.constant 64 : index
    %swap3A_286 = tpu.vector_load %arg15[%swap3A_285] {strides = array<i32>} : memref<80xi32, #tpu.memory_space<vmem>>, vector<16xi32>,
    %swap3A_287 = vector.shape_cast %swap3A_286 : vector<16xi32> to vector<16xi32>
    %swap3A_288 = vector.shape_cast %and3A_284 : vector<16xi32> to vector<16xi32>
    tpu.vector_store %arg15[%swap3A_285], %swap3A_288 {strides = array<i32>} : memref<80xi32, #tpu.memory_space<vmem>>, vector<16xi32>,
    %dma_start3A_289 = arith.constant 0 : i32
    %dma_start3A_290 = arith.constant 0 : i32
    %dma_start3A_291 = tpu.memref_slice %arg2[%dma_start3A_289, %dma_start3A_290] : memref<10240x128xf32, #tpu.memory_space<hbm>> -> memref<10240x128xf32, #tpu.memory_space<hbm>>
    tpu.enqueue_indirect_dma source(%dma_start3A_291 : memref<10240x128xf32, #tpu.memory_space<hbm>>) target(%arg9 : memref<80x128xf32, #tpu.memory_space<vmem>>) offsets(%arg12 : memref<80xi32, #tpu.memory_space<vmem>>) semaphore(%arg19 : memref<!tpu.dma_semaphore, #tpu.memory_space<semaphore_mem>>)
    %scan3A = arith.constant 0 : i32
    %scan3A_292 = arith.constant 0 : i32
    %scan3A_293 = arith.constant 41 : i32
    %scan3A_294 = arith.addi %scan3A_292, %scan3A_293 : i32
    %scan3A_295 = arith.constant 1 : i32
    %scan3A_296 = scf.for %scan3A_312 = %scan3A_292 to %scan3A_294 step %scan3A_295 iter_args(%scan3A_313 = %scan3A) -> (i32)  : i32 {
      %mul3A_314 = arith.constant 3 : i32
      %mul3A_315 = arith.muli %scan3A_312, %mul3A_314 : i32
      %dma_wait3A_316 = arith.constant 0 : i32
      %dma_wait3A_317 = arith.constant 0 : i32
      %dma_wait3A_318 = tpu.memref_slice %arg2[%dma_wait3A_316, %dma_wait3A_317] : memref<10240x128xf32, #tpu.memory_space<hbm>> -> memref<10240x128xf32, #tpu.memory_space<hbm>>
      tpu.wait_indirect_dma semaphore(%arg17 : memref<!tpu.dma_semaphore, #tpu.memory_space<semaphore_mem>>) src(%dma_wait3A_318 : memref<10240x128xf32, #tpu.memory_space<hbm>>) dst(%arg7 : memref<80x128xf32, #tpu.memory_space<vmem>>)
      "tpu.region"() ({
        %run_scoped3A = tpu.sem_alloc : memref<!tpu.dma_semaphore, #tpu.memory_space<semaphore_mem>>
        %dma_start3A_617 = arith.constant 0 : i32
        %dma_start3A_618 = arith.constant 0 : i32
        %dma_start3A_619 = tpu.memref_slice %arg16[%dma_start3A_617, %dma_start3A_618] : memref<10240x128xf32, #tpu.memory_space<vmem_shared>> -> memref<10240x128xf32, #tpu.memory_space<vmem_shared>>
        tpu.enqueue_indirect_dma source(%arg7 : memref<80x128xf32, #tpu.memory_space<vmem>>) target(%dma_start3A_619 : memref<10240x128xf32, #tpu.memory_space<vmem_shared>>) offsets(%arg13 : memref<80xi32, #tpu.memory_space<vmem>>) semaphore(%run_scoped3A : memref<!tpu.dma_semaphore, #tpu.memory_space<semaphore_mem>>) {add = true}
        %dma_wait3A_620 = arith.constant 0 : i32
        %dma_wait3A_621 = arith.constant 0 : i32
        %dma_wait3A_622 = tpu.memref_slice %arg16[%dma_wait3A_620, %dma_wait3A_621] : memref<10240x128xf32, #tpu.memory_space<vmem_shared>> -> memref<10240x128xf32, #tpu.memory_space<vmem_shared>>
        tpu.wait_indirect_dma semaphore(%run_scoped3A : memref<!tpu.dma_semaphore, #tpu.memory_space<semaphore_mem>>) src(%arg7 : memref<80x128xf32, #tpu.memory_space<vmem>>) dst(%dma_wait3A_622 : memref<10240x128xf32, #tpu.memory_space<vmem_shared>>)
        tpu.yield
      }) : () -> ()
      %add3A_319 = arith.constant 0 : i32
      %add3A_320 = arith.addi %mul3A_315, %add3A_319 : i32
      %add3A_321 = arith.constant 3 : i32
      %add3A_322 = arith.addi %add3A_320, %add3A_321 : i32
      %get3A_323 = arith.index_cast %add3A_322 : i32 to index
      %get3A_324 = arith.constant 0 : index
      %get3A_325 = tpu.vector_load %arg6[%get3A_323, %get3A_324] {strides = array<i32>} : memref<126x80xi32, #tpu.memory_space<vmem>>, vector<1x16xi32>,
      %get3A_326 = vector.shape_cast %get3A_325 : vector<1x16xi32> to vector<16xi32>
      %shift_right_logical3A_327 = arith.constant 14 : i32
      %shift_right_logical3A_328 = vector.broadcast %shift_right_logical3A_327 : i32 to vector<16xi32>
      %shift_right_logical3A_329 = arith.shrui %get3A_326, %shift_right_logical3A_328 : vector<16xi32>
      %swap3A_330 = arith.constant 0 : index
      %swap3A_331 = tpu.vector_load %arg10[%swap3A_330] {strides = array<i32>} : memref<80xi32, #tpu.memory_space<vmem>>, vector<16xi32>,
      %swap3A_332 = vector.shape_cast %swap3A_331 : vector<16xi32> to vector<16xi32>
      %swap3A_333 = vector.shape_cast %shift_right_logical3A_329 : vector<16xi32> to vector<16xi32>
      tpu.vector_store %arg10[%swap3A_330], %swap3A_333 {strides = array<i32>} : memref<80xi32, #tpu.memory_space<vmem>>, vector<16xi32>,
      %and3A_334 = arith.constant 16383 : i32
      %and3A_335 = vector.broadcast %and3A_334 : i32 to vector<16xi32>
      %and3A_336 = arith.andi %get3A_326, %and3A_335 : vector<16xi32>
      %swap3A_337 = arith.constant 0 : index
      %swap3A_338 = tpu.vector_load %arg13[%swap3A_337] {strides = array<i32>} : memref<80xi32, #tpu.memory_space<vmem>>, vector<16xi32>,
      %swap3A_339 = vector.shape_cast %swap3A_338 : vector<16xi32> to vector<16xi32>
      %swap3A_340 = vector.shape_cast %and3A_336 : vector<16xi32> to vector<16xi32>
      tpu.vector_store %arg13[%swap3A_337], %swap3A_340 {strides = array<i32>} : memref<80xi32, #tpu.memory_space<vmem>>, vector<16xi32>,
      %get3A_341 = arith.index_cast %add3A_322 : i32 to index
      %get3A_342 = arith.constant 16 : index
      %get3A_343 = tpu.vector_load %arg6[%get3A_341, %get3A_342] {strides = array<i32>} : memref<126x80xi32, #tpu.memory_space<vmem>>, vector<1x16xi32>,
      %get3A_344 = vector.shape_cast %get3A_343 : vector<1x16xi32> to vector<16xi32>
      %shift_right_logical3A_345 = arith.constant 14 : i32
      %shift_right_logical3A_346 = vector.broadcast %shift_right_logical3A_345 : i32 to vector<16xi32>
      %shift_right_logical3A_347 = arith.shrui %get3A_344, %shift_right_logical3A_346 : vector<16xi32>
      %swap3A_348 = arith.constant 16 : index
      %swap3A_349 = tpu.vector_load %arg10[%swap3A_348] {strides = array<i32>} : memref<80xi32, #tpu.memory_space<vmem>>, vector<16xi32>,
      %swap3A_350 = vector.shape_cast %swap3A_349 : vector<16xi32> to vector<16xi32>
      %swap3A_351 = vector.shape_cast %shift_right_logical3A_347 : vector<16xi32> to vector<16xi32>
      tpu.vector_store %arg10[%swap3A_348], %swap3A_351 {strides = array<i32>} : memref<80xi32, #tpu.memory_space<vmem>>, vector<16xi32>,
      %and3A_352 = arith.constant 16383 : i32
      %and3A_353 = vector.broadcast %and3A_352 : i32 to vector<16xi32>
      %and3A_354 = arith.andi %get3A_344, %and3A_353 : vector<16xi32>
      %swap3A_355 = arith.constant 16 : index
      %swap3A_356 = tpu.vector_load %arg13[%swap3A_355] {strides = array<i32>} : memref<80xi32, #tpu.memory_space<vmem>>, vector<16xi32>,
      %swap3A_357 = vector.shape_cast %swap3A_356 : vector<16xi32> to vector<16xi32>
      %swap3A_358 = vector.shape_cast %and3A_354 : vector<16xi32> to vector<16xi32>
      tpu.vector_store %arg13[%swap3A_355], %swap3A_358 {strides = array<i32>} : memref<80xi32, #tpu.memory_space<vmem>>, vector<16xi32>,
      %get3A_359 = arith.index_cast %add3A_322 : i32 to index
      %get3A_360 = arith.constant 32 : index
      %get3A_361 = tpu.vector_load %arg6[%get3A_359, %get3A_360] {strides = array<i32>} : memref<126x80xi32, #tpu.memory_space<vmem>>, vector<1x16xi32>,
      %get3A_362 = vector.shape_cast %get3A_361 : vector<1x16xi32> to vector<16xi32>
      %shift_right_logical3A_363 = arith.constant 14 : i32
      %shift_right_logical3A_364 = vector.broadcast %shift_right_logical3A_363 : i32 to vector<16xi32>
      %shift_right_logical3A_365 = arith.shrui %get3A_362, %shift_right_logical3A_364 : vector<16xi32>
      %swap3A_366 = arith.constant 32 : index
      %swap3A_367 = tpu.vector_load %arg10[%swap3A_366] {strides = array<i32>} : memref<80xi32, #tpu.memory_space<vmem>>, vector<16xi32>,
      %swap3A_368 = vector.shape_cast %swap3A_367 : vector<16xi32> to vector<16xi32>
      %swap3A_369 = vector.shape_cast %shift_right_logical3A_365 : vector<16xi32> to vector<16xi32>
      tpu.vector_store %arg10[%swap3A_366], %swap3A_369 {strides = array<i32>} : memref<80xi32, #tpu.memory_space<vmem>>, vector<16xi32>,
      %and3A_370 = arith.constant 16383 : i32
      %and3A_371 = vector.broadcast %and3A_370 : i32 to vector<16xi32>
      %and3A_372 = arith.andi %get3A_362, %and3A_371 : vector<16xi32>
      %swap3A_373 = arith.constant 32 : index
      %swap3A_374 = tpu.vector_load %arg13[%swap3A_373] {strides = array<i32>} : memref<80xi32, #tpu.memory_space<vmem>>, vector<16xi32>,
      %swap3A_375 = vector.shape_cast %swap3A_374 : vector<16xi32> to vector<16xi32>
      %swap3A_376 = vector.shape_cast %and3A_372 : vector<16xi32> to vector<16xi32>
      tpu.vector_store %arg13[%swap3A_373], %swap3A_376 {strides = array<i32>} : memref<80xi32, #tpu.memory_space<vmem>>, vector<16xi32>,
      %get3A_377 = arith.index_cast %add3A_322 : i32 to index
      %get3A_378 = arith.constant 48 : index
      %get3A_379 = tpu.vector_load %arg6[%get3A_377, %get3A_378] {strides = array<i32>} : memref<126x80xi32, #tpu.memory_space<vmem>>, vector<1x16xi32>,
      %get3A_380 = vector.shape_cast %get3A_379 : vector<1x16xi32> to vector<16xi32>
      %shift_right_logical3A_381 = arith.constant 14 : i32
      %shift_right_logical3A_382 = vector.broadcast %shift_right_logical3A_381 : i32 to vector<16xi32>
      %shift_right_logical3A_383 = arith.shrui %get3A_380, %shift_right_logical3A_382 : vector<16xi32>
      %swap3A_384 = arith.constant 48 : index
      %swap3A_385 = tpu.vector_load %arg10[%swap3A_384] {strides = array<i32>} : memref<80xi32, #tpu.memory_space<vmem>>, vector<16xi32>,
      %swap3A_386 = vector.shape_cast %swap3A_385 : vector<16xi32> to vector<16xi32>
      %swap3A_387 = vector.shape_cast %shift_right_logical3A_383 : vector<16xi32> to vector<16xi32>
      tpu.vector_store %arg10[%swap3A_384], %swap3A_387 {strides = array<i32>} : memref<80xi32, #tpu.memory_space<vmem>>, vector<16xi32>,
      %and3A_388 = arith.constant 16383 : i32
      %and3A_389 = vector.broadcast %and3A_388 : i32 to vector<16xi32>
      %and3A_390 = arith.andi %get3A_380, %and3A_389 : vector<16xi32>
      %swap3A_391 = arith.constant 48 : index
      %swap3A_392 = tpu.vector_load %arg13[%swap3A_391] {strides = array<i32>} : memref<80xi32, #tpu.memory_space<vmem>>, vector<16xi32>,
      %swap3A_393 = vector.shape_cast %swap3A_392 : vector<16xi32> to vector<16xi32>
      %swap3A_394 = vector.shape_cast %and3A_390 : vector<16xi32> to vector<16xi32>
      tpu.vector_store %arg13[%swap3A_391], %swap3A_394 {strides = array<i32>} : memref<80xi32, #tpu.memory_space<vmem>>, vector<16xi32>,
      %get3A_395 = arith.index_cast %add3A_322 : i32 to index
      %get3A_396 = arith.constant 64 : index
      %get3A_397 = tpu.vector_load %arg6[%get3A_395, %get3A_396] {strides = array<i32>} : memref<126x80xi32, #tpu.memory_space<vmem>>, vector<1x16xi32>,
      %get3A_398 = vector.shape_cast %get3A_397 : vector<1x16xi32> to vector<16xi32>
      %shift_right_logical3A_399 = arith.constant 14 : i32
      %shift_right_logical3A_400 = vector.broadcast %shift_right_logical3A_399 : i32 to vector<16xi32>
      %shift_right_logical3A_401 = arith.shrui %get3A_398, %shift_right_logical3A_400 : vector<16xi32>
      %swap3A_402 = arith.constant 64 : index
      %swap3A_403 = tpu.vector_load %arg10[%swap3A_402] {strides = array<i32>} : memref<80xi32, #tpu.memory_space<vmem>>, vector<16xi32>,
      %swap3A_404 = vector.shape_cast %swap3A_403 : vector<16xi32> to vector<16xi32>
      %swap3A_405 = vector.shape_cast %shift_right_logical3A_401 : vector<16xi32> to vector<16xi32>
      tpu.vector_store %arg10[%swap3A_402], %swap3A_405 {strides = array<i32>} : memref<80xi32, #tpu.memory_space<vmem>>, vector<16xi32>,
      %and3A_406 = arith.constant 16383 : i32
      %and3A_407 = vector.broadcast %and3A_406 : i32 to vector<16xi32>
      %and3A_408 = arith.andi %get3A_398, %and3A_407 : vector<16xi32>
      %swap3A_409 = arith.constant 64 : index
      %swap3A_410 = tpu.vector_load %arg13[%swap3A_409] {strides = array<i32>} : memref<80xi32, #tpu.memory_space<vmem>>, vector<16xi32>,
      %swap3A_411 = vector.shape_cast %swap3A_410 : vector<16xi32> to vector<16xi32>
      %swap3A_412 = vector.shape_cast %and3A_408 : vector<16xi32> to vector<16xi32>
      tpu.vector_store %arg13[%swap3A_409], %swap3A_412 {strides = array<i32>} : memref<80xi32, #tpu.memory_space<vmem>>, vector<16xi32>,
      %dma_start3A_413 = arith.constant 0 : i32
      %dma_start3A_414 = arith.constant 0 : i32
      %dma_start3A_415 = tpu.memref_slice %arg2[%dma_start3A_413, %dma_start3A_414] : memref<10240x128xf32, #tpu.memory_space<hbm>> -> memref<10240x128xf32, #tpu.memory_space<hbm>>
      tpu.enqueue_indirect_dma source(%dma_start3A_415 : memref<10240x128xf32, #tpu.memory_space<hbm>>) target(%arg7 : memref<80x128xf32, #tpu.memory_space<vmem>>) offsets(%arg10 : memref<80xi32, #tpu.memory_space<vmem>>) semaphore(%arg17 : memref<!tpu.dma_semaphore, #tpu.memory_space<semaphore_mem>>)
      %dma_wait3A_416 = arith.constant 0 : i32
      %dma_wait3A_417 = arith.constant 0 : i32
      %dma_wait3A_418 = tpu.memref_slice %arg2[%dma_wait3A_416, %dma_wait3A_417] : memref<10240x128xf32, #tpu.memory_space<hbm>> -> memref<10240x128xf32, #tpu.memory_space<hbm>>
      tpu.wait_indirect_dma semaphore(%arg18 : memref<!tpu.dma_semaphore, #tpu.memory_space<semaphore_mem>>) src(%dma_wait3A_418 : memref<10240x128xf32, #tpu.memory_space<hbm>>) dst(%arg8 : memref<80x128xf32, #tpu.memory_space<vmem>>)
      "tpu.region"() ({
        %run_scoped3A = tpu.sem_alloc : memref<!tpu.dma_semaphore, #tpu.memory_space<semaphore_mem>>
        %dma_start3A_617 = arith.constant 0 : i32
        %dma_start3A_618 = arith.constant 0 : i32
        %dma_start3A_619 = tpu.memref_slice %arg16[%dma_start3A_617, %dma_start3A_618] : memref<10240x128xf32, #tpu.memory_space<vmem_shared>> -> memref<10240x128xf32, #tpu.memory_space<vmem_shared>>
        tpu.enqueue_indirect_dma source(%arg8 : memref<80x128xf32, #tpu.memory_space<vmem>>) target(%dma_start3A_619 : memref<10240x128xf32, #tpu.memory_space<vmem_shared>>) offsets(%arg14 : memref<80xi32, #tpu.memory_space<vmem>>) semaphore(%run_scoped3A : memref<!tpu.dma_semaphore, #tpu.memory_space<semaphore_mem>>) {add = true}
        %dma_wait3A_620 = arith.constant 0 : i32
        %dma_wait3A_621 = arith.constant 0 : i32
        %dma_wait3A_622 = tpu.memref_slice %arg16[%dma_wait3A_620, %dma_wait3A_621] : memref<10240x128xf32, #tpu.memory_space<vmem_shared>> -> memref<10240x128xf32, #tpu.memory_space<vmem_shared>>
        tpu.wait_indirect_dma semaphore(%run_scoped3A : memref<!tpu.dma_semaphore, #tpu.memory_space<semaphore_mem>>) src(%arg8 : memref<80x128xf32, #tpu.memory_space<vmem>>) dst(%dma_wait3A_622 : memref<10240x128xf32, #tpu.memory_space<vmem_shared>>)
        tpu.yield
      }) : () -> ()
      %add3A_419 = arith.constant 1 : i32
      %add3A_420 = arith.addi %mul3A_315, %add3A_419 : i32
      %add3A_421 = arith.constant 3 : i32
      %add3A_422 = arith.addi %add3A_420, %add3A_421 : i32
      %get3A_423 = arith.index_cast %add3A_422 : i32 to index
      %get3A_424 = arith.constant 0 : index
      %get3A_425 = tpu.vector_load %arg6[%get3A_423, %get3A_424] {strides = array<i32>} : memref<126x80xi32, #tpu.memory_space<vmem>>, vector<1x16xi32>,
      %get3A_426 = vector.shape_cast %get3A_425 : vector<1x16xi32> to vector<16xi32>
      %shift_right_logical3A_427 = arith.constant 14 : i32
      %shift_right_logical3A_428 = vector.broadcast %shift_right_logical3A_427 : i32 to vector<16xi32>
      %shift_right_logical3A_429 = arith.shrui %get3A_426, %shift_right_logical3A_428 : vector<16xi32>
      %swap3A_430 = arith.constant 0 : index
      %swap3A_431 = tpu.vector_load %arg11[%swap3A_430] {strides = array<i32>} : memref<80xi32, #tpu.memory_space<vmem>>, vector<16xi32>,
      %swap3A_432 = vector.shape_cast %swap3A_431 : vector<16xi32> to vector<16xi32>
      %swap3A_433 = vector.shape_cast %shift_right_logical3A_429 : vector<16xi32> to vector<16xi32>
      tpu.vector_store %arg11[%swap3A_430], %swap3A_433 {strides = array<i32>} : memref<80xi32, #tpu.memory_space<vmem>>, vector<16xi32>,
      %and3A_434 = arith.constant 16383 : i32
      %and3A_435 = vector.broadcast %and3A_434 : i32 to vector<16xi32>
      %and3A_436 = arith.andi %get3A_426, %and3A_435 : vector<16xi32>
      %swap3A_437 = arith.constant 0 : index
      %swap3A_438 = tpu.vector_load %arg14[%swap3A_437] {strides = array<i32>} : memref<80xi32, #tpu.memory_space<vmem>>, vector<16xi32>,
      %swap3A_439 = vector.shape_cast %swap3A_438 : vector<16xi32> to vector<16xi32>
      %swap3A_440 = vector.shape_cast %and3A_436 : vector<16xi32> to vector<16xi32>
      tpu.vector_store %arg14[%swap3A_437], %swap3A_440 {strides = array<i32>} : memref<80xi32, #tpu.memory_space<vmem>>, vector<16xi32>,
      %get3A_441 = arith.index_cast %add3A_422 : i32 to index
      %get3A_442 = arith.constant 16 : index
      %get3A_443 = tpu.vector_load %arg6[%get3A_441, %get3A_442] {strides = array<i32>} : memref<126x80xi32, #tpu.memory_space<vmem>>, vector<1x16xi32>,
      %get3A_444 = vector.shape_cast %get3A_443 : vector<1x16xi32> to vector<16xi32>
      %shift_right_logical3A_445 = arith.constant 14 : i32
      %shift_right_logical3A_446 = vector.broadcast %shift_right_logical3A_445 : i32 to vector<16xi32>
      %shift_right_logical3A_447 = arith.shrui %get3A_444, %shift_right_logical3A_446 : vector<16xi32>
      %swap3A_448 = arith.constant 16 : index
      %swap3A_449 = tpu.vector_load %arg11[%swap3A_448] {strides = array<i32>} : memref<80xi32, #tpu.memory_space<vmem>>, vector<16xi32>,
      %swap3A_450 = vector.shape_cast %swap3A_449 : vector<16xi32> to vector<16xi32>
      %swap3A_451 = vector.shape_cast %shift_right_logical3A_447 : vector<16xi32> to vector<16xi32>
      tpu.vector_store %arg11[%swap3A_448], %swap3A_451 {strides = array<i32>} : memref<80xi32, #tpu.memory_space<vmem>>, vector<16xi32>,
      %and3A_452 = arith.constant 16383 : i32
      %and3A_453 = vector.broadcast %and3A_452 : i32 to vector<16xi32>
      %and3A_454 = arith.andi %get3A_444, %and3A_453 : vector<16xi32>
      %swap3A_455 = arith.constant 16 : index
      %swap3A_456 = tpu.vector_load %arg14[%swap3A_455] {strides = array<i32>} : memref<80xi32, #tpu.memory_space<vmem>>, vector<16xi32>,
      %swap3A_457 = vector.shape_cast %swap3A_456 : vector<16xi32> to vector<16xi32>
      %swap3A_458 = vector.shape_cast %and3A_454 : vector<16xi32> to vector<16xi32>
      tpu.vector_store %arg14[%swap3A_455], %swap3A_458 {strides = array<i32>} : memref<80xi32, #tpu.memory_space<vmem>>, vector<16xi32>,
      %get3A_459 = arith.index_cast %add3A_422 : i32 to index
      %get3A_460 = arith.constant 32 : index
      %get3A_461 = tpu.vector_load %arg6[%get3A_459, %get3A_460] {strides = array<i32>} : memref<126x80xi32, #tpu.memory_space<vmem>>, vector<1x16xi32>,
      %get3A_462 = vector.shape_cast %get3A_461 : vector<1x16xi32> to vector<16xi32>
      %shift_right_logical3A_463 = arith.constant 14 : i32
      %shift_right_logical3A_464 = vector.broadcast %shift_right_logical3A_463 : i32 to vector<16xi32>
      %shift_right_logical3A_465 = arith.shrui %get3A_462, %shift_right_logical3A_464 : vector<16xi32>
      %swap3A_466 = arith.constant 32 : index
      %swap3A_467 = tpu.vector_load %arg11[%swap3A_466] {strides = array<i32>} : memref<80xi32, #tpu.memory_space<vmem>>, vector<16xi32>,
      %swap3A_468 = vector.shape_cast %swap3A_467 : vector<16xi32> to vector<16xi32>
      %swap3A_469 = vector.shape_cast %shift_right_logical3A_465 : vector<16xi32> to vector<16xi32>
      tpu.vector_store %arg11[%swap3A_466], %swap3A_469 {strides = array<i32>} : memref<80xi32, #tpu.memory_space<vmem>>, vector<16xi32>,
      %and3A_470 = arith.constant 16383 : i32
      %and3A_471 = vector.broadcast %and3A_470 : i32 to vector<16xi32>
      %and3A_472 = arith.andi %get3A_462, %and3A_471 : vector<16xi32>
      %swap3A_473 = arith.constant 32 : index
      %swap3A_474 = tpu.vector_load %arg14[%swap3A_473] {strides = array<i32>} : memref<80xi32, #tpu.memory_space<vmem>>, vector<16xi32>,
      %swap3A_475 = vector.shape_cast %swap3A_474 : vector<16xi32> to vector<16xi32>
      %swap3A_476 = vector.shape_cast %and3A_472 : vector<16xi32> to vector<16xi32>
      tpu.vector_store %arg14[%swap3A_473], %swap3A_476 {strides = array<i32>} : memref<80xi32, #tpu.memory_space<vmem>>, vector<16xi32>,
      %get3A_477 = arith.index_cast %add3A_422 : i32 to index
      %get3A_478 = arith.constant 48 : index
      %get3A_479 = tpu.vector_load %arg6[%get3A_477, %get3A_478] {strides = array<i32>} : memref<126x80xi32, #tpu.memory_space<vmem>>, vector<1x16xi32>,
      %get3A_480 = vector.shape_cast %get3A_479 : vector<1x16xi32> to vector<16xi32>
      %shift_right_logical3A_481 = arith.constant 14 : i32
      %shift_right_logical3A_482 = vector.broadcast %shift_right_logical3A_481 : i32 to vector<16xi32>
      %shift_right_logical3A_483 = arith.shrui %get3A_480, %shift_right_logical3A_482 : vector<16xi32>
      %swap3A_484 = arith.constant 48 : index
      %swap3A_485 = tpu.vector_load %arg11[%swap3A_484] {strides = array<i32>} : memref<80xi32, #tpu.memory_space<vmem>>, vector<16xi32>,
      %swap3A_486 = vector.shape_cast %swap3A_485 : vector<16xi32> to vector<16xi32>
      %swap3A_487 = vector.shape_cast %shift_right_logical3A_483 : vector<16xi32> to vector<16xi32>
      tpu.vector_store %arg11[%swap3A_484], %swap3A_487 {strides = array<i32>} : memref<80xi32, #tpu.memory_space<vmem>>, vector<16xi32>,
      %and3A_488 = arith.constant 16383 : i32
      %and3A_489 = vector.broadcast %and3A_488 : i32 to vector<16xi32>
      %and3A_490 = arith.andi %get3A_480, %and3A_489 : vector<16xi32>
      %swap3A_491 = arith.constant 48 : index
      %swap3A_492 = tpu.vector_load %arg14[%swap3A_491] {strides = array<i32>} : memref<80xi32, #tpu.memory_space<vmem>>, vector<16xi32>,
      %swap3A_493 = vector.shape_cast %swap3A_492 : vector<16xi32> to vector<16xi32>
      %swap3A_494 = vector.shape_cast %and3A_490 : vector<16xi32> to vector<16xi32>
      tpu.vector_store %arg14[%swap3A_491], %swap3A_494 {strides = array<i32>} : memref<80xi32, #tpu.memory_space<vmem>>, vector<16xi32>,
      %get3A_495 = arith.index_cast %add3A_422 : i32 to index
      %get3A_496 = arith.constant 64 : index
      %get3A_497 = tpu.vector_load %arg6[%get3A_495, %get3A_496] {strides = array<i32>} : memref<126x80xi32, #tpu.memory_space<vmem>>, vector<1x16xi32>,
      %get3A_498 = vector.shape_cast %get3A_497 : vector<1x16xi32> to vector<16xi32>
      %shift_right_logical3A_499 = arith.constant 14 : i32
      %shift_right_logical3A_500 = vector.broadcast %shift_right_logical3A_499 : i32 to vector<16xi32>
      %shift_right_logical3A_501 = arith.shrui %get3A_498, %shift_right_logical3A_500 : vector<16xi32>
      %swap3A_502 = arith.constant 64 : index
      %swap3A_503 = tpu.vector_load %arg11[%swap3A_502] {strides = array<i32>} : memref<80xi32, #tpu.memory_space<vmem>>, vector<16xi32>,
      %swap3A_504 = vector.shape_cast %swap3A_503 : vector<16xi32> to vector<16xi32>
      %swap3A_505 = vector.shape_cast %shift_right_logical3A_501 : vector<16xi32> to vector<16xi32>
      tpu.vector_store %arg11[%swap3A_502], %swap3A_505 {strides = array<i32>} : memref<80xi32, #tpu.memory_space<vmem>>, vector<16xi32>,
      %and3A_506 = arith.constant 16383 : i32
      %and3A_507 = vector.broadcast %and3A_506 : i32 to vector<16xi32>
      %and3A_508 = arith.andi %get3A_498, %and3A_507 : vector<16xi32>
      %swap3A_509 = arith.constant 64 : index
      %swap3A_510 = tpu.vector_load %arg14[%swap3A_509] {strides = array<i32>} : memref<80xi32, #tpu.memory_space<vmem>>, vector<16xi32>,
      %swap3A_511 = vector.shape_cast %swap3A_510 : vector<16xi32> to vector<16xi32>
      %swap3A_512 = vector.shape_cast %and3A_508 : vector<16xi32> to vector<16xi32>
      tpu.vector_store %arg14[%swap3A_509], %swap3A_512 {strides = array<i32>} : memref<80xi32, #tpu.memory_space<vmem>>, vector<16xi32>,
      %dma_start3A_513 = arith.constant 0 : i32
      %dma_start3A_514 = arith.constant 0 : i32
      %dma_start3A_515 = tpu.memref_slice %arg2[%dma_start3A_513, %dma_start3A_514] : memref<10240x128xf32, #tpu.memory_space<hbm>> -> memref<10240x128xf32, #tpu.memory_space<hbm>>
      tpu.enqueue_indirect_dma source(%dma_start3A_515 : memref<10240x128xf32, #tpu.memory_space<hbm>>) target(%arg8 : memref<80x128xf32, #tpu.memory_space<vmem>>) offsets(%arg11 : memref<80xi32, #tpu.memory_space<vmem>>) semaphore(%arg18 : memref<!tpu.dma_semaphore, #tpu.memory_space<semaphore_mem>>)
      %dma_wait3A_516 = arith.constant 0 : i32
      %dma_wait3A_517 = arith.constant 0 : i32
      %dma_wait3A_518 = tpu.memref_slice %arg2[%dma_wait3A_516, %dma_wait3A_517] : memref<10240x128xf32, #tpu.memory_space<hbm>> -> memref<10240x128xf32, #tpu.memory_space<hbm>>
      tpu.wait_indirect_dma semaphore(%arg19 : memref<!tpu.dma_semaphore, #tpu.memory_space<semaphore_mem>>) src(%dma_wait3A_518 : memref<10240x128xf32, #tpu.memory_space<hbm>>) dst(%arg9 : memref<80x128xf32, #tpu.memory_space<vmem>>)
      "tpu.region"() ({
        %run_scoped3A = tpu.sem_alloc : memref<!tpu.dma_semaphore, #tpu.memory_space<semaphore_mem>>
        %dma_start3A_617 = arith.constant 0 : i32
        %dma_start3A_618 = arith.constant 0 : i32
        %dma_start3A_619 = tpu.memref_slice %arg16[%dma_start3A_617, %dma_start3A_618] : memref<10240x128xf32, #tpu.memory_space<vmem_shared>> -> memref<10240x128xf32, #tpu.memory_space<vmem_shared>>
        tpu.enqueue_indirect_dma source(%arg9 : memref<80x128xf32, #tpu.memory_space<vmem>>) target(%dma_start3A_619 : memref<10240x128xf32, #tpu.memory_space<vmem_shared>>) offsets(%arg15 : memref<80xi32, #tpu.memory_space<vmem>>) semaphore(%run_scoped3A : memref<!tpu.dma_semaphore, #tpu.memory_space<semaphore_mem>>) {add = true}
        %dma_wait3A_620 = arith.constant 0 : i32
        %dma_wait3A_621 = arith.constant 0 : i32
        %dma_wait3A_622 = tpu.memref_slice %arg16[%dma_wait3A_620, %dma_wait3A_621] : memref<10240x128xf32, #tpu.memory_space<vmem_shared>> -> memref<10240x128xf32, #tpu.memory_space<vmem_shared>>
        tpu.wait_indirect_dma semaphore(%run_scoped3A : memref<!tpu.dma_semaphore, #tpu.memory_space<semaphore_mem>>) src(%arg9 : memref<80x128xf32, #tpu.memory_space<vmem>>) dst(%dma_wait3A_622 : memref<10240x128xf32, #tpu.memory_space<vmem_shared>>)
        tpu.yield
      }) : () -> ()
      %add3A_519 = arith.constant 2 : i32
      %add3A_520 = arith.addi %mul3A_315, %add3A_519 : i32
      %add3A_521 = arith.constant 3 : i32
      %add3A_522 = arith.addi %add3A_520, %add3A_521 : i32
      %get3A_523 = arith.index_cast %add3A_522 : i32 to index
      %get3A_524 = arith.constant 0 : index
      %get3A_525 = tpu.vector_load %arg6[%get3A_523, %get3A_524] {strides = array<i32>} : memref<126x80xi32, #tpu.memory_space<vmem>>, vector<1x16xi32>,
      %get3A_526 = vector.shape_cast %get3A_525 : vector<1x16xi32> to vector<16xi32>
      %shift_right_logical3A_527 = arith.constant 14 : i32
      %shift_right_logical3A_528 = vector.broadcast %shift_right_logical3A_527 : i32 to vector<16xi32>
      %shift_right_logical3A_529 = arith.shrui %get3A_526, %shift_right_logical3A_528 : vector<16xi32>
      %swap3A_530 = arith.constant 0 : index
      %swap3A_531 = tpu.vector_load %arg12[%swap3A_530] {strides = array<i32>} : memref<80xi32, #tpu.memory_space<vmem>>, vector<16xi32>,
      %swap3A_532 = vector.shape_cast %swap3A_531 : vector<16xi32> to vector<16xi32>
      %swap3A_533 = vector.shape_cast %shift_right_logical3A_529 : vector<16xi32> to vector<16xi32>
      tpu.vector_store %arg12[%swap3A_530], %swap3A_533 {strides = array<i32>} : memref<80xi32, #tpu.memory_space<vmem>>, vector<16xi32>,
      %and3A_534 = arith.constant 16383 : i32
      %and3A_535 = vector.broadcast %and3A_534 : i32 to vector<16xi32>
      %and3A_536 = arith.andi %get3A_526, %and3A_535 : vector<16xi32>
      %swap3A_537 = arith.constant 0 : index
      %swap3A_538 = tpu.vector_load %arg15[%swap3A_537] {strides = array<i32>} : memref<80xi32, #tpu.memory_space<vmem>>, vector<16xi32>,
      %swap3A_539 = vector.shape_cast %swap3A_538 : vector<16xi32> to vector<16xi32>
      %swap3A_540 = vector.shape_cast %and3A_536 : vector<16xi32> to vector<16xi32>
      tpu.vector_store %arg15[%swap3A_537], %swap3A_540 {strides = array<i32>} : memref<80xi32, #tpu.memory_space<vmem>>, vector<16xi32>,
      %get3A_541 = arith.index_cast %add3A_522 : i32 to index
      %get3A_542 = arith.constant 16 : index
      %get3A_543 = tpu.vector_load %arg6[%get3A_541, %get3A_542] {strides = array<i32>} : memref<126x80xi32, #tpu.memory_space<vmem>>, vector<1x16xi32>,
      %get3A_544 = vector.shape_cast %get3A_543 : vector<1x16xi32> to vector<16xi32>
      %shift_right_logical3A_545 = arith.constant 14 : i32
      %shift_right_logical3A_546 = vector.broadcast %shift_right_logical3A_545 : i32 to vector<16xi32>
      %shift_right_logical3A_547 = arith.shrui %get3A_544, %shift_right_logical3A_546 : vector<16xi32>
      %swap3A_548 = arith.constant 16 : index
      %swap3A_549 = tpu.vector_load %arg12[%swap3A_548] {strides = array<i32>} : memref<80xi32, #tpu.memory_space<vmem>>, vector<16xi32>,
      %swap3A_550 = vector.shape_cast %swap3A_549 : vector<16xi32> to vector<16xi32>
      %swap3A_551 = vector.shape_cast %shift_right_logical3A_547 : vector<16xi32> to vector<16xi32>
      tpu.vector_store %arg12[%swap3A_548], %swap3A_551 {strides = array<i32>} : memref<80xi32, #tpu.memory_space<vmem>>, vector<16xi32>,
      %and3A_552 = arith.constant 16383 : i32
      %and3A_553 = vector.broadcast %and3A_552 : i32 to vector<16xi32>
      %and3A_554 = arith.andi %get3A_544, %and3A_553 : vector<16xi32>
      %swap3A_555 = arith.constant 16 : index
      %swap3A_556 = tpu.vector_load %arg15[%swap3A_555] {strides = array<i32>} : memref<80xi32, #tpu.memory_space<vmem>>, vector<16xi32>,
      %swap3A_557 = vector.shape_cast %swap3A_556 : vector<16xi32> to vector<16xi32>
      %swap3A_558 = vector.shape_cast %and3A_554 : vector<16xi32> to vector<16xi32>
      tpu.vector_store %arg15[%swap3A_555], %swap3A_558 {strides = array<i32>} : memref<80xi32, #tpu.memory_space<vmem>>, vector<16xi32>,
      %get3A_559 = arith.index_cast %add3A_522 : i32 to index
      %get3A_560 = arith.constant 32 : index
      %get3A_561 = tpu.vector_load %arg6[%get3A_559, %get3A_560] {strides = array<i32>} : memref<126x80xi32, #tpu.memory_space<vmem>>, vector<1x16xi32>,
      %get3A_562 = vector.shape_cast %get3A_561 : vector<1x16xi32> to vector<16xi32>
      %shift_right_logical3A_563 = arith.constant 14 : i32
      %shift_right_logical3A_564 = vector.broadcast %shift_right_logical3A_563 : i32 to vector<16xi32>
      %shift_right_logical3A_565 = arith.shrui %get3A_562, %shift_right_logical3A_564 : vector<16xi32>
      %swap3A_566 = arith.constant 32 : index
      %swap3A_567 = tpu.vector_load %arg12[%swap3A_566] {strides = array<i32>} : memref<80xi32, #tpu.memory_space<vmem>>, vector<16xi32>,
      %swap3A_568 = vector.shape_cast %swap3A_567 : vector<16xi32> to vector<16xi32>
      %swap3A_569 = vector.shape_cast %shift_right_logical3A_565 : vector<16xi32> to vector<16xi32>
      tpu.vector_store %arg12[%swap3A_566], %swap3A_569 {strides = array<i32>} : memref<80xi32, #tpu.memory_space<vmem>>, vector<16xi32>,
      %and3A_570 = arith.constant 16383 : i32
      %and3A_571 = vector.broadcast %and3A_570 : i32 to vector<16xi32>
      %and3A_572 = arith.andi %get3A_562, %and3A_571 : vector<16xi32>
      %swap3A_573 = arith.constant 32 : index
      %swap3A_574 = tpu.vector_load %arg15[%swap3A_573] {strides = array<i32>} : memref<80xi32, #tpu.memory_space<vmem>>, vector<16xi32>,
      %swap3A_575 = vector.shape_cast %swap3A_574 : vector<16xi32> to vector<16xi32>
      %swap3A_576 = vector.shape_cast %and3A_572 : vector<16xi32> to vector<16xi32>
      tpu.vector_store %arg15[%swap3A_573], %swap3A_576 {strides = array<i32>} : memref<80xi32, #tpu.memory_space<vmem>>, vector<16xi32>,
      %get3A_577 = arith.index_cast %add3A_522 : i32 to index
      %get3A_578 = arith.constant 48 : index
      %get3A_579 = tpu.vector_load %arg6[%get3A_577, %get3A_578] {strides = array<i32>} : memref<126x80xi32, #tpu.memory_space<vmem>>, vector<1x16xi32>,
      %get3A_580 = vector.shape_cast %get3A_579 : vector<1x16xi32> to vector<16xi32>
      %shift_right_logical3A_581 = arith.constant 14 : i32
      %shift_right_logical3A_582 = vector.broadcast %shift_right_logical3A_581 : i32 to vector<16xi32>
      %shift_right_logical3A_583 = arith.shrui %get3A_580, %shift_right_logical3A_582 : vector<16xi32>
      %swap3A_584 = arith.constant 48 : index
      %swap3A_585 = tpu.vector_load %arg12[%swap3A_584] {strides = array<i32>} : memref<80xi32, #tpu.memory_space<vmem>>, vector<16xi32>,
      %swap3A_586 = vector.shape_cast %swap3A_585 : vector<16xi32> to vector<16xi32>
      %swap3A_587 = vector.shape_cast %shift_right_logical3A_583 : vector<16xi32> to vector<16xi32>
      tpu.vector_store %arg12[%swap3A_584], %swap3A_587 {strides = array<i32>} : memref<80xi32, #tpu.memory_space<vmem>>, vector<16xi32>,
      %and3A_588 = arith.constant 16383 : i32
      %and3A_589 = vector.broadcast %and3A_588 : i32 to vector<16xi32>
      %and3A_590 = arith.andi %get3A_580, %and3A_589 : vector<16xi32>
      %swap3A_591 = arith.constant 48 : index
      %swap3A_592 = tpu.vector_load %arg15[%swap3A_591] {strides = array<i32>} : memref<80xi32, #tpu.memory_space<vmem>>, vector<16xi32>,
      %swap3A_593 = vector.shape_cast %swap3A_592 : vector<16xi32> to vector<16xi32>
      %swap3A_594 = vector.shape_cast %and3A_590 : vector<16xi32> to vector<16xi32>
      tpu.vector_store %arg15[%swap3A_591], %swap3A_594 {strides = array<i32>} : memref<80xi32, #tpu.memory_space<vmem>>, vector<16xi32>,
      %get3A_595 = arith.index_cast %add3A_522 : i32 to index
      %get3A_596 = arith.constant 64 : index
      %get3A_597 = tpu.vector_load %arg6[%get3A_595, %get3A_596] {strides = array<i32>} : memref<126x80xi32, #tpu.memory_space<vmem>>, vector<1x16xi32>,
      %get3A_598 = vector.shape_cast %get3A_597 : vector<1x16xi32> to vector<16xi32>
      %shift_right_logical3A_599 = arith.constant 14 : i32
      %shift_right_logical3A_600 = vector.broadcast %shift_right_logical3A_599 : i32 to vector<16xi32>
      %shift_right_logical3A_601 = arith.shrui %get3A_598, %shift_right_logical3A_600 : vector<16xi32>
      %swap3A_602 = arith.constant 64 : index
      %swap3A_603 = tpu.vector_load %arg12[%swap3A_602] {strides = array<i32>} : memref<80xi32, #tpu.memory_space<vmem>>, vector<16xi32>,
      %swap3A_604 = vector.shape_cast %swap3A_603 : vector<16xi32> to vector<16xi32>
      %swap3A_605 = vector.shape_cast %shift_right_logical3A_601 : vector<16xi32> to vector<16xi32>
      tpu.vector_store %arg12[%swap3A_602], %swap3A_605 {strides = array<i32>} : memref<80xi32, #tpu.memory_space<vmem>>, vector<16xi32>,
      %and3A_606 = arith.constant 16383 : i32
      %and3A_607 = vector.broadcast %and3A_606 : i32 to vector<16xi32>
      %and3A_608 = arith.andi %get3A_598, %and3A_607 : vector<16xi32>
      %swap3A_609 = arith.constant 64 : index
      %swap3A_610 = tpu.vector_load %arg15[%swap3A_609] {strides = array<i32>} : memref<80xi32, #tpu.memory_space<vmem>>, vector<16xi32>,
      %swap3A_611 = vector.shape_cast %swap3A_610 : vector<16xi32> to vector<16xi32>
      %swap3A_612 = vector.shape_cast %and3A_608 : vector<16xi32> to vector<16xi32>
      tpu.vector_store %arg15[%swap3A_609], %swap3A_612 {strides = array<i32>} : memref<80xi32, #tpu.memory_space<vmem>>, vector<16xi32>,
      %dma_start3A_613 = arith.constant 0 : i32
      %dma_start3A_614 = arith.constant 0 : i32
      %dma_start3A_615 = tpu.memref_slice %arg2[%dma_start3A_613, %dma_start3A_614] : memref<10240x128xf32, #tpu.memory_space<hbm>> -> memref<10240x128xf32, #tpu.memory_space<hbm>>
      tpu.enqueue_indirect_dma source(%dma_start3A_615 : memref<10240x128xf32, #tpu.memory_space<hbm>>) target(%arg9 : memref<80x128xf32, #tpu.memory_space<vmem>>) offsets(%arg12 : memref<80xi32, #tpu.memory_space<vmem>>) semaphore(%arg19 : memref<!tpu.dma_semaphore, #tpu.memory_space<semaphore_mem>>)
      %scan3A_616 = arith.constant 0 : i32
      scf.yield %scan3A_616 : i32
    }
    %scan3A_297 = arith.constant 41 : i32
    %dma_wait3A = arith.constant 0 : i32
    %dma_wait3A_298 = arith.constant 0 : i32
    %dma_wait3A_299 = tpu.memref_slice %arg2[%dma_wait3A, %dma_wait3A_298] : memref<10240x128xf32, #tpu.memory_space<hbm>> -> memref<10240x128xf32, #tpu.memory_space<hbm>>
    tpu.wait_indirect_dma semaphore(%arg17 : memref<!tpu.dma_semaphore, #tpu.memory_space<semaphore_mem>>) src(%dma_wait3A_299 : memref<10240x128xf32, #tpu.memory_space<hbm>>) dst(%arg7 : memref<80x128xf32, #tpu.memory_space<vmem>>)
    "tpu.region"() ({
      %run_scoped3A = tpu.sem_alloc : memref<!tpu.dma_semaphore, #tpu.memory_space<semaphore_mem>>
      %dma_start3A_312 = arith.constant 0 : i32
      %dma_start3A_313 = arith.constant 0 : i32
      %dma_start3A_314 = tpu.memref_slice %arg16[%dma_start3A_312, %dma_start3A_313] : memref<10240x128xf32, #tpu.memory_space<vmem_shared>> -> memref<10240x128xf32, #tpu.memory_space<vmem_shared>>
      tpu.enqueue_indirect_dma source(%arg7 : memref<80x128xf32, #tpu.memory_space<vmem>>) target(%dma_start3A_314 : memref<10240x128xf32, #tpu.memory_space<vmem_shared>>) offsets(%arg13 : memref<80xi32, #tpu.memory_space<vmem>>) semaphore(%run_scoped3A : memref<!tpu.dma_semaphore, #tpu.memory_space<semaphore_mem>>) {add = true}
      %dma_wait3A_315 = arith.constant 0 : i32
      %dma_wait3A_316 = arith.constant 0 : i32
      %dma_wait3A_317 = tpu.memref_slice %arg16[%dma_wait3A_315, %dma_wait3A_316] : memref<10240x128xf32, #tpu.memory_space<vmem_shared>> -> memref<10240x128xf32, #tpu.memory_space<vmem_shared>>
      tpu.wait_indirect_dma semaphore(%run_scoped3A : memref<!tpu.dma_semaphore, #tpu.memory_space<semaphore_mem>>) src(%arg7 : memref<80x128xf32, #tpu.memory_space<vmem>>) dst(%dma_wait3A_317 : memref<10240x128xf32, #tpu.memory_space<vmem_shared>>)
      tpu.yield
    }) : () -> ()
    %dma_wait3A_300 = arith.constant 0 : i32
    %dma_wait3A_301 = arith.constant 0 : i32
    %dma_wait3A_302 = tpu.memref_slice %arg2[%dma_wait3A_300, %dma_wait3A_301] : memref<10240x128xf32, #tpu.memory_space<hbm>> -> memref<10240x128xf32, #tpu.memory_space<hbm>>
    tpu.wait_indirect_dma semaphore(%arg18 : memref<!tpu.dma_semaphore, #tpu.memory_space<semaphore_mem>>) src(%dma_wait3A_302 : memref<10240x128xf32, #tpu.memory_space<hbm>>) dst(%arg8 : memref<80x128xf32, #tpu.memory_space<vmem>>)
    "tpu.region"() ({
      %run_scoped3A = tpu.sem_alloc : memref<!tpu.dma_semaphore, #tpu.memory_space<semaphore_mem>>
      %dma_start3A_312 = arith.constant 0 : i32
      %dma_start3A_313 = arith.constant 0 : i32
      %dma_start3A_314 = tpu.memref_slice %arg16[%dma_start3A_312, %dma_start3A_313] : memref<10240x128xf32, #tpu.memory_space<vmem_shared>> -> memref<10240x128xf32, #tpu.memory_space<vmem_shared>>
      tpu.enqueue_indirect_dma source(%arg8 : memref<80x128xf32, #tpu.memory_space<vmem>>) target(%dma_start3A_314 : memref<10240x128xf32, #tpu.memory_space<vmem_shared>>) offsets(%arg14 : memref<80xi32, #tpu.memory_space<vmem>>) semaphore(%run_scoped3A : memref<!tpu.dma_semaphore, #tpu.memory_space<semaphore_mem>>) {add = true}
      %dma_wait3A_315 = arith.constant 0 : i32
      %dma_wait3A_316 = arith.constant 0 : i32
      %dma_wait3A_317 = tpu.memref_slice %arg16[%dma_wait3A_315, %dma_wait3A_316] : memref<10240x128xf32, #tpu.memory_space<vmem_shared>> -> memref<10240x128xf32, #tpu.memory_space<vmem_shared>>
      tpu.wait_indirect_dma semaphore(%run_scoped3A : memref<!tpu.dma_semaphore, #tpu.memory_space<semaphore_mem>>) src(%arg8 : memref<80x128xf32, #tpu.memory_space<vmem>>) dst(%dma_wait3A_317 : memref<10240x128xf32, #tpu.memory_space<vmem_shared>>)
      tpu.yield
    }) : () -> ()
    %dma_wait3A_303 = arith.constant 0 : i32
    %dma_wait3A_304 = arith.constant 0 : i32
    %dma_wait3A_305 = tpu.memref_slice %arg2[%dma_wait3A_303, %dma_wait3A_304] : memref<10240x128xf32, #tpu.memory_space<hbm>> -> memref<10240x128xf32, #tpu.memory_space<hbm>>
    tpu.wait_indirect_dma semaphore(%arg19 : memref<!tpu.dma_semaphore, #tpu.memory_space<semaphore_mem>>) src(%dma_wait3A_305 : memref<10240x128xf32, #tpu.memory_space<hbm>>) dst(%arg9 : memref<80x128xf32, #tpu.memory_space<vmem>>)
    "tpu.region"() ({
      %run_scoped3A = tpu.sem_alloc : memref<!tpu.dma_semaphore, #tpu.memory_space<semaphore_mem>>
      %dma_start3A_312 = arith.constant 0 : i32
      %dma_start3A_313 = arith.constant 0 : i32
      %dma_start3A_314 = tpu.memref_slice %arg16[%dma_start3A_312, %dma_start3A_313] : memref<10240x128xf32, #tpu.memory_space<vmem_shared>> -> memref<10240x128xf32, #tpu.memory_space<vmem_shared>>
      tpu.enqueue_indirect_dma source(%arg9 : memref<80x128xf32, #tpu.memory_space<vmem>>) target(%dma_start3A_314 : memref<10240x128xf32, #tpu.memory_space<vmem_shared>>) offsets(%arg15 : memref<80xi32, #tpu.memory_space<vmem>>) semaphore(%run_scoped3A : memref<!tpu.dma_semaphore, #tpu.memory_space<semaphore_mem>>) {add = true}
      %dma_wait3A_315 = arith.constant 0 : i32
      %dma_wait3A_316 = arith.constant 0 : i32
      %dma_wait3A_317 = tpu.memref_slice %arg16[%dma_wait3A_315, %dma_wait3A_316] : memref<10240x128xf32, #tpu.memory_space<vmem_shared>> -> memref<10240x128xf32, #tpu.memory_space<vmem_shared>>
      tpu.wait_indirect_dma semaphore(%run_scoped3A : memref<!tpu.dma_semaphore, #tpu.memory_space<semaphore_mem>>) src(%arg9 : memref<80x128xf32, #tpu.memory_space<vmem>>) dst(%dma_wait3A_317 : memref<10240x128xf32, #tpu.memory_space<vmem_shared>>)
      tpu.yield
    }) : () -> ()
    %barrier3A_306 = arith.constant 0 : index
    tpu.barrier barrier_id(%barrier3A_306)
    %eq3A_307 = arith.constant 0 : i32
    %eq3A_308 = arith.cmpi eq, %arg1, %eq3A_307 : i32
    %convert_element_type3A_309 = arith.extui %eq3A_308 : i1 to i32
    %cond3A_310 = arith.constant 0 : i32
    %cond3A_311 = arith.cmpi ne, %convert_element_type3A_309, %cond3A_310 : i32
    scf.if %cond3A_311 {
      "tpu.region"() ({
        %run_scoped3A = tpu.sem_alloc : memref<!tpu.dma_semaphore, #tpu.memory_space<semaphore_mem>>
        %dma_start3A_312 = arith.constant 0 : i32
        %dma_start3A_313 = arith.constant 0 : i32
        %dma_start3A_314 = tpu.memref_slice %arg5[%arg0, %dma_start3A_312, %dma_start3A_313] : memref<2x10240x128xf32, #tpu.memory_space<hbm>> -> memref<1x10240x128xf32, #tpu.memory_space<hbm>>
        %dma_start3A_315 = tpu.memref_squeeze %dma_start3A_314 : memref<1x10240x128xf32, #tpu.memory_space<hbm>> -> memref<10240x128xf32, #tpu.memory_space<hbm>>
        tpu.enqueue_dma source(%arg16 : memref<10240x128xf32, #tpu.memory_space<vmem_shared>>) target(%dma_start3A_315 : memref<10240x128xf32, #tpu.memory_space<hbm>>) target_semaphore(%run_scoped3A : memref<!tpu.dma_semaphore, #tpu.memory_space<semaphore_mem>>)
        %dma_wait3A_316 = arith.constant 0 : i32
        %dma_wait3A_317 = arith.constant 0 : i32
        %dma_wait3A_318 = tpu.memref_slice %arg5[%arg0, %dma_wait3A_316, %dma_wait3A_317] : memref<2x10240x128xf32, #tpu.memory_space<hbm>> -> memref<1x10240x128xf32, #tpu.memory_space<hbm>>
        %dma_wait3A_319 = tpu.memref_squeeze %dma_wait3A_318 : memref<1x10240x128xf32, #tpu.memory_space<hbm>> -> memref<10240x128xf32, #tpu.memory_space<hbm>>
        tpu.wait_dma2 semaphore(%run_scoped3A : memref<!tpu.dma_semaphore, #tpu.memory_space<semaphore_mem>>) src(%arg16 : memref<10240x128xf32, #tpu.memory_space<vmem_shared>>) dst(%dma_wait3A_319 : memref<10240x128xf32, #tpu.memory_space<hbm>>)
        tpu.yield
      }) : () -> ()
    } else {
    }
    return
  }
}

module attributes {stable_mosaic.version = 14 : i64} {
  func.func @body(%arg0: i32, %arg1: memref<2x2048x128xf32, #tpu.memory_space<vmem>>, %arg2: memref<2048x128xf32, #tpu.memory_space<vmem>>, %arg3: memref<128x128xf32, #tpu.memory_space<vmem>>, %arg4: memref<2048x128xf32, #tpu.memory_space<vmem>>, %arg5: memref<2048x128xf32, #tpu.memory_space<vmem>>) attributes {dimension_semantics = [#tpu.dimension_semantics<arbitrary>], iteration_bounds = array<i64: 5>, scalar_prefetch = 0 : i64, scratch_operands = 0 : i64, tpu.core_type = #tpu.core_type<tc>, window_params = [{transform_indices = @transform_0, window_bounds = array<i64: 2, 2048, 128>}, {transform_indices = @transform_1, window_bounds = array<i64: 2048, 128>}, {pipeline_mode = #tpu.pipeline_mode<synchronous>, transform_indices = @transform_2, window_bounds = array<i64: 128, 128>}, {transform_indices = @transform_3, window_bounds = array<i64: 2048, 128>}, {transform_indices = @transform_4, window_bounds = array<i64: 2048, 128>}]} {
    %get3A = arith.constant 0 : index
    %get3A_0 = arith.constant 0 : index
    %get3A_1 = arith.constant 0 : index
    %get3A_2 = vector.load %arg1[%get3A, %get3A_0, %get3A_1] : memref<2x2048x128xf32, #tpu.memory_space<vmem>>, vector<2x2048x128xf32>
    %slice3A = vector.extract_strided_slice %get3A_2 {offsets = [0, 0, 0], sizes = [1, 2048, 128], strides = [1, 1, 1]} : vector<2x2048x128xf32> to vector<1x2048x128xf32>
    %squeeze3A = vector.shape_cast %slice3A : vector<1x2048x128xf32> to vector<2048x128xf32>
    %reduce_sum3A = arith.constant dense<0.000000e+00> : vector<2048xf32>
    %reduce_sum3A_3 = vector.multi_reduction <add>, %squeeze3A, %reduce_sum3A [1] : vector<2048x128xf32> to vector<2048xf32>
    %broadcast_in_dim3A = vector.shape_cast %reduce_sum3A_3 : vector<2048xf32> to vector<2048x1xf32>
    %slice3A_4 = vector.extract_strided_slice %get3A_2 {offsets = [1, 0, 0], sizes = [1, 2048, 128], strides = [1, 1, 1]} : vector<2x2048x128xf32> to vector<1x2048x128xf32>
    %squeeze3A_5 = vector.shape_cast %slice3A_4 : vector<1x2048x128xf32> to vector<2048x128xf32>
    %reduce_sum3A_6 = arith.constant dense<0.000000e+00> : vector<2048xf32>
    %reduce_sum3A_7 = vector.multi_reduction <add>, %squeeze3A_5, %reduce_sum3A_6 [1] : vector<2048x128xf32> to vector<2048xf32>
    %broadcast_in_dim3A_8 = vector.shape_cast %reduce_sum3A_7 : vector<2048xf32> to vector<2048x1xf32>
    %add3A = arith.addf %broadcast_in_dim3A, %broadcast_in_dim3A_8 : vector<2048x1xf32>
    %mul3A = arith.constant 7.812500e-03 : f32
    %mul3A_9 = vector.broadcast %mul3A : f32 to vector<2048x1xf32>
    %mul3A_10 = arith.mulf %add3A, %mul3A_9 : vector<2048x1xf32>
    %add3A_11 = arith.constant 1.000000e+00 : f32
    %add3A_12 = vector.broadcast %add3A_11 : f32 to vector<2048x1xf32>
    %add3A_13 = arith.addf %add3A_12, %mul3A_10 : vector<2048x1xf32>
    %max3A = arith.constant 1.000000e+00 : f32
    %max3A_14 = vector.broadcast %max3A : f32 to vector<2048x1xf32>
    %max3A_15 = arith.maximumf %add3A_13, %max3A_14 : vector<2048x1xf32>
    %rsqrt3A = math.rsqrt %max3A_15 : vector<2048x1xf32>
    %get3A_16 = arith.constant 0 : index
    %get3A_17 = arith.constant 0 : index
    %get3A_18 = vector.load %arg2[%get3A_16, %get3A_17] : memref<2048x128xf32, #tpu.memory_space<vmem>>, vector<2048x128xf32>
    %get3A_19 = arith.constant 0 : index
    %get3A_20 = arith.constant 0 : index
    %get3A_21 = vector.load %arg3[%get3A_19, %get3A_20] : memref<128x128xf32, #tpu.memory_space<vmem>>, vector<128x128xf32>
    %dot_general3A = arith.constant dense<0.000000e+00> : vector<2048x128xf32>
    %dot_general3A_22 = tpu.matmul %get3A_18, %get3A_21, %dot_general3A {dimension_numbers = #tpu.dot_dimension_numbers<[1], [0], [0], [1], [0, 0, 1, 1], [], []>, transpose_lhs_hint = false} : vector<2048x128xf32>, vector<128x128xf32>, vector<2048x128xf32> -> vector<2048x128xf32>
    %swap3A = arith.constant 0 : index
    %swap3A_23 = arith.constant 0 : index
    %swap3A_24 = vector.load %arg4[%swap3A, %swap3A_23] : memref<2048x128xf32, #tpu.memory_space<vmem>>, vector<2048x128xf32>
    tpu.vector_store %arg4[%swap3A, %swap3A_23], %dot_general3A_22 {strides = array<i32>} : memref<2048x128xf32, #tpu.memory_space<vmem>>, vector<2048x128xf32>,
    %mul3A_25 = vector.broadcast %rsqrt3A : vector<2048x1xf32> to vector<2048x128xf32>
    %mul3A_26 = arith.mulf %dot_general3A_22, %mul3A_25 : vector<2048x128xf32>
    %swap3A_27 = arith.constant 0 : index
    %swap3A_28 = arith.constant 0 : index
    %swap3A_29 = vector.load %arg5[%swap3A_27, %swap3A_28] : memref<2048x128xf32, #tpu.memory_space<vmem>>, vector<2048x128xf32>
    tpu.vector_store %arg5[%swap3A_27, %swap3A_28], %mul3A_26 {strides = array<i32>} : memref<2048x128xf32, #tpu.memory_space<vmem>>, vector<2048x128xf32>,
    return
  }
  func.func @transform_0(%arg0: i32) -> (i32, i32, i32) {
    %c0_i32 = arith.constant 0 : i32
    %c0_i32_0 = arith.constant 0 : i32
    %c0_i32_1 = arith.constant 0 : i32
    return %c0_i32, %arg0, %c0_i32_0 : i32, i32, i32
  }
  func.func @transform_1(%arg0: i32) -> (i32, i32) {
    %c0_i32 = arith.constant 0 : i32
    %c0_i32_0 = arith.constant 0 : i32
    return %arg0, %c0_i32 : i32, i32
  }
  func.func @transform_2(%arg0: i32) -> (i32, i32) {
    %c0_i32 = arith.constant 0 : i32
    %c0_i32_0 = arith.constant 0 : i32
    %c0_i32_1 = arith.constant 0 : i32
    return %c0_i32, %c0_i32_0 : i32, i32
  }
  func.func @transform_3(%arg0: i32) -> (i32, i32) {
    %c0_i32 = arith.constant 0 : i32
    %c0_i32_0 = arith.constant 0 : i32
    return %arg0, %c0_i32 : i32, i32
  }
  func.func @transform_4(%arg0: i32) -> (i32, i32) {
    %c0_i32 = arith.constant 0 : i32
    %c0_i32_0 = arith.constant 0 : i32
    return %arg0, %c0_i32 : i32, i32
  }
}

module attributes {stable_mosaic.version = 14 : i64} {
  func.func @body(%arg0: i32, %arg1: memref<2x2048x128xf32, #tpu.memory_space<vmem>>, %arg2: memref<2x2048x128xf32, #tpu.memory_space<vmem>>, %arg3: memref<2048x128xf32, #tpu.memory_space<vmem>>, %arg4: memref<1x128xf32, #tpu.memory_space<vmem>>, %arg5: memref<128x128xf32, #tpu.memory_space<vmem>>, %arg6: memref<2048x128xf32, #tpu.memory_space<vmem>>, %arg7: memref<2048x128xf32, #tpu.memory_space<vmem>>) attributes {dimension_semantics = [#tpu.dimension_semantics<arbitrary>], iteration_bounds = array<i64: 5>, scalar_prefetch = 0 : i64, scratch_operands = 0 : i64, tpu.core_type = #tpu.core_type<tc>, window_params = [{transform_indices = @transform_0, window_bounds = array<i64: 2, 2048, 128>}, {transform_indices = @transform_1, window_bounds = array<i64: 2, 2048, 128>}, {transform_indices = @transform_2, window_bounds = array<i64: 2048, 128>}, {pipeline_mode = #tpu.pipeline_mode<synchronous>, transform_indices = @transform_3, window_bounds = array<i64: 1, 128>}, {pipeline_mode = #tpu.pipeline_mode<synchronous>, transform_indices = @transform_4, window_bounds = array<i64: 128, 128>}, {transform_indices = @transform_5, window_bounds = array<i64: 2048, 128>}, {transform_indices = @transform_6, window_bounds = array<i64: 2048, 128>}]} {
    %get3A = arith.constant 0 : index
    %get3A_0 = arith.constant 0 : index
    %get3A_1 = arith.constant 0 : index
    %get3A_2 = vector.load %arg1[%get3A, %get3A_0, %get3A_1] : memref<2x2048x128xf32, #tpu.memory_space<vmem>>, vector<2x2048x128xf32>
    %slice3A = vector.extract_strided_slice %get3A_2 {offsets = [0, 0, 0], sizes = [1, 2048, 128], strides = [1, 1, 1]} : vector<2x2048x128xf32> to vector<1x2048x128xf32>
    %squeeze3A = vector.shape_cast %slice3A : vector<1x2048x128xf32> to vector<2048x128xf32>
    %reduce_sum3A = arith.constant dense<0.000000e+00> : vector<2048xf32>
    %reduce_sum3A_3 = vector.multi_reduction <add>, %squeeze3A, %reduce_sum3A [1] : vector<2048x128xf32> to vector<2048xf32>
    %broadcast_in_dim3A = vector.shape_cast %reduce_sum3A_3 : vector<2048xf32> to vector<2048x1xf32>
    %slice3A_4 = vector.extract_strided_slice %get3A_2 {offsets = [1, 0, 0], sizes = [1, 2048, 128], strides = [1, 1, 1]} : vector<2x2048x128xf32> to vector<1x2048x128xf32>
    %squeeze3A_5 = vector.shape_cast %slice3A_4 : vector<1x2048x128xf32> to vector<2048x128xf32>
    %reduce_sum3A_6 = arith.constant dense<0.000000e+00> : vector<2048xf32>
    %reduce_sum3A_7 = vector.multi_reduction <add>, %squeeze3A_5, %reduce_sum3A_6 [1] : vector<2048x128xf32> to vector<2048xf32>
    %broadcast_in_dim3A_8 = vector.shape_cast %reduce_sum3A_7 : vector<2048xf32> to vector<2048x1xf32>
    %add3A = arith.addf %broadcast_in_dim3A, %broadcast_in_dim3A_8 : vector<2048x1xf32>
    %mul3A = arith.constant 7.812500e-03 : f32
    %mul3A_9 = vector.broadcast %mul3A : f32 to vector<2048x1xf32>
    %mul3A_10 = arith.mulf %add3A, %mul3A_9 : vector<2048x1xf32>
    %add3A_11 = arith.constant 1.000000e+00 : f32
    %add3A_12 = vector.broadcast %add3A_11 : f32 to vector<2048x1xf32>
    %add3A_13 = arith.addf %add3A_12, %mul3A_10 : vector<2048x1xf32>
    %max3A = arith.constant 1.000000e+00 : f32
    %max3A_14 = vector.broadcast %max3A : f32 to vector<2048x1xf32>
    %max3A_15 = arith.maximumf %add3A_13, %max3A_14 : vector<2048x1xf32>
    %rsqrt3A = math.rsqrt %max3A_15 : vector<2048x1xf32>
    %get3A_16 = arith.constant 0 : index
    %get3A_17 = arith.constant 0 : index
    %get3A_18 = arith.constant 0 : index
    %get3A_19 = vector.load %arg2[%get3A_16, %get3A_17, %get3A_18] : memref<2x2048x128xf32, #tpu.memory_space<vmem>>, vector<1x2048x128xf32>
    %get3A_20 = vector.shape_cast %get3A_19 : vector<1x2048x128xf32> to vector<2048x128xf32>
    %get3A_21 = arith.constant 1 : index
    %get3A_22 = arith.constant 0 : index
    %get3A_23 = arith.constant 0 : index
    %get3A_24 = vector.load %arg2[%get3A_21, %get3A_22, %get3A_23] : memref<2x2048x128xf32, #tpu.memory_space<vmem>>, vector<1x2048x128xf32>
    %get3A_25 = vector.shape_cast %get3A_24 : vector<1x2048x128xf32> to vector<2048x128xf32>
    %add3A_26 = arith.addf %get3A_20, %get3A_25 : vector<2048x128xf32>
    %mul3A_27 = vector.broadcast %rsqrt3A : vector<2048x1xf32> to vector<2048x128xf32>
    %mul3A_28 = arith.mulf %add3A_26, %mul3A_27 : vector<2048x128xf32>
    %get3A_29 = arith.constant 0 : index
    %get3A_30 = arith.constant 0 : index
    %get3A_31 = vector.load %arg3[%get3A_29, %get3A_30] : memref<2048x128xf32, #tpu.memory_space<vmem>>, vector<2048x128xf32>
    %mul3A_32 = arith.mulf %rsqrt3A, %rsqrt3A : vector<2048x1xf32>
    %mul3A_33 = vector.broadcast %mul3A_32 : vector<2048x1xf32> to vector<2048x128xf32>
    %mul3A_34 = arith.mulf %get3A_31, %mul3A_33 : vector<2048x128xf32>
    %add3A_35 = arith.addf %mul3A_28, %mul3A_34 : vector<2048x128xf32>
    %get3A_36 = arith.constant 0 : index
    %get3A_37 = arith.constant 0 : index
    %get3A_38 = vector.load %arg4[%get3A_36, %get3A_37] : memref<1x128xf32, #tpu.memory_space<vmem>>, vector<1x128xf32>
    %add3A_39 = vector.broadcast %get3A_38 : vector<1x128xf32> to vector<2048x128xf32>
    %add3A_40 = arith.addf %add3A_35, %add3A_39 : vector<2048x128xf32>
    %max3A_41 = arith.constant 0.000000e+00 : f32
    %max3A_42 = vector.broadcast %max3A_41 : f32 to vector<2048x128xf32>
    %max3A_43 = arith.maximumf %add3A_40, %max3A_42 : vector<2048x128xf32>
    %get3A_44 = arith.constant 0 : index
    %get3A_45 = arith.constant 0 : index
    %get3A_46 = vector.load %arg5[%get3A_44, %get3A_45] : memref<128x128xf32, #tpu.memory_space<vmem>>, vector<128x128xf32>
    %dot_general3A = arith.constant dense<0.000000e+00> : vector<2048x128xf32>
    %dot_general3A_47 = tpu.matmul %max3A_43, %get3A_46, %dot_general3A {dimension_numbers = #tpu.dot_dimension_numbers<[1], [0], [0], [1], [0, 0, 1, 1], [], []>, transpose_lhs_hint = false} : vector<2048x128xf32>, vector<128x128xf32>, vector<2048x128xf32> -> vector<2048x128xf32>
    %swap3A = arith.constant 0 : index
    %swap3A_48 = arith.constant 0 : index
    %swap3A_49 = vector.load %arg6[%swap3A, %swap3A_48] : memref<2048x128xf32, #tpu.memory_space<vmem>>, vector<2048x128xf32>
    tpu.vector_store %arg6[%swap3A, %swap3A_48], %dot_general3A_47 {strides = array<i32>} : memref<2048x128xf32, #tpu.memory_space<vmem>>, vector<2048x128xf32>,
    %mul3A_50 = vector.broadcast %rsqrt3A : vector<2048x1xf32> to vector<2048x128xf32>
    %mul3A_51 = arith.mulf %dot_general3A_47, %mul3A_50 : vector<2048x128xf32>
    %swap3A_52 = arith.constant 0 : index
    %swap3A_53 = arith.constant 0 : index
    %swap3A_54 = vector.load %arg7[%swap3A_52, %swap3A_53] : memref<2048x128xf32, #tpu.memory_space<vmem>>, vector<2048x128xf32>
    tpu.vector_store %arg7[%swap3A_52, %swap3A_53], %mul3A_51 {strides = array<i32>} : memref<2048x128xf32, #tpu.memory_space<vmem>>, vector<2048x128xf32>,
    return
  }
  func.func @transform_0(%arg0: i32) -> (i32, i32, i32) {
    %c0_i32 = arith.constant 0 : i32
    %c0_i32_0 = arith.constant 0 : i32
    %c0_i32_1 = arith.constant 0 : i32
    return %c0_i32, %arg0, %c0_i32_0 : i32, i32, i32
  }
  func.func @transform_1(%arg0: i32) -> (i32, i32, i32) {
    %c0_i32 = arith.constant 0 : i32
    %c0_i32_0 = arith.constant 0 : i32
    %c0_i32_1 = arith.constant 0 : i32
    return %c0_i32, %arg0, %c0_i32_0 : i32, i32, i32
  }
  func.func @transform_2(%arg0: i32) -> (i32, i32) {
    %c0_i32 = arith.constant 0 : i32
    %c0_i32_0 = arith.constant 0 : i32
    return %arg0, %c0_i32 : i32, i32
  }
  func.func @transform_3(%arg0: i32) -> (i32, i32) {
    %c0_i32 = arith.constant 0 : i32
    %c0_i32_0 = arith.constant 0 : i32
    %c0_i32_1 = arith.constant 0 : i32
    return %c0_i32, %c0_i32_0 : i32, i32
  }
  func.func @transform_4(%arg0: i32) -> (i32, i32) {
    %c0_i32 = arith.constant 0 : i32
    %c0_i32_0 = arith.constant 0 : i32
    %c0_i32_1 = arith.constant 0 : i32
    return %c0_i32, %c0_i32_0 : i32, i32
  }
  func.func @transform_5(%arg0: i32) -> (i32, i32) {
    %c0_i32 = arith.constant 0 : i32
    %c0_i32_0 = arith.constant 0 : i32
    return %arg0, %c0_i32 : i32, i32
  }
  func.func @transform_6(%arg0: i32) -> (i32, i32) {
    %c0_i32 = arith.constant 0 : i32
    %c0_i32_0 = arith.constant 0 : i32
    return %arg0, %c0_i32 : i32, i32
  }
}

module attributes {stable_mosaic.version = 14 : i64} {
  func.func @body(%arg0: i32, %arg1: memref<2x2048x128xf32, #tpu.memory_space<vmem>>, %arg2: memref<2x2048x128xf32, #tpu.memory_space<vmem>>, %arg3: memref<2048x128xf32, #tpu.memory_space<vmem>>, %arg4: memref<1x128xf32, #tpu.memory_space<vmem>>, %arg5: memref<128x128xf32, #tpu.memory_space<vmem>>, %arg6: memref<1x128xf32, #tpu.memory_space<vmem>>, %arg7: memref<128x128xf32, #tpu.memory_space<vmem>>, %arg8: memref<1x128xf32, #tpu.memory_space<vmem>>, %arg9: memref<128x128xf32, #tpu.memory_space<vmem>>, %arg10: memref<1x128xf32, #tpu.memory_space<vmem>>, %arg11: memref<2048x128xf32, #tpu.memory_space<vmem>>) attributes {dimension_semantics = [#tpu.dimension_semantics<arbitrary>], iteration_bounds = array<i64: 5>, scalar_prefetch = 0 : i64, scratch_operands = 0 : i64, tpu.core_type = #tpu.core_type<tc>, window_params = [{transform_indices = @transform_0, window_bounds = array<i64: 2, 2048, 128>}, {transform_indices = @transform_1, window_bounds = array<i64: 2, 2048, 128>}, {transform_indices = @transform_2, window_bounds = array<i64: 2048, 128>}, {pipeline_mode = #tpu.pipeline_mode<synchronous>, transform_indices = @transform_3, window_bounds = array<i64: 1, 128>}, {pipeline_mode = #tpu.pipeline_mode<synchronous>, transform_indices = @transform_4, window_bounds = array<i64: 128, 128>}, {pipeline_mode = #tpu.pipeline_mode<synchronous>, transform_indices = @transform_5, window_bounds = array<i64: 1, 128>}, {pipeline_mode = #tpu.pipeline_mode<synchronous>, transform_indices = @transform_6, window_bounds = array<i64: 128, 128>}, {pipeline_mode = #tpu.pipeline_mode<synchronous>, transform_indices = @transform_7, window_bounds = array<i64: 1, 128>}, {pipeline_mode = #tpu.pipeline_mode<synchronous>, transform_indices = @transform_8, window_bounds = array<i64: 128, 128>}, {pipeline_mode = #tpu.pipeline_mode<synchronous>, transform_indices = @transform_9, window_bounds = array<i64: 1, 128>}, {transform_indices = @transform_10, window_bounds = array<i64: 2048, 128>}]} {
    %get3A = arith.constant 0 : index
    %get3A_0 = arith.constant 0 : index
    %get3A_1 = arith.constant 0 : index
    %get3A_2 = vector.load %arg1[%get3A, %get3A_0, %get3A_1] : memref<2x2048x128xf32, #tpu.memory_space<vmem>>, vector<2x2048x128xf32>
    %slice3A = vector.extract_strided_slice %get3A_2 {offsets = [0, 0, 0], sizes = [1, 2048, 128], strides = [1, 1, 1]} : vector<2x2048x128xf32> to vector<1x2048x128xf32>
    %squeeze3A = vector.shape_cast %slice3A : vector<1x2048x128xf32> to vector<2048x128xf32>
    %reduce_sum3A = arith.constant dense<0.000000e+00> : vector<2048xf32>
    %reduce_sum3A_3 = vector.multi_reduction <add>, %squeeze3A, %reduce_sum3A [1] : vector<2048x128xf32> to vector<2048xf32>
    %broadcast_in_dim3A = vector.shape_cast %reduce_sum3A_3 : vector<2048xf32> to vector<2048x1xf32>
    %slice3A_4 = vector.extract_strided_slice %get3A_2 {offsets = [1, 0, 0], sizes = [1, 2048, 128], strides = [1, 1, 1]} : vector<2x2048x128xf32> to vector<1x2048x128xf32>
    %squeeze3A_5 = vector.shape_cast %slice3A_4 : vector<1x2048x128xf32> to vector<2048x128xf32>
    %reduce_sum3A_6 = arith.constant dense<0.000000e+00> : vector<2048xf32>
    %reduce_sum3A_7 = vector.multi_reduction <add>, %squeeze3A_5, %reduce_sum3A_6 [1] : vector<2048x128xf32> to vector<2048xf32>
    %broadcast_in_dim3A_8 = vector.shape_cast %reduce_sum3A_7 : vector<2048xf32> to vector<2048x1xf32>
    %add3A = arith.addf %broadcast_in_dim3A, %broadcast_in_dim3A_8 : vector<2048x1xf32>
    %mul3A = arith.constant 7.812500e-03 : f32
    %mul3A_9 = vector.broadcast %mul3A : f32 to vector<2048x1xf32>
    %mul3A_10 = arith.mulf %add3A, %mul3A_9 : vector<2048x1xf32>
    %add3A_11 = arith.constant 1.000000e+00 : f32
    %add3A_12 = vector.broadcast %add3A_11 : f32 to vector<2048x1xf32>
    %add3A_13 = arith.addf %add3A_12, %mul3A_10 : vector<2048x1xf32>
    %max3A = arith.constant 1.000000e+00 : f32
    %max3A_14 = vector.broadcast %max3A : f32 to vector<2048x1xf32>
    %max3A_15 = arith.maximumf %add3A_13, %max3A_14 : vector<2048x1xf32>
    %rsqrt3A = math.rsqrt %max3A_15 : vector<2048x1xf32>
    %get3A_16 = arith.constant 0 : index
    %get3A_17 = arith.constant 0 : index
    %get3A_18 = arith.constant 0 : index
    %get3A_19 = vector.load %arg2[%get3A_16, %get3A_17, %get3A_18] : memref<2x2048x128xf32, #tpu.memory_space<vmem>>, vector<1x2048x128xf32>
    %get3A_20 = vector.shape_cast %get3A_19 : vector<1x2048x128xf32> to vector<2048x128xf32>
    %get3A_21 = arith.constant 1 : index
    %get3A_22 = arith.constant 0 : index
    %get3A_23 = arith.constant 0 : index
    %get3A_24 = vector.load %arg2[%get3A_21, %get3A_22, %get3A_23] : memref<2x2048x128xf32, #tpu.memory_space<vmem>>, vector<1x2048x128xf32>
    %get3A_25 = vector.shape_cast %get3A_24 : vector<1x2048x128xf32> to vector<2048x128xf32>
    %add3A_26 = arith.addf %get3A_20, %get3A_25 : vector<2048x128xf32>
    %mul3A_27 = vector.broadcast %rsqrt3A : vector<2048x1xf32> to vector<2048x128xf32>
    %mul3A_28 = arith.mulf %add3A_26, %mul3A_27 : vector<2048x128xf32>
    %get3A_29 = arith.constant 0 : index
    %get3A_30 = arith.constant 0 : index
    %get3A_31 = vector.load %arg3[%get3A_29, %get3A_30] : memref<2048x128xf32, #tpu.memory_space<vmem>>, vector<2048x128xf32>
    %mul3A_32 = arith.mulf %rsqrt3A, %rsqrt3A : vector<2048x1xf32>
    %mul3A_33 = vector.broadcast %mul3A_32 : vector<2048x1xf32> to vector<2048x128xf32>
    %mul3A_34 = arith.mulf %get3A_31, %mul3A_33 : vector<2048x128xf32>
    %add3A_35 = arith.addf %mul3A_28, %mul3A_34 : vector<2048x128xf32>
    %get3A_36 = arith.constant 0 : index
    %get3A_37 = arith.constant 0 : index
    %get3A_38 = vector.load %arg4[%get3A_36, %get3A_37] : memref<1x128xf32, #tpu.memory_space<vmem>>, vector<1x128xf32>
    %add3A_39 = vector.broadcast %get3A_38 : vector<1x128xf32> to vector<2048x128xf32>
    %add3A_40 = arith.addf %add3A_35, %add3A_39 : vector<2048x128xf32>
    %max3A_41 = arith.constant 0.000000e+00 : f32
    %max3A_42 = vector.broadcast %max3A_41 : f32 to vector<2048x128xf32>
    %max3A_43 = arith.maximumf %add3A_40, %max3A_42 : vector<2048x128xf32>
    %get3A_44 = arith.constant 0 : index
    %get3A_45 = arith.constant 0 : index
    %get3A_46 = vector.load %arg5[%get3A_44, %get3A_45] : memref<128x128xf32, #tpu.memory_space<vmem>>, vector<128x128xf32>
    %dot_general3A = arith.constant dense<0.000000e+00> : vector<2048x128xf32>
    %dot_general3A_47 = tpu.matmul %max3A_43, %get3A_46, %dot_general3A {dimension_numbers = #tpu.dot_dimension_numbers<[1], [0], [0], [1], [0, 0, 1, 1], [], []>, transpose_lhs_hint = false} : vector<2048x128xf32>, vector<128x128xf32>, vector<2048x128xf32> -> vector<2048x128xf32>
    %get3A_48 = arith.constant 0 : index
    %get3A_49 = arith.constant 0 : index
    %get3A_50 = vector.load %arg6[%get3A_48, %get3A_49] : memref<1x128xf32, #tpu.memory_space<vmem>>, vector<1x128xf32>
    %add3A_51 = vector.broadcast %get3A_50 : vector<1x128xf32> to vector<2048x128xf32>
    %add3A_52 = arith.addf %dot_general3A_47, %add3A_51 : vector<2048x128xf32>
    %max3A_53 = arith.constant 0.000000e+00 : f32
    %max3A_54 = vector.broadcast %max3A_53 : f32 to vector<2048x128xf32>
    %max3A_55 = arith.maximumf %add3A_52, %max3A_54 : vector<2048x128xf32>
    %get3A_56 = arith.constant 0 : index
    %get3A_57 = arith.constant 0 : index
    %get3A_58 = vector.load %arg7[%get3A_56, %get3A_57] : memref<128x128xf32, #tpu.memory_space<vmem>>, vector<128x128xf32>
    %dot_general3A_59 = arith.constant dense<0.000000e+00> : vector<2048x128xf32>
    %dot_general3A_60 = tpu.matmul %max3A_55, %get3A_58, %dot_general3A_59 {dimension_numbers = #tpu.dot_dimension_numbers<[1], [0], [0], [1], [0, 0, 1, 1], [], []>, transpose_lhs_hint = false} : vector<2048x128xf32>, vector<128x128xf32>, vector<2048x128xf32> -> vector<2048x128xf32>
    %get3A_61 = arith.constant 0 : index
    %get3A_62 = arith.constant 0 : index
    %get3A_63 = vector.load %arg8[%get3A_61, %get3A_62] : memref<1x128xf32, #tpu.memory_space<vmem>>, vector<1x128xf32>
    %add3A_64 = vector.broadcast %get3A_63 : vector<1x128xf32> to vector<2048x128xf32>
    %add3A_65 = arith.addf %dot_general3A_60, %add3A_64 : vector<2048x128xf32>
    %max3A_66 = arith.constant 0.000000e+00 : f32
    %max3A_67 = vector.broadcast %max3A_66 : f32 to vector<2048x128xf32>
    %max3A_68 = arith.maximumf %add3A_65, %max3A_67 : vector<2048x128xf32>
    %get3A_69 = arith.constant 0 : index
    %get3A_70 = arith.constant 0 : index
    %get3A_71 = vector.load %arg9[%get3A_69, %get3A_70] : memref<128x128xf32, #tpu.memory_space<vmem>>, vector<128x128xf32>
    %dot_general3A_72 = arith.constant dense<0.000000e+00> : vector<2048x128xf32>
    %dot_general3A_73 = tpu.matmul %max3A_68, %get3A_71, %dot_general3A_72 {dimension_numbers = #tpu.dot_dimension_numbers<[1], [0], [0], [1], [0, 0, 1, 1], [], []>, transpose_lhs_hint = false} : vector<2048x128xf32>, vector<128x128xf32>, vector<2048x128xf32> -> vector<2048x128xf32>
    %get3A_74 = arith.constant 0 : index
    %get3A_75 = arith.constant 0 : index
    %get3A_76 = vector.load %arg10[%get3A_74, %get3A_75] : memref<1x128xf32, #tpu.memory_space<vmem>>, vector<1x128xf32>
    %add3A_77 = vector.broadcast %get3A_76 : vector<1x128xf32> to vector<2048x128xf32>
    %add3A_78 = arith.addf %dot_general3A_73, %add3A_77 : vector<2048x128xf32>
    %iota3A = tpu.iota {dimensions = array<i32: 1>} : vector<2048x128xi32>
    %lt3A = arith.constant 7 : i32
    %lt3A_79 = vector.broadcast %lt3A : i32 to vector<2048x128xi32>
    %lt3A_80 = arith.cmpi slt, %iota3A, %lt3A_79 : vector<2048x128xi32>
    %jit3A = arith.constant -1.000000e+30 : f32
    %broadcast_in_dim3A_81 = vector.broadcast %jit3A : f32 to vector<2048x128xf32>
    %select_n3A = arith.select %lt3A_80, %add3A_78, %broadcast_in_dim3A_81 : vector<2048x128xi1>, vector<2048x128xf32>
    %reduce_max3A = arith.constant dense<0xFF800000> : vector<2048xf32>
    %reduce_max3A_82 = vector.multi_reduction <maximumf>, %select_n3A, %reduce_max3A [1] : vector<2048x128xf32> to vector<2048xf32>
    %broadcast_in_dim3A_83 = vector.shape_cast %reduce_max3A_82 : vector<2048xf32> to vector<2048x1xf32>
    %sub3A = vector.broadcast %broadcast_in_dim3A_83 : vector<2048x1xf32> to vector<2048x128xf32>
    %sub3A_84 = arith.subf %select_n3A, %sub3A : vector<2048x128xf32>
    %exp3A = math.exp %sub3A_84 : vector<2048x128xf32>
    %reduce_sum3A_85 = arith.constant dense<0.000000e+00> : vector<2048xf32>
    %reduce_sum3A_86 = vector.multi_reduction <add>, %exp3A, %reduce_sum3A_85 [1] : vector<2048x128xf32> to vector<2048xf32>
    %broadcast_in_dim3A_87 = vector.shape_cast %reduce_sum3A_86 : vector<2048xf32> to vector<2048x1xf32>
    %sub3A_88 = vector.broadcast %broadcast_in_dim3A_83 : vector<2048x1xf32> to vector<2048x128xf32>
    %sub3A_89 = arith.subf %add3A_78, %sub3A_88 : vector<2048x128xf32>
    %log3A = math.log %broadcast_in_dim3A_87 : vector<2048x1xf32>
    %sub3A_90 = vector.broadcast %log3A : vector<2048x1xf32> to vector<2048x128xf32>
    %sub3A_91 = arith.subf %sub3A_89, %sub3A_90 : vector<2048x128xf32>
    %swap3A = arith.constant 0 : index
    %swap3A_92 = arith.constant 0 : index
    %swap3A_93 = vector.load %arg11[%swap3A, %swap3A_92] : memref<2048x128xf32, #tpu.memory_space<vmem>>, vector<2048x128xf32>
    tpu.vector_store %arg11[%swap3A, %swap3A_92], %sub3A_91 {strides = array<i32>} : memref<2048x128xf32, #tpu.memory_space<vmem>>, vector<2048x128xf32>,
    return
  }
  func.func @transform_0(%arg0: i32) -> (i32, i32, i32) {
    %c0_i32 = arith.constant 0 : i32
    %c0_i32_0 = arith.constant 0 : i32
    %c0_i32_1 = arith.constant 0 : i32
    return %c0_i32, %arg0, %c0_i32_0 : i32, i32, i32
  }
  func.func @transform_1(%arg0: i32) -> (i32, i32, i32) {
    %c0_i32 = arith.constant 0 : i32
    %c0_i32_0 = arith.constant 0 : i32
    %c0_i32_1 = arith.constant 0 : i32
    return %c0_i32, %arg0, %c0_i32_0 : i32, i32, i32
  }
  func.func @transform_2(%arg0: i32) -> (i32, i32) {
    %c0_i32 = arith.constant 0 : i32
    %c0_i32_0 = arith.constant 0 : i32
    return %arg0, %c0_i32 : i32, i32
  }
  func.func @transform_3(%arg0: i32) -> (i32, i32) {
    %c0_i32 = arith.constant 0 : i32
    %c0_i32_0 = arith.constant 0 : i32
    %c0_i32_1 = arith.constant 0 : i32
    return %c0_i32, %c0_i32_0 : i32, i32
  }
  func.func @transform_4(%arg0: i32) -> (i32, i32) {
    %c0_i32 = arith.constant 0 : i32
    %c0_i32_0 = arith.constant 0 : i32
    %c0_i32_1 = arith.constant 0 : i32
    return %c0_i32, %c0_i32_0 : i32, i32
  }
  func.func @transform_5(%arg0: i32) -> (i32, i32) {
    %c0_i32 = arith.constant 0 : i32
    %c0_i32_0 = arith.constant 0 : i32
    %c0_i32_1 = arith.constant 0 : i32
    return %c0_i32, %c0_i32_0 : i32, i32
  }
  func.func @transform_6(%arg0: i32) -> (i32, i32) {
    %c0_i32 = arith.constant 0 : i32
    %c0_i32_0 = arith.constant 0 : i32
    %c0_i32_1 = arith.constant 0 : i32
    return %c0_i32, %c0_i32_0 : i32, i32
  }
  func.func @transform_7(%arg0: i32) -> (i32, i32) {
    %c0_i32 = arith.constant 0 : i32
    %c0_i32_0 = arith.constant 0 : i32
    %c0_i32_1 = arith.constant 0 : i32
    return %c0_i32, %c0_i32_0 : i32, i32
  }
  func.func @transform_8(%arg0: i32) -> (i32, i32) {
    %c0_i32 = arith.constant 0 : i32
    %c0_i32_0 = arith.constant 0 : i32
    %c0_i32_1 = arith.constant 0 : i32
    return %c0_i32, %c0_i32_0 : i32, i32
  }
  func.func @transform_9(%arg0: i32) -> (i32, i32) {
    %c0_i32 = arith.constant 0 : i32
    %c0_i32_0 = arith.constant 0 : i32
    %c0_i32_1 = arith.constant 0 : i32
    return %c0_i32, %c0_i32_0 : i32, i32
  }
  func.func @transform_10(%arg0: i32) -> (i32, i32) {
    %c0_i32 = arith.constant 0 : i32
    %c0_i32_0 = arith.constant 0 : i32
    return %arg0, %c0_i32 : i32, i32
  }
}

</mosaic_0001>

<sc_bundles>
// kernel: kernel.10.cloned.1.call-start
scs
__scs_entry_jumppad:
0x0: {  	(pc) =	sbr.rel $0x88, $3  }
0x1: {  	(tag) =	ssettag $0x0;
	lr =	simm.s32 $0x1  }
0x2: {  	[smem:$0x3F93] =	sst lr;
	_ =	strace $0xD0000000  }
0x3: {  	_ = 	snop  }
0x4: {  	_ = 	snop  }
0x5: {  	_ = 	snop  }
0x6: {  	_ = 	snop  }
0x7: {  	_ = 	snop  }
__scs_overlays_trampoline_lowered:
0x8: {  	[smem:$0x3FA2] =	sst s0  }
0x9: {  	[smem:$0x3FA3] =	sst s1  }
0xa: {  	[smem:$0x3FA4] =	sst s2  }
0xb: {  	[smem:$0x3FA5] =	sst s3  }
0xc: {  	[smem:$0x3FA6] =	sst s4  }
0xd: {  	[smem:$0x3FA7] =	sst s5  }
0xe: {  	[smem:$0x3FA8] =	sst s6  }
0xf: {  	[smem:$0x3FA9] =	sst s7  }
0x10: {  	[smem:$0x3FAA] =	sst s8  }
0x11: {  	[smem:$0x3FAB] =	sst s9;
	s0 =	simm.s32 @!p0 $0x0  }
0x12: {  	s1 =	sld [smem:$0x3F91];
	s0 =	simm.s32 @p0 $0x1  }
0x13: {  	[smem:$0x3FAC] =	sst s0;
	s0 =	simm.s32 @!p1 $0x0  }
0x14: {  	s2 =	sld [smem:$0x3F90];
	s0 =	simm.s32 @p1 $0x1  }
0x15: {  	[smem:$0x3FAD] =	sst s0;
	s0 =	simm.s32 @!p2 $0x0  }
0x16: {  	s3 =	sld [smem:$0x3FDB];
	s0 =	simm.s32 @p2 $0x1  }
0x17: {  	s4 =	simm.s32 $0x1BF5;
	[smem:$0x3FAF] =	sst s0  }
0x18: {  	s0 =	sld [smem:$0x3F92];
	_ =	swait.ge [sflag:s4], $0x0  }
0x19: {  	s7 =	sld [smem:$0x3F93]  }
0x1a: {  	s8 =	sadd.s32 $0xFFFFE003, lr  }
0x1b: {  	s9 =	sadd.s32 $0xFFFFFEF7, lr;
	s5 =	simm.s32 $0xFFFFFFFF;
	p2 =	slt.u32 s8, $0xFFFFF086  }
0x1c: {  	p1 =	slt.u32 s9, $0xF7A;
	s5 =	simm.s32 @!p2 $0x0  }
0x1d: {  	s5 =	simm.s32 @p1 $0x1;
	p0 =	seq.s32 s7, s2  }
0x1e: {  	s7 =	smul.u32 @!p0 $0xF7A, s2;
	p2 =	seq.s32 @!p0 s5, $0x0  }
0x1f: {  	s9 =	smul.u32 $0xF7A, s1;
	s8 =	simm.s32 @!p0 $0x1BF5;
	p2 =	por !p2, p0  }
0x20: {  	[sflag:s8] =	ssyncset.s32 @!p0 $0xFFFFF086;
	s6 =	sadd.s32 @!p0 s3, s7;
	s7 =	simm.s32 @!p0 $0x108  }
0x21: {  	s3 =	sadd.s32 s3, s9;
	s6 =	sadd.s32 @!p0 $0x88, s6;
	s7 =	simm.s32 @p2 $0x1082  }
0x22: {  	[simem:s7], [sflag:s8] =	dma.local @!p0 [hbm:s6], $0xF7A  }
0x23: {  	s9 =	sor.u32 $0xD0000000, s2;
	s6 =	simm.s32 $0x108;
	_ =	swait.ge @!p0 [sflag:s8], $0x0  }
0x24: {  	s3 =	sadd.s32 $0x88, s3;
	s6 =	simm.s32 @!p1 $0x1082;
	[sflag:s4] =	ssyncset.s32 $0xFFFFF086  }
0x25: {  	[simem:s6], [sflag:s4] =	dma.local [hbm:s3], $0xF7A  }
0x26: {  	[smem:$0x3F93] =	sst s1;
	(tag) =	ssettag s2;
	_ =	strace s9  }
0x27: {  	s1 =	sld [smem:$0x3FA3]  }
0x28: {  	s2 =	sld [smem:$0x3FA4]  }
0x29: {  	s4 =	sld [smem:$0x3FA6]  }
0x2a: {  	p0 =	seq.s32 s5, $0x0;
	s5 =	sld [smem:$0x3FA7]  }
0x2b: {  	s6 =	sld [smem:$0x3FA8]  }
0x2c: {  	s7 =	sld [smem:$0x3FA9]  }
0x2d: {  	s3 =	simm.s32 $0x108;
	s8 =	sld [smem:$0x3FAA]  }
0x2e: {  	s3 =	simm.s32 @!p0 $0x1082;
	s9 =	sld [smem:$0x3FAB]  }
0x2f: {  	lr =	sadd.s32 s0, s3;
	s0 =	sld [smem:$0x3FA2]  }
0x30: {  	s3 =	sld [smem:$0x3FA5]  }
0x31: {  	[smem:$0x3FAE] =	sst s10  }
0x32: {  	s10 =	sld [smem:$0x3FAC];
	_ =	sdelay $0x3  }
0x33: {  	p0 =	seq.s32 s10, $0x1;
	s10 =	sld [smem:$0x3FAE];
	_ =	sdelay $0x3  }
0x34: {  	[smem:$0x3FAE] =	sst s10  }
0x35: {  	s10 =	sld [smem:$0x3FAD];
	_ =	sdelay $0x3  }
0x36: {  	p1 =	seq.s32 s10, $0x1;
	s10 =	sld [smem:$0x3FAE];
	_ =	sdelay $0x3  }
0x37: {  	[smem:$0x3FAE] =	sst s10  }
0x38: {  	s10 =	sld [smem:$0x3FAF]  }
0x39: {  	_ = 	snop;
	(pc) =	sbr.ind lr, $3  }
0x3a: {  	_ = 	snop  }
0x3b: {  	_ = 	snop  }
0x3c: {  	p2 =	seq.s32 s10, $0x1;
	s10 =	sld [smem:$0x3FAE]  }
0x3d: {  	_ =	shalt  }
0x3e: {  	_ =	shalt  }
0x3f: {  	_ =	shalt  }
0x40: {  	_ =	shalt  }
0x41: {  	_ =	shalt  }
0x42: {  	_ =	shalt  }
0x43: {  	_ =	shalt  }
0x44: {  	_ =	shalt  }
0x45: {  	_ =	shalt  }
0x46: {  	_ =	shalt  }
0x47: {  	_ =	shalt  }
0x48: {  	_ =	shalt  }
0x49: {  	_ =	shalt  }
0x4a: {  	_ =	shalt  }
0x4b: {  	_ =	shalt  }
0x4c: {  	_ =	shalt  }
0x4d: {  	_ =	shalt  }
0x4e: {  	_ =	shalt  }
0x4f: {  	_ =	shalt  }
0x50: {  	_ =	shalt  }
0x51: {  	_ =	shalt  }
0x52: {  	_ =	shalt  }
0x53: {  	_ =	shalt  }
0x54: {  	_ =	shalt  }
0x55: {  	_ =	shalt  }
0x56: {  	_ =	shalt  }
0x57: {  	_ =	shalt  }
0x58: {  	_ =	shalt  }
0x59: {  	_ =	shalt  }
0x5a: {  	_ =	shalt  }
0x5b: {  	_ =	shalt  }
0x5c: {  	_ =	shalt  }
0x5d: {  	_ =	shalt  }
0x5e: {  	_ =	shalt  }
0x5f: {  	_ =	shalt  }
0x60: {  	_ =	shalt  }
0x61: {  	_ =	shalt  }
0x62: {  	_ =	shalt  }
0x63: {  	_ =	shalt  }
0x64: {  	_ =	shalt  }
0x65: {  	_ =	shalt  }
0x66: {  	_ =	shalt  }
0x67: {  	_ =	shalt  }
0x68: {  	_ =	shalt  }
0x69: {  	_ =	shalt  }
0x6a: {  	_ =	shalt  }
0x6b: {  	_ =	shalt  }
0x6c: {  	_ =	shalt  }
0x6d: {  	_ =	shalt  }
0x6e: {  	_ =	shalt  }
0x6f: {  	_ =	shalt  }
0x70: {  	_ =	shalt  }
0x71: {  	_ =	shalt  }
0x72: {  	_ =	shalt  }
0x73: {  	_ =	shalt  }
0x74: {  	_ =	shalt  }
0x75: {  	_ =	shalt  }
0x76: {  	_ =	shalt  }
0x77: {  	_ =	shalt  }
0x78: {  	_ =	shalt  }
0x79: {  	_ =	shalt  }
0x7a: {  	_ =	shalt  }
0x7b: {  	_ =	shalt  }
0x7c: {  	_ =	shalt  }
0x7d: {  	_ =	shalt  }
0x7e: {  	_ =	shalt  }
0x7f: {  	_ =	shalt  }
0x80: {  	_ =	shalt  }
0x81: {  	_ =	shalt  }
0x82: {  	_ =	shalt  }
0x83: {  	_ =	shalt  }
0x84: {  	_ =	shalt  }
0x85: {  	_ =	shalt  }
0x86: {  	_ =	shalt  }
0x87: {  	_ =	shalt  }
.Lfunc_end0:
.L_simem_size_0:
called_computation_lowered:
.L_overlay_start_0:
0x88: {  	s2 =	sld [smem:$0x3FD9]  }
0x89: {  	s3 =	sld [smem:$0x3FFE];
	_ =	sdelay $0x1  }
0x8a: {  	s1 =	srdreg.scid  }
0x8b: {  	s0 =	sand.u32 $0x1, s1  }
0x8c: {  	s17 =	sshll.u32 s0, $0xA;
	s2 =	sadd.s32 s3, s2  }
0x8d: {  	s2 =	sadd.s32 s2, s17  }
0x8e: {  	[smem:$0x3FBA] =	sst s2  }
0x8f: {  	_ = 	snop  }
0x90: {  	s2 =	sld [smem:$0x3FD0];
	(tm) =	ssettm $0x1  }
0x91: {  	s18 =	sld [smem:$0x3FFB];
	_ =	sdelay $0x3  }
0x92: {  	_ =	strace s18  }
0x93: {  	s3 =	sld [smem:$0x3FFC];
	_ =	sdelay $0x3  }
0x94: {  	_ =	strace s3  }
0x95: {  	s3 =	sld [smem:$0x3FFD];
	_ =	sdelay $0x3  }
0x96: {  	_ =	strace s3  }
0x97: {  	_ =	strace $0x8FFFFFFF  }
0x98: {  	s19 =	sld [smem:$0x3FDB];
	_ =	sdelay $0x1  }
0x99: {  	s4 =	simm.s32 $_scs_section_size  }
0x9a: {  	s5 =	simm.s32 $_size__tile_overlayer_lowered;
	s6 =	simm.s32 $_tile_overlayer_lowered  }
0x9b: {  	s22 =	simm.s32 $0x1BFF;
	s21 =	sshll.u32 s6, $0x1;
	s3 =	sadd.s32 s4, s19  }
0x9c: {  	s7 =	simm.s32 $0x0;
	s20 =	sshll.u32 s5, $0x1;
	s5 =	sadd.s32 s21, s3  }
0x9d: {  	[timem:s7], [sflag:s22] =	dma.local [hbm:s5], s20  }
0x9e: {  	_ =	swait.ge [sflag:s22], s20  }
0x9f: {  	s4 =	ssub.s32 $0x0, s20;
	[sflag:s22] =	ssyncset.done $0x0  }
0xa0: {  	[sflag:s22] =	ssyncadd.s32 s4;
	_ =	sdelay $0x1  }
0xa1: {  	s23 =	simm.s32 $0x1B8B  }
0xa2: {  	_ =	swait.ge [sflag:s23], $0x1  }
0xa3: {  	[sflag:s23] =	ssyncset.done $0x0  }
0xa4: {  	s25 =	simm.s32 $0x1B8E;
	s24 =	sld [smem:$0x3FFE];
	[sflag:s23] =	ssyncadd.s32 $0xFFFFFFFF  }
0xa5: {  	s26 =	simm.s32 $execute0_lowered;
	[smem:$0x3FD2] =	sst s25  }
0xa6: {  	s5 =	sshll.u32 s26, $0x1;
	_ =	strace $0x80000046;
	[dreg:$0x1] =	wrdreg $0xFFFFFFFF  }
0xa7: {  	s28 =	simm.s32 $_size_execute0_lowered;
	s3 =	sadd.s32 s3, s5;
	[dreg:$0x0] =	wrdreg $0x0  }
0xa8: {  	s5 =	sshll.u32 s28, $0x1;
	[dreg:$0x2] =	wrdreg s3  }
0xa9: {  	[dreg:$0x3] =	wrdreg s5  }
0xaa: {  	[dreg:$0x4] =	wrdreg $0xC0  }
0xab: {  	_ =	task [dreg:s7], $0x5FFFF  }
0xac: {  	[dreg:$0x1] =	wrdreg $0xFFFFFFFF  }
0xad: {  	[dreg:$0x0] =	wrdreg $0x60  }
0xae: {  	[dreg:$0x2] =	wrdreg s24  }
0xaf: {  	[dreg:$0x3] =	wrdreg s2  }
0xb0: {  	[dreg:$0x4] =	wrdreg $0x68000  }
0xb1: {  	[dreg:$0x5] =	wrdreg $0x9  }
0xb2: {  	_ =	task.clear_ibuf [dreg:s7], $0x6FFFF;
	_ =	strace $0x90000046  }
0xb3: {  	s29 =	simm.s32 $0x9;
	_ =	strace $0x80000048  }
0xb4: {  	_ =	swait.ge [sflag:s29], $0x1  }
0xb5: {  	[sflag:s29] =	ssyncadd.s32 $0xFFFFFFFF  }
0xb6: {  	_ =	strace $0x90000048  }
0xb7: {  	_ =	sfence  }
0xb8: {  	s30 =	sld [smem:$0x0];
	_ =	sdelay $0x2  }
0xb9: {  	s31 =	sshll.u32 s1, $0xD;
	s1 =	sshrl.u32 s1, $0x2  }
0xba: {  	s3 =	sand.u32 $0x4000, s31;
	s1 =	sadd.s32 s1, s30  }
0xbb: {  	s0 =	sor.u32 s3, s0;
	s1 =	sshll.u32 s1, $0x11  }
0xbc: {  	s0 =	sor.u32 s1, s0  }
0xbd: {  	s0 =	sadd.s32 $0x8F2B, s0  }
0xbe: {  	[sflag:s0] =	ssyncadd.remote.s32 $0x1  }
0xbf: {  	_ =	sfence.sel $0xFFFF  }
0xc0: {  	[dreg:$0x0] =	wrdreg $0xFFFFFFFF;
	(pc) =	sbr.abs _section_cstart, $3  }
0xc1: {  	[dreg:$0x1] =	wrdreg $0xFFFFFFFF  }
0xc2: {  	_ =	task.clear_ibuf [dreg:s7], $0x2FFFF;
	_ =	strace $0x9FFFFFFF  }
0xc3: {  	(tm) =	ssettm $0x7FFFFFFF  }
tec
execute0_lowered:
.L_overlay_start_1:
0x0: {  	(tag) =	ssettag $0x1  }
0x1: {  	s5 =	rddreg [dreg:$0x0]  }
0x2: {  	s1 =	rddreg [dreg:$0x1]  }
0x3: {  	s2 =	rddreg [dreg:$0x2]  }
0x4: {  	s4 =	srdreg.scid;
	s0 =	rddreg [dreg:$0x3]  }
0x5: {  	s3 =	simm.s32 $0x0;
	s8 =	stileid.u32;
	s12 =	simm.s32 $0x0  }
0x6: {  	s4 =	sand.u32 $0x1, s4;
	[smem:$0x7FF] =	sst s3;
	s11 =	sshll.u32 s8, $0xC  }
0x7: {  	p0 =	sne.s32 s8, $0x0;
	s8 =	simm.s32 $0x1;
	s6 =	sshll.u32 s4, $0xB  }
0x8: {  	_ =	strace $0x80000047;
	s7 =	smul.u32 $0x28000, s4;
	s9 =	ssub.s32 $0x2, s4  }
0x9: {  	s4 =	sadd.s32 $0x14200, s5;
	s6 =	sadd.s32 s6, s5;
	s10 =	sshrl.u32 s9, $0x1  }
0xa: {  	s7 =	sadd.s32 s7, s5;
	s9 =	ssub.s32 s9, s10;
	s31 =	sadd.s32 s11, s6  }
0xb: {  	s10 =	sshrl.u32 @!p0 s2, $0x3;
	s11 =	simm.s32 $0x50;
	s5 =	sadd.s32 $0x4200, s31  }
0xc: {  	s6 =	sadd.s32 $0x3C200, s7;
	s7 =	smax.u32 s9, $0x1;
	s9 =	simm.s32 $0x4000  }
.LBB2_1:
0xd: {  	[tilespmem:s3], [sflag:$0x1] =	stream.linear.gather [hbm4b:s5+s3], $0x3F00, $0x38;
	[tilespmem:$0x1A800] =	vst v63  }
0xe: {  	_ =	swait.ge [sflag:s8], $0x3F00  }
0xf: {  	[sflag:s8] =	ssyncset.done $0x0  }
0x10: {  	[sflag:s8] =	ssyncadd.s32 $0xFFFFC100  }
0x11: {  	[tilespmem:s9], [sflag:$0x1] =	stream.linear.gather [hbm4b:s1+s3], $0x2800, $0x38;
	[tilespmem:$0x1A800] =	vst v63  }
0x12: {  	_ =	swait.ge [sflag:s8], $0x2800  }
0x13: {  	[sflag:s8] =	ssyncset.done $0x0  }
0x14: {  	s13 =	simm.s32 @!p0 $0x1C01;
	[sflag:s8] =	ssyncadd.s32 $0xFFFFD800  }
0x15: {  	[spmem:s10], [sflag:s13] =	dma.local @!p0 [hbm:s4], $0x28000  }
0x16: {  	s13 =	simm.s32 @!p0 $0x1  }
0x17: {  	_ =	swait.ge @!p0 [sflag:s13], $0x28000  }
0x18: {  	[sflag:s13] =	ssyncset.done @!p0 $0x0  }
0x19: {  	[sflag:s13] =	ssyncadd.s32 @!p0 $0xFFFD8000  }
0x1a: {  	s31 =	simm.s32 $0x0;
	[bflag:$0x0] =	sbarrier.arrive $0xFFFF  }
0x1b: {  	[spmem:s2] =	stream.indirect.scatter.add.f32 [tilespmem:s9], [sflag:$0x1], $0x80, s31, s11, $0xb8;
	[tilespmem:$0x1A800] =	vst v63  }
0x1c: {  	_ =	swait.ge [sflag:s8], $0x2800  }
0x1d: {  	s13 =	simm.s32 $0x200;
	[sflag:s8] =	ssyncset.done $0x0  }
.LBB2_2:
0x1e: {  	s14 =	sshra.s32 s13, $0x2;
	[sflag:s8] =	ssyncadd.s32 $0xFFFFD800;
	p1 =	sne.s32 s13, $0xFA00  }
0x1f: {  	[spmem:s2] =	stream.indirect.scatter.add.f32 [tilespmem:s9], [sflag:$0x1], $0x80, s14, s11, $0xb8;
	[tilespmem:$0x1A800] =	vst v63  }
.Ltmp0:
0x20: {  	_ = 	snop;
	(pc) =	sbr.rel @p1 .LBB2_2-.Ltmp0, $4  }
0x21: {  	_ = 	snop  }
0x22: {  	s13 =	sadd.s32 $0x200, s13  }
0x23: {  	_ =	swait.ge [sflag:s8], $0x2800  }
0x24: {  	[sflag:s8] =	ssyncset.done $0x0  }
0x25: {  	[sflag:s8] =	ssyncadd.s32 $0xFFFFD800;
	s12 =	sadd.s32 $0x1, s12  }
0x26: {  	s13 =	simm.s32 @!p0 $0x1C01;
	[bflag:$0x0] =	sbarrier.arrive $0xFFFF;
	p1 =	sne.s32 s12, s7  }
0x27: {  	[hbm:s6], [sflag:s13] =	dma.local @!p0 [spmem:s10], $0x28000  }
.Ltmp1:
0x28: {  	_ = 	snop;
	(pc) =	sbr.rel @p1 .LBB2_1-.Ltmp1, $4  }
0x29: {  	s13 =	simm.s32 @!p0 $0x1  }
0x2a: {  	_ =	swait.ge @!p0 [sflag:s13], $0x28000  }
0x2b: {  	[sflag:s13] =	ssyncset.done @!p0 $0x0  }
0x2c: {  	[sflag:s13] =	ssyncadd.s32 @!p0 $0xFFFD8000  }
0x2d: {  	_ =	sfence.sel $0x180000  }
0x2e: {  	[bflag:$0x0] =	sbarrier.arrive $0xFFFF  }
0x2f: {  	_ =	strace $0x90000047  }
0x30: {  	s0 =	sadd.s32 @!p0 $0x100000, s0;
	[bflag:$0x2] =	sbarrier.arrive $0xFFFF  }
0x31: {  	[sflag:s0] =	ssyncadd.tile.s32 @!p0 $0x1;
	_ =	shalt  }
.Lfunc_end2:
_tile_overlayer_lowered:
.L_overlay_start_2:
0x32: {  	(tag) =	ssettag $0x2  }
0x33: {  	s0 =	rddreg [dreg:$0x0];
	s2 =	stileid.u32  }
0x34: {  	s1 =	rddreg [dreg:$0x1];
	p0 =	sne.s32 s2, $0x0  }
0x35: {  	s3 =	rddreg [dreg:$0x2];
	[bflag:$0x3] =	sbarrier.arrive $0xFFFF;
	s2 =	simm.s32 @!p0 $0x1C01  }
0x36: {  	[timem:s3], [sflag:s2] =	dma.local @!p0 [hbm:s0], s1  }
0x37: {  	s0 =	simm.s32 @!p0 $0x1  }
0x38: {  	_ =	swait.ge @!p0 [sflag:s0], s1  }
0x39: {  	s1 =	ssub.s32 @!p0 $0x0, s1;
	[sflag:s0] =	ssyncset.done @!p0 $0x0  }
0x3a: {  	[sflag:s0] =	ssyncadd.s32 @!p0 s1  }
0x3b: {  	[bflag:$0x3] =	sbarrier.arrive $0xFFFF  }
0x3c: {  	_ =	shalt  }

// kernel: kernel.13.cloned.1.call-start
scs
__scs_entry_jumppad:
0x0: {  	(pc) =	sbr.rel $0x88, $3  }
0x1: {  	(tag) =	ssettag $0x0;
	lr =	simm.s32 $0x1  }
0x2: {  	[smem:$0x3F93] =	sst lr;
	_ =	strace $0xD0000000  }
0x3: {  	_ = 	snop  }
0x4: {  	_ = 	snop  }
0x5: {  	_ = 	snop  }
0x6: {  	_ = 	snop  }
0x7: {  	_ = 	snop  }
__scs_overlays_trampoline_lowered:
0x8: {  	[smem:$0x3FA2] =	sst s0  }
0x9: {  	[smem:$0x3FA3] =	sst s1  }
0xa: {  	[smem:$0x3FA4] =	sst s2  }
0xb: {  	[smem:$0x3FA5] =	sst s3  }
0xc: {  	[smem:$0x3FA6] =	sst s4  }
0xd: {  	[smem:$0x3FA7] =	sst s5  }
0xe: {  	[smem:$0x3FA8] =	sst s6  }
0xf: {  	[smem:$0x3FA9] =	sst s7  }
0x10: {  	[smem:$0x3FAA] =	sst s8  }
0x11: {  	[smem:$0x3FAB] =	sst s9;
	s0 =	simm.s32 @!p0 $0x0  }
0x12: {  	s1 =	sld [smem:$0x3F91];
	s0 =	simm.s32 @p0 $0x1  }
0x13: {  	[smem:$0x3FAC] =	sst s0;
	s0 =	simm.s32 @!p1 $0x0  }
0x14: {  	s2 =	sld [smem:$0x3F90];
	s0 =	simm.s32 @p1 $0x1  }
0x15: {  	[smem:$0x3FAD] =	sst s0;
	s0 =	simm.s32 @!p2 $0x0  }
0x16: {  	s3 =	sld [smem:$0x3FDB];
	s0 =	simm.s32 @p2 $0x1  }
0x17: {  	s4 =	simm.s32 $0x1BF5;
	[smem:$0x3FAF] =	sst s0  }
0x18: {  	s0 =	sld [smem:$0x3F92];
	_ =	swait.ge [sflag:s4], $0x0  }
0x19: {  	s7 =	sld [smem:$0x3F93]  }
0x1a: {  	s8 =	sadd.s32 $0xFFFFE003, lr  }
0x1b: {  	s9 =	sadd.s32 $0xFFFFFEF7, lr;
	s5 =	simm.s32 $0xFFFFFFFF;
	p2 =	slt.u32 s8, $0xFFFFF086  }
0x1c: {  	p1 =	slt.u32 s9, $0xF7A;
	s5 =	simm.s32 @!p2 $0x0  }
0x1d: {  	s5 =	simm.s32 @p1 $0x1;
	p0 =	seq.s32 s7, s2  }
0x1e: {  	s7 =	smul.u32 @!p0 $0xF7A, s2;
	p2 =	seq.s32 @!p0 s5, $0x0  }
0x1f: {  	s9 =	smul.u32 $0xF7A, s1;
	s8 =	simm.s32 @!p0 $0x1BF5;
	p2 =	por !p2, p0  }
0x20: {  	[sflag:s8] =	ssyncset.s32 @!p0 $0xFFFFF086;
	s6 =	sadd.s32 @!p0 s3, s7;
	s7 =	simm.s32 @!p0 $0x108  }
0x21: {  	s3 =	sadd.s32 s3, s9;
	s6 =	sadd.s32 @!p0 $0x88, s6;
	s7 =	simm.s32 @p2 $0x1082  }
0x22: {  	[simem:s7], [sflag:s8] =	dma.local @!p0 [hbm:s6], $0xF7A  }
0x23: {  	s9 =	sor.u32 $0xD0000000, s2;
	s6 =	simm.s32 $0x108;
	_ =	swait.ge @!p0 [sflag:s8], $0x0  }
0x24: {  	s3 =	sadd.s32 $0x88, s3;
	s6 =	simm.s32 @!p1 $0x1082;
	[sflag:s4] =	ssyncset.s32 $0xFFFFF086  }
0x25: {  	[simem:s6], [sflag:s4] =	dma.local [hbm:s3], $0xF7A  }
0x26: {  	[smem:$0x3F93] =	sst s1;
	(tag) =	ssettag s2;
	_ =	strace s9  }
0x27: {  	s1 =	sld [smem:$0x3FA3]  }
0x28: {  	s2 =	sld [smem:$0x3FA4]  }
0x29: {  	s4 =	sld [smem:$0x3FA6]  }
0x2a: {  	p0 =	seq.s32 s5, $0x0;
	s5 =	sld [smem:$0x3FA7]  }
0x2b: {  	s6 =	sld [smem:$0x3FA8]  }
0x2c: {  	s7 =	sld [smem:$0x3FA9]  }
0x2d: {  	s3 =	simm.s32 $0x108;
	s8 =	sld [smem:$0x3FAA]  }
0x2e: {  	s3 =	simm.s32 @!p0 $0x1082;
	s9 =	sld [smem:$0x3FAB]  }
0x2f: {  	lr =	sadd.s32 s0, s3;
	s0 =	sld [smem:$0x3FA2]  }
0x30: {  	s3 =	sld [smem:$0x3FA5]  }
0x31: {  	[smem:$0x3FAE] =	sst s10  }
0x32: {  	s10 =	sld [smem:$0x3FAC];
	_ =	sdelay $0x3  }
0x33: {  	p0 =	seq.s32 s10, $0x1;
	s10 =	sld [smem:$0x3FAE];
	_ =	sdelay $0x3  }
0x34: {  	[smem:$0x3FAE] =	sst s10  }
0x35: {  	s10 =	sld [smem:$0x3FAD];
	_ =	sdelay $0x3  }
0x36: {  	p1 =	seq.s32 s10, $0x1;
	s10 =	sld [smem:$0x3FAE];
	_ =	sdelay $0x3  }
0x37: {  	[smem:$0x3FAE] =	sst s10  }
0x38: {  	s10 =	sld [smem:$0x3FAF]  }
0x39: {  	_ = 	snop;
	(pc) =	sbr.ind lr, $3  }
0x3a: {  	_ = 	snop  }
0x3b: {  	_ = 	snop  }
0x3c: {  	p2 =	seq.s32 s10, $0x1;
	s10 =	sld [smem:$0x3FAE]  }
0x3d: {  	_ =	shalt  }
0x3e: {  	_ =	shalt  }
0x3f: {  	_ =	shalt  }
0x40: {  	_ =	shalt  }
0x41: {  	_ =	shalt  }
0x42: {  	_ =	shalt  }
0x43: {  	_ =	shalt  }
0x44: {  	_ =	shalt  }
0x45: {  	_ =	shalt  }
0x46: {  	_ =	shalt  }
0x47: {  	_ =	shalt  }
0x48: {  	_ =	shalt  }
0x49: {  	_ =	shalt  }
0x4a: {  	_ =	shalt  }
0x4b: {  	_ =	shalt  }
0x4c: {  	_ =	shalt  }
0x4d: {  	_ =	shalt  }
0x4e: {  	_ =	shalt  }
0x4f: {  	_ =	shalt  }
0x50: {  	_ =	shalt  }
0x51: {  	_ =	shalt  }
0x52: {  	_ =	shalt  }
0x53: {  	_ =	shalt  }
0x54: {  	_ =	shalt  }
0x55: {  	_ =	shalt  }
0x56: {  	_ =	shalt  }
0x57: {  	_ =	shalt  }
0x58: {  	_ =	shalt  }
0x59: {  	_ =	shalt  }
0x5a: {  	_ =	shalt  }
0x5b: {  	_ =	shalt  }
0x5c: {  	_ =	shalt  }
0x5d: {  	_ =	shalt  }
0x5e: {  	_ =	shalt  }
0x5f: {  	_ =	shalt  }
0x60: {  	_ =	shalt  }
0x61: {  	_ =	shalt  }
0x62: {  	_ =	shalt  }
0x63: {  	_ =	shalt  }
0x64: {  	_ =	shalt  }
0x65: {  	_ =	shalt  }
0x66: {  	_ =	shalt  }
0x67: {  	_ =	shalt  }
0x68: {  	_ =	shalt  }
0x69: {  	_ =	shalt  }
0x6a: {  	_ =	shalt  }
0x6b: {  	_ =	shalt  }
0x6c: {  	_ =	shalt  }
0x6d: {  	_ =	shalt  }
0x6e: {  	_ =	shalt  }
0x6f: {  	_ =	shalt  }
0x70: {  	_ =	shalt  }
0x71: {  	_ =	shalt  }
0x72: {  	_ =	shalt  }
0x73: {  	_ =	shalt  }
0x74: {  	_ =	shalt  }
0x75: {  	_ =	shalt  }
0x76: {  	_ =	shalt  }
0x77: {  	_ =	shalt  }
0x78: {  	_ =	shalt  }
0x79: {  	_ =	shalt  }
0x7a: {  	_ =	shalt  }
0x7b: {  	_ =	shalt  }
0x7c: {  	_ =	shalt  }
0x7d: {  	_ =	shalt  }
0x7e: {  	_ =	shalt  }
0x7f: {  	_ =	shalt  }
0x80: {  	_ =	shalt  }
0x81: {  	_ =	shalt  }
0x82: {  	_ =	shalt  }
0x83: {  	_ =	shalt  }
0x84: {  	_ =	shalt  }
0x85: {  	_ =	shalt  }
0x86: {  	_ =	shalt  }
0x87: {  	_ =	shalt  }
.Lfunc_end0:
.L_simem_size_0:
called_computation.1_lowered:
.L_overlay_start_0:
0x88: {  	s2 =	sld [smem:$0x3FD9]  }
0x89: {  	s3 =	sld [smem:$0x3FFE];
	_ =	sdelay $0x1  }
0x8a: {  	s1 =	srdreg.scid  }
0x8b: {  	s0 =	sand.u32 $0x1, s1  }
0x8c: {  	s16 =	sshll.u32 s0, $0xA;
	s2 =	sadd.s32 s3, s2  }
0x8d: {  	s2 =	sadd.s32 s2, s16  }
0x8e: {  	[smem:$0x3FBA] =	sst s2  }
0x8f: {  	_ = 	snop  }
0x90: {  	(tm) =	ssettm $0x1  }
0x91: {  	s17 =	sld [smem:$0x3FFB];
	_ =	sdelay $0x3  }
0x92: {  	_ =	strace s17  }
0x93: {  	s2 =	sld [smem:$0x3FFC];
	_ =	sdelay $0x3  }
0x94: {  	_ =	strace s2  }
0x95: {  	s2 =	sld [smem:$0x3FFD];
	_ =	sdelay $0x3  }
0x96: {  	_ =	strace s2  }
0x97: {  	_ =	strace $0x8FFFFFFF  }
0x98: {  	s18 =	sld [smem:$0x3FDB];
	_ =	sdelay $0x1  }
0x99: {  	s19 =	simm.s32 $_scs_section_size  }
0x9a: {  	s4 =	simm.s32 $_size__tile_overlayer_lowered;
	s5 =	simm.s32 $_tile_overlayer_lowered  }
0x9b: {  	s22 =	simm.s32 $0x1BFF;
	s21 =	sshll.u32 s5, $0x1;
	s2 =	sadd.s32 s19, s18  }
0x9c: {  	s6 =	simm.s32 $0x0;
	s20 =	sshll.u32 s4, $0x1;
	s4 =	sadd.s32 s21, s2  }
0x9d: {  	[timem:s6], [sflag:s22] =	dma.local [hbm:s4], s20  }
0x9e: {  	_ =	swait.ge [sflag:s22], s20  }
0x9f: {  	s3 =	ssub.s32 $0x0, s20;
	[sflag:s22] =	ssyncset.done $0x0  }
0xa0: {  	[sflag:s22] =	ssyncadd.s32 s3;
	_ =	sdelay $0x1  }
0xa1: {  	s23 =	simm.s32 $0x1B8B  }
0xa2: {  	_ =	swait.ge [sflag:s23], $0x1  }
0xa3: {  	[sflag:s23] =	ssyncset.done $0x0  }
0xa4: {  	s25 =	simm.s32 $0x1B8E;
	s24 =	sld [smem:$0x3FFE];
	[sflag:s23] =	ssyncadd.s32 $0xFFFFFFFF  }
0xa5: {  	s26 =	simm.s32 $execute0_lowered;
	[smem:$0x3FD2] =	sst s25  }
0xa6: {  	s4 =	sshll.u32 s26, $0x1;
	_ =	strace $0x80000049;
	[dreg:$0x1] =	wrdreg $0xFFFFFFFF  }
0xa7: {  	s28 =	simm.s32 $_size_execute0_lowered;
	s2 =	sadd.s32 s2, s4;
	[dreg:$0x0] =	wrdreg $0x0  }
0xa8: {  	s4 =	sshll.u32 s28, $0x1;
	[dreg:$0x2] =	wrdreg s2  }
0xa9: {  	[dreg:$0x3] =	wrdreg s4  }
0xaa: {  	[dreg:$0x4] =	wrdreg $0xC0  }
0xab: {  	_ =	task [dreg:s6], $0x5FFFF  }
0xac: {  	[dreg:$0x1] =	wrdreg $0xFFFFFFFF  }
0xad: {  	[dreg:$0x0] =	wrdreg $0x60  }
0xae: {  	[dreg:$0x2] =	wrdreg s24  }
0xaf: {  	[dreg:$0x3] =	wrdreg $0xBB000  }
0xb0: {  	[dreg:$0x4] =	wrdreg $0x9  }
0xb1: {  	_ =	task.clear_ibuf [dreg:s6], $0x5FFFF;
	_ =	strace $0x90000049  }
0xb2: {  	s29 =	simm.s32 $0x9;
	_ =	strace $0x8000004B  }
0xb3: {  	_ =	swait.ge [sflag:s29], $0x1  }
0xb4: {  	[sflag:s29] =	ssyncadd.s32 $0xFFFFFFFF  }
0xb5: {  	_ =	strace $0x9000004B  }
0xb6: {  	_ =	sfence  }
0xb7: {  	s30 =	sld [smem:$0x0];
	_ =	sdelay $0x2  }
0xb8: {  	s31 =	sshll.u32 s1, $0xD;
	s1 =	sshrl.u32 s1, $0x2  }
0xb9: {  	s3 =	sand.u32 $0x4000, s31;
	s1 =	sadd.s32 s1, s30  }
0xba: {  	s0 =	sor.u32 s3, s0;
	s1 =	sshll.u32 s1, $0x11  }
0xbb: {  	s0 =	sor.u32 s1, s0  }
0xbc: {  	s0 =	sadd.s32 $0x8F2B, s0  }
0xbd: {  	[sflag:s0] =	ssyncadd.remote.s32 $0x1  }
0xbe: {  	_ =	sfence.sel $0xFFFF  }
0xbf: {  	[dreg:$0x0] =	wrdreg $0xFFFFFFFF;
	(pc) =	sbr.abs _section_cstart, $3  }
0xc0: {  	[dreg:$0x1] =	wrdreg $0xFFFFFFFF  }
0xc1: {  	_ =	task.clear_ibuf [dreg:s6], $0x2FFFF;
	_ =	strace $0x9FFFFFFF  }
0xc2: {  	(tm) =	ssettm $0x7FFFFFFF  }
0xc3: {  	_ =	shalt  }
tec
execute0_lowered:
.L_overlay_start_1:
0x0: {  	(tag) =	ssettag $0x1  }
0x1: {  	s5 =	rddreg [dreg:$0x0]  }
0x2: {  	s1 =	rddreg [dreg:$0x1]  }
0x3: {  	s0 =	rddreg [dreg:$0x2];
	s2 =	simm.s32 $0x0  }
0x4: {  	s3 =	srdreg.scid;
	s9 =	stileid.u32;
	s11 =	simm.s32 $0xB800  }
0x5: {  	s12 =	simm.s32 $0x4000;
	s13 =	simm.s32 $0xB880;
	s14 =	simm.s32 $0x6800  }
0x6: {  	s15 =	simm.s32 $0xB900;
	s16 =	simm.s32 $0x9000;
	s17 =	simm.s32 $0x1  }
0x7: {  	s18 =	simm.s32 $0xB980;
	s19 =	simm.s32 $0x2;
	s20 =	simm.s32 $0xBA00  }
0x8: {  	s21 =	simm.s32 $0x3;
	s22 =	simm.s32 $0xBA80;
	s23 =	simm.s32 $0x0  }
0x9: {  	[smem:$0x7FF] =	sst s2;
	s6 =	sand.u32 $0x1, s3;
	s3 =	sadd.s32 $0x9C200, s5  }
0xa: {  	s10 =	sshll.u32 s9, $0xC;
	p0 =	sne.s32 s9, $0x0;
	_ =	strace $0x8000004A  }
0xb: {  	s4 =	sshll.u32 s6, $0xB;
	s8 =	smul.u32 $0x28000, s6;
	s6 =	ssub.s32 $0x2, s6  }
0xc: {  	s9 =	sshrl.u32 @!p0 s1, $0x3;
	s7 =	sadd.s32 s4, s5;
	s4 =	sadd.s32 $0x14200, s5  }
0xd: {  	s30 =	sshrl.u32 s6, $0x1;
	s8 =	sadd.s32 s8, s5;
	s7 =	sadd.s32 s10, s7  }
0xe: {  	s31 =	ssub.s32 s6, s30;
	s10 =	simm.s32 $0x50;
	s5 =	sadd.s32 $0x8C200, s7  }
0xf: {  	s6 =	sadd.s32 $0xC4200, s8;
	s7 =	smax.u32 s31, $0x1;
	s8 =	simm.s32 $0x4  }
.LBB2_1:
0x10: {  	[tilespmem:s2], [sflag:$0x4] =	stream.linear.gather [hbm4b:s5+s2], $0x3F00, $0x38;
	[tilespmem:$0x1FB00] =	vst v63  }
0x11: {  	_ =	swait.ge [sflag:s8], $0x3F00  }
0x12: {  	[sflag:s8] =	ssyncset.done $0x0  }
0x13: {  	s24 =	simm.s32 @!p0 $0x1C04;
	[sflag:s8] =	ssyncadd.s32 $0xFFFFC100  }
0x14: {  	[spmem:s9], [sflag:s24] =	dma.local @!p0 [hbm:s4], $0x28000  }
0x15: {  	s24 =	simm.s32 @!p0 $0x4  }
0x16: {  	_ =	swait.ge @!p0 [sflag:s24], $0x28000  }
0x17: {  	[sflag:s24] =	ssyncset.done @!p0 $0x0  }
0x18: {  	[sflag:s24] =	ssyncadd.s32 @!p0 $0xFFFD8000  }
0x19: {  	[bflag:$0x0] =	sbarrier.arrive $0xFFFF  }
0x1a: {  	v0 =	vld [tilespmem:$0x0];
	_ =	sdelay $0x1  }
0x1b: {  	v1 =	vld [tilespmem:$0x10];
	_ =	sdelay $0x1  }
0x1c: {  	v2 =	vld [tilespmem:$0x20]  }
0x1d: {  	v3 =	vshrl.u32 v0, $0xE  }
0x1e: {  	v0 =	vand.u32 $0x3FFF, v0;
	[tilespmem:$0xB800] =	vst v3;
	v3 =	vld [tilespmem:$0x30]  }
0x1f: {  	[tilespmem:$0xB980] =	vst v0;
	v0 =	vshrl.u32 v1, $0xE  }
0x20: {  	[tilespmem:$0xB810] =	vst v0;
	v0 =	vand.u32 $0x3FFF, v1;
	v1 =	vld [tilespmem:$0x40]  }
0x21: {  	[tilespmem:$0xB990] =	vst v0;
	v0 =	vshrl.u32 v2, $0xE  }
0x22: {  	[tilespmem:$0xB820] =	vst v0;
	v0 =	vand.u32 $0x3FFF, v2  }
0x23: {  	[tilespmem:$0xB9A0] =	vst v0;
	v0 =	vshrl.u32 v3, $0xE  }
0x24: {  	[tilespmem:$0xB830] =	vst v0;
	v0 =	vand.u32 $0x3FFF, v3  }
0x25: {  	[tilespmem:$0xB9B0] =	vst v0;
	v0 =	vshrl.u32 v1, $0xE  }
0x26: {  	[tilespmem:$0xB840] =	vst v0;
	v0 =	vand.u32 $0x3FFF, v1  }
0x27: {  	[tilespmem:$0xB9C0] =	vst v0  }
0x28: {  	[tilespmem:s12], [sflag:$0x1] =	stream.indirect.gather [hbm4b:s3+s10], $0x80, s11, s10, $0xb8;
	[tilespmem:$0x1FB00] =	vst v63  }
0x29: {  	v0 =	vld [tilespmem:$0x80];
	_ =	sdelay $0x1  }
0x2a: {  	v1 =	vld [tilespmem:$0x90];
	_ =	sdelay $0x1  }
0x2b: {  	v2 =	vld [tilespmem:$0xA0]  }
0x2c: {  	v3 =	vshrl.u32 v0, $0xE  }
0x2d: {  	v0 =	vand.u32 $0x3FFF, v0;
	[tilespmem:$0xB880] =	vst v3;
	v3 =	vld [tilespmem:$0xB0]  }
0x2e: {  	[tilespmem:$0xBA00] =	vst v0;
	v0 =	vshrl.u32 v1, $0xE  }
0x2f: {  	[tilespmem:$0xB890] =	vst v0;
	v0 =	vand.u32 $0x3FFF, v1;
	v1 =	vld [tilespmem:$0xC0]  }
0x30: {  	[tilespmem:$0xBA10] =	vst v0;
	v0 =	vshrl.u32 v2, $0xE  }
0x31: {  	[tilespmem:$0xB8A0] =	vst v0;
	v0 =	vand.u32 $0x3FFF, v2  }
0x32: {  	[tilespmem:$0xBA20] =	vst v0;
	v0 =	vshrl.u32 v3, $0xE  }
0x33: {  	[tilespmem:$0xB8B0] =	vst v0;
	v0 =	vand.u32 $0x3FFF, v3  }
0x34: {  	[tilespmem:$0xBA30] =	vst v0;
	v0 =	vshrl.u32 v1, $0xE  }
0x35: {  	[tilespmem:$0xB8C0] =	vst v0;
	v0 =	vand.u32 $0x3FFF, v1  }
0x36: {  	[tilespmem:$0xBA40] =	vst v0  }
0x37: {  	[tilespmem:s14], [sflag:$0x2] =	stream.indirect.gather [hbm4b:s3+s10], $0x80, s13, s10, $0xb8;
	[tilespmem:$0x1FB00] =	vst v63  }
0x38: {  	v0 =	vld [tilespmem:$0x100];
	_ =	sdelay $0x1  }
0x39: {  	v1 =	vld [tilespmem:$0x110];
	_ =	sdelay $0x1  }
0x3a: {  	v2 =	vld [tilespmem:$0x120]  }
0x3b: {  	v3 =	vshrl.u32 v0, $0xE  }
0x3c: {  	v0 =	vand.u32 $0x3FFF, v0;
	[tilespmem:$0xB900] =	vst v3;
	v3 =	vld [tilespmem:$0x130]  }
0x3d: {  	[tilespmem:$0xBA80] =	vst v0;
	v0 =	vshrl.u32 v1, $0xE  }
0x3e: {  	[tilespmem:$0xB910] =	vst v0;
	v0 =	vand.u32 $0x3FFF, v1;
	v1 =	vld [tilespmem:$0x140]  }
0x3f: {  	[tilespmem:$0xBA90] =	vst v0;
	v0 =	vshrl.u32 v2, $0xE  }
0x40: {  	[tilespmem:$0xB920] =	vst v0;
	v0 =	vand.u32 $0x3FFF, v2  }
0x41: {  	[tilespmem:$0xBAA0] =	vst v0;
	v0 =	vshrl.u32 v3, $0xE  }
0x42: {  	[tilespmem:$0xB930] =	vst v0;
	v0 =	vand.u32 $0x3FFF, v3  }
0x43: {  	[tilespmem:$0xBAB0] =	vst v0;
	v0 =	vshrl.u32 v1, $0xE  }
0x44: {  	[tilespmem:$0xB940] =	vst v0;
	v0 =	vand.u32 $0x3FFF, v1  }
0x45: {  	[tilespmem:$0xBAC0] =	vst v0  }
0x46: {  	[tilespmem:s16], [sflag:$0x3] =	stream.indirect.gather [hbm4b:s3+s10], $0x80, s15, s10, $0xb8;
	[tilespmem:$0x1FB00] =	vst v63  }
0x47: {  	_ =	swait.ge [sflag:s17], $0x2800  }
0x48: {  	[sflag:s17] =	ssyncset.done $0x0  }
0x49: {  	[sflag:s17] =	ssyncadd.s32 $0xFFFFD800  }
0x4a: {  	[spmem:s1] =	stream.indirect.scatter.add.f32 [tilespmem:s12], [sflag:$0x4], $0x80, s18, s10, $0xb8;
	[tilespmem:$0x1FB00] =	vst v63  }
0x4b: {  	_ =	swait.ge [sflag:s8], $0x2800  }
0x4c: {  	[sflag:s8] =	ssyncset.done $0x0  }
0x4d: {  	s24 =	simm.s32 $0x0;
	[sflag:s8] =	ssyncadd.s32 $0xFFFFD800  }
0x4e: {  	v0 =	vld [tilespmem:s24+$0x180];
	_ =	sdelay $0x4  }
0x4f: {  	v1 =	vshrl.u32 v0, $0xE  }
0x50: {  	v0 =	vand.u32 $0x3FFF, v0;
	[tilespmem:$0xB800] =	vst v1  }
0x51: {  	[tilespmem:$0xB980] =	vst v0  }
0x52: {  	v0 =	vld [tilespmem:s24+$0x190];
	_ =	sdelay $0x4  }
0x53: {  	v1 =	vshrl.u32 v0, $0xE  }
0x54: {  	v0 =	vand.u32 $0x3FFF, v0;
	[tilespmem:$0xB810] =	vst v1  }
0x55: {  	[tilespmem:$0xB990] =	vst v0  }
0x56: {  	v0 =	vld [tilespmem:s24+$0x1A0];
	_ =	sdelay $0x4  }
0x57: {  	v1 =	vshrl.u32 v0, $0xE  }
0x58: {  	v0 =	vand.u32 $0x3FFF, v0;
	[tilespmem:$0xB820] =	vst v1  }
0x59: {  	[tilespmem:$0xB9A0] =	vst v0  }
0x5a: {  	v0 =	vld [tilespmem:s24+$0x1B0];
	_ =	sdelay $0x4  }
0x5b: {  	v1 =	vshrl.u32 v0, $0xE  }
0x5c: {  	v0 =	vand.u32 $0x3FFF, v0;
	[tilespmem:$0xB830] =	vst v1  }
0x5d: {  	[tilespmem:$0xB9B0] =	vst v0  }
0x5e: {  	v0 =	vld [tilespmem:s24+$0x1C0];
	_ =	sdelay $0x4  }
0x5f: {  	v1 =	vshrl.u32 v0, $0xE  }
0x60: {  	v0 =	vand.u32 $0x3FFF, v0;
	[tilespmem:$0xB840] =	vst v1  }
0x61: {  	[tilespmem:$0xB9C0] =	vst v0  }
0x62: {  	[tilespmem:s12], [sflag:$0x1] =	stream.indirect.gather [hbm4b:s3+s10], $0x80, s11, s10, $0xb8;
	[tilespmem:$0x1FB00] =	vst v63  }
0x63: {  	_ =	swait.ge [sflag:s19], $0x2800  }
0x64: {  	[sflag:s19] =	ssyncset.done $0x0  }
0x65: {  	[sflag:s19] =	ssyncadd.s32 $0xFFFFD800  }
0x66: {  	[spmem:s1] =	stream.indirect.scatter.add.f32 [tilespmem:s14], [sflag:$0x4], $0x80, s20, s10, $0xb8;
	[tilespmem:$0x1FB00] =	vst v63  }
0x67: {  	_ =	swait.ge [sflag:s8], $0x2800  }
0x68: {  	[sflag:s8] =	ssyncset.done $0x0  }
0x69: {  	[sflag:s8] =	ssyncadd.s32 $0xFFFFD800  }
0x6a: {  	v0 =	vld [tilespmem:s24+$0x200];
	_ =	sdelay $0x4  }
0x6b: {  	v1 =	vshrl.u32 v0, $0xE  }
0x6c: {  	v0 =	vand.u32 $0x3FFF, v0;
	[tilespmem:$0xB880] =	vst v1  }
0x6d: {  	[tilespmem:$0xBA00] =	vst v0  }
0x6e: {  	v0 =	vld [tilespmem:s24+$0x210];
	_ =	sdelay $0x4  }
0x6f: {  	v1 =	vshrl.u32 v0, $0xE  }
0x70: {  	v0 =	vand.u32 $0x3FFF, v0;
	[tilespmem:$0xB890] =	vst v1  }
0x71: {  	[tilespmem:$0xBA10] =	vst v0  }
0x72: {  	v0 =	vld [tilespmem:s24+$0x220];
	_ =	sdelay $0x4  }
0x73: {  	v1 =	vshrl.u32 v0, $0xE  }
0x74: {  	v0 =	vand.u32 $0x3FFF, v0;
	[tilespmem:$0xB8A0] =	vst v1  }
0x75: {  	[tilespmem:$0xBA20] =	vst v0  }
0x76: {  	v0 =	vld [tilespmem:s24+$0x230];
	_ =	sdelay $0x4  }
0x77: {  	v1 =	vshrl.u32 v0, $0xE  }
0x78: {  	v0 =	vand.u32 $0x3FFF, v0;
	[tilespmem:$0xB8B0] =	vst v1  }
0x79: {  	[tilespmem:$0xBA30] =	vst v0  }
0x7a: {  	v0 =	vld [tilespmem:s24+$0x240];
	_ =	sdelay $0x4  }
0x7b: {  	v1 =	vshrl.u32 v0, $0xE  }
0x7c: {  	v0 =	vand.u32 $0x3FFF, v0;
	[tilespmem:$0xB8C0] =	vst v1  }
0x7d: {  	[tilespmem:$0xBA40] =	vst v0  }
0x7e: {  	[tilespmem:s14], [sflag:$0x2] =	stream.indirect.gather [hbm4b:s3+s10], $0x80, s13, s10, $0xb8;
	[tilespmem:$0x1FB00] =	vst v63  }
0x7f: {  	_ =	swait.ge [sflag:s21], $0x2800  }
0x80: {  	[sflag:s21] =	ssyncset.done $0x0  }
0x81: {  	[sflag:s21] =	ssyncadd.s32 $0xFFFFD800  }
0x82: {  	[spmem:s1] =	stream.indirect.scatter.add.f32 [tilespmem:s16], [sflag:$0x4], $0x80, s22, s10, $0xb8;
	[tilespmem:$0x1FB00] =	vst v63  }
0x83: {  	_ =	swait.ge [sflag:s8], $0x2800  }
0x84: {  	[sflag:s8] =	ssyncset.done $0x0  }
0x85: {  	[sflag:s8] =	ssyncadd.s32 $0xFFFFD800  }
0x86: {  	v0 =	vld [tilespmem:s24+$0x280];
	_ =	sdelay $0x4  }
0x87: {  	v1 =	vshrl.u32 v0, $0xE  }
0x88: {  	v0 =	vand.u32 $0x3FFF, v0;
	[tilespmem:$0xB900] =	vst v1  }
0x89: {  	[tilespmem:$0xBA80] =	vst v0  }
0x8a: {  	v0 =	vld [tilespmem:s24+$0x290];
	_ =	sdelay $0x4  }
0x8b: {  	v1 =	vshrl.u32 v0, $0xE  }
0x8c: {  	v0 =	vand.u32 $0x3FFF, v0;
	[tilespmem:$0xB910] =	vst v1  }
0x8d: {  	[tilespmem:$0xBA90] =	vst v0  }
0x8e: {  	v0 =	vld [tilespmem:s24+$0x2A0];
	_ =	sdelay $0x4  }
0x8f: {  	v1 =	vshrl.u32 v0, $0xE  }
0x90: {  	v0 =	vand.u32 $0x3FFF, v0;
	[tilespmem:$0xB920] =	vst v1  }
0x91: {  	[tilespmem:$0xBAA0] =	vst v0  }
0x92: {  	s25 =	simm.s32 $0x600;
	v0 =	vld [tilespmem:s24+$0x2B0]  }
.LBB2_2:
0x93: {  	p1 =	sne.s32 s25, $0xF000;
	s26 =	smov.u32 s25;
	s25 =	sadd.s32 $0x600, s25  }
0x94: {  	_ =	sdelay $0x2  }
0x95: {  	v1 =	vshrl.u32 v0, $0xE;
	v0 =	vand.u32 $0x3FFF, v0  }
0x96: {  	[tilespmem:$0xB930] =	vst v1  }
0x97: {  	[tilespmem:$0xBAB0] =	vst v0  }
0x98: {  	v0 =	vld [tilespmem:s24+$0x2C0];
	_ =	sdelay $0x4  }
0x99: {  	v1 =	vshrl.u32 v0, $0xE;
	v0 =	vand.u32 $0x3FFF, v0  }
0x9a: {  	[tilespmem:$0xB940] =	vst v1  }
0x9b: {  	[tilespmem:$0xBAC0] =	vst v0  }
0x9c: {  	[tilespmem:s16], [sflag:$0x3] =	stream.indirect.gather [hbm4b:s3+s10], $0x80, s15, s10, $0xb8;
	[tilespmem:$0x1FB00] =	vst v63  }
0x9d: {  	_ =	swait.ge [sflag:s17], $0x2800  }
0x9e: {  	[sflag:s17] =	ssyncset.done $0x0  }
0x9f: {  	[sflag:s17] =	ssyncadd.s32 $0xFFFFD800  }
0xa0: {  	[spmem:s1] =	stream.indirect.scatter.add.f32 [tilespmem:s12], [sflag:$0x4], $0x80, s18, s10, $0xb8;
	[tilespmem:$0x1FB00] =	vst v63  }
0xa1: {  	_ =	swait.ge [sflag:s8], $0x2800  }
0xa2: {  	[sflag:s8] =	ssyncset.done $0x0  }
0xa3: {  	s24 =	sshra.s32 s26, $0x2;
	[sflag:s8] =	ssyncadd.s32 $0xFFFFD800  }
0xa4: {  	v0 =	vld [tilespmem:s24+$0x180];
	_ =	sdelay $0x4  }
0xa5: {  	v1 =	vshrl.u32 v0, $0xE;
	v0 =	vand.u32 $0x3FFF, v0  }
0xa6: {  	[tilespmem:$0xB800] =	vst v1  }
0xa7: {  	[tilespmem:$0xB980] =	vst v0  }
0xa8: {  	v0 =	vld [tilespmem:s24+$0x190];
	_ =	sdelay $0x4  }
0xa9: {  	v1 =	vshrl.u32 v0, $0xE;
	v0 =	vand.u32 $0x3FFF, v0  }
0xaa: {  	[tilespmem:$0xB810] =	vst v1  }
0xab: {  	[tilespmem:$0xB990] =	vst v0  }
0xac: {  	v0 =	vld [tilespmem:s24+$0x1A0];
	_ =	sdelay $0x4  }
0xad: {  	v1 =	vshrl.u32 v0, $0xE;
	v0 =	vand.u32 $0x3FFF, v0  }
0xae: {  	[tilespmem:$0xB820] =	vst v1  }
0xaf: {  	[tilespmem:$0xB9A0] =	vst v0  }
0xb0: {  	v0 =	vld [tilespmem:s24+$0x1B0];
	_ =	sdelay $0x4  }
0xb1: {  	v1 =	vshrl.u32 v0, $0xE;
	v0 =	vand.u32 $0x3FFF, v0  }
0xb2: {  	[tilespmem:$0xB830] =	vst v1  }
0xb3: {  	[tilespmem:$0xB9B0] =	vst v0  }
0xb4: {  	v0 =	vld [tilespmem:s24+$0x1C0];
	_ =	sdelay $0x4  }
0xb5: {  	v1 =	vshrl.u32 v0, $0xE;
	v0 =	vand.u32 $0x3FFF, v0  }
0xb6: {  	[tilespmem:$0xB840] =	vst v1  }
0xb7: {  	[tilespmem:$0xB9C0] =	vst v0  }
0xb8: {  	[tilespmem:s12], [sflag:$0x1] =	stream.indirect.gather [hbm4b:s3+s10], $0x80, s11, s10, $0xb8;
	[tilespmem:$0x1FB00] =	vst v63  }
0xb9: {  	_ =	swait.ge [sflag:s19], $0x2800  }
0xba: {  	[sflag:s19] =	ssyncset.done $0x0  }
0xbb: {  	[sflag:s19] =	ssyncadd.s32 $0xFFFFD800  }
0xbc: {  	[spmem:s1] =	stream.indirect.scatter.add.f32 [tilespmem:s14], [sflag:$0x4], $0x80, s20, s10, $0xb8;
	[tilespmem:$0x1FB00] =	vst v63  }
0xbd: {  	_ =	swait.ge [sflag:s8], $0x2800  }
0xbe: {  	[sflag:s8] =	ssyncset.done $0x0  }
0xbf: {  	[sflag:s8] =	ssyncadd.s32 $0xFFFFD800  }
0xc0: {  	v0 =	vld [tilespmem:s24+$0x200];
	_ =	sdelay $0x4  }
0xc1: {  	v1 =	vshrl.u32 v0, $0xE;
	v0 =	vand.u32 $0x3FFF, v0  }
0xc2: {  	[tilespmem:$0xB880] =	vst v1  }
0xc3: {  	[tilespmem:$0xBA00] =	vst v0  }
0xc4: {  	v0 =	vld [tilespmem:s24+$0x210];
	_ =	sdelay $0x4  }
0xc5: {  	v1 =	vshrl.u32 v0, $0xE;
	v0 =	vand.u32 $0x3FFF, v0  }
0xc6: {  	[tilespmem:$0xB890] =	vst v1  }
0xc7: {  	[tilespmem:$0xBA10] =	vst v0  }
0xc8: {  	v0 =	vld [tilespmem:s24+$0x220];
	_ =	sdelay $0x4  }
0xc9: {  	v1 =	vshrl.u32 v0, $0xE;
	v0 =	vand.u32 $0x3FFF, v0  }
0xca: {  	[tilespmem:$0xB8A0] =	vst v1  }
0xcb: {  	[tilespmem:$0xBA20] =	vst v0  }
0xcc: {  	v0 =	vld [tilespmem:s24+$0x230];
	_ =	sdelay $0x4  }
0xcd: {  	v1 =	vshrl.u32 v0, $0xE;
	v0 =	vand.u32 $0x3FFF, v0  }
0xce: {  	[tilespmem:$0xB8B0] =	vst v1  }
0xcf: {  	[tilespmem:$0xBA30] =	vst v0  }
0xd0: {  	v0 =	vld [tilespmem:s24+$0x240];
	_ =	sdelay $0x4  }
0xd1: {  	v1 =	vshrl.u32 v0, $0xE;
	v0 =	vand.u32 $0x3FFF, v0  }
0xd2: {  	[tilespmem:$0xB8C0] =	vst v1  }
0xd3: {  	[tilespmem:$0xBA40] =	vst v0  }
0xd4: {  	[tilespmem:s14], [sflag:$0x2] =	stream.indirect.gather [hbm4b:s3+s10], $0x80, s13, s10, $0xb8;
	[tilespmem:$0x1FB00] =	vst v63  }
0xd5: {  	_ =	swait.ge [sflag:s21], $0x2800  }
0xd6: {  	[sflag:s21] =	ssyncset.done $0x0  }
0xd7: {  	[sflag:s21] =	ssyncadd.s32 $0xFFFFD800  }
0xd8: {  	[spmem:s1] =	stream.indirect.scatter.add.f32 [tilespmem:s16], [sflag:$0x4], $0x80, s22, s10, $0xb8;
	[tilespmem:$0x1FB00] =	vst v63  }
0xd9: {  	_ =	swait.ge [sflag:s8], $0x2800  }
0xda: {  	[sflag:s8] =	ssyncset.done $0x0  }
0xdb: {  	[sflag:s8] =	ssyncadd.s32 $0xFFFFD800  }
0xdc: {  	v0 =	vld [tilespmem:s24+$0x280];
	_ =	sdelay $0x4  }
0xdd: {  	v1 =	vshrl.u32 v0, $0xE;
	v0 =	vand.u32 $0x3FFF, v0  }
0xde: {  	[tilespmem:$0xB900] =	vst v1  }
0xdf: {  	[tilespmem:$0xBA80] =	vst v0  }
0xe0: {  	v0 =	vld [tilespmem:s24+$0x290];
	_ =	sdelay $0x4  }
0xe1: {  	v1 =	vshrl.u32 v0, $0xE;
	v0 =	vand.u32 $0x3FFF, v0  }
0xe2: {  	[tilespmem:$0xB910] =	vst v1  }
0xe3: {  	[tilespmem:$0xBA90] =	vst v0  }
0xe4: {  	v0 =	vld [tilespmem:s24+$0x2A0];
	_ =	sdelay $0x3  }
.Ltmp0:
0xe5: {  	(pc) =	sbr.rel @p1 .LBB2_2-.Ltmp0, $4  }
0xe6: {  	v1 =	vshrl.u32 v0, $0xE;
	v0 =	vand.u32 $0x3FFF, v0  }
0xe7: {  	[tilespmem:$0xB920] =	vst v1  }
0xe8: {  	[tilespmem:$0xBAA0] =	vst v0  }
0xe9: {  	v0 =	vld [tilespmem:s24+$0x2B0]  }
0xea: {  	_ =	sdelay $0x3  }
0xeb: {  	v1 =	vshrl.u32 v0, $0xE  }
0xec: {  	v62 =	vand.u32 $0x3FFF, v0;
	[tilespmem:$0xB930] =	vst v1  }
0xed: {  	[tilespmem:$0xBAB0] =	vst v62  }
0xee: {  	v0 =	vld [tilespmem:s24+$0x2C0];
	_ =	sdelay $0x4  }
0xef: {  	v63 =	vshrl.u32 v0, $0xE  }
0xf0: {  	v0 =	vand.u32 $0x3FFF, v0;
	[tilespmem:$0xB940] =	vst v63  }
0xf1: {  	[tilespmem:$0xBAC0] =	vst v0  }
0xf2: {  	[tilespmem:s16], [sflag:$0x3] =	stream.indirect.gather [hbm4b:s3+s10], $0x80, s15, s10, $0xb8;
	[tilespmem:$0x1FB00] =	vst v63  }
0xf3: {  	_ =	swait.ge [sflag:s17], $0x2800  }
0xf4: {  	[sflag:s17] =	ssyncset.done $0x0  }
0xf5: {  	[sflag:s17] =	ssyncadd.s32 $0xFFFFD800  }
0xf6: {  	[spmem:s1] =	stream.indirect.scatter.add.f32 [tilespmem:s12], [sflag:$0x4], $0x80, s18, s10, $0xb8;
	[tilespmem:$0x1FB00] =	vst v63  }
0xf7: {  	_ =	swait.ge [sflag:s8], $0x2800  }
0xf8: {  	[sflag:s8] =	ssyncset.done $0x0  }
0xf9: {  	[sflag:s8] =	ssyncadd.s32 $0xFFFFD800  }
0xfa: {  	_ =	swait.ge [sflag:s19], $0x2800  }
0xfb: {  	[sflag:s19] =	ssyncset.done $0x0  }
0xfc: {  	[sflag:s19] =	ssyncadd.s32 $0xFFFFD800  }
0xfd: {  	[spmem:s1] =	stream.indirect.scatter.add.f32 [tilespmem:s14], [sflag:$0x4], $0x80, s20, s10, $0xb8;
	[tilespmem:$0x1FB00] =	vst v63  }
0xfe: {  	_ =	swait.ge [sflag:s8], $0x2800  }
0xff: {  	[sflag:s8] =	ssyncset.done $0x0  }
0x100: {  	[sflag:s8] =	ssyncadd.s32 $0xFFFFD800  }
0x101: {  	_ =	swait.ge [sflag:s21], $0x2800  }
0x102: {  	[sflag:s21] =	ssyncset.done $0x0  }
0x103: {  	[sflag:s21] =	ssyncadd.s32 $0xFFFFD800  }
0x104: {  	[spmem:s1] =	stream.indirect.scatter.add.f32 [tilespmem:s16], [sflag:$0x4], $0x80, s22, s10, $0xb8;
	[tilespmem:$0x1FB00] =	vst v63  }
0x105: {  	_ =	swait.ge [sflag:s8], $0x2800  }
0x106: {  	[sflag:s8] =	ssyncset.done $0x0  }
0x107: {  	s23 =	sadd.s32 $0x1, s23;
	[sflag:s8] =	ssyncadd.s32 $0xFFFFD800  }
0x108: {  	p1 =	sne.s32 s23, s7;
	s24 =	simm.s32 @!p0 $0x1C04;
	[bflag:$0x0] =	sbarrier.arrive $0xFFFF  }
0x109: {  	[hbm:s6], [sflag:s24] =	dma.local @!p0 [spmem:s9], $0x28000  }
.Ltmp1:
0x10a: {  	_ = 	snop;
	(pc) =	sbr.rel @p1 .LBB2_1-.Ltmp1, $4  }
0x10b: {  	s24 =	simm.s32 @!p0 $0x4  }
0x10c: {  	_ =	swait.ge @!p0 [sflag:s24], $0x28000  }
0x10d: {  	[sflag:s24] =	ssyncset.done @!p0 $0x0  }
0x10e: {  	[sflag:s24] =	ssyncadd.s32 @!p0 $0xFFFD8000  }
0x10f: {  	_ =	sfence.sel $0x180000  }
0x110: {  	[bflag:$0x0] =	sbarrier.arrive $0xFFFF  }
0x111: {  	_ =	strace $0x9000004A  }
0x112: {  	s0 =	sadd.s32 @!p0 $0x100000, s0;
	[bflag:$0x2] =	sbarrier.arrive $0xFFFF  }
0x113: {  	[sflag:s0] =	ssyncadd.tile.s32 @!p0 $0x1;
	_ =	shalt  }
.Lfunc_end2:
_tile_overlayer_lowered:
.L_overlay_start_2:
0x114: {  	(tag) =	ssettag $0x2  }
0x115: {  	s0 =	rddreg [dreg:$0x0];
	s2 =	stileid.u32  }
0x116: {  	s1 =	rddreg [dreg:$0x1];
	p0 =	sne.s32 s2, $0x0  }
0x117: {  	s3 =	rddreg [dreg:$0x2];
	[bflag:$0x3] =	sbarrier.arrive $0xFFFF;
	s2 =	simm.s32 @!p0 $0x1C04  }
0x118: {  	[timem:s3], [sflag:s2] =	dma.local @!p0 [hbm:s0], s1  }
0x119: {  	s0 =	simm.s32 @!p0 $0x4  }
0x11a: {  	_ =	swait.ge @!p0 [sflag:s0], s1  }
0x11b: {  	s1 =	ssub.s32 @!p0 $0x0, s1;
	[sflag:s0] =	ssyncset.done @!p0 $0x0  }
0x11c: {  	[sflag:s0] =	ssyncadd.s32 @!p0 s1  }
0x11d: {  	[bflag:$0x3] =	sbarrier.arrive $0xFFFF  }
0x11e: {  	_ =	shalt  }

// kernel: kernel.16.cloned.1.call-start
scs
__scs_entry_jumppad:
0x0: {  	(pc) =	sbr.rel $0x88, $3  }
0x1: {  	(tag) =	ssettag $0x0;
	lr =	simm.s32 $0x1  }
0x2: {  	[smem:$0x3F93] =	sst lr;
	_ =	strace $0xD0000000  }
0x3: {  	_ = 	snop  }
0x4: {  	_ = 	snop  }
0x5: {  	_ = 	snop  }
0x6: {  	_ = 	snop  }
0x7: {  	_ = 	snop  }
__scs_overlays_trampoline_lowered:
0x8: {  	[smem:$0x3FA2] =	sst s0  }
0x9: {  	[smem:$0x3FA3] =	sst s1  }
0xa: {  	[smem:$0x3FA4] =	sst s2  }
0xb: {  	[smem:$0x3FA5] =	sst s3  }
0xc: {  	[smem:$0x3FA6] =	sst s4  }
0xd: {  	[smem:$0x3FA7] =	sst s5  }
0xe: {  	[smem:$0x3FA8] =	sst s6  }
0xf: {  	[smem:$0x3FA9] =	sst s7  }
0x10: {  	[smem:$0x3FAA] =	sst s8  }
0x11: {  	[smem:$0x3FAB] =	sst s9;
	s0 =	simm.s32 @!p0 $0x0  }
0x12: {  	s1 =	sld [smem:$0x3F91];
	s0 =	simm.s32 @p0 $0x1  }
0x13: {  	[smem:$0x3FAC] =	sst s0;
	s0 =	simm.s32 @!p1 $0x0  }
0x14: {  	s2 =	sld [smem:$0x3F90];
	s0 =	simm.s32 @p1 $0x1  }
0x15: {  	[smem:$0x3FAD] =	sst s0;
	s0 =	simm.s32 @!p2 $0x0  }
0x16: {  	s3 =	sld [smem:$0x3FDB];
	s0 =	simm.s32 @p2 $0x1  }
0x17: {  	s4 =	simm.s32 $0x1BF5;
	[smem:$0x3FAF] =	sst s0  }
0x18: {  	s0 =	sld [smem:$0x3F92];
	_ =	swait.ge [sflag:s4], $0x0  }
0x19: {  	s7 =	sld [smem:$0x3F93]  }
0x1a: {  	s8 =	sadd.s32 $0xFFFFE003, lr  }
0x1b: {  	s9 =	sadd.s32 $0xFFFFFEF7, lr;
	s5 =	simm.s32 $0xFFFFFFFF;
	p2 =	slt.u32 s8, $0xFFFFF086  }
0x1c: {  	p1 =	slt.u32 s9, $0xF7A;
	s5 =	simm.s32 @!p2 $0x0  }
0x1d: {  	s5 =	simm.s32 @p1 $0x1;
	p0 =	seq.s32 s7, s2  }
0x1e: {  	s7 =	smul.u32 @!p0 $0xF7A, s2;
	p2 =	seq.s32 @!p0 s5, $0x0  }
0x1f: {  	s9 =	smul.u32 $0xF7A, s1;
	s8 =	simm.s32 @!p0 $0x1BF5;
	p2 =	por !p2, p0  }
0x20: {  	[sflag:s8] =	ssyncset.s32 @!p0 $0xFFFFF086;
	s6 =	sadd.s32 @!p0 s3, s7;
	s7 =	simm.s32 @!p0 $0x108  }
0x21: {  	s3 =	sadd.s32 s3, s9;
	s6 =	sadd.s32 @!p0 $0x88, s6;
	s7 =	simm.s32 @p2 $0x1082  }
0x22: {  	[simem:s7], [sflag:s8] =	dma.local @!p0 [hbm:s6], $0xF7A  }
0x23: {  	s9 =	sor.u32 $0xD0000000, s2;
	s6 =	simm.s32 $0x108;
	_ =	swait.ge @!p0 [sflag:s8], $0x0  }
0x24: {  	s3 =	sadd.s32 $0x88, s3;
	s6 =	simm.s32 @!p1 $0x1082;
	[sflag:s4] =	ssyncset.s32 $0xFFFFF086  }
0x25: {  	[simem:s6], [sflag:s4] =	dma.local [hbm:s3], $0xF7A  }
0x26: {  	[smem:$0x3F93] =	sst s1;
	(tag) =	ssettag s2;
	_ =	strace s9  }
0x27: {  	s1 =	sld [smem:$0x3FA3]  }
0x28: {  	s2 =	sld [smem:$0x3FA4]  }
0x29: {  	s4 =	sld [smem:$0x3FA6]  }
0x2a: {  	p0 =	seq.s32 s5, $0x0;
	s5 =	sld [smem:$0x3FA7]  }
0x2b: {  	s6 =	sld [smem:$0x3FA8]  }
0x2c: {  	s7 =	sld [smem:$0x3FA9]  }
0x2d: {  	s3 =	simm.s32 $0x108;
	s8 =	sld [smem:$0x3FAA]  }
0x2e: {  	s3 =	simm.s32 @!p0 $0x1082;
	s9 =	sld [smem:$0x3FAB]  }
0x2f: {  	lr =	sadd.s32 s0, s3;
	s0 =	sld [smem:$0x3FA2]  }
0x30: {  	s3 =	sld [smem:$0x3FA5]  }
0x31: {  	[smem:$0x3FAE] =	sst s10  }
0x32: {  	s10 =	sld [smem:$0x3FAC];
	_ =	sdelay $0x3  }
0x33: {  	p0 =	seq.s32 s10, $0x1;
	s10 =	sld [smem:$0x3FAE];
	_ =	sdelay $0x3  }
0x34: {  	[smem:$0x3FAE] =	sst s10  }
0x35: {  	s10 =	sld [smem:$0x3FAD];
	_ =	sdelay $0x3  }
0x36: {  	p1 =	seq.s32 s10, $0x1;
	s10 =	sld [smem:$0x3FAE];
	_ =	sdelay $0x3  }
0x37: {  	[smem:$0x3FAE] =	sst s10  }
0x38: {  	s10 =	sld [smem:$0x3FAF]  }
0x39: {  	_ = 	snop;
	(pc) =	sbr.ind lr, $3  }
0x3a: {  	_ = 	snop  }
0x3b: {  	_ = 	snop  }
0x3c: {  	p2 =	seq.s32 s10, $0x1;
	s10 =	sld [smem:$0x3FAE]  }
0x3d: {  	_ =	shalt  }
0x3e: {  	_ =	shalt  }
0x3f: {  	_ =	shalt  }
0x40: {  	_ =	shalt  }
0x41: {  	_ =	shalt  }
0x42: {  	_ =	shalt  }
0x43: {  	_ =	shalt  }
0x44: {  	_ =	shalt  }
0x45: {  	_ =	shalt  }
0x46: {  	_ =	shalt  }
0x47: {  	_ =	shalt  }
0x48: {  	_ =	shalt  }
0x49: {  	_ =	shalt  }
0x4a: {  	_ =	shalt  }
0x4b: {  	_ =	shalt  }
0x4c: {  	_ =	shalt  }
0x4d: {  	_ =	shalt  }
0x4e: {  	_ =	shalt  }
0x4f: {  	_ =	shalt  }
0x50: {  	_ =	shalt  }
0x51: {  	_ =	shalt  }
0x52: {  	_ =	shalt  }
0x53: {  	_ =	shalt  }
0x54: {  	_ =	shalt  }
0x55: {  	_ =	shalt  }
0x56: {  	_ =	shalt  }
0x57: {  	_ =	shalt  }
0x58: {  	_ =	shalt  }
0x59: {  	_ =	shalt  }
0x5a: {  	_ =	shalt  }
0x5b: {  	_ =	shalt  }
0x5c: {  	_ =	shalt  }
0x5d: {  	_ =	shalt  }
0x5e: {  	_ =	shalt  }
0x5f: {  	_ =	shalt  }
0x60: {  	_ =	shalt  }
0x61: {  	_ =	shalt  }
0x62: {  	_ =	shalt  }
0x63: {  	_ =	shalt  }
0x64: {  	_ =	shalt  }
0x65: {  	_ =	shalt  }
0x66: {  	_ =	shalt  }
0x67: {  	_ =	shalt  }
0x68: {  	_ =	shalt  }
0x69: {  	_ =	shalt  }
0x6a: {  	_ =	shalt  }
0x6b: {  	_ =	shalt  }
0x6c: {  	_ =	shalt  }
0x6d: {  	_ =	shalt  }
0x6e: {  	_ =	shalt  }
0x6f: {  	_ =	shalt  }
0x70: {  	_ =	shalt  }
0x71: {  	_ =	shalt  }
0x72: {  	_ =	shalt  }
0x73: {  	_ =	shalt  }
0x74: {  	_ =	shalt  }
0x75: {  	_ =	shalt  }
0x76: {  	_ =	shalt  }
0x77: {  	_ =	shalt  }
0x78: {  	_ =	shalt  }
0x79: {  	_ =	shalt  }
0x7a: {  	_ =	shalt  }
0x7b: {  	_ =	shalt  }
0x7c: {  	_ =	shalt  }
0x7d: {  	_ =	shalt  }
0x7e: {  	_ =	shalt  }
0x7f: {  	_ =	shalt  }
0x80: {  	_ =	shalt  }
0x81: {  	_ =	shalt  }
0x82: {  	_ =	shalt  }
0x83: {  	_ =	shalt  }
0x84: {  	_ =	shalt  }
0x85: {  	_ =	shalt  }
0x86: {  	_ =	shalt  }
0x87: {  	_ =	shalt  }
.Lfunc_end0:
.L_simem_size_0:
called_computation.2_lowered:
.L_overlay_start_0:
0x88: {  	s2 =	sld [smem:$0x3FD9]  }
0x89: {  	s3 =	sld [smem:$0x3FFE];
	_ =	sdelay $0x1  }
0x8a: {  	s1 =	srdreg.scid  }
0x8b: {  	s0 =	sand.u32 $0x1, s1  }
0x8c: {  	s16 =	sshll.u32 s0, $0xA;
	s2 =	sadd.s32 s3, s2  }
0x8d: {  	s2 =	sadd.s32 s2, s16  }
0x8e: {  	[smem:$0x3FBA] =	sst s2  }
0x8f: {  	_ = 	snop  }
0x90: {  	(tm) =	ssettm $0x1  }
0x91: {  	s17 =	sld [smem:$0x3FFB];
	_ =	sdelay $0x3  }
0x92: {  	_ =	strace s17  }
0x93: {  	s2 =	sld [smem:$0x3FFC];
	_ =	sdelay $0x3  }
0x94: {  	_ =	strace s2  }
0x95: {  	s2 =	sld [smem:$0x3FFD];
	_ =	sdelay $0x3  }
0x96: {  	_ =	strace s2  }
0x97: {  	_ =	strace $0x8FFFFFFF  }
0x98: {  	s18 =	sld [smem:$0x3FDB];
	_ =	sdelay $0x1  }
0x99: {  	s19 =	simm.s32 $_scs_section_size  }
0x9a: {  	s4 =	simm.s32 $_size__tile_overlayer_lowered;
	s5 =	simm.s32 $_tile_overlayer_lowered  }
0x9b: {  	s22 =	simm.s32 $0x1BFF;
	s21 =	sshll.u32 s5, $0x1;
	s2 =	sadd.s32 s19, s18  }
0x9c: {  	s6 =	simm.s32 $0x0;
	s20 =	sshll.u32 s4, $0x1;
	s4 =	sadd.s32 s21, s2  }
0x9d: {  	[timem:s6], [sflag:s22] =	dma.local [hbm:s4], s20  }
0x9e: {  	_ =	swait.ge [sflag:s22], s20  }
0x9f: {  	s3 =	ssub.s32 $0x0, s20;
	[sflag:s22] =	ssyncset.done $0x0  }
0xa0: {  	[sflag:s22] =	ssyncadd.s32 s3;
	_ =	sdelay $0x1  }
0xa1: {  	s23 =	simm.s32 $0x1B8B  }
0xa2: {  	_ =	swait.ge [sflag:s23], $0x1  }
0xa3: {  	[sflag:s23] =	ssyncset.done $0x0  }
0xa4: {  	s25 =	simm.s32 $0x1B8E;
	s24 =	sld [smem:$0x3FFE];
	[sflag:s23] =	ssyncadd.s32 $0xFFFFFFFF  }
0xa5: {  	s26 =	simm.s32 $execute0_lowered;
	[smem:$0x3FD2] =	sst s25  }
0xa6: {  	s4 =	sshll.u32 s26, $0x1;
	_ =	strace $0x8000004C;
	[dreg:$0x1] =	wrdreg $0xFFFFFFFF  }
0xa7: {  	s28 =	simm.s32 $_size_execute0_lowered;
	s2 =	sadd.s32 s2, s4;
	[dreg:$0x0] =	wrdreg $0x0  }
0xa8: {  	s4 =	sshll.u32 s28, $0x1;
	[dreg:$0x2] =	wrdreg s2  }
0xa9: {  	[dreg:$0x3] =	wrdreg s4  }
0xaa: {  	[dreg:$0x4] =	wrdreg $0xC0  }
0xab: {  	_ =	task [dreg:s6], $0x5FFFF  }
0xac: {  	[dreg:$0x1] =	wrdreg $0xFFFFFFFF  }
0xad: {  	[dreg:$0x0] =	wrdreg $0x60  }
0xae: {  	[dreg:$0x2] =	wrdreg s24  }
0xaf: {  	[dreg:$0x3] =	wrdreg $0xBB000  }
0xb0: {  	[dreg:$0x4] =	wrdreg $0x9  }
0xb1: {  	_ =	task.clear_ibuf [dreg:s6], $0x5FFFF;
	_ =	strace $0x9000004C  }
0xb2: {  	s29 =	simm.s32 $0x9;
	_ =	strace $0x8000004E  }
0xb3: {  	_ =	swait.ge [sflag:s29], $0x1  }
0xb4: {  	[sflag:s29] =	ssyncadd.s32 $0xFFFFFFFF  }
0xb5: {  	_ =	strace $0x9000004E  }
0xb6: {  	_ =	sfence  }
0xb7: {  	s30 =	sld [smem:$0x0];
	_ =	sdelay $0x2  }
0xb8: {  	s31 =	sshll.u32 s1, $0xD;
	s1 =	sshrl.u32 s1, $0x2  }
0xb9: {  	s3 =	sand.u32 $0x4000, s31;
	s1 =	sadd.s32 s1, s30  }
0xba: {  	s0 =	sor.u32 s3, s0;
	s1 =	sshll.u32 s1, $0x11  }
0xbb: {  	s0 =	sor.u32 s1, s0  }
0xbc: {  	s0 =	sadd.s32 $0x8F2B, s0  }
0xbd: {  	[sflag:s0] =	ssyncadd.remote.s32 $0x1  }
0xbe: {  	_ =	sfence.sel $0xFFFF  }
0xbf: {  	[dreg:$0x0] =	wrdreg $0xFFFFFFFF;
	(pc) =	sbr.abs _section_cstart, $3  }
0xc0: {  	[dreg:$0x1] =	wrdreg $0xFFFFFFFF  }
0xc1: {  	_ =	task.clear_ibuf [dreg:s6], $0x2FFFF;
	_ =	strace $0x9FFFFFFF  }
0xc2: {  	(tm) =	ssettm $0x7FFFFFFF  }
0xc3: {  	_ =	shalt  }
tec
execute0_lowered:
.L_overlay_start_1:
0x0: {  	(tag) =	ssettag $0x1  }
0x1: {  	s5 =	rddreg [dreg:$0x0]  }
0x2: {  	s1 =	rddreg [dreg:$0x1]  }
0x3: {  	s0 =	rddreg [dreg:$0x2];
	s2 =	simm.s32 $0x0  }
0x4: {  	s3 =	srdreg.scid;
	s9 =	stileid.u32;
	s11 =	simm.s32 $0xB800  }
0x5: {  	s12 =	simm.s32 $0x4000;
	s13 =	simm.s32 $0xB880;
	s14 =	simm.s32 $0x6800  }
0x6: {  	s15 =	simm.s32 $0xB900;
	s16 =	simm.s32 $0x9000;
	s17 =	simm.s32 $0x1  }
0x7: {  	s18 =	simm.s32 $0xB980;
	s19 =	simm.s32 $0x2;
	s20 =	simm.s32 $0xBA00  }
0x8: {  	s21 =	simm.s32 $0x3;
	s22 =	simm.s32 $0xBA80;
	s23 =	simm.s32 $0x0  }
0x9: {  	[smem:$0x7FF] =	sst s2;
	s6 =	sand.u32 $0x1, s3;
	s3 =	sadd.s32 $0x9C200, s5  }
0xa: {  	s10 =	sshll.u32 s9, $0xC;
	p0 =	sne.s32 s9, $0x0;
	_ =	strace $0x8000004D  }
0xb: {  	s4 =	sshll.u32 s6, $0xB;
	s8 =	smul.u32 $0x28000, s6;
	s6 =	ssub.s32 $0x2, s6  }
0xc: {  	s9 =	sshrl.u32 @!p0 s1, $0x3;
	s7 =	sadd.s32 s4, s5;
	s4 =	sadd.s32 $0x14200, s5  }
0xd: {  	s30 =	sshrl.u32 s6, $0x1;
	s8 =	sadd.s32 s8, s5;
	s7 =	sadd.s32 s10, s7  }
0xe: {  	s31 =	ssub.s32 s6, s30;
	s10 =	simm.s32 $0x50;
	s5 =	sadd.s32 $0x8C200, s7  }
0xf: {  	s6 =	sadd.s32 $0xC4200, s8;
	s7 =	smax.u32 s31, $0x1;
	s8 =	simm.s32 $0x4  }
.LBB2_1:
0x10: {  	[tilespmem:s2], [sflag:$0x4] =	stream.linear.gather [hbm4b:s5+s2], $0x3F00, $0x38;
	[tilespmem:$0x1FB00] =	vst v63  }
0x11: {  	_ =	swait.ge [sflag:s8], $0x3F00  }
0x12: {  	[sflag:s8] =	ssyncset.done $0x0  }
0x13: {  	s24 =	simm.s32 @!p0 $0x1C04;
	[sflag:s8] =	ssyncadd.s32 $0xFFFFC100  }
0x14: {  	[spmem:s9], [sflag:s24] =	dma.local @!p0 [hbm:s4], $0x28000  }
0x15: {  	s24 =	simm.s32 @!p0 $0x4  }
0x16: {  	_ =	swait.ge @!p0 [sflag:s24], $0x28000  }
0x17: {  	[sflag:s24] =	ssyncset.done @!p0 $0x0  }
0x18: {  	[sflag:s24] =	ssyncadd.s32 @!p0 $0xFFFD8000  }
0x19: {  	[bflag:$0x0] =	sbarrier.arrive $0xFFFF  }
0x1a: {  	v0 =	vld [tilespmem:$0x0];
	_ =	sdelay $0x1  }
0x1b: {  	v1 =	vld [tilespmem:$0x10];
	_ =	sdelay $0x1  }
0x1c: {  	v2 =	vld [tilespmem:$0x20]  }
0x1d: {  	v3 =	vshrl.u32 v0, $0xE  }
0x1e: {  	v0 =	vand.u32 $0x3FFF, v0;
	[tilespmem:$0xB800] =	vst v3;
	v3 =	vld [tilespmem:$0x30]  }
0x1f: {  	[tilespmem:$0xB980] =	vst v0;
	v0 =	vshrl.u32 v1, $0xE  }
0x20: {  	[tilespmem:$0xB810] =	vst v0;
	v0 =	vand.u32 $0x3FFF, v1;
	v1 =	vld [tilespmem:$0x40]  }
0x21: {  	[tilespmem:$0xB990] =	vst v0;
	v0 =	vshrl.u32 v2, $0xE  }
0x22: {  	[tilespmem:$0xB820] =	vst v0;
	v0 =	vand.u32 $0x3FFF, v2  }
0x23: {  	[tilespmem:$0xB9A0] =	vst v0;
	v0 =	vshrl.u32 v3, $0xE  }
0x24: {  	[tilespmem:$0xB830] =	vst v0;
	v0 =	vand.u32 $0x3FFF, v3  }
0x25: {  	[tilespmem:$0xB9B0] =	vst v0;
	v0 =	vshrl.u32 v1, $0xE  }
0x26: {  	[tilespmem:$0xB840] =	vst v0;
	v0 =	vand.u32 $0x3FFF, v1  }
0x27: {  	[tilespmem:$0xB9C0] =	vst v0  }
0x28: {  	[tilespmem:s12], [sflag:$0x1] =	stream.indirect.gather [hbm4b:s3+s10], $0x80, s11, s10, $0xb8;
	[tilespmem:$0x1FB00] =	vst v63  }
0x29: {  	v0 =	vld [tilespmem:$0x80];
	_ =	sdelay $0x1  }
0x2a: {  	v1 =	vld [tilespmem:$0x90];
	_ =	sdelay $0x1  }
0x2b: {  	v2 =	vld [tilespmem:$0xA0]  }
0x2c: {  	v3 =	vshrl.u32 v0, $0xE  }
0x2d: {  	v0 =	vand.u32 $0x3FFF, v0;
	[tilespmem:$0xB880] =	vst v3;
	v3 =	vld [tilespmem:$0xB0]  }
0x2e: {  	[tilespmem:$0xBA00] =	vst v0;
	v0 =	vshrl.u32 v1, $0xE  }
0x2f: {  	[tilespmem:$0xB890] =	vst v0;
	v0 =	vand.u32 $0x3FFF, v1;
	v1 =	vld [tilespmem:$0xC0]  }
0x30: {  	[tilespmem:$0xBA10] =	vst v0;
	v0 =	vshrl.u32 v2, $0xE  }
0x31: {  	[tilespmem:$0xB8A0] =	vst v0;
	v0 =	vand.u32 $0x3FFF, v2  }
0x32: {  	[tilespmem:$0xBA20] =	vst v0;
	v0 =	vshrl.u32 v3, $0xE  }
0x33: {  	[tilespmem:$0xB8B0] =	vst v0;
	v0 =	vand.u32 $0x3FFF, v3  }
0x34: {  	[tilespmem:$0xBA30] =	vst v0;
	v0 =	vshrl.u32 v1, $0xE  }
0x35: {  	[tilespmem:$0xB8C0] =	vst v0;
	v0 =	vand.u32 $0x3FFF, v1  }
0x36: {  	[tilespmem:$0xBA40] =	vst v0  }
0x37: {  	[tilespmem:s14], [sflag:$0x2] =	stream.indirect.gather [hbm4b:s3+s10], $0x80, s13, s10, $0xb8;
	[tilespmem:$0x1FB00] =	vst v63  }
0x38: {  	v0 =	vld [tilespmem:$0x100];
	_ =	sdelay $0x1  }
0x39: {  	v1 =	vld [tilespmem:$0x110];
	_ =	sdelay $0x1  }
0x3a: {  	v2 =	vld [tilespmem:$0x120]  }
0x3b: {  	v3 =	vshrl.u32 v0, $0xE  }
0x3c: {  	v0 =	vand.u32 $0x3FFF, v0;
	[tilespmem:$0xB900] =	vst v3;
	v3 =	vld [tilespmem:$0x130]  }
0x3d: {  	[tilespmem:$0xBA80] =	vst v0;
	v0 =	vshrl.u32 v1, $0xE  }
0x3e: {  	[tilespmem:$0xB910] =	vst v0;
	v0 =	vand.u32 $0x3FFF, v1;
	v1 =	vld [tilespmem:$0x140]  }
0x3f: {  	[tilespmem:$0xBA90] =	vst v0;
	v0 =	vshrl.u32 v2, $0xE  }
0x40: {  	[tilespmem:$0xB920] =	vst v0;
	v0 =	vand.u32 $0x3FFF, v2  }
0x41: {  	[tilespmem:$0xBAA0] =	vst v0;
	v0 =	vshrl.u32 v3, $0xE  }
0x42: {  	[tilespmem:$0xB930] =	vst v0;
	v0 =	vand.u32 $0x3FFF, v3  }
0x43: {  	[tilespmem:$0xBAB0] =	vst v0;
	v0 =	vshrl.u32 v1, $0xE  }
0x44: {  	[tilespmem:$0xB940] =	vst v0;
	v0 =	vand.u32 $0x3FFF, v1  }
0x45: {  	[tilespmem:$0xBAC0] =	vst v0  }
0x46: {  	[tilespmem:s16], [sflag:$0x3] =	stream.indirect.gather [hbm4b:s3+s10], $0x80, s15, s10, $0xb8;
	[tilespmem:$0x1FB00] =	vst v63  }
0x47: {  	_ =	swait.ge [sflag:s17], $0x2800  }
0x48: {  	[sflag:s17] =	ssyncset.done $0x0  }
0x49: {  	[sflag:s17] =	ssyncadd.s32 $0xFFFFD800  }
0x4a: {  	[spmem:s1] =	stream.indirect.scatter.add.f32 [tilespmem:s12], [sflag:$0x4], $0x80, s18, s10, $0xb8;
	[tilespmem:$0x1FB00] =	vst v63  }
0x4b: {  	_ =	swait.ge [sflag:s8], $0x2800  }
0x4c: {  	[sflag:s8] =	ssyncset.done $0x0  }
0x4d: {  	s24 =	simm.s32 $0x0;
	[sflag:s8] =	ssyncadd.s32 $0xFFFFD800  }
0x4e: {  	v0 =	vld [tilespmem:s24+$0x180];
	_ =	sdelay $0x4  }
0x4f: {  	v1 =	vshrl.u32 v0, $0xE  }
0x50: {  	v0 =	vand.u32 $0x3FFF, v0;
	[tilespmem:$0xB800] =	vst v1  }
0x51: {  	[tilespmem:$0xB980] =	vst v0  }
0x52: {  	v0 =	vld [tilespmem:s24+$0x190];
	_ =	sdelay $0x4  }
0x53: {  	v1 =	vshrl.u32 v0, $0xE  }
0x54: {  	v0 =	vand.u32 $0x3FFF, v0;
	[tilespmem:$0xB810] =	vst v1  }
0x55: {  	[tilespmem:$0xB990] =	vst v0  }
0x56: {  	v0 =	vld [tilespmem:s24+$0x1A0];
	_ =	sdelay $0x4  }
0x57: {  	v1 =	vshrl.u32 v0, $0xE  }
0x58: {  	v0 =	vand.u32 $0x3FFF, v0;
	[tilespmem:$0xB820] =	vst v1  }
0x59: {  	[tilespmem:$0xB9A0] =	vst v0  }
0x5a: {  	v0 =	vld [tilespmem:s24+$0x1B0];
	_ =	sdelay $0x4  }
0x5b: {  	v1 =	vshrl.u32 v0, $0xE  }
0x5c: {  	v0 =	vand.u32 $0x3FFF, v0;
	[tilespmem:$0xB830] =	vst v1  }
0x5d: {  	[tilespmem:$0xB9B0] =	vst v0  }
0x5e: {  	v0 =	vld [tilespmem:s24+$0x1C0];
	_ =	sdelay $0x4  }
0x5f: {  	v1 =	vshrl.u32 v0, $0xE  }
0x60: {  	v0 =	vand.u32 $0x3FFF, v0;
	[tilespmem:$0xB840] =	vst v1  }
0x61: {  	[tilespmem:$0xB9C0] =	vst v0  }
0x62: {  	[tilespmem:s12], [sflag:$0x1] =	stream.indirect.gather [hbm4b:s3+s10], $0x80, s11, s10, $0xb8;
	[tilespmem:$0x1FB00] =	vst v63  }
0x63: {  	_ =	swait.ge [sflag:s19], $0x2800  }
0x64: {  	[sflag:s19] =	ssyncset.done $0x0  }
0x65: {  	[sflag:s19] =	ssyncadd.s32 $0xFFFFD800  }
0x66: {  	[spmem:s1] =	stream.indirect.scatter.add.f32 [tilespmem:s14], [sflag:$0x4], $0x80, s20, s10, $0xb8;
	[tilespmem:$0x1FB00] =	vst v63  }
0x67: {  	_ =	swait.ge [sflag:s8], $0x2800  }
0x68: {  	[sflag:s8] =	ssyncset.done $0x0  }
0x69: {  	[sflag:s8] =	ssyncadd.s32 $0xFFFFD800  }
0x6a: {  	v0 =	vld [tilespmem:s24+$0x200];
	_ =	sdelay $0x4  }
0x6b: {  	v1 =	vshrl.u32 v0, $0xE  }
0x6c: {  	v0 =	vand.u32 $0x3FFF, v0;
	[tilespmem:$0xB880] =	vst v1  }
0x6d: {  	[tilespmem:$0xBA00] =	vst v0  }
0x6e: {  	v0 =	vld [tilespmem:s24+$0x210];
	_ =	sdelay $0x4  }
0x6f: {  	v1 =	vshrl.u32 v0, $0xE  }
0x70: {  	v0 =	vand.u32 $0x3FFF, v0;
	[tilespmem:$0xB890] =	vst v1  }
0x71: {  	[tilespmem:$0xBA10] =	vst v0  }
0x72: {  	v0 =	vld [tilespmem:s24+$0x220];
	_ =	sdelay $0x4  }
0x73: {  	v1 =	vshrl.u32 v0, $0xE  }
0x74: {  	v0 =	vand.u32 $0x3FFF, v0;
	[tilespmem:$0xB8A0] =	vst v1  }
0x75: {  	[tilespmem:$0xBA20] =	vst v0  }
0x76: {  	v0 =	vld [tilespmem:s24+$0x230];
	_ =	sdelay $0x4  }
0x77: {  	v1 =	vshrl.u32 v0, $0xE  }
0x78: {  	v0 =	vand.u32 $0x3FFF, v0;
	[tilespmem:$0xB8B0] =	vst v1  }
0x79: {  	[tilespmem:$0xBA30] =	vst v0  }
0x7a: {  	v0 =	vld [tilespmem:s24+$0x240];
	_ =	sdelay $0x4  }
0x7b: {  	v1 =	vshrl.u32 v0, $0xE  }
0x7c: {  	v0 =	vand.u32 $0x3FFF, v0;
	[tilespmem:$0xB8C0] =	vst v1  }
0x7d: {  	[tilespmem:$0xBA40] =	vst v0  }
0x7e: {  	[tilespmem:s14], [sflag:$0x2] =	stream.indirect.gather [hbm4b:s3+s10], $0x80, s13, s10, $0xb8;
	[tilespmem:$0x1FB00] =	vst v63  }
0x7f: {  	_ =	swait.ge [sflag:s21], $0x2800  }
0x80: {  	[sflag:s21] =	ssyncset.done $0x0  }
0x81: {  	[sflag:s21] =	ssyncadd.s32 $0xFFFFD800  }
0x82: {  	[spmem:s1] =	stream.indirect.scatter.add.f32 [tilespmem:s16], [sflag:$0x4], $0x80, s22, s10, $0xb8;
	[tilespmem:$0x1FB00] =	vst v63  }
0x83: {  	_ =	swait.ge [sflag:s8], $0x2800  }
0x84: {  	[sflag:s8] =	ssyncset.done $0x0  }
0x85: {  	[sflag:s8] =	ssyncadd.s32 $0xFFFFD800  }
0x86: {  	v0 =	vld [tilespmem:s24+$0x280];
	_ =	sdelay $0x4  }
0x87: {  	v1 =	vshrl.u32 v0, $0xE  }
0x88: {  	v0 =	vand.u32 $0x3FFF, v0;
	[tilespmem:$0xB900] =	vst v1  }
0x89: {  	[tilespmem:$0xBA80] =	vst v0  }
0x8a: {  	v0 =	vld [tilespmem:s24+$0x290];
	_ =	sdelay $0x4  }
0x8b: {  	v1 =	vshrl.u32 v0, $0xE  }
0x8c: {  	v0 =	vand.u32 $0x3FFF, v0;
	[tilespmem:$0xB910] =	vst v1  }
0x8d: {  	[tilespmem:$0xBA90] =	vst v0  }
0x8e: {  	v0 =	vld [tilespmem:s24+$0x2A0];
	_ =	sdelay $0x4  }
0x8f: {  	v1 =	vshrl.u32 v0, $0xE  }
0x90: {  	v0 =	vand.u32 $0x3FFF, v0;
	[tilespmem:$0xB920] =	vst v1  }
0x91: {  	[tilespmem:$0xBAA0] =	vst v0  }
0x92: {  	s25 =	simm.s32 $0x600;
	v0 =	vld [tilespmem:s24+$0x2B0]  }
.LBB2_2:
0x93: {  	p1 =	sne.s32 s25, $0xF000;
	s26 =	smov.u32 s25;
	s25 =	sadd.s32 $0x600, s25  }
0x94: {  	_ =	sdelay $0x2  }
0x95: {  	v1 =	vshrl.u32 v0, $0xE;
	v0 =	vand.u32 $0x3FFF, v0  }
0x96: {  	[tilespmem:$0xB930] =	vst v1  }
0x97: {  	[tilespmem:$0xBAB0] =	vst v0  }
0x98: {  	v0 =	vld [tilespmem:s24+$0x2C0];
	_ =	sdelay $0x4  }
0x99: {  	v1 =	vshrl.u32 v0, $0xE;
	v0 =	vand.u32 $0x3FFF, v0  }
0x9a: {  	[tilespmem:$0xB940] =	vst v1  }
0x9b: {  	[tilespmem:$0xBAC0] =	vst v0  }
0x9c: {  	[tilespmem:s16], [sflag:$0x3] =	stream.indirect.gather [hbm4b:s3+s10], $0x80, s15, s10, $0xb8;
	[tilespmem:$0x1FB00] =	vst v63  }
0x9d: {  	_ =	swait.ge [sflag:s17], $0x2800  }
0x9e: {  	[sflag:s17] =	ssyncset.done $0x0  }
0x9f: {  	[sflag:s17] =	ssyncadd.s32 $0xFFFFD800  }
0xa0: {  	[spmem:s1] =	stream.indirect.scatter.add.f32 [tilespmem:s12], [sflag:$0x4], $0x80, s18, s10, $0xb8;
	[tilespmem:$0x1FB00] =	vst v63  }
0xa1: {  	_ =	swait.ge [sflag:s8], $0x2800  }
0xa2: {  	[sflag:s8] =	ssyncset.done $0x0  }
0xa3: {  	s24 =	sshra.s32 s26, $0x2;
	[sflag:s8] =	ssyncadd.s32 $0xFFFFD800  }
0xa4: {  	v0 =	vld [tilespmem:s24+$0x180];
	_ =	sdelay $0x4  }
0xa5: {  	v1 =	vshrl.u32 v0, $0xE;
	v0 =	vand.u32 $0x3FFF, v0  }
0xa6: {  	[tilespmem:$0xB800] =	vst v1  }
0xa7: {  	[tilespmem:$0xB980] =	vst v0  }
0xa8: {  	v0 =	vld [tilespmem:s24+$0x190];
	_ =	sdelay $0x4  }
0xa9: {  	v1 =	vshrl.u32 v0, $0xE;
	v0 =	vand.u32 $0x3FFF, v0  }
0xaa: {  	[tilespmem:$0xB810] =	vst v1  }
0xab: {  	[tilespmem:$0xB990] =	vst v0  }
0xac: {  	v0 =	vld [tilespmem:s24+$0x1A0];
	_ =	sdelay $0x4  }
0xad: {  	v1 =	vshrl.u32 v0, $0xE;
	v0 =	vand.u32 $0x3FFF, v0  }
0xae: {  	[tilespmem:$0xB820] =	vst v1  }
0xaf: {  	[tilespmem:$0xB9A0] =	vst v0  }
0xb0: {  	v0 =	vld [tilespmem:s24+$0x1B0];
	_ =	sdelay $0x4  }
0xb1: {  	v1 =	vshrl.u32 v0, $0xE;
	v0 =	vand.u32 $0x3FFF, v0  }
0xb2: {  	[tilespmem:$0xB830] =	vst v1  }
0xb3: {  	[tilespmem:$0xB9B0] =	vst v0  }
0xb4: {  	v0 =	vld [tilespmem:s24+$0x1C0];
	_ =	sdelay $0x4  }
0xb5: {  	v1 =	vshrl.u32 v0, $0xE;
	v0 =	vand.u32 $0x3FFF, v0  }
0xb6: {  	[tilespmem:$0xB840] =	vst v1  }
0xb7: {  	[tilespmem:$0xB9C0] =	vst v0  }
0xb8: {  	[tilespmem:s12], [sflag:$0x1] =	stream.indirect.gather [hbm4b:s3+s10], $0x80, s11, s10, $0xb8;
	[tilespmem:$0x1FB00] =	vst v63  }
0xb9: {  	_ =	swait.ge [sflag:s19], $0x2800  }
0xba: {  	[sflag:s19] =	ssyncset.done $0x0  }
0xbb: {  	[sflag:s19] =	ssyncadd.s32 $0xFFFFD800  }
0xbc: {  	[spmem:s1] =	stream.indirect.scatter.add.f32 [tilespmem:s14], [sflag:$0x4], $0x80, s20, s10, $0xb8;
	[tilespmem:$0x1FB00] =	vst v63  }
0xbd: {  	_ =	swait.ge [sflag:s8], $0x2800  }
0xbe: {  	[sflag:s8] =	ssyncset.done $0x0  }
0xbf: {  	[sflag:s8] =	ssyncadd.s32 $0xFFFFD800  }
0xc0: {  	v0 =	vld [tilespmem:s24+$0x200];
	_ =	sdelay $0x4  }
0xc1: {  	v1 =	vshrl.u32 v0, $0xE;
	v0 =	vand.u32 $0x3FFF, v0  }
0xc2: {  	[tilespmem:$0xB880] =	vst v1  }
0xc3: {  	[tilespmem:$0xBA00] =	vst v0  }
0xc4: {  	v0 =	vld [tilespmem:s24+$0x210];
	_ =	sdelay $0x4  }
0xc5: {  	v1 =	vshrl.u32 v0, $0xE;
	v0 =	vand.u32 $0x3FFF, v0  }
0xc6: {  	[tilespmem:$0xB890] =	vst v1  }
0xc7: {  	[tilespmem:$0xBA10] =	vst v0  }
0xc8: {  	v0 =	vld [tilespmem:s24+$0x220];
	_ =	sdelay $0x4  }
0xc9: {  	v1 =	vshrl.u32 v0, $0xE;
	v0 =	vand.u32 $0x3FFF, v0  }
0xca: {  	[tilespmem:$0xB8A0] =	vst v1  }
0xcb: {  	[tilespmem:$0xBA20] =	vst v0  }
0xcc: {  	v0 =	vld [tilespmem:s24+$0x230];
	_ =	sdelay $0x4  }
0xcd: {  	v1 =	vshrl.u32 v0, $0xE;
	v0 =	vand.u32 $0x3FFF, v0  }
0xce: {  	[tilespmem:$0xB8B0] =	vst v1  }
0xcf: {  	[tilespmem:$0xBA30] =	vst v0  }
0xd0: {  	v0 =	vld [tilespmem:s24+$0x240];
	_ =	sdelay $0x4  }
0xd1: {  	v1 =	vshrl.u32 v0, $0xE;
	v0 =	vand.u32 $0x3FFF, v0  }
0xd2: {  	[tilespmem:$0xB8C0] =	vst v1  }
0xd3: {  	[tilespmem:$0xBA40] =	vst v0  }
0xd4: {  	[tilespmem:s14], [sflag:$0x2] =	stream.indirect.gather [hbm4b:s3+s10], $0x80, s13, s10, $0xb8;
	[tilespmem:$0x1FB00] =	vst v63  }
0xd5: {  	_ =	swait.ge [sflag:s21], $0x2800  }
0xd6: {  	[sflag:s21] =	ssyncset.done $0x0  }
0xd7: {  	[sflag:s21] =	ssyncadd.s32 $0xFFFFD800  }
0xd8: {  	[spmem:s1] =	stream.indirect.scatter.add.f32 [tilespmem:s16], [sflag:$0x4], $0x80, s22, s10, $0xb8;
	[tilespmem:$0x1FB00] =	vst v63  }
0xd9: {  	_ =	swait.ge [sflag:s8], $0x2800  }
0xda: {  	[sflag:s8] =	ssyncset.done $0x0  }
0xdb: {  	[sflag:s8] =	ssyncadd.s32 $0xFFFFD800  }
0xdc: {  	v0 =	vld [tilespmem:s24+$0x280];
	_ =	sdelay $0x4  }
0xdd: {  	v1 =	vshrl.u32 v0, $0xE;
	v0 =	vand.u32 $0x3FFF, v0  }
0xde: {  	[tilespmem:$0xB900] =	vst v1  }
0xdf: {  	[tilespmem:$0xBA80] =	vst v0  }
0xe0: {  	v0 =	vld [tilespmem:s24+$0x290];
	_ =	sdelay $0x4  }
0xe1: {  	v1 =	vshrl.u32 v0, $0xE;
	v0 =	vand.u32 $0x3FFF, v0  }
0xe2: {  	[tilespmem:$0xB910] =	vst v1  }
0xe3: {  	[tilespmem:$0xBA90] =	vst v0  }
0xe4: {  	v0 =	vld [tilespmem:s24+$0x2A0];
	_ =	sdelay $0x3  }
.Ltmp0:
0xe5: {  	(pc) =	sbr.rel @p1 .LBB2_2-.Ltmp0, $4  }
0xe6: {  	v1 =	vshrl.u32 v0, $0xE;
	v0 =	vand.u32 $0x3FFF, v0  }
0xe7: {  	[tilespmem:$0xB920] =	vst v1  }
0xe8: {  	[tilespmem:$0xBAA0] =	vst v0  }
0xe9: {  	v0 =	vld [tilespmem:s24+$0x2B0]  }
0xea: {  	_ =	sdelay $0x3  }
0xeb: {  	v1 =	vshrl.u32 v0, $0xE  }
0xec: {  	v62 =	vand.u32 $0x3FFF, v0;
	[tilespmem:$0xB930] =	vst v1  }
0xed: {  	[tilespmem:$0xBAB0] =	vst v62  }
0xee: {  	v0 =	vld [tilespmem:s24+$0x2C0];
	_ =	sdelay $0x4  }
0xef: {  	v63 =	vshrl.u32 v0, $0xE  }
0xf0: {  	v0 =	vand.u32 $0x3FFF, v0;
	[tilespmem:$0xB940] =	vst v63  }
0xf1: {  	[tilespmem:$0xBAC0] =	vst v0  }
0xf2: {  	[tilespmem:s16], [sflag:$0x3] =	stream.indirect.gather [hbm4b:s3+s10], $0x80, s15, s10, $0xb8;
	[tilespmem:$0x1FB00] =	vst v63  }
0xf3: {  	_ =	swait.ge [sflag:s17], $0x2800  }
0xf4: {  	[sflag:s17] =	ssyncset.done $0x0  }
0xf5: {  	[sflag:s17] =	ssyncadd.s32 $0xFFFFD800  }
0xf6: {  	[spmem:s1] =	stream.indirect.scatter.add.f32 [tilespmem:s12], [sflag:$0x4], $0x80, s18, s10, $0xb8;
	[tilespmem:$0x1FB00] =	vst v63  }
0xf7: {  	_ =	swait.ge [sflag:s8], $0x2800  }
0xf8: {  	[sflag:s8] =	ssyncset.done $0x0  }
0xf9: {  	[sflag:s8] =	ssyncadd.s32 $0xFFFFD800  }
0xfa: {  	_ =	swait.ge [sflag:s19], $0x2800  }
0xfb: {  	[sflag:s19] =	ssyncset.done $0x0  }
0xfc: {  	[sflag:s19] =	ssyncadd.s32 $0xFFFFD800  }
0xfd: {  	[spmem:s1] =	stream.indirect.scatter.add.f32 [tilespmem:s14], [sflag:$0x4], $0x80, s20, s10, $0xb8;
	[tilespmem:$0x1FB00] =	vst v63  }
0xfe: {  	_ =	swait.ge [sflag:s8], $0x2800  }
0xff: {  	[sflag:s8] =	ssyncset.done $0x0  }
0x100: {  	[sflag:s8] =	ssyncadd.s32 $0xFFFFD800  }
0x101: {  	_ =	swait.ge [sflag:s21], $0x2800  }
0x102: {  	[sflag:s21] =	ssyncset.done $0x0  }
0x103: {  	[sflag:s21] =	ssyncadd.s32 $0xFFFFD800  }
0x104: {  	[spmem:s1] =	stream.indirect.scatter.add.f32 [tilespmem:s16], [sflag:$0x4], $0x80, s22, s10, $0xb8;
	[tilespmem:$0x1FB00] =	vst v63  }
0x105: {  	_ =	swait.ge [sflag:s8], $0x2800  }
0x106: {  	[sflag:s8] =	ssyncset.done $0x0  }
0x107: {  	s23 =	sadd.s32 $0x1, s23;
	[sflag:s8] =	ssyncadd.s32 $0xFFFFD800  }
0x108: {  	p1 =	sne.s32 s23, s7;
	s24 =	simm.s32 @!p0 $0x1C04;
	[bflag:$0x0] =	sbarrier.arrive $0xFFFF  }
0x109: {  	[hbm:s6], [sflag:s24] =	dma.local @!p0 [spmem:s9], $0x28000  }
.Ltmp1:
0x10a: {  	_ = 	snop;
	(pc) =	sbr.rel @p1 .LBB2_1-.Ltmp1, $4  }
0x10b: {  	s24 =	simm.s32 @!p0 $0x4  }
0x10c: {  	_ =	swait.ge @!p0 [sflag:s24], $0x28000  }
0x10d: {  	[sflag:s24] =	ssyncset.done @!p0 $0x0  }
0x10e: {  	[sflag:s24] =	ssyncadd.s32 @!p0 $0xFFFD8000  }
0x10f: {  	_ =	sfence.sel $0x180000  }
0x110: {  	[bflag:$0x0] =	sbarrier.arrive $0xFFFF  }
0x111: {  	_ =	strace $0x9000004D  }
0x112: {  	s0 =	sadd.s32 @!p0 $0x100000, s0;
	[bflag:$0x2] =	sbarrier.arrive $0xFFFF  }
0x113: {  	[sflag:s0] =	ssyncadd.tile.s32 @!p0 $0x1;
	_ =	shalt  }
.Lfunc_end2:
_tile_overlayer_lowered:
.L_overlay_start_2:
0x114: {  	(tag) =	ssettag $0x2  }
0x115: {  	s0 =	rddreg [dreg:$0x0];
	s2 =	stileid.u32  }
0x116: {  	s1 =	rddreg [dreg:$0x1];
	p0 =	sne.s32 s2, $0x0  }
0x117: {  	s3 =	rddreg [dreg:$0x2];
	[bflag:$0x3] =	sbarrier.arrive $0xFFFF;
	s2 =	simm.s32 @!p0 $0x1C04  }
0x118: {  	[timem:s3], [sflag:s2] =	dma.local @!p0 [hbm:s0], s1  }
0x119: {  	s0 =	simm.s32 @!p0 $0x4  }
0x11a: {  	_ =	swait.ge @!p0 [sflag:s0], s1  }
0x11b: {  	s1 =	ssub.s32 @!p0 $0x0, s1;
	[sflag:s0] =	ssyncset.done @!p0 $0x0  }
0x11c: {  	[sflag:s0] =	ssyncadd.s32 @!p0 s1  }
0x11d: {  	[bflag:$0x3] =	sbarrier.arrive $0xFFFF  }
0x11e: {  	_ =	shalt  }

// kernel: kernel.19.cloned.1.call-start
scs
__scs_entry_jumppad:
0x0: {  	(pc) =	sbr.rel $0x88, $3  }
0x1: {  	(tag) =	ssettag $0x0;
	lr =	simm.s32 $0x1  }
0x2: {  	[smem:$0x3F93] =	sst lr;
	_ =	strace $0xD0000000  }
0x3: {  	_ = 	snop  }
0x4: {  	_ = 	snop  }
0x5: {  	_ = 	snop  }
0x6: {  	_ = 	snop  }
0x7: {  	_ = 	snop  }
__scs_overlays_trampoline_lowered:
0x8: {  	[smem:$0x3FA2] =	sst s0  }
0x9: {  	[smem:$0x3FA3] =	sst s1  }
0xa: {  	[smem:$0x3FA4] =	sst s2  }
0xb: {  	[smem:$0x3FA5] =	sst s3  }
0xc: {  	[smem:$0x3FA6] =	sst s4  }
0xd: {  	[smem:$0x3FA7] =	sst s5  }
0xe: {  	[smem:$0x3FA8] =	sst s6  }
0xf: {  	[smem:$0x3FA9] =	sst s7  }
0x10: {  	[smem:$0x3FAA] =	sst s8  }
0x11: {  	[smem:$0x3FAB] =	sst s9;
	s0 =	simm.s32 @!p0 $0x0  }
0x12: {  	s1 =	sld [smem:$0x3F91];
	s0 =	simm.s32 @p0 $0x1  }
0x13: {  	[smem:$0x3FAC] =	sst s0;
	s0 =	simm.s32 @!p1 $0x0  }
0x14: {  	s2 =	sld [smem:$0x3F90];
	s0 =	simm.s32 @p1 $0x1  }
0x15: {  	[smem:$0x3FAD] =	sst s0;
	s0 =	simm.s32 @!p2 $0x0  }
0x16: {  	s3 =	sld [smem:$0x3FDB];
	s0 =	simm.s32 @p2 $0x1  }
0x17: {  	s4 =	simm.s32 $0x1BF5;
	[smem:$0x3FAF] =	sst s0  }
0x18: {  	s0 =	sld [smem:$0x3F92];
	_ =	swait.ge [sflag:s4], $0x0  }
0x19: {  	s7 =	sld [smem:$0x3F93]  }
0x1a: {  	s8 =	sadd.s32 $0xFFFFE003, lr  }
0x1b: {  	s9 =	sadd.s32 $0xFFFFFEF7, lr;
	s5 =	simm.s32 $0xFFFFFFFF;
	p2 =	slt.u32 s8, $0xFFFFF086  }
0x1c: {  	p1 =	slt.u32 s9, $0xF7A;
	s5 =	simm.s32 @!p2 $0x0  }
0x1d: {  	s5 =	simm.s32 @p1 $0x1;
	p0 =	seq.s32 s7, s2  }
0x1e: {  	s7 =	smul.u32 @!p0 $0xF7A, s2;
	p2 =	seq.s32 @!p0 s5, $0x0  }
0x1f: {  	s9 =	smul.u32 $0xF7A, s1;
	s8 =	simm.s32 @!p0 $0x1BF5;
	p2 =	por !p2, p0  }
0x20: {  	[sflag:s8] =	ssyncset.s32 @!p0 $0xFFFFF086;
	s6 =	sadd.s32 @!p0 s3, s7;
	s7 =	simm.s32 @!p0 $0x108  }
0x21: {  	s3 =	sadd.s32 s3, s9;
	s6 =	sadd.s32 @!p0 $0x88, s6;
	s7 =	simm.s32 @p2 $0x1082  }
0x22: {  	[simem:s7], [sflag:s8] =	dma.local @!p0 [hbm:s6], $0xF7A  }
0x23: {  	s9 =	sor.u32 $0xD0000000, s2;
	s6 =	simm.s32 $0x108;
	_ =	swait.ge @!p0 [sflag:s8], $0x0  }
0x24: {  	s3 =	sadd.s32 $0x88, s3;
	s6 =	simm.s32 @!p1 $0x1082;
	[sflag:s4] =	ssyncset.s32 $0xFFFFF086  }
0x25: {  	[simem:s6], [sflag:s4] =	dma.local [hbm:s3], $0xF7A  }
0x26: {  	[smem:$0x3F93] =	sst s1;
	(tag) =	ssettag s2;
	_ =	strace s9  }
0x27: {  	s1 =	sld [smem:$0x3FA3]  }
0x28: {  	s2 =	sld [smem:$0x3FA4]  }
0x29: {  	s4 =	sld [smem:$0x3FA6]  }
0x2a: {  	p0 =	seq.s32 s5, $0x0;
	s5 =	sld [smem:$0x3FA7]  }
0x2b: {  	s6 =	sld [smem:$0x3FA8]  }
0x2c: {  	s7 =	sld [smem:$0x3FA9]  }
0x2d: {  	s3 =	simm.s32 $0x108;
	s8 =	sld [smem:$0x3FAA]  }
0x2e: {  	s3 =	simm.s32 @!p0 $0x1082;
	s9 =	sld [smem:$0x3FAB]  }
0x2f: {  	lr =	sadd.s32 s0, s3;
	s0 =	sld [smem:$0x3FA2]  }
0x30: {  	s3 =	sld [smem:$0x3FA5]  }
0x31: {  	[smem:$0x3FAE] =	sst s10  }
0x32: {  	s10 =	sld [smem:$0x3FAC];
	_ =	sdelay $0x3  }
0x33: {  	p0 =	seq.s32 s10, $0x1;
	s10 =	sld [smem:$0x3FAE];
	_ =	sdelay $0x3  }
0x34: {  	[smem:$0x3FAE] =	sst s10  }
0x35: {  	s10 =	sld [smem:$0x3FAD];
	_ =	sdelay $0x3  }
0x36: {  	p1 =	seq.s32 s10, $0x1;
	s10 =	sld [smem:$0x3FAE];
	_ =	sdelay $0x3  }
0x37: {  	[smem:$0x3FAE] =	sst s10  }
0x38: {  	s10 =	sld [smem:$0x3FAF]  }
0x39: {  	_ = 	snop;
	(pc) =	sbr.ind lr, $3  }
0x3a: {  	_ = 	snop  }
0x3b: {  	_ = 	snop  }
0x3c: {  	p2 =	seq.s32 s10, $0x1;
	s10 =	sld [smem:$0x3FAE]  }
0x3d: {  	_ =	shalt  }
0x3e: {  	_ =	shalt  }
0x3f: {  	_ =	shalt  }
0x40: {  	_ =	shalt  }
0x41: {  	_ =	shalt  }
0x42: {  	_ =	shalt  }
0x43: {  	_ =	shalt  }
0x44: {  	_ =	shalt  }
0x45: {  	_ =	shalt  }
0x46: {  	_ =	shalt  }
0x47: {  	_ =	shalt  }
0x48: {  	_ =	shalt  }
0x49: {  	_ =	shalt  }
0x4a: {  	_ =	shalt  }
0x4b: {  	_ =	shalt  }
0x4c: {  	_ =	shalt  }
0x4d: {  	_ =	shalt  }
0x4e: {  	_ =	shalt  }
0x4f: {  	_ =	shalt  }
0x50: {  	_ =	shalt  }
0x51: {  	_ =	shalt  }
0x52: {  	_ =	shalt  }
0x53: {  	_ =	shalt  }
0x54: {  	_ =	shalt  }
0x55: {  	_ =	shalt  }
0x56: {  	_ =	shalt  }
0x57: {  	_ =	shalt  }
0x58: {  	_ =	shalt  }
0x59: {  	_ =	shalt  }
0x5a: {  	_ =	shalt  }
0x5b: {  	_ =	shalt  }
0x5c: {  	_ =	shalt  }
0x5d: {  	_ =	shalt  }
0x5e: {  	_ =	shalt  }
0x5f: {  	_ =	shalt  }
0x60: {  	_ =	shalt  }
0x61: {  	_ =	shalt  }
0x62: {  	_ =	shalt  }
0x63: {  	_ =	shalt  }
0x64: {  	_ =	shalt  }
0x65: {  	_ =	shalt  }
0x66: {  	_ =	shalt  }
0x67: {  	_ =	shalt  }
0x68: {  	_ =	shalt  }
0x69: {  	_ =	shalt  }
0x6a: {  	_ =	shalt  }
0x6b: {  	_ =	shalt  }
0x6c: {  	_ =	shalt  }
0x6d: {  	_ =	shalt  }
0x6e: {  	_ =	shalt  }
0x6f: {  	_ =	shalt  }
0x70: {  	_ =	shalt  }
0x71: {  	_ =	shalt  }
0x72: {  	_ =	shalt  }
0x73: {  	_ =	shalt  }
0x74: {  	_ =	shalt  }
0x75: {  	_ =	shalt  }
0x76: {  	_ =	shalt  }
0x77: {  	_ =	shalt  }
0x78: {  	_ =	shalt  }
0x79: {  	_ =	shalt  }
0x7a: {  	_ =	shalt  }
0x7b: {  	_ =	shalt  }
0x7c: {  	_ =	shalt  }
0x7d: {  	_ =	shalt  }
0x7e: {  	_ =	shalt  }
0x7f: {  	_ =	shalt  }
0x80: {  	_ =	shalt  }
0x81: {  	_ =	shalt  }
0x82: {  	_ =	shalt  }
0x83: {  	_ =	shalt  }
0x84: {  	_ =	shalt  }
0x85: {  	_ =	shalt  }
0x86: {  	_ =	shalt  }
0x87: {  	_ =	shalt  }
.Lfunc_end0:
.L_simem_size_0:
called_computation.3_lowered:
.L_overlay_start_0:
0x88: {  	s2 =	sld [smem:$0x3FD9]  }
0x89: {  	s3 =	sld [smem:$0x3FFE];
	_ =	sdelay $0x1  }
0x8a: {  	s1 =	srdreg.scid  }
0x8b: {  	s0 =	sand.u32 $0x1, s1  }
0x8c: {  	s16 =	sshll.u32 s0, $0xA;
	s2 =	sadd.s32 s3, s2  }
0x8d: {  	s2 =	sadd.s32 s2, s16  }
0x8e: {  	[smem:$0x3FBA] =	sst s2  }
0x8f: {  	_ = 	snop  }
0x90: {  	(tm) =	ssettm $0x1  }
0x91: {  	s17 =	sld [smem:$0x3FFB];
	_ =	sdelay $0x3  }
0x92: {  	_ =	strace s17  }
0x93: {  	s2 =	sld [smem:$0x3FFC];
	_ =	sdelay $0x3  }
0x94: {  	_ =	strace s2  }
0x95: {  	s2 =	sld [smem:$0x3FFD];
	_ =	sdelay $0x3  }
0x96: {  	_ =	strace s2  }
0x97: {  	_ =	strace $0x8FFFFFFF  }
0x98: {  	s18 =	sld [smem:$0x3FDB];
	_ =	sdelay $0x1  }
0x99: {  	s19 =	simm.s32 $_scs_section_size  }
0x9a: {  	s4 =	simm.s32 $_size__tile_overlayer_lowered;
	s5 =	simm.s32 $_tile_overlayer_lowered  }
0x9b: {  	s22 =	simm.s32 $0x1BFF;
	s21 =	sshll.u32 s5, $0x1;
	s2 =	sadd.s32 s19, s18  }
0x9c: {  	s6 =	simm.s32 $0x0;
	s20 =	sshll.u32 s4, $0x1;
	s4 =	sadd.s32 s21, s2  }
0x9d: {  	[timem:s6], [sflag:s22] =	dma.local [hbm:s4], s20  }
0x9e: {  	_ =	swait.ge [sflag:s22], s20  }
0x9f: {  	s3 =	ssub.s32 $0x0, s20;
	[sflag:s22] =	ssyncset.done $0x0  }
0xa0: {  	[sflag:s22] =	ssyncadd.s32 s3;
	_ =	sdelay $0x1  }
0xa1: {  	s23 =	simm.s32 $0x1B8B  }
0xa2: {  	_ =	swait.ge [sflag:s23], $0x1  }
0xa3: {  	[sflag:s23] =	ssyncset.done $0x0  }
0xa4: {  	s25 =	simm.s32 $0x1B8E;
	s24 =	sld [smem:$0x3FFE];
	[sflag:s23] =	ssyncadd.s32 $0xFFFFFFFF  }
0xa5: {  	s26 =	simm.s32 $execute0_lowered;
	[smem:$0x3FD2] =	sst s25  }
0xa6: {  	s4 =	sshll.u32 s26, $0x1;
	_ =	strace $0x8000004F;
	[dreg:$0x1] =	wrdreg $0xFFFFFFFF  }
0xa7: {  	s28 =	simm.s32 $_size_execute0_lowered;
	s2 =	sadd.s32 s2, s4;
	[dreg:$0x0] =	wrdreg $0x0  }
0xa8: {  	s4 =	sshll.u32 s28, $0x1;
	[dreg:$0x2] =	wrdreg s2  }
0xa9: {  	[dreg:$0x3] =	wrdreg s4  }
0xaa: {  	[dreg:$0x4] =	wrdreg $0xC0  }
0xab: {  	_ =	task [dreg:s6], $0x5FFFF  }
0xac: {  	[dreg:$0x1] =	wrdreg $0xFFFFFFFF  }
0xad: {  	[dreg:$0x0] =	wrdreg $0x60  }
0xae: {  	[dreg:$0x2] =	wrdreg s24  }
0xaf: {  	[dreg:$0x3] =	wrdreg $0xBB000  }
0xb0: {  	[dreg:$0x4] =	wrdreg $0x9  }
0xb1: {  	_ =	task.clear_ibuf [dreg:s6], $0x5FFFF;
	_ =	strace $0x9000004F  }
0xb2: {  	s29 =	simm.s32 $0x9;
	_ =	strace $0x80000051  }
0xb3: {  	_ =	swait.ge [sflag:s29], $0x1  }
0xb4: {  	[sflag:s29] =	ssyncadd.s32 $0xFFFFFFFF  }
0xb5: {  	_ =	strace $0x90000051  }
0xb6: {  	_ =	sfence  }
0xb7: {  	s30 =	sld [smem:$0x0];
	_ =	sdelay $0x2  }
0xb8: {  	s31 =	sshll.u32 s1, $0xD;
	s1 =	sshrl.u32 s1, $0x2  }
0xb9: {  	s3 =	sand.u32 $0x4000, s31;
	s1 =	sadd.s32 s1, s30  }
0xba: {  	s0 =	sor.u32 s3, s0;
	s1 =	sshll.u32 s1, $0x11  }
0xbb: {  	s0 =	sor.u32 s1, s0  }
0xbc: {  	s0 =	sadd.s32 $0x8F2B, s0  }
0xbd: {  	[sflag:s0] =	ssyncadd.remote.s32 $0x1  }
0xbe: {  	_ =	sfence.sel $0xFFFF  }
0xbf: {  	[dreg:$0x0] =	wrdreg $0xFFFFFFFF;
	(pc) =	sbr.abs _section_cstart, $3  }
0xc0: {  	[dreg:$0x1] =	wrdreg $0xFFFFFFFF  }
0xc1: {  	_ =	task.clear_ibuf [dreg:s6], $0x2FFFF;
	_ =	strace $0x9FFFFFFF  }
0xc2: {  	(tm) =	ssettm $0x7FFFFFFF  }
0xc3: {  	_ =	shalt  }
tec
execute0_lowered:
.L_overlay_start_1:
0x0: {  	(tag) =	ssettag $0x1  }
0x1: {  	s5 =	rddreg [dreg:$0x0]  }
0x2: {  	s1 =	rddreg [dreg:$0x1]  }
0x3: {  	s0 =	rddreg [dreg:$0x2];
	s2 =	simm.s32 $0x0  }
0x4: {  	s3 =	srdreg.scid;
	s9 =	stileid.u32;
	s11 =	simm.s32 $0xB800  }
0x5: {  	s12 =	simm.s32 $0x4000;
	s13 =	simm.s32 $0xB880;
	s14 =	simm.s32 $0x6800  }
0x6: {  	s15 =	simm.s32 $0xB900;
	s16 =	simm.s32 $0x9000;
	s17 =	simm.s32 $0x1  }
0x7: {  	s18 =	simm.s32 $0xB980;
	s19 =	simm.s32 $0x2;
	s20 =	simm.s32 $0xBA00  }
0x8: {  	s21 =	simm.s32 $0x3;
	s22 =	simm.s32 $0xBA80;
	s23 =	simm.s32 $0x0  }
0x9: {  	[smem:$0x7FF] =	sst s2;
	s6 =	sand.u32 $0x1, s3;
	s3 =	sadd.s32 $0x9C200, s5  }
0xa: {  	s10 =	sshll.u32 s9, $0xC;
	p0 =	sne.s32 s9, $0x0;
	_ =	strace $0x80000050  }
0xb: {  	s4 =	sshll.u32 s6, $0xB;
	s8 =	smul.u32 $0x28000, s6;
	s6 =	ssub.s32 $0x2, s6  }
0xc: {  	s9 =	sshrl.u32 @!p0 s1, $0x3;
	s7 =	sadd.s32 s4, s5;
	s4 =	sadd.s32 $0x14200, s5  }
0xd: {  	s30 =	sshrl.u32 s6, $0x1;
	s8 =	sadd.s32 s8, s5;
	s7 =	sadd.s32 s10, s7  }
0xe: {  	s31 =	ssub.s32 s6, s30;
	s10 =	simm.s32 $0x50;
	s5 =	sadd.s32 $0x8C200, s7  }
0xf: {  	s6 =	sadd.s32 $0xC4200, s8;
	s7 =	smax.u32 s31, $0x1;
	s8 =	simm.s32 $0x4  }
.LBB2_1:
0x10: {  	[tilespmem:s2], [sflag:$0x4] =	stream.linear.gather [hbm4b:s5+s2], $0x3F00, $0x38;
	[tilespmem:$0x1FB00] =	vst v63  }
0x11: {  	_ =	swait.ge [sflag:s8], $0x3F00  }
0x12: {  	[sflag:s8] =	ssyncset.done $0x0  }
0x13: {  	s24 =	simm.s32 @!p0 $0x1C04;
	[sflag:s8] =	ssyncadd.s32 $0xFFFFC100  }
0x14: {  	[spmem:s9], [sflag:s24] =	dma.local @!p0 [hbm:s4], $0x28000  }
0x15: {  	s24 =	simm.s32 @!p0 $0x4  }
0x16: {  	_ =	swait.ge @!p0 [sflag:s24], $0x28000  }
0x17: {  	[sflag:s24] =	ssyncset.done @!p0 $0x0  }
0x18: {  	[sflag:s24] =	ssyncadd.s32 @!p0 $0xFFFD8000  }
0x19: {  	[bflag:$0x0] =	sbarrier.arrive $0xFFFF  }
0x1a: {  	v0 =	vld [tilespmem:$0x0];
	_ =	sdelay $0x1  }
0x1b: {  	v1 =	vld [tilespmem:$0x10];
	_ =	sdelay $0x1  }
0x1c: {  	v2 =	vld [tilespmem:$0x20]  }
0x1d: {  	v3 =	vshrl.u32 v0, $0xE  }
0x1e: {  	v0 =	vand.u32 $0x3FFF, v0;
	[tilespmem:$0xB800] =	vst v3;
	v3 =	vld [tilespmem:$0x30]  }
0x1f: {  	[tilespmem:$0xB980] =	vst v0;
	v0 =	vshrl.u32 v1, $0xE  }
0x20: {  	[tilespmem:$0xB810] =	vst v0;
	v0 =	vand.u32 $0x3FFF, v1;
	v1 =	vld [tilespmem:$0x40]  }
0x21: {  	[tilespmem:$0xB990] =	vst v0;
	v0 =	vshrl.u32 v2, $0xE  }
0x22: {  	[tilespmem:$0xB820] =	vst v0;
	v0 =	vand.u32 $0x3FFF, v2  }
0x23: {  	[tilespmem:$0xB9A0] =	vst v0;
	v0 =	vshrl.u32 v3, $0xE  }
0x24: {  	[tilespmem:$0xB830] =	vst v0;
	v0 =	vand.u32 $0x3FFF, v3  }
0x25: {  	[tilespmem:$0xB9B0] =	vst v0;
	v0 =	vshrl.u32 v1, $0xE  }
0x26: {  	[tilespmem:$0xB840] =	vst v0;
	v0 =	vand.u32 $0x3FFF, v1  }
0x27: {  	[tilespmem:$0xB9C0] =	vst v0  }
0x28: {  	[tilespmem:s12], [sflag:$0x1] =	stream.indirect.gather [hbm4b:s3+s10], $0x80, s11, s10, $0xb8;
	[tilespmem:$0x1FB00] =	vst v63  }
0x29: {  	v0 =	vld [tilespmem:$0x80];
	_ =	sdelay $0x1  }
0x2a: {  	v1 =	vld [tilespmem:$0x90];
	_ =	sdelay $0x1  }
0x2b: {  	v2 =	vld [tilespmem:$0xA0]  }
0x2c: {  	v3 =	vshrl.u32 v0, $0xE  }
0x2d: {  	v0 =	vand.u32 $0x3FFF, v0;
	[tilespmem:$0xB880] =	vst v3;
	v3 =	vld [tilespmem:$0xB0]  }
0x2e: {  	[tilespmem:$0xBA00] =	vst v0;
	v0 =	vshrl.u32 v1, $0xE  }
0x2f: {  	[tilespmem:$0xB890] =	vst v0;
	v0 =	vand.u32 $0x3FFF, v1;
	v1 =	vld [tilespmem:$0xC0]  }
0x30: {  	[tilespmem:$0xBA10] =	vst v0;
	v0 =	vshrl.u32 v2, $0xE  }
0x31: {  	[tilespmem:$0xB8A0] =	vst v0;
	v0 =	vand.u32 $0x3FFF, v2  }
0x32: {  	[tilespmem:$0xBA20] =	vst v0;
	v0 =	vshrl.u32 v3, $0xE  }
0x33: {  	[tilespmem:$0xB8B0] =	vst v0;
	v0 =	vand.u32 $0x3FFF, v3  }
0x34: {  	[tilespmem:$0xBA30] =	vst v0;
	v0 =	vshrl.u32 v1, $0xE  }
0x35: {  	[tilespmem:$0xB8C0] =	vst v0;
	v0 =	vand.u32 $0x3FFF, v1  }
0x36: {  	[tilespmem:$0xBA40] =	vst v0  }
0x37: {  	[tilespmem:s14], [sflag:$0x2] =	stream.indirect.gather [hbm4b:s3+s10], $0x80, s13, s10, $0xb8;
	[tilespmem:$0x1FB00] =	vst v63  }
0x38: {  	v0 =	vld [tilespmem:$0x100];
	_ =	sdelay $0x1  }
0x39: {  	v1 =	vld [tilespmem:$0x110];
	_ =	sdelay $0x1  }
0x3a: {  	v2 =	vld [tilespmem:$0x120]  }
0x3b: {  	v3 =	vshrl.u32 v0, $0xE  }
0x3c: {  	v0 =	vand.u32 $0x3FFF, v0;
	[tilespmem:$0xB900] =	vst v3;
	v3 =	vld [tilespmem:$0x130]  }
0x3d: {  	[tilespmem:$0xBA80] =	vst v0;
	v0 =	vshrl.u32 v1, $0xE  }
0x3e: {  	[tilespmem:$0xB910] =	vst v0;
	v0 =	vand.u32 $0x3FFF, v1;
	v1 =	vld [tilespmem:$0x140]  }
0x3f: {  	[tilespmem:$0xBA90] =	vst v0;
	v0 =	vshrl.u32 v2, $0xE  }
0x40: {  	[tilespmem:$0xB920] =	vst v0;
	v0 =	vand.u32 $0x3FFF, v2  }
0x41: {  	[tilespmem:$0xBAA0] =	vst v0;
	v0 =	vshrl.u32 v3, $0xE  }
0x42: {  	[tilespmem:$0xB930] =	vst v0;
	v0 =	vand.u32 $0x3FFF, v3  }
0x43: {  	[tilespmem:$0xBAB0] =	vst v0;
	v0 =	vshrl.u32 v1, $0xE  }
0x44: {  	[tilespmem:$0xB940] =	vst v0;
	v0 =	vand.u32 $0x3FFF, v1  }
0x45: {  	[tilespmem:$0xBAC0] =	vst v0  }
0x46: {  	[tilespmem:s16], [sflag:$0x3] =	stream.indirect.gather [hbm4b:s3+s10], $0x80, s15, s10, $0xb8;
	[tilespmem:$0x1FB00] =	vst v63  }
0x47: {  	_ =	swait.ge [sflag:s17], $0x2800  }
0x48: {  	[sflag:s17] =	ssyncset.done $0x0  }
0x49: {  	[sflag:s17] =	ssyncadd.s32 $0xFFFFD800  }
0x4a: {  	[spmem:s1] =	stream.indirect.scatter.add.f32 [tilespmem:s12], [sflag:$0x4], $0x80, s18, s10, $0xb8;
	[tilespmem:$0x1FB00] =	vst v63  }
0x4b: {  	_ =	swait.ge [sflag:s8], $0x2800  }
0x4c: {  	[sflag:s8] =	ssyncset.done $0x0  }
0x4d: {  	s24 =	simm.s32 $0x0;
	[sflag:s8] =	ssyncadd.s32 $0xFFFFD800  }
0x4e: {  	v0 =	vld [tilespmem:s24+$0x180];
	_ =	sdelay $0x4  }
0x4f: {  	v1 =	vshrl.u32 v0, $0xE  }
0x50: {  	v0 =	vand.u32 $0x3FFF, v0;
	[tilespmem:$0xB800] =	vst v1  }
0x51: {  	[tilespmem:$0xB980] =	vst v0  }
0x52: {  	v0 =	vld [tilespmem:s24+$0x190];
	_ =	sdelay $0x4  }
0x53: {  	v1 =	vshrl.u32 v0, $0xE  }
0x54: {  	v0 =	vand.u32 $0x3FFF, v0;
	[tilespmem:$0xB810] =	vst v1  }
0x55: {  	[tilespmem:$0xB990] =	vst v0  }
0x56: {  	v0 =	vld [tilespmem:s24+$0x1A0];
	_ =	sdelay $0x4  }
0x57: {  	v1 =	vshrl.u32 v0, $0xE  }
0x58: {  	v0 =	vand.u32 $0x3FFF, v0;
	[tilespmem:$0xB820] =	vst v1  }
0x59: {  	[tilespmem:$0xB9A0] =	vst v0  }
0x5a: {  	v0 =	vld [tilespmem:s24+$0x1B0];
	_ =	sdelay $0x4  }
0x5b: {  	v1 =	vshrl.u32 v0, $0xE  }
0x5c: {  	v0 =	vand.u32 $0x3FFF, v0;
	[tilespmem:$0xB830] =	vst v1  }
0x5d: {  	[tilespmem:$0xB9B0] =	vst v0  }
0x5e: {  	v0 =	vld [tilespmem:s24+$0x1C0];
	_ =	sdelay $0x4  }
0x5f: {  	v1 =	vshrl.u32 v0, $0xE  }
0x60: {  	v0 =	vand.u32 $0x3FFF, v0;
	[tilespmem:$0xB840] =	vst v1  }
0x61: {  	[tilespmem:$0xB9C0] =	vst v0  }
0x62: {  	[tilespmem:s12], [sflag:$0x1] =	stream.indirect.gather [hbm4b:s3+s10], $0x80, s11, s10, $0xb8;
	[tilespmem:$0x1FB00] =	vst v63  }
0x63: {  	_ =	swait.ge [sflag:s19], $0x2800  }
0x64: {  	[sflag:s19] =	ssyncset.done $0x0  }
0x65: {  	[sflag:s19] =	ssyncadd.s32 $0xFFFFD800  }
0x66: {  	[spmem:s1] =	stream.indirect.scatter.add.f32 [tilespmem:s14], [sflag:$0x4], $0x80, s20, s10, $0xb8;
	[tilespmem:$0x1FB00] =	vst v63  }
0x67: {  	_ =	swait.ge [sflag:s8], $0x2800  }
0x68: {  	[sflag:s8] =	ssyncset.done $0x0  }
0x69: {  	[sflag:s8] =	ssyncadd.s32 $0xFFFFD800  }
0x6a: {  	v0 =	vld [tilespmem:s24+$0x200];
	_ =	sdelay $0x4  }
0x6b: {  	v1 =	vshrl.u32 v0, $0xE  }
0x6c: {  	v0 =	vand.u32 $0x3FFF, v0;
	[tilespmem:$0xB880] =	vst v1  }
0x6d: {  	[tilespmem:$0xBA00] =	vst v0  }
0x6e: {  	v0 =	vld [tilespmem:s24+$0x210];
	_ =	sdelay $0x4  }
0x6f: {  	v1 =	vshrl.u32 v0, $0xE  }
0x70: {  	v0 =	vand.u32 $0x3FFF, v0;
	[tilespmem:$0xB890] =	vst v1  }
0x71: {  	[tilespmem:$0xBA10] =	vst v0  }
0x72: {  	v0 =	vld [tilespmem:s24+$0x220];
	_ =	sdelay $0x4  }
0x73: {  	v1 =	vshrl.u32 v0, $0xE  }
0x74: {  	v0 =	vand.u32 $0x3FFF, v0;
	[tilespmem:$0xB8A0] =	vst v1  }
0x75: {  	[tilespmem:$0xBA20] =	vst v0  }
0x76: {  	v0 =	vld [tilespmem:s24+$0x230];
	_ =	sdelay $0x4  }
0x77: {  	v1 =	vshrl.u32 v0, $0xE  }
0x78: {  	v0 =	vand.u32 $0x3FFF, v0;
	[tilespmem:$0xB8B0] =	vst v1  }
0x79: {  	[tilespmem:$0xBA30] =	vst v0  }
0x7a: {  	v0 =	vld [tilespmem:s24+$0x240];
	_ =	sdelay $0x4  }
0x7b: {  	v1 =	vshrl.u32 v0, $0xE  }
0x7c: {  	v0 =	vand.u32 $0x3FFF, v0;
	[tilespmem:$0xB8C0] =	vst v1  }
0x7d: {  	[tilespmem:$0xBA40] =	vst v0  }
0x7e: {  	[tilespmem:s14], [sflag:$0x2] =	stream.indirect.gather [hbm4b:s3+s10], $0x80, s13, s10, $0xb8;
	[tilespmem:$0x1FB00] =	vst v63  }
0x7f: {  	_ =	swait.ge [sflag:s21], $0x2800  }
0x80: {  	[sflag:s21] =	ssyncset.done $0x0  }
0x81: {  	[sflag:s21] =	ssyncadd.s32 $0xFFFFD800  }
0x82: {  	[spmem:s1] =	stream.indirect.scatter.add.f32 [tilespmem:s16], [sflag:$0x4], $0x80, s22, s10, $0xb8;
	[tilespmem:$0x1FB00] =	vst v63  }
0x83: {  	_ =	swait.ge [sflag:s8], $0x2800  }
0x84: {  	[sflag:s8] =	ssyncset.done $0x0  }
0x85: {  	[sflag:s8] =	ssyncadd.s32 $0xFFFFD800  }
0x86: {  	v0 =	vld [tilespmem:s24+$0x280];
	_ =	sdelay $0x4  }
0x87: {  	v1 =	vshrl.u32 v0, $0xE  }
0x88: {  	v0 =	vand.u32 $0x3FFF, v0;
	[tilespmem:$0xB900] =	vst v1  }
0x89: {  	[tilespmem:$0xBA80] =	vst v0  }
0x8a: {  	v0 =	vld [tilespmem:s24+$0x290];
	_ =	sdelay $0x4  }
0x8b: {  	v1 =	vshrl.u32 v0, $0xE  }
0x8c: {  	v0 =	vand.u32 $0x3FFF, v0;
	[tilespmem:$0xB910] =	vst v1  }
0x8d: {  	[tilespmem:$0xBA90] =	vst v0  }
0x8e: {  	v0 =	vld [tilespmem:s24+$0x2A0];
	_ =	sdelay $0x4  }
0x8f: {  	v1 =	vshrl.u32 v0, $0xE  }
0x90: {  	v0 =	vand.u32 $0x3FFF, v0;
	[tilespmem:$0xB920] =	vst v1  }
0x91: {  	[tilespmem:$0xBAA0] =	vst v0  }
0x92: {  	s25 =	simm.s32 $0x600;
	v0 =	vld [tilespmem:s24+$0x2B0]  }
.LBB2_2:
0x93: {  	p1 =	sne.s32 s25, $0xF000;
	s26 =	smov.u32 s25;
	s25 =	sadd.s32 $0x600, s25  }
0x94: {  	_ =	sdelay $0x2  }
0x95: {  	v1 =	vshrl.u32 v0, $0xE;
	v0 =	vand.u32 $0x3FFF, v0  }
0x96: {  	[tilespmem:$0xB930] =	vst v1  }
0x97: {  	[tilespmem:$0xBAB0] =	vst v0  }
0x98: {  	v0 =	vld [tilespmem:s24+$0x2C0];
	_ =	sdelay $0x4  }
0x99: {  	v1 =	vshrl.u32 v0, $0xE;
	v0 =	vand.u32 $0x3FFF, v0  }
0x9a: {  	[tilespmem:$0xB940] =	vst v1  }
0x9b: {  	[tilespmem:$0xBAC0] =	vst v0  }
0x9c: {  	[tilespmem:s16], [sflag:$0x3] =	stream.indirect.gather [hbm4b:s3+s10], $0x80, s15, s10, $0xb8;
	[tilespmem:$0x1FB00] =	vst v63  }
0x9d: {  	_ =	swait.ge [sflag:s17], $0x2800  }
0x9e: {  	[sflag:s17] =	ssyncset.done $0x0  }
0x9f: {  	[sflag:s17] =	ssyncadd.s32 $0xFFFFD800  }
0xa0: {  	[spmem:s1] =	stream.indirect.scatter.add.f32 [tilespmem:s12], [sflag:$0x4], $0x80, s18, s10, $0xb8;
	[tilespmem:$0x1FB00] =	vst v63  }
0xa1: {  	_ =	swait.ge [sflag:s8], $0x2800  }
0xa2: {  	[sflag:s8] =	ssyncset.done $0x0  }
0xa3: {  	s24 =	sshra.s32 s26, $0x2;
	[sflag:s8] =	ssyncadd.s32 $0xFFFFD800  }
0xa4: {  	v0 =	vld [tilespmem:s24+$0x180];
	_ =	sdelay $0x4  }
0xa5: {  	v1 =	vshrl.u32 v0, $0xE;
	v0 =	vand.u32 $0x3FFF, v0  }
0xa6: {  	[tilespmem:$0xB800] =	vst v1  }
0xa7: {  	[tilespmem:$0xB980] =	vst v0  }
0xa8: {  	v0 =	vld [tilespmem:s24+$0x190];
	_ =	sdelay $0x4  }
0xa9: {  	v1 =	vshrl.u32 v0, $0xE;
	v0 =	vand.u32 $0x3FFF, v0  }
0xaa: {  	[tilespmem:$0xB810] =	vst v1  }
0xab: {  	[tilespmem:$0xB990] =	vst v0  }
0xac: {  	v0 =	vld [tilespmem:s24+$0x1A0];
	_ =	sdelay $0x4  }
0xad: {  	v1 =	vshrl.u32 v0, $0xE;
	v0 =	vand.u32 $0x3FFF, v0  }
0xae: {  	[tilespmem:$0xB820] =	vst v1  }
0xaf: {  	[tilespmem:$0xB9A0] =	vst v0  }
0xb0: {  	v0 =	vld [tilespmem:s24+$0x1B0];
	_ =	sdelay $0x4  }
0xb1: {  	v1 =	vshrl.u32 v0, $0xE;
	v0 =	vand.u32 $0x3FFF, v0  }
0xb2: {  	[tilespmem:$0xB830] =	vst v1  }
0xb3: {  	[tilespmem:$0xB9B0] =	vst v0  }
0xb4: {  	v0 =	vld [tilespmem:s24+$0x1C0];
	_ =	sdelay $0x4  }
0xb5: {  	v1 =	vshrl.u32 v0, $0xE;
	v0 =	vand.u32 $0x3FFF, v0  }
0xb6: {  	[tilespmem:$0xB840] =	vst v1  }
0xb7: {  	[tilespmem:$0xB9C0] =	vst v0  }
0xb8: {  	[tilespmem:s12], [sflag:$0x1] =	stream.indirect.gather [hbm4b:s3+s10], $0x80, s11, s10, $0xb8;
	[tilespmem:$0x1FB00] =	vst v63  }
0xb9: {  	_ =	swait.ge [sflag:s19], $0x2800  }
0xba: {  	[sflag:s19] =	ssyncset.done $0x0  }
0xbb: {  	[sflag:s19] =	ssyncadd.s32 $0xFFFFD800  }
0xbc: {  	[spmem:s1] =	stream.indirect.scatter.add.f32 [tilespmem:s14], [sflag:$0x4], $0x80, s20, s10, $0xb8;
	[tilespmem:$0x1FB00] =	vst v63  }
0xbd: {  	_ =	swait.ge [sflag:s8], $0x2800  }
0xbe: {  	[sflag:s8] =	ssyncset.done $0x0  }
0xbf: {  	[sflag:s8] =	ssyncadd.s32 $0xFFFFD800  }
0xc0: {  	v0 =	vld [tilespmem:s24+$0x200];
	_ =	sdelay $0x4  }
0xc1: {  	v1 =	vshrl.u32 v0, $0xE;
	v0 =	vand.u32 $0x3FFF, v0  }
0xc2: {  	[tilespmem:$0xB880] =	vst v1  }
0xc3: {  	[tilespmem:$0xBA00] =	vst v0  }
0xc4: {  	v0 =	vld [tilespmem:s24+$0x210];
	_ =	sdelay $0x4  }
0xc5: {  	v1 =	vshrl.u32 v0, $0xE;
	v0 =	vand.u32 $0x3FFF, v0  }
0xc6: {  	[tilespmem:$0xB890] =	vst v1  }
0xc7: {  	[tilespmem:$0xBA10] =	vst v0  }
0xc8: {  	v0 =	vld [tilespmem:s24+$0x220];
	_ =	sdelay $0x4  }
0xc9: {  	v1 =	vshrl.u32 v0, $0xE;
	v0 =	vand.u32 $0x3FFF, v0  }
0xca: {  	[tilespmem:$0xB8A0] =	vst v1  }
0xcb: {  	[tilespmem:$0xBA20] =	vst v0  }
0xcc: {  	v0 =	vld [tilespmem:s24+$0x230];
	_ =	sdelay $0x4  }
0xcd: {  	v1 =	vshrl.u32 v0, $0xE;
	v0 =	vand.u32 $0x3FFF, v0  }
0xce: {  	[tilespmem:$0xB8B0] =	vst v1  }
0xcf: {  	[tilespmem:$0xBA30] =	vst v0  }
0xd0: {  	v0 =	vld [tilespmem:s24+$0x240];
	_ =	sdelay $0x4  }
0xd1: {  	v1 =	vshrl.u32 v0, $0xE;
	v0 =	vand.u32 $0x3FFF, v0  }
0xd2: {  	[tilespmem:$0xB8C0] =	vst v1  }
0xd3: {  	[tilespmem:$0xBA40] =	vst v0  }
0xd4: {  	[tilespmem:s14], [sflag:$0x2] =	stream.indirect.gather [hbm4b:s3+s10], $0x80, s13, s10, $0xb8;
	[tilespmem:$0x1FB00] =	vst v63  }
0xd5: {  	_ =	swait.ge [sflag:s21], $0x2800  }
0xd6: {  	[sflag:s21] =	ssyncset.done $0x0  }
0xd7: {  	[sflag:s21] =	ssyncadd.s32 $0xFFFFD800  }
0xd8: {  	[spmem:s1] =	stream.indirect.scatter.add.f32 [tilespmem:s16], [sflag:$0x4], $0x80, s22, s10, $0xb8;
	[tilespmem:$0x1FB00] =	vst v63  }
0xd9: {  	_ =	swait.ge [sflag:s8], $0x2800  }
0xda: {  	[sflag:s8] =	ssyncset.done $0x0  }
0xdb: {  	[sflag:s8] =	ssyncadd.s32 $0xFFFFD800  }
0xdc: {  	v0 =	vld [tilespmem:s24+$0x280];
	_ =	sdelay $0x4  }
0xdd: {  	v1 =	vshrl.u32 v0, $0xE;
	v0 =	vand.u32 $0x3FFF, v0  }
0xde: {  	[tilespmem:$0xB900] =	vst v1  }
0xdf: {  	[tilespmem:$0xBA80] =	vst v0  }
0xe0: {  	v0 =	vld [tilespmem:s24+$0x290];
	_ =	sdelay $0x4  }
0xe1: {  	v1 =	vshrl.u32 v0, $0xE;
	v0 =	vand.u32 $0x3FFF, v0  }
0xe2: {  	[tilespmem:$0xB910] =	vst v1  }
0xe3: {  	[tilespmem:$0xBA90] =	vst v0  }
0xe4: {  	v0 =	vld [tilespmem:s24+$0x2A0];
	_ =	sdelay $0x3  }
.Ltmp0:
0xe5: {  	(pc) =	sbr.rel @p1 .LBB2_2-.Ltmp0, $4  }
0xe6: {  	v1 =	vshrl.u32 v0, $0xE;
	v0 =	vand.u32 $0x3FFF, v0  }
0xe7: {  	[tilespmem:$0xB920] =	vst v1  }
0xe8: {  	[tilespmem:$0xBAA0] =	vst v0  }
0xe9: {  	v0 =	vld [tilespmem:s24+$0x2B0]  }
0xea: {  	_ =	sdelay $0x3  }
0xeb: {  	v1 =	vshrl.u32 v0, $0xE  }
0xec: {  	v62 =	vand.u32 $0x3FFF, v0;
	[tilespmem:$0xB930] =	vst v1  }
0xed: {  	[tilespmem:$0xBAB0] =	vst v62  }
0xee: {  	v0 =	vld [tilespmem:s24+$0x2C0];
	_ =	sdelay $0x4  }
0xef: {  	v63 =	vshrl.u32 v0, $0xE  }
0xf0: {  	v0 =	vand.u32 $0x3FFF, v0;
	[tilespmem:$0xB940] =	vst v63  }
0xf1: {  	[tilespmem:$0xBAC0] =	vst v0  }
0xf2: {  	[tilespmem:s16], [sflag:$0x3] =	stream.indirect.gather [hbm4b:s3+s10], $0x80, s15, s10, $0xb8;
	[tilespmem:$0x1FB00] =	vst v63  }
0xf3: {  	_ =	swait.ge [sflag:s17], $0x2800  }
0xf4: {  	[sflag:s17] =	ssyncset.done $0x0  }
0xf5: {  	[sflag:s17] =	ssyncadd.s32 $0xFFFFD800  }
0xf6: {  	[spmem:s1] =	stream.indirect.scatter.add.f32 [tilespmem:s12], [sflag:$0x4], $0x80, s18, s10, $0xb8;
	[tilespmem:$0x1FB00] =	vst v63  }
0xf7: {  	_ =	swait.ge [sflag:s8], $0x2800  }
0xf8: {  	[sflag:s8] =	ssyncset.done $0x0  }
0xf9: {  	[sflag:s8] =	ssyncadd.s32 $0xFFFFD800  }
0xfa: {  	_ =	swait.ge [sflag:s19], $0x2800  }
0xfb: {  	[sflag:s19] =	ssyncset.done $0x0  }
0xfc: {  	[sflag:s19] =	ssyncadd.s32 $0xFFFFD800  }
0xfd: {  	[spmem:s1] =	stream.indirect.scatter.add.f32 [tilespmem:s14], [sflag:$0x4], $0x80, s20, s10, $0xb8;
	[tilespmem:$0x1FB00] =	vst v63  }
0xfe: {  	_ =	swait.ge [sflag:s8], $0x2800  }
0xff: {  	[sflag:s8] =	ssyncset.done $0x0  }
0x100: {  	[sflag:s8] =	ssyncadd.s32 $0xFFFFD800  }
0x101: {  	_ =	swait.ge [sflag:s21], $0x2800  }
0x102: {  	[sflag:s21] =	ssyncset.done $0x0  }
0x103: {  	[sflag:s21] =	ssyncadd.s32 $0xFFFFD800  }
0x104: {  	[spmem:s1] =	stream.indirect.scatter.add.f32 [tilespmem:s16], [sflag:$0x4], $0x80, s22, s10, $0xb8;
	[tilespmem:$0x1FB00] =	vst v63  }
0x105: {  	_ =	swait.ge [sflag:s8], $0x2800  }
0x106: {  	[sflag:s8] =	ssyncset.done $0x0  }
0x107: {  	s23 =	sadd.s32 $0x1, s23;
	[sflag:s8] =	ssyncadd.s32 $0xFFFFD800  }
0x108: {  	p1 =	sne.s32 s23, s7;
	s24 =	simm.s32 @!p0 $0x1C04;
	[bflag:$0x0] =	sbarrier.arrive $0xFFFF  }
0x109: {  	[hbm:s6], [sflag:s24] =	dma.local @!p0 [spmem:s9], $0x28000  }
.Ltmp1:
0x10a: {  	_ = 	snop;
	(pc) =	sbr.rel @p1 .LBB2_1-.Ltmp1, $4  }
0x10b: {  	s24 =	simm.s32 @!p0 $0x4  }
0x10c: {  	_ =	swait.ge @!p0 [sflag:s24], $0x28000  }
0x10d: {  	[sflag:s24] =	ssyncset.done @!p0 $0x0  }
0x10e: {  	[sflag:s24] =	ssyncadd.s32 @!p0 $0xFFFD8000  }
0x10f: {  	_ =	sfence.sel $0x180000  }
0x110: {  	[bflag:$0x0] =	sbarrier.arrive $0xFFFF  }
0x111: {  	_ =	strace $0x90000050  }
0x112: {  	s0 =	sadd.s32 @!p0 $0x100000, s0;
	[bflag:$0x2] =	sbarrier.arrive $0xFFFF  }
0x113: {  	[sflag:s0] =	ssyncadd.tile.s32 @!p0 $0x1;
	_ =	shalt  }
.Lfunc_end2:
_tile_overlayer_lowered:
.L_overlay_start_2:
0x114: {  	(tag) =	ssettag $0x2  }
0x115: {  	s0 =	rddreg [dreg:$0x0];
	s2 =	stileid.u32  }
0x116: {  	s1 =	rddreg [dreg:$0x1];
	p0 =	sne.s32 s2, $0x0  }
0x117: {  	s3 =	rddreg [dreg:$0x2];
	[bflag:$0x3] =	sbarrier.arrive $0xFFFF;
	s2 =	simm.s32 @!p0 $0x1C04  }
0x118: {  	[timem:s3], [sflag:s2] =	dma.local @!p0 [hbm:s0], s1  }
0x119: {  	s0 =	simm.s32 @!p0 $0x4  }
0x11a: {  	_ =	swait.ge @!p0 [sflag:s0], s1  }
0x11b: {  	s1 =	ssub.s32 @!p0 $0x0, s1;
	[sflag:s0] =	ssyncset.done @!p0 $0x0  }
0x11c: {  	[sflag:s0] =	ssyncadd.s32 @!p0 s1  }
0x11d: {  	[bflag:$0x3] =	sbarrier.arrive $0xFFFF  }
0x11e: {  	_ =	shalt  }

</sc_bundles>
